<compile_context>
chip_gen: v7x
topology: tpu7x:2x2x1
jax: 0.10.2.dev20260603
libtpu: 0.0.44.dev20260713+nightly
codegen_flags: <defaults>
</compile_context>

<pallas_src>
import functools

import jax
import jax.numpy as jnp
from jax import lax
from jax.experimental import pallas as pl
from jax.experimental.pallas import tpu as pltpu
from jax.experimental.pallas import tpu_sc as plsc

_N = 50000
_IN = 16
_H = 32
_T = 4
_E = 800000

_NPAD = 51200
_R = 3200
_EPAD = 811008
_RIDX = _EPAD // 128
_ROWS_P1 = _RIDX // 16
_ROWS_P2 = _RIDX // 32
_GRP = 3

_f32 = jnp.float32


def _mesh():
    return plsc.VectorSubcoreMesh(
        core_axis_name="c", subcore_axis_name="s", num_cores=2, num_subcores=16)



def _sc_degree(dst_r, z1):

    @functools.partial(
        pl.kernel,
        out_type=jax.ShapeDtypeStruct((2, 1, _NPAD), _f32),
        mesh=_mesh(),
        scratch_types=[
            pltpu.VMEM((2, _GRP, 128), jnp.int32),
            pltpu.VMEM((128,), _f32),
            pltpu.VMEM_SHARED((_NPAD,), _f32),
            pltpu.SemaphoreType.DMA,
            pltpu.SemaphoreType.DMA,
        ],
        compiler_params=pltpu.CompilerParams(use_tc_tiling_on_sc=False),
    )
    def k(dst_hbm, z_hbm, out_hbm, didx, ones_v, acc, ssem, isem):
        c = lax.axis_index("c")
        s = lax.axis_index("s")
        for kk in range(8):
            ones_v[kk * 16:(kk + 1) * 16] = jnp.ones((16,), _f32)
        nrows = _NPAD // 16
        pltpu.sync_copy(z_hbm.at[pl.ds(s * nrows, nrows)],
                        acc.at[pl.ds(s * nrows, nrows)])
        plsc.subcore_barrier()
        base = (s * 2 + c) * _ROWS_P2
        ngrp = _ROWS_P2 // _GRP
        pltpu.sync_copy(dst_hbm.at[pl.ds(base, _GRP)], didx.at[0])

        def body(g, carry):
            p = g % 2
            pn = (g + 1) % 2

            @pl.when(g >= 1)
            def _():
                pltpu.make_async_copy(
                    dst_hbm.at[pl.ds(base, _GRP)], didx.at[p], isem).wait()
                for u in range(_GRP):
                    pltpu.make_async_copy(
                        z_hbm.at[pl.ds(0, 128)], ones_v, ssem).wait()

            @pl.when(g + 1 < ngrp)
            def _():
                pltpu.async_copy(
                    dst_hbm.at[pl.ds(base + (g + 1) * _GRP, _GRP)],
                    didx.at[pn], isem)
            for u in range(_GRP):
                pltpu.async_copy(ones_v, acc.at[didx.at[p, u]], ssem, add=True)
            return carry

        lax.fori_loop(0, ngrp, body, 0)
        for u in range(_GRP):
            pltpu.make_async_copy(
                z_hbm.at[pl.ds(0, 128)], ones_v, ssem).wait()
        plsc.subcore_barrier()
        pltpu.sync_copy(acc.at[pl.ds(s * nrows, nrows)],
                        out_hbm.at[c, 0, pl.ds(s * nrows, nrows)])

    return k(dst_r, z1)


def _make_spmv(rows_per_task, by_wid, offset_cores):

    @functools.partial(
        pl.kernel,
        out_type=jax.ShapeDtypeStruct((2, _NPAD, 32), _f32),
        mesh=_mesh(),
        scratch_types=[
            pltpu.VMEM((2, _GRP, 128), jnp.int32),
            pltpu.VMEM((2, _GRP, 128), jnp.int32),
            pltpu.VMEM((2, _GRP, 128, 32), _f32),
            pltpu.VMEM_SHARED((_NPAD, 32), _f32),
            pltpu.SemaphoreType.DMA,
            pltpu.SemaphoreType.DMA,
            pltpu.SemaphoreType.DMA,
            pltpu.SemaphoreType.DMA,
        ],
        compiler_params=pltpu.CompilerParams(use_tc_tiling_on_sc=False),
    )
    def k(tab_hbm, src_hbm, dst_hbm, out_hbm,
          sidx, didx, rows_v, acc, gsem, ssem, isem_s, isem_d):
        c = lax.axis_index("c")
        s = lax.axis_index("s")
        task = (c * 16 + s) if by_wid else s
        nrows = _NPAD // 16
        def zrow(r, carry):
            rows_v[0, 0, r, 0:16] = jnp.zeros((16,), _f32)
            rows_v[0, 0, r, 16:32] = jnp.zeros((16,), _f32)
            return carry
        lax.fori_loop(0, 128, zrow, 0)

        def zcp(gz, carry):
            pltpu.sync_copy(rows_v.at[0, 0],
                            acc.at[pl.ds(s * nrows + gz * 128, 128)])
            return carry
        lax.fori_loop(0, nrows // 128, zcp, 0)
        plsc.subcore_barrier()
        base = task * rows_per_task
        ngrp = rows_per_task // _GRP
        off = c * _NPAD if offset_cores else 0
        pltpu.sync_copy(src_hbm.at[pl.ds(base, _GRP)], sidx.at[0])
        pltpu.sync_copy(dst_hbm.at[pl.ds(base, _GRP)], didx.at[0])

        def adjust(p):
            if offset_cores:
                for u in range(_GRP):
                    for kk in range(8):
                        sidx[p, u, kk * 16:(kk + 1) * 16] = (
                            sidx[p, u, kk * 16:(kk + 1) * 16] + off)

        adjust(0)

        def body(g, carry):
            p = g % 2
            pn = (g + 1) % 2

            @pl.when(g >= 1)
            def _():
                pltpu.make_async_copy(
                    src_hbm.at[pl.ds(base, _GRP)], sidx.at[p], isem_s).wait()
                pltpu.make_async_copy(
                    dst_hbm.at[pl.ds(base, _GRP)], didx.at[p], isem_d).wait()
                adjust(p)
            for u in range(_GRP):
                pltpu.async_copy(
                    tab_hbm.at[sidx.at[p, u]], rows_v.at[p, u], gsem)
            for u in range(_GRP):
                pltpu.make_async_copy(
                    tab_hbm.at[sidx.at[p, u]], rows_v.at[p, u], gsem).wait()

            @pl.when(g >= 1)
            def _():
                for u in range(_GRP):
                    pltpu.make_async_copy(
                        tab_hbm.at[pl.ds(0, 128)], rows_v.at[pn, u], ssem).wait()

            @pl.when(g + 1 < ngrp)
            def _():
                nb = base + (g + 1) * _GRP
                pltpu.async_copy(src_hbm.at[pl.ds(nb, _GRP)],
                                 sidx.at[pn], isem_s)
                pltpu.async_copy(dst_hbm.at[pl.ds(nb, _GRP)],
                                 didx.at[pn], isem_d)
            for u in range(_GRP):
                pltpu.async_copy(rows_v.at[p, u], acc.at[didx.at[p, u]],
                                 ssem, add=True)
            return carry

        lax.fori_loop(0, ngrp, body, 0)
        pl_last = (ngrp - 1) % 2
        for u in range(_GRP):
            pltpu.make_async_copy(
                tab_hbm.at[pl.ds(0, 128)], rows_v.at[pl_last, u], ssem).wait()
        plsc.subcore_barrier()
        pltpu.sync_copy(acc.at[pl.ds(s * nrows, nrows)],
                        out_hbm.at[c, pl.ds(s * nrows, nrows)])

    return k



def _tc_prescale(xflat, degt):

    def body(x_ref, d_ref, out_ref):
        j = pl.program_id(0)
        d = d_ref[:, 0:1] + d_ref[:, 1:2] + 1.0
        dinv = lax.rsqrt(d)
        x = x_ref[...]
        out_ref[...] = jnp.where(j == 0, x[:, 0:32], x[:, 32:64]) * dinv

    return pl.pallas_call(
        body,
        grid=(2, _NPAD // _R),
        in_specs=[
            pl.BlockSpec((_R, 64), lambda j, i: (i, 0)),
            pl.BlockSpec((_R, 2), lambda j, i: (i, 0)),
        ],
        out_specs=pl.BlockSpec((_R, 32), lambda j, i: (j * (_NPAD // _R) + i, 0)),
        out_shape=jax.ShapeDtypeStruct((2 * _NPAD, 32), _f32),
    )(xflat, degt)


def _softmax4(att):
    a = att
    e = jnp.exp(a - jnp.max(a))
    return e / jnp.sum(e)


def _mmh(w, x):
    return lax.dot_general(w, x, (((1,), (0,)), ((), ())),
                           preferred_element_type=_f32,
                           precision=lax.Precision.HIGHEST)


def _mmb(w, x):
    return lax.dot_general(w.astype(jnp.bfloat16), x.astype(jnp.bfloat16),
                           (((1,), (0,)), ((), ())),
                           preferred_element_type=_f32)


def _gru_step_t(g, Hs, lwz, lwr, lwh, lbz, lbr, lbh):
    gz, gr, gh = g[0:32], g[32:64], g[64:96]
    z = jax.nn.sigmoid(_mmb(lwz, jnp.concatenate([gz, Hs], axis=0)) + lbz)
    r = jax.nn.sigmoid(_mmb(lwr, jnp.concatenate([gr, Hs], axis=0)) + lbr)
    ht = jnp.tanh(_mmb(lwh, jnp.concatenate([gh, Hs * r], axis=0)) + lbh)
    return z * Hs + (1.0 - z) * ht


def _tc_layer1(y1pT, xT, degq, wcT, bcT, lwzT, lwrT, lwhT, lbzT, lbrT, lbhT,
               att):

    def body(y_ref, x_ref, d_ref, wc_ref, bc_ref, lwz_ref, lwr_ref,
             lwh_ref, lbz_ref, lbr_ref, lbh_ref, att_ref, hq_ref, yt_ref):
        d = d_ref[0:1, :] + d_ref[1:2, :] + 1.0
        dinv = lax.rsqrt(d)
        yadj = jnp.concatenate([y_ref[0], y_ref[1]], axis=0)
        Y1 = yadj * dinv + x_ref[...] * (dinv * dinv)
        p = _softmax4(att_ref[...])
        wc = wc_ref[...]
        bc = bc_ref[...]
        lwz_, lwr_, lwh_ = lwz_ref[...], lwr_ref[...], lwh_ref[...]
        lbz_, lbr_, lbh_ = lbz_ref[...], lbr_ref[...], lbh_ref[...]
        Hs = jnp.zeros((32, _R), _f32)
        acc = jnp.zeros((32, _R), _f32)
        for t in range(_T):
            g = _mmh(wc, Y1[t * 16:(t + 1) * 16]) + bc
            Hs = _gru_step_t(g, Hs, lwz_, lwr_, lwh_, lbz_, lbr_, lbh_)
            acc = acc + p[0:1, t:t + 1] * Hs
        h = jnp.maximum(acc, 0.0).astype(jnp.bfloat16).astype(_f32)
        hq_ref[...] = h * dinv
        yt_ref[...] = jnp.concatenate(
            [Y1[15:16], Y1[31:32], Y1[47:48], Y1[63:64]], axis=0)

    full = lambda shape: pl.BlockSpec(shape, lambda i: tuple(0 for _ in shape))
    return pl.pallas_call(
        body,
        grid=(_NPAD // _R,),
        in_specs=[
            pl.BlockSpec((2, 32, _R), lambda i: (0, 0, i)),
            pl.BlockSpec((64, _R), lambda i: (0, i)),
            pl.BlockSpec((2, _R), lambda i: (0, i)),
            full((96, 16)), full((96, 1)),
            full((32, 64)), full((32, 64)), full((32, 64)),
            full((32, 1)), full((32, 1)), full((32, 1)),
            full((1, 4)),
        ],
        out_specs=[
            pl.BlockSpec((32, _R), lambda i: (0, i)),
            pl.BlockSpec((4, _R), lambda i: (0, i)),
        ],
        out_shape=[
            jax.ShapeDtypeStruct((32, _NPAD), _f32),
            jax.ShapeDtypeStruct((4, _NPAD), _f32),
        ],
    )(y1pT, xT, degq, wcT, bcT, lwzT, lwrT, lwhT, lbzT, lbrT, lbhT, att)


def _tc_layer2(y2pT, hqT, ytime, degq, w2topT, w2lastT, bc2T, lwzT, lwrT,
               lwhT, lbzT, lbrT, lbhT, att2, w1T, b1T, w2T, b2T):
    def body(y_ref, hq_ref, yt_ref, d_ref, wt_ref, wl_ref, bc_ref,
             lwz_ref, lwr_ref, lwh_ref, lbz_ref, lbr_ref, lbh_ref, att_ref,
             w1_ref, b1_ref, w2_ref, b2_ref, out_ref):
        d = d_ref[0:1, :] + d_ref[1:2, :] + 1.0
        dinv = lax.rsqrt(d)
        yh = (y_ref[0] + y_ref[1] + hq_ref[...]) * dinv
        p = _softmax4(att_ref[...])
        gbase = _mmh(wt_ref[...], yh)
        wl = wl_ref[...]
        bc = bc_ref[...]
        lwz_, lwr_, lwh_ = lwz_ref[...], lwr_ref[...], lwh_ref[...]
        lbz_, lbr_, lbh_ = lbz_ref[...], lbr_ref[...], lbh_ref[...]
        yt = yt_ref[...]
        Hs = jnp.zeros((32, _R), _f32)
        acc = jnp.zeros((32, _R), _f32)
        for t in range(_T):
            g = gbase + wl * yt[t:t + 1, :] + bc
            Hs = _gru_step_t(g, Hs, lwz_, lwr_, lwh_, lbz_, lbr_, lbh_)
            acc = acc + p[0:1, t:t + 1] * Hs
        h = jnp.maximum(acc, 0.0)
        m = jnp.maximum(_mmb(w1_ref[...], h) + b1_ref[...], 0.0)
        out_ref[...] = _mmb(w2_ref[...], m) + b2_ref[...]

    full = lambda shape: pl.BlockSpec(shape, lambda i: tuple(0 for _ in shape))
    return pl.pallas_call(
        body,
        grid=(_NPAD // _R,),
        in_specs=[
            pl.BlockSpec((2, 32, _R), lambda i: (0, 0, i)),
            pl.BlockSpec((32, _R), lambda i: (0, i)),
            pl.BlockSpec((4, _R), lambda i: (0, i)),
            pl.BlockSpec((2, _R), lambda i: (0, i)),
            full((96, 32)), full((96, 1)), full((96, 1)),
            full((32, 64)), full((32, 64)), full((32, 64)),
            full((32, 1)), full((32, 1)), full((32, 1)),
            full((1, 4)),
            full((32, 32)), full((32, 1)), full((8, 32)), full((8, 1)),
        ],
        out_specs=pl.BlockSpec((8, _R), lambda i: (0, i)),
        out_shape=jax.ShapeDtypeStruct((8, _NPAD), _f32),
    )(y2pT, hqT, ytime, degq, w2topT, w2lastT, bc2T, lwzT, lwrT, lwhT,
      lbzT, lbrT, lbhT, att2, w1T, b1T, w2T, b2T)



@jax.jit
def _run(x_1, edge_index_1, params1, params2, lin):
    src = edge_index_1[0]
    dst = edge_index_1[1]
    padi = jnp.full((_EPAD - _E,), _N, jnp.int32)
    src_r = jnp.concatenate([src.astype(jnp.int32), padi]).reshape(_RIDX, 128)
    dst_r = jnp.concatenate([dst.astype(jnp.int32), padi]).reshape(_RIDX, 128)

    xflat = x_1.transpose(0, 2, 1).reshape(_N, _T * _IN)
    xflat = xflat.astype(jnp.bfloat16).astype(_f32)
    xflat = jnp.pad(xflat, ((0, _NPAD - _N), (0, 0)))

    z1 = jnp.zeros((_NPAD,), _f32)

    p1, p2 = params1, params2
    def q16(w):
        return w.astype(jnp.bfloat16).astype(_f32)

    wcT1 = q16(jnp.concatenate([p1["Wz"], p1["Wr"], p1["Wh"]], axis=1).T)
    bcT1 = jnp.concatenate([p1["bz"], p1["br"], p1["bh"]])[:, None]
    att1 = p1["att"][None, :]
    wcat2 = jnp.concatenate([p2["Wz"], p2["Wr"], p2["Wh"]], axis=1)
    w2topT = q16(wcat2[0:32].T)
    w2lastT = q16(wcat2[32:33].T)
    bc2T = jnp.concatenate([p2["bz"], p2["br"], p2["bh"]])[:, None]
    att2 = p2["att"][None, :]
    w2T = jnp.pad(lin["W2"], ((0, 0), (0, 4))).T
    b2T = jnp.pad(lin["b2"], (0, 4))[:, None]

    def lwT(p):
        return (p["LWz"].T, p["LWr"].T, p["LWh"].T,
                p["Lbz"][:, None], p["Lbr"][:, None], p["Lbh"][:, None])

    degp = _sc_degree(dst_r, z1)
    degq = degp.reshape(2, _NPAD)
    degt = degq.T
    xab = _tc_prescale(xflat, degt)
    y1p = _make_spmv(_ROWS_P1, False, True)(xab, src_r, dst_r)
    xT = xflat.T
    hqT, ytime = _tc_layer1(y1p.transpose(0, 2, 1), xT, degq,
                            wcT1, bcT1, *lwT(p1), att1)
    hq = hqT.T
    y2p = _make_spmv(_ROWS_P2, True, False)(hq, src_r, dst_r)
    predT = _tc_layer2(y2p.transpose(0, 2, 1), hqT, ytime, degq,
                       w2topT, w2lastT, bc2T, *lwT(p2), att2,
                       lin["W1"].T, lin["b1"][:, None], w2T, b2T)
    return predT.T[:_N, 0:4]


def kernel(x_1, edge_index_1, x_2, edge_index_2, params1, params2, lin):
    return _run(x_1, edge_index_1, params1, params2, lin)

# --- scband reference (transcript-rebuilt; emitter-appended) ---
"""Pipeline reference for scband-temporal-gnn-vanilla-two-layer-23811298689804 (READ-ONLY COPY).

The authoritative reference and input builder live on the scoring server;
editing this copy changes nothing except your own understanding.
"""

import jax, jax.numpy as jnp
import numpy as np

N = 50000
E = 800000
IN = 16
H1 = 32
H2 = 32
T = 4


def _pr(k, s):
    return 0.1 * jax.random.normal(k, s, dtype=jnp.float32)


def _tgcn_params(key, cin, cout):
    ks = jax.random.split(key, 7)
    return {
        "Wz": _pr(ks[0], (cin, cout)), "bz": jnp.zeros((cout,), jnp.float32),
        "Wr": _pr(ks[1], (cin, cout)), "br": jnp.zeros((cout,), jnp.float32),
        "Wh": _pr(ks[2], (cin, cout)), "bh": jnp.zeros((cout,), jnp.float32),
        "LWz": _pr(ks[3], (2 * cout, cout)), "Lbz": jnp.zeros((cout,), jnp.float32),
        "LWr": _pr(ks[4], (2 * cout, cout)), "Lbr": jnp.zeros((cout,), jnp.float32),
        "LWh": _pr(ks[5], (2 * cout, cout)), "Lbh": jnp.zeros((cout,), jnp.float32),
        "att": jax.random.uniform(ks[6], (T,), dtype=jnp.float32),
    }


def setup_inputs(seed: int = 0):
    key = jax.random.key(seed)
    ks = jax.random.split(key, 9)
    x_1 = jax.random.normal(ks[0], (N, IN, T), dtype=jnp.float32)
    edge_index_1 = jax.random.randint(ks[1], (2, E), 0, N, dtype=jnp.int32)
    x_2 = jax.random.normal(ks[2], (N, IN, T), dtype=jnp.float32)
    edge_index_2 = jax.random.randint(ks[3], (2, E), 0, N, dtype=jnp.int32)
    params1 = _tgcn_params(ks[4], IN, H1)
    params2 = _tgcn_params(ks[5], H1 + 1, H2)
    lin = {
        "W1": _pr(ks[6], (H2, H1)), "b1": jnp.zeros((H1,), jnp.float32),
        "W2": _pr(ks[7], (H1, T)), "b2": jnp.zeros((T,), jnp.float32),
    }
    return {"x_1": x_1, "edge_index_1": edge_index_1, "x_2": x_2,
            "edge_index_2": edge_index_2, "params1": params1,
            "params2": params2, "lin": lin}


def _gcn(x, src, dst, W, b):
    # GCNConv with added self-loops and symmetric normalization
    xw = x @ W
    deg = jnp.zeros((N,), jnp.float32).at[dst].add(1.0)
    dinv = jnp.where(deg > 0, jax.lax.rsqrt(jnp.maximum(deg, 1e-12)), 0.0)
    norm = dinv[src] * dinv[dst]
    msg = xw[src] * norm[:, None]
    out = jnp.zeros((N, W.shape[1]), jnp.float32).at[dst].add(msg)
    return out + b


def _tgcn_cell(x, src, dst, Hs, p):
    z = jax.nn.sigmoid(jnp.concatenate([_gcn(x, src, dst, p["Wz"], p["bz"]), Hs], axis=1) @ p["LWz"] + p["Lbz"])
    r = jax.nn.sigmoid(jnp.concatenate([_gcn(x, src, dst, p["Wr"], p["br"]), Hs], axis=1) @ p["LWr"] + p["Lbr"])
    ht = jnp.tanh(jnp.concatenate([_gcn(x, src, dst, p["Wh"], p["bh"]), Hs * r], axis=1) @ p["LWh"] + p["Lbh"])
    return z * Hs + (1.0 - z) * ht


def _a3tgcn(X, src, dst, p, cout):
    probs = jax.nn.softmax(p["att"])
    Hs = jnp.zeros((N, cout), jnp.float32)
    acc = jnp.zeros((N, cout), jnp.float32)
    for t in range(T):
        Hs = _tgcn_cell(X[:, :, t], src, dst, Hs, p)
        acc = acc + probs[t] * Hs
    return acc


def reference(x_1, edge_index_1, x_2, edge_index_2, params1, params2, lin):
    loops = jnp.arange(N, dtype=edge_index_1.dtype)
    src = jnp.concatenate([edge_index_1[0], loops])
    dst = jnp.concatenate([edge_index_1[1], loops])
    time = x_1[:, -1, :]
    h = jax.nn.relu(_a3tgcn(x_1, src, dst, params1, H1))
    h = jnp.concatenate([jnp.repeat(h[:, :, None], T, axis=2), time[:, None, :]], axis=1)
    h = jax.nn.relu(_a3tgcn(h, src, dst, params2, H2))
    h = jax.nn.relu(h @ lin["W1"] + lin["b1"])
    pred = h @ lin["W2"] + lin["b2"]
    return pred

if __name__ == "__main__":
    import jax
    _d = setup_inputs()
    print(jax.jit(kernel)(*tuple(_d.values())))

</pallas_src>

<mosaic_0001>
#map = affine_map<(d0, d1) -> (0, 0)>
#map1 = affine_map<(d0, d1) -> (0)>
#map2 = affine_map<(d0, d1) -> (0, 0, 0)>
module attributes {stable_mosaic.version = 14 : i64} {
  func.func @k(%arg0: i32, %arg1: i32, %arg2: memref<6336x128xi32, #tpu.memory_space<hbm>>, %arg3: memref<51200xf32, #tpu.memory_space<hbm>>, %arg4: memref<2x1x51200xf32, #tpu.memory_space<hbm>>, %arg5: memref<2x3x128xi32, #tpu.memory_space<vmem>>, %arg6: memref<128xf32, #tpu.memory_space<vmem>>, %arg7: memref<51200xf32, #tpu.memory_space<vmem_shared>>, %arg8: memref<!tpu.dma_semaphore, #tpu.memory_space<semaphore_mem>>, %arg9: memref<!tpu.dma_semaphore, #tpu.memory_space<semaphore_mem>>) attributes {dimension_semantics = [#tpu.dimension_semantics<core_parallel>, #tpu.dimension_semantics<subcore_parallel>], iteration_bounds = array<i64: 2, 16>, scalar_prefetch = 0 : i64, scratch_operands = 5 : i64, tpu.core_type = #tpu.core_type<sc_vector_subcore>, window_params = [{transform_indices = #map}, {transform_indices = #map1}, {transform_indices = #map2}]} {
    %broadcast_in_dim3A = arith.constant 1.000000e+00 : f32
    %broadcast_in_dim3A_0 = vector.broadcast %broadcast_in_dim3A : f32 to vector<16xf32>
    %swap3A = arith.constant 0 : index
    %swap3A_1 = tpu.vector_load %arg6[%swap3A] {strides = array<i32>} : memref<128xf32, #tpu.memory_space<vmem>>, vector<16xf32>,
    %swap3A_2 = vector.shape_cast %swap3A_1 : vector<16xf32> to vector<16xf32>
    %swap3A_3 = vector.shape_cast %broadcast_in_dim3A_0 : vector<16xf32> to vector<16xf32>
    tpu.vector_store %arg6[%swap3A], %swap3A_3 {strides = array<i32>} : memref<128xf32, #tpu.memory_space<vmem>>, vector<16xf32>,
    %broadcast_in_dim3A_4 = arith.constant 1.000000e+00 : f32
    %broadcast_in_dim3A_5 = vector.broadcast %broadcast_in_dim3A_4 : f32 to vector<16xf32>
    %swap3A_6 = arith.constant 16 : index
    %swap3A_7 = tpu.vector_load %arg6[%swap3A_6] {strides = array<i32>} : memref<128xf32, #tpu.memory_space<vmem>>, vector<16xf32>,
    %swap3A_8 = vector.shape_cast %swap3A_7 : vector<16xf32> to vector<16xf32>
    %swap3A_9 = vector.shape_cast %broadcast_in_dim3A_5 : vector<16xf32> to vector<16xf32>
    tpu.vector_store %arg6[%swap3A_6], %swap3A_9 {strides = array<i32>} : memref<128xf32, #tpu.memory_space<vmem>>, vector<16xf32>,
    %broadcast_in_dim3A_10 = arith.constant 1.000000e+00 : f32
    %broadcast_in_dim3A_11 = vector.broadcast %broadcast_in_dim3A_10 : f32 to vector<16xf32>
    %swap3A_12 = arith.constant 32 : index
    %swap3A_13 = tpu.vector_load %arg6[%swap3A_12] {strides = array<i32>} : memref<128xf32, #tpu.memory_space<vmem>>, vector<16xf32>,
    %swap3A_14 = vector.shape_cast %swap3A_13 : vector<16xf32> to vector<16xf32>
    %swap3A_15 = vector.shape_cast %broadcast_in_dim3A_11 : vector<16xf32> to vector<16xf32>
    tpu.vector_store %arg6[%swap3A_12], %swap3A_15 {strides = array<i32>} : memref<128xf32, #tpu.memory_space<vmem>>, vector<16xf32>,
    %broadcast_in_dim3A_16 = arith.constant 1.000000e+00 : f32
    %broadcast_in_dim3A_17 = vector.broadcast %broadcast_in_dim3A_16 : f32 to vector<16xf32>
    %swap3A_18 = arith.constant 48 : index
    %swap3A_19 = tpu.vector_load %arg6[%swap3A_18] {strides = array<i32>} : memref<128xf32, #tpu.memory_space<vmem>>, vector<16xf32>,
    %swap3A_20 = vector.shape_cast %swap3A_19 : vector<16xf32> to vector<16xf32>
    %swap3A_21 = vector.shape_cast %broadcast_in_dim3A_17 : vector<16xf32> to vector<16xf32>
    tpu.vector_store %arg6[%swap3A_18], %swap3A_21 {strides = array<i32>} : memref<128xf32, #tpu.memory_space<vmem>>, vector<16xf32>,
    %broadcast_in_dim3A_22 = arith.constant 1.000000e+00 : f32
    %broadcast_in_dim3A_23 = vector.broadcast %broadcast_in_dim3A_22 : f32 to vector<16xf32>
    %swap3A_24 = arith.constant 64 : index
    %swap3A_25 = tpu.vector_load %arg6[%swap3A_24] {strides = array<i32>} : memref<128xf32, #tpu.memory_space<vmem>>, vector<16xf32>,
    %swap3A_26 = vector.shape_cast %swap3A_25 : vector<16xf32> to vector<16xf32>
    %swap3A_27 = vector.shape_cast %broadcast_in_dim3A_23 : vector<16xf32> to vector<16xf32>
    tpu.vector_store %arg6[%swap3A_24], %swap3A_27 {strides = array<i32>} : memref<128xf32, #tpu.memory_space<vmem>>, vector<16xf32>,
    %broadcast_in_dim3A_28 = arith.constant 1.000000e+00 : f32
    %broadcast_in_dim3A_29 = vector.broadcast %broadcast_in_dim3A_28 : f32 to vector<16xf32>
    %swap3A_30 = arith.constant 80 : index
    %swap3A_31 = tpu.vector_load %arg6[%swap3A_30] {strides = array<i32>} : memref<128xf32, #tpu.memory_space<vmem>>, vector<16xf32>,
    %swap3A_32 = vector.shape_cast %swap3A_31 : vector<16xf32> to vector<16xf32>
    %swap3A_33 = vector.shape_cast %broadcast_in_dim3A_29 : vector<16xf32> to vector<16xf32>
    tpu.vector_store %arg6[%swap3A_30], %swap3A_33 {strides = array<i32>} : memref<128xf32, #tpu.memory_space<vmem>>, vector<16xf32>,
    %broadcast_in_dim3A_34 = arith.constant 1.000000e+00 : f32
    %broadcast_in_dim3A_35 = vector.broadcast %broadcast_in_dim3A_34 : f32 to vector<16xf32>
    %swap3A_36 = arith.constant 96 : index
    %swap3A_37 = tpu.vector_load %arg6[%swap3A_36] {strides = array<i32>} : memref<128xf32, #tpu.memory_space<vmem>>, vector<16xf32>,
    %swap3A_38 = vector.shape_cast %swap3A_37 : vector<16xf32> to vector<16xf32>
    %swap3A_39 = vector.shape_cast %broadcast_in_dim3A_35 : vector<16xf32> to vector<16xf32>
    tpu.vector_store %arg6[%swap3A_36], %swap3A_39 {strides = array<i32>} : memref<128xf32, #tpu.memory_space<vmem>>, vector<16xf32>,
    %broadcast_in_dim3A_40 = arith.constant 1.000000e+00 : f32
    %broadcast_in_dim3A_41 = vector.broadcast %broadcast_in_dim3A_40 : f32 to vector<16xf32>
    %swap3A_42 = arith.constant 112 : index
    %swap3A_43 = tpu.vector_load %arg6[%swap3A_42] {strides = array<i32>} : memref<128xf32, #tpu.memory_space<vmem>>, vector<16xf32>,
    %swap3A_44 = vector.shape_cast %swap3A_43 : vector<16xf32> to vector<16xf32>
    %swap3A_45 = vector.shape_cast %broadcast_in_dim3A_41 : vector<16xf32> to vector<16xf32>
    tpu.vector_store %arg6[%swap3A_42], %swap3A_45 {strides = array<i32>} : memref<128xf32, #tpu.memory_space<vmem>>, vector<16xf32>,
    %mul3A = arith.constant 3200 : i32
    %mul3A_46 = arith.muli %arg1, %mul3A : i32
    %mul3A_47 = arith.constant 3200 : i32
    %mul3A_48 = arith.muli %arg1, %mul3A_47 : i32
    "tpu.region"() ({
      %run_scoped3A_75 = tpu.sem_alloc : memref<!tpu.dma_semaphore, #tpu.memory_space<semaphore_mem>>
      %dma_start3A = tpu.memref_slice %arg7[%mul3A_48] : memref<51200xf32, #tpu.memory_space<vmem_shared>> -> memref<3200xf32, #tpu.memory_space<vmem_shared>>
      %dma_start3A_76 = tpu.memref_slice %arg3[%mul3A_46] : memref<51200xf32, #tpu.memory_space<hbm>> -> memref<3200xf32, #tpu.memory_space<hbm>>
      tpu.enqueue_dma source(%dma_start3A_76 : memref<3200xf32, #tpu.memory_space<hbm>>) target(%dma_start3A : memref<3200xf32, #tpu.memory_space<vmem_shared>>) target_semaphore(%run_scoped3A_75 : memref<!tpu.dma_semaphore, #tpu.memory_space<semaphore_mem>>)
      %dma_wait3A_77 = tpu.memref_slice %arg7[%mul3A_48] : memref<51200xf32, #tpu.memory_space<vmem_shared>> -> memref<3200xf32, #tpu.memory_space<vmem_shared>>
      %dma_wait3A_78 = tpu.memref_slice %arg3[%mul3A_46] : memref<51200xf32, #tpu.memory_space<hbm>> -> memref<3200xf32, #tpu.memory_space<hbm>>
      tpu.wait_dma2 semaphore(%run_scoped3A_75 : memref<!tpu.dma_semaphore, #tpu.memory_space<semaphore_mem>>) src(%dma_wait3A_78 : memref<3200xf32, #tpu.memory_space<hbm>>) dst(%dma_wait3A_77 : memref<3200xf32, #tpu.memory_space<vmem_shared>>)
      tpu.yield
    }) : () -> ()
    %barrier3A = arith.constant 0 : index
    tpu.barrier barrier_id(%barrier3A)
    %mul3A_49 = arith.constant 2 : i32
    %mul3A_50 = arith.muli %arg1, %mul3A_49 : i32
    %add3A = arith.addi %mul3A_50, %arg0 : i32
    %mul3A_51 = arith.constant 198 : i32
    %mul3A_52 = arith.muli %add3A, %mul3A_51 : i32
    %run_scoped3A = arith.constant 0 : i32
    "tpu.region"() ({
      %run_scoped3A_75 = tpu.sem_alloc : memref<!tpu.dma_semaphore, #tpu.memory_space<semaphore_mem>>
      %dma_start3A = arith.constant 0 : i32
      %dma_start3A_76 = arith.constant 0 : i32
      %dma_start3A_77 = tpu.memref_slice %arg5[%run_scoped3A, %dma_start3A, %dma_start3A_76] : memref<2x3x128xi32, #tpu.memory_space<vmem>> -> memref<1x3x128xi32, #tpu.memory_space<vmem>>
      %dma_start3A_78 = tpu.memref_squeeze %dma_start3A_77 : memref<1x3x128xi32, #tpu.memory_space<vmem>> -> memref<3x128xi32, #tpu.memory_space<vmem>>
      %dma_start3A_79 = arith.constant 0 : i32
      %dma_start3A_80 = tpu.memref_slice %arg2[%mul3A_52, %dma_start3A_79] : memref<6336x128xi32, #tpu.memory_space<hbm>> -> memref<3x128xi32, #tpu.memory_space<hbm>>
      %dma_start3A_81 = arith.constant 0 : i32
      %dma_start3A_82 = arith.constant 0 : i32
      %dma_start3A_83 = tpu.memref_slice %arg5[%run_scoped3A, %dma_start3A_81, %dma_start3A_82] : memref<2x3x128xi32, #tpu.memory_space<vmem>> -> memref<1x3x128xi32, #tpu.memory_space<vmem>>
      %dma_start3A_84 = tpu.memref_squeeze %dma_start3A_83 : memref<1x3x128xi32, #tpu.memory_space<vmem>> -> memref<3x128xi32, #tpu.memory_space<vmem>>
      %dma_start3A_85 = arith.constant 0 : i32
      %dma_start3A_86 = tpu.memref_slice %arg2[%mul3A_52, %dma_start3A_85] : memref<6336x128xi32, #tpu.memory_space<hbm>> -> memref<3x128xi32, #tpu.memory_space<hbm>>
      tpu.enqueue_dma source(%dma_start3A_86 : memref<3x128xi32, #tpu.memory_space<hbm>>) target(%dma_start3A_84 : memref<3x128xi32, #tpu.memory_space<vmem>>) target_semaphore(%run_scoped3A_75 : memref<!tpu.dma_semaphore, #tpu.memory_space<semaphore_mem>>)
      %dma_wait3A_87 = arith.constant 0 : i32
      %dma_wait3A_88 = arith.constant 0 : i32
      %dma_wait3A_89 = tpu.memref_slice %arg5[%run_scoped3A, %dma_wait3A_87, %dma_wait3A_88] : memref<2x3x128xi32, #tpu.memory_space<vmem>> -> memref<1x3x128xi32, #tpu.memory_space<vmem>>
      %dma_wait3A_90 = tpu.memref_squeeze %dma_wait3A_89 : memref<1x3x128xi32, #tpu.memory_space<vmem>> -> memref<3x128xi32, #tpu.memory_space<vmem>>
      %dma_wait3A_91 = arith.constant 0 : i32
      %dma_wait3A_92 = tpu.memref_slice %arg2[%mul3A_52, %dma_wait3A_91] : memref<6336x128xi32, #tpu.memory_space<hbm>> -> memref<3x128xi32, #tpu.memory_space<hbm>>
      %dma_wait3A_93 = arith.constant 0 : i32
      %dma_wait3A_94 = arith.constant 0 : i32
      %dma_wait3A_95 = tpu.memref_slice %arg5[%run_scoped3A, %dma_wait3A_93, %dma_wait3A_94] : memref<2x3x128xi32, #tpu.memory_space<vmem>> -> memref<1x3x128xi32, #tpu.memory_space<vmem>>
      %dma_wait3A_96 = tpu.memref_squeeze %dma_wait3A_95 : memref<1x3x128xi32, #tpu.memory_space<vmem>> -> memref<3x128xi32, #tpu.memory_space<vmem>>
      %dma_wait3A_97 = arith.constant 0 : i32
      %dma_wait3A_98 = tpu.memref_slice %arg2[%mul3A_52, %dma_wait3A_97] : memref<6336x128xi32, #tpu.memory_space<hbm>> -> memref<3x128xi32, #tpu.memory_space<hbm>>
      tpu.wait_dma2 semaphore(%run_scoped3A_75 : memref<!tpu.dma_semaphore, #tpu.memory_space<semaphore_mem>>) src(%dma_wait3A_98 : memref<3x128xi32, #tpu.memory_space<hbm>>) dst(%dma_wait3A_96 : memref<3x128xi32, #tpu.memory_space<vmem>>)
      tpu.yield
    }) : () -> ()
    %scan3A = arith.constant 0 : i32
    %scan3A_53 = arith.constant 0 : i32
    %scan3A_54 = arith.constant 66 : i32
    %scan3A_55 = arith.addi %scan3A_53, %scan3A_54 : i32
    %scan3A_56 = arith.constant 1 : i32
    scf.for %scan3A_75 = %scan3A_53 to %scan3A_55 step %scan3A_56  : i32 {
      %jit3A = arith.constant 2 : i32
      %eq3A = arith.constant 0 : i32
      %eq3A_76 = arith.cmpi eq, %jit3A, %eq3A : i32
      %jit3A_77 = arith.constant 1 : i32
      %select_n3A = arith.select %eq3A_76, %jit3A_77, %jit3A : i32
      %rem3A = arith.remsi %scan3A_75, %select_n3A : i32
      %ne3A = arith.constant 0 : i32
      %ne3A_78 = arith.cmpi ne, %rem3A, %ne3A : i32
      %lt3A = arith.constant 0 : i32
      %lt3A_79 = arith.cmpi slt, %rem3A, %lt3A : i32
      %lt3A_80 = arith.constant 0 : i32
      %lt3A_81 = arith.cmpi slt, %select_n3A, %lt3A_80 : i32
      %ne3A_82 = arith.xori %lt3A_79, %lt3A_81 : i1
      %and3A = arith.andi %ne3A_82, %ne3A_78 : i1
      %add3A_83 = arith.addi %rem3A, %select_n3A : i32
      %select_n3A_84 = arith.select %and3A, %add3A_83, %rem3A : i32
      %add3A_85 = arith.constant 1 : i32
      %add3A_86 = arith.addi %scan3A_75, %add3A_85 : i32
      %jit3A_87 = arith.constant 2 : i32
      %eq3A_88 = arith.constant 0 : i32
      %eq3A_89 = arith.cmpi eq, %jit3A_87, %eq3A_88 : i32
      %jit3A_90 = arith.constant 1 : i32
      %select_n3A_91 = arith.select %eq3A_89, %jit3A_90, %jit3A_87 : i32
      %rem3A_92 = arith.remsi %add3A_86, %select_n3A_91 : i32
      %ne3A_93 = arith.constant 0 : i32
      %ne3A_94 = arith.cmpi ne, %rem3A_92, %ne3A_93 : i32
      %lt3A_95 = arith.constant 0 : i32
      %lt3A_96 = arith.cmpi slt, %rem3A_92, %lt3A_95 : i32
      %lt3A_97 = arith.constant 0 : i32
      %lt3A_98 = arith.cmpi slt, %select_n3A_91, %lt3A_97 : i32
      %ne3A_99 = arith.xori %lt3A_96, %lt3A_98 : i1
      %and3A_100 = arith.andi %ne3A_99, %ne3A_94 : i1
      %add3A_101 = arith.addi %rem3A_92, %select_n3A_91 : i32
      %select_n3A_102 = arith.select %and3A_100, %add3A_101, %rem3A_92 : i32
      %ge3A = arith.constant 1 : i32
      %ge3A_103 = arith.cmpi sge, %scan3A_75, %ge3A : i32
      %convert_element_type3A = arith.extui %ge3A_103 : i1 to i32
      %cond3A = arith.constant 0 : i32
      %cond3A_104 = arith.cmpi ne, %convert_element_type3A, %cond3A : i32
      scf.if %cond3A_104 {
        %dma_wait3A_129 = arith.constant 0 : i32
        %dma_wait3A_130 = arith.constant 0 : i32
        %dma_wait3A_131 = tpu.memref_slice %arg5[%select_n3A_84, %dma_wait3A_129, %dma_wait3A_130] : memref<2x3x128xi32, #tpu.memory_space<vmem>> -> memref<1x3x128xi32, #tpu.memory_space<vmem>>
        %dma_wait3A_132 = tpu.memref_squeeze %dma_wait3A_131 : memref<1x3x128xi32, #tpu.memory_space<vmem>> -> memref<3x128xi32, #tpu.memory_space<vmem>>
        %dma_wait3A_133 = arith.constant 0 : i32
        %dma_wait3A_134 = tpu.memref_slice %arg2[%mul3A_52, %dma_wait3A_133] : memref<6336x128xi32, #tpu.memory_space<hbm>> -> memref<3x128xi32, #tpu.memory_space<hbm>>
        %dma_wait3A_135 = arith.constant 0 : i32
        %dma_wait3A_136 = arith.constant 0 : i32
        %dma_wait3A_137 = tpu.memref_slice %arg5[%select_n3A_84, %dma_wait3A_135, %dma_wait3A_136] : memref<2x3x128xi32, #tpu.memory_space<vmem>> -> memref<1x3x128xi32, #tpu.memory_space<vmem>>
        %dma_wait3A_138 = tpu.memref_squeeze %dma_wait3A_137 : memref<1x3x128xi32, #tpu.memory_space<vmem>> -> memref<3x128xi32, #tpu.memory_space<vmem>>
        %dma_wait3A_139 = arith.constant 0 : i32
        %dma_wait3A_140 = tpu.memref_slice %arg2[%mul3A_52, %dma_wait3A_139] : memref<6336x128xi32, #tpu.memory_space<hbm>> -> memref<3x128xi32, #tpu.memory_space<hbm>>
        tpu.wait_dma2 semaphore(%arg9 : memref<!tpu.dma_semaphore, #tpu.memory_space<semaphore_mem>>) src(%dma_wait3A_140 : memref<3x128xi32, #tpu.memory_space<hbm>>) dst(%dma_wait3A_138 : memref<3x128xi32, #tpu.memory_space<vmem>>)
        %dma_wait3A_141 = arith.constant 0 : i32
        %dma_wait3A_142 = tpu.memref_slice %arg3[%dma_wait3A_141] : memref<51200xf32, #tpu.memory_space<hbm>> -> memref<128xf32, #tpu.memory_space<hbm>>
        %dma_wait3A_143 = arith.constant 0 : i32
        %dma_wait3A_144 = tpu.memref_slice %arg3[%dma_wait3A_143] : memref<51200xf32, #tpu.memory_space<hbm>> -> memref<128xf32, #tpu.memory_space<hbm>>
        tpu.wait_dma2 semaphore(%arg8 : memref<!tpu.dma_semaphore, #tpu.memory_space<semaphore_mem>>) src(%dma_wait3A_144 : memref<128xf32, #tpu.memory_space<hbm>>) dst(%arg6 : memref<128xf32, #tpu.memory_space<vmem>>)
        %dma_wait3A_145 = arith.constant 0 : i32
        %dma_wait3A_146 = tpu.memref_slice %arg3[%dma_wait3A_145] : memref<51200xf32, #tpu.memory_space<hbm>> -> memref<128xf32, #tpu.memory_space<hbm>>
        %dma_wait3A_147 = arith.constant 0 : i32
        %dma_wait3A_148 = tpu.memref_slice %arg3[%dma_wait3A_147] : memref<51200xf32, #tpu.memory_space<hbm>> -> memref<128xf32, #tpu.memory_space<hbm>>
        tpu.wait_dma2 semaphore(%arg8 : memref<!tpu.dma_semaphore, #tpu.memory_space<semaphore_mem>>) src(%dma_wait3A_148 : memref<128xf32, #tpu.memory_space<hbm>>) dst(%arg6 : memref<128xf32, #tpu.memory_space<vmem>>)
        %dma_wait3A_149 = arith.constant 0 : i32
        %dma_wait3A_150 = tpu.memref_slice %arg3[%dma_wait3A_149] : memref<51200xf32, #tpu.memory_space<hbm>> -> memref<128xf32, #tpu.memory_space<hbm>>
        %dma_wait3A_151 = arith.constant 0 : i32
        %dma_wait3A_152 = tpu.memref_slice %arg3[%dma_wait3A_151] : memref<51200xf32, #tpu.memory_space<hbm>> -> memref<128xf32, #tpu.memory_space<hbm>>
        tpu.wait_dma2 semaphore(%arg8 : memref<!tpu.dma_semaphore, #tpu.memory_space<semaphore_mem>>) src(%dma_wait3A_152 : memref<128xf32, #tpu.memory_space<hbm>>) dst(%arg6 : memref<128xf32, #tpu.memory_space<vmem>>)
      } else {
      }
      %add3A_105 = arith.constant 1 : i32
      %add3A_106 = arith.addi %scan3A_75, %add3A_105 : i32
      %lt3A_107 = arith.constant 66 : i32
      %lt3A_108 = arith.cmpi slt, %add3A_106, %lt3A_107 : i32
      %convert_element_type3A_109 = arith.extui %lt3A_108 : i1 to i32
      %cond3A_110 = arith.constant 0 : i32
      %cond3A_111 = arith.cmpi ne, %convert_element_type3A_109, %cond3A_110 : i32
      scf.if %cond3A_111 {
        %add3A_129 = arith.constant 1 : i32
        %add3A_130 = arith.addi %scan3A_75, %add3A_129 : i32
        %mul3A_131 = arith.constant 3 : i32
        %mul3A_132 = arith.muli %add3A_130, %mul3A_131 : i32
        %add3A_133 = arith.addi %mul3A_52, %mul3A_132 : i32
        %dma_start3A_134 = arith.constant 0 : i32
        %dma_start3A_135 = arith.constant 0 : i32
        %dma_start3A_136 = tpu.memref_slice %arg5[%select_n3A_102, %dma_start3A_134, %dma_start3A_135] : memref<2x3x128xi32, #tpu.memory_space<vmem>> -> memref<1x3x128xi32, #tpu.memory_space<vmem>>
        %dma_start3A_137 = tpu.memref_squeeze %dma_start3A_136 : memref<1x3x128xi32, #tpu.memory_space<vmem>> -> memref<3x128xi32, #tpu.memory_space<vmem>>
        %dma_start3A_138 = arith.constant 0 : i32
        %dma_start3A_139 = tpu.memref_slice %arg2[%add3A_133, %dma_start3A_138] : memref<6336x128xi32, #tpu.memory_space<hbm>> -> memref<3x128xi32, #tpu.memory_space<hbm>>
        %dma_start3A_140 = arith.constant 0 : i32
        %dma_start3A_141 = arith.constant 0 : i32
        %dma_start3A_142 = tpu.memref_slice %arg5[%select_n3A_102, %dma_start3A_140, %dma_start3A_141] : memref<2x3x128xi32, #tpu.memory_space<vmem>> -> memref<1x3x128xi32, #tpu.memory_space<vmem>>
        %dma_start3A_143 = tpu.memref_squeeze %dma_start3A_142 : memref<1x3x128xi32, #tpu.memory_space<vmem>> -> memref<3x128xi32, #tpu.memory_space<vmem>>
        %dma_start3A_144 = arith.constant 0 : i32
        %dma_start3A_145 = tpu.memref_slice %arg2[%add3A_133, %dma_start3A_144] : memref<6336x128xi32, #tpu.memory_space<hbm>> -> memref<3x128xi32, #tpu.memory_space<hbm>>
        tpu.enqueue_dma source(%dma_start3A_145 : memref<3x128xi32, #tpu.memory_space<hbm>>) target(%dma_start3A_143 : memref<3x128xi32, #tpu.memory_space<vmem>>) target_semaphore(%arg9 : memref<!tpu.dma_semaphore, #tpu.memory_space<semaphore_mem>>)
      } else {
      }
      %dma_start3A = arith.constant 0 : i32
      %dma_start3A_112 = arith.constant 0 : i32
      %dma_start3A_113 = tpu.memref_slice %arg5[%select_n3A_84, %dma_start3A, %dma_start3A_112] : memref<2x3x128xi32, #tpu.memory_space<vmem>> -> memref<1x1x128xi32, #tpu.memory_space<vmem>>
      %dma_start3A_114 = tpu.memref_squeeze %dma_start3A_113 : memref<1x1x128xi32, #tpu.memory_space<vmem>> -> memref<128xi32, #tpu.memory_space<vmem>>
      %dma_start3A_115 = arith.constant 0 : i32
      %dma_start3A_116 = tpu.memref_slice %arg7[%dma_start3A_115] : memref<51200xf32, #tpu.memory_space<vmem_shared>> -> memref<51200xf32, #tpu.memory_space<vmem_shared>>
      tpu.enqueue_indirect_dma source(%arg6 : memref<128xf32, #tpu.memory_space<vmem>>) target(%dma_start3A_116 : memref<51200xf32, #tpu.memory_space<vmem_shared>>) offsets(%dma_start3A_114 : memref<128xi32, #tpu.memory_space<vmem>>) semaphore(%arg8 : memref<!tpu.dma_semaphore, #tpu.memory_space<semaphore_mem>>) {add = true}
      %dma_start3A_117 = arith.constant 1 : i32
      %dma_start3A_118 = arith.constant 0 : i32
      %dma_start3A_119 = tpu.memref_slice %arg5[%select_n3A_84, %dma_start3A_117, %dma_start3A_118] : memref<2x3x128xi32, #tpu.memory_space<vmem>> -> memref<1x1x128xi32, #tpu.memory_space<vmem>>
      %dma_start3A_120 = tpu.memref_squeeze %dma_start3A_119 : memref<1x1x128xi32, #tpu.memory_space<vmem>> -> memref<128xi32, #tpu.memory_space<vmem>>
      %dma_start3A_121 = arith.constant 0 : i32
      %dma_start3A_122 = tpu.memref_slice %arg7[%dma_start3A_121] : memref<51200xf32, #tpu.memory_space<vmem_shared>> -> memref<51200xf32, #tpu.memory_space<vmem_shared>>
      tpu.enqueue_indirect_dma source(%arg6 : memref<128xf32, #tpu.memory_space<vmem>>) target(%dma_start3A_122 : memref<51200xf32, #tpu.memory_space<vmem_shared>>) offsets(%dma_start3A_120 : memref<128xi32, #tpu.memory_space<vmem>>) semaphore(%arg8 : memref<!tpu.dma_semaphore, #tpu.memory_space<semaphore_mem>>) {add = true}
      %dma_start3A_123 = arith.constant 2 : i32
      %dma_start3A_124 = arith.constant 0 : i32
      %dma_start3A_125 = tpu.memref_slice %arg5[%select_n3A_84, %dma_start3A_123, %dma_start3A_124] : memref<2x3x128xi32, #tpu.memory_space<vmem>> -> memref<1x1x128xi32, #tpu.memory_space<vmem>>
      %dma_start3A_126 = tpu.memref_squeeze %dma_start3A_125 : memref<1x1x128xi32, #tpu.memory_space<vmem>> -> memref<128xi32, #tpu.memory_space<vmem>>
      %dma_start3A_127 = arith.constant 0 : i32
      %dma_start3A_128 = tpu.memref_slice %arg7[%dma_start3A_127] : memref<51200xf32, #tpu.memory_space<vmem_shared>> -> memref<51200xf32, #tpu.memory_space<vmem_shared>>
      tpu.enqueue_indirect_dma source(%arg6 : memref<128xf32, #tpu.memory_space<vmem>>) target(%dma_start3A_128 : memref<51200xf32, #tpu.memory_space<vmem_shared>>) offsets(%dma_start3A_126 : memref<128xi32, #tpu.memory_space<vmem>>) semaphore(%arg8 : memref<!tpu.dma_semaphore, #tpu.memory_space<semaphore_mem>>) {add = true}
    }
    %scan3A_57 = arith.constant 66 : i32
    %dma_wait3A = arith.constant 0 : i32
    %dma_wait3A_58 = tpu.memref_slice %arg3[%dma_wait3A] : memref<51200xf32, #tpu.memory_space<hbm>> -> memref<128xf32, #tpu.memory_space<hbm>>
    %dma_wait3A_59 = arith.constant 0 : i32
    %dma_wait3A_60 = tpu.memref_slice %arg3[%dma_wait3A_59] : memref<51200xf32, #tpu.memory_space<hbm>> -> memref<128xf32, #tpu.memory_space<hbm>>
    tpu.wait_dma2 semaphore(%arg8 : memref<!tpu.dma_semaphore, #tpu.memory_space<semaphore_mem>>) src(%dma_wait3A_60 : memref<128xf32, #tpu.memory_space<hbm>>) dst(%arg6 : memref<128xf32, #tpu.memory_space<vmem>>)
    %dma_wait3A_61 = arith.constant 0 : i32
    %dma_wait3A_62 = tpu.memref_slice %arg3[%dma_wait3A_61] : memref<51200xf32, #tpu.memory_space<hbm>> -> memref<128xf32, #tpu.memory_space<hbm>>
    %dma_wait3A_63 = arith.constant 0 : i32
    %dma_wait3A_64 = tpu.memref_slice %arg3[%dma_wait3A_63] : memref<51200xf32, #tpu.memory_space<hbm>> -> memref<128xf32, #tpu.memory_space<hbm>>
    tpu.wait_dma2 semaphore(%arg8 : memref<!tpu.dma_semaphore, #tpu.memory_space<semaphore_mem>>) src(%dma_wait3A_64 : memref<128xf32, #tpu.memory_space<hbm>>) dst(%arg6 : memref<128xf32, #tpu.memory_space<vmem>>)
    %dma_wait3A_65 = arith.constant 0 : i32
    %dma_wait3A_66 = tpu.memref_slice %arg3[%dma_wait3A_65] : memref<51200xf32, #tpu.memory_space<hbm>> -> memref<128xf32, #tpu.memory_space<hbm>>
    %dma_wait3A_67 = arith.constant 0 : i32
    %dma_wait3A_68 = tpu.memref_slice %arg3[%dma_wait3A_67] : memref<51200xf32, #tpu.memory_space<hbm>> -> memref<128xf32, #tpu.memory_space<hbm>>
    tpu.wait_dma2 semaphore(%arg8 : memref<!tpu.dma_semaphore, #tpu.memory_space<semaphore_mem>>) src(%dma_wait3A_68 : memref<128xf32, #tpu.memory_space<hbm>>) dst(%arg6 : memref<128xf32, #tpu.memory_space<vmem>>)
    %barrier3A_69 = arith.constant 0 : index
    tpu.barrier barrier_id(%barrier3A_69)
    %mul3A_70 = arith.constant 3200 : i32
    %mul3A_71 = arith.muli %arg1, %mul3A_70 : i32
    %mul3A_72 = arith.constant 3200 : i32
    %mul3A_73 = arith.muli %arg1, %mul3A_72 : i32
    %run_scoped3A_74 = arith.constant 0 : i32
    "tpu.region"() ({
      %run_scoped3A_75 = tpu.sem_alloc : memref<!tpu.dma_semaphore, #tpu.memory_space<semaphore_mem>>
      %dma_start3A = tpu.memref_slice %arg4[%arg0, %run_scoped3A_74, %mul3A_73] : memref<2x1x51200xf32, #tpu.memory_space<hbm>> -> memref<1x1x3200xf32, #tpu.memory_space<hbm>>
      %dma_start3A_76 = tpu.memref_squeeze %dma_start3A : memref<1x1x3200xf32, #tpu.memory_space<hbm>> -> memref<3200xf32, #tpu.memory_space<hbm>>
      %dma_start3A_77 = tpu.memref_slice %arg7[%mul3A_71] : memref<51200xf32, #tpu.memory_space<vmem_shared>> -> memref<3200xf32, #tpu.memory_space<vmem_shared>>
      tpu.enqueue_dma source(%dma_start3A_77 : memref<3200xf32, #tpu.memory_space<vmem_shared>>) target(%dma_start3A_76 : memref<3200xf32, #tpu.memory_space<hbm>>) target_semaphore(%run_scoped3A_75 : memref<!tpu.dma_semaphore, #tpu.memory_space<semaphore_mem>>)
      %dma_wait3A_78 = tpu.memref_slice %arg4[%arg0, %run_scoped3A_74, %mul3A_73] : memref<2x1x51200xf32, #tpu.memory_space<hbm>> -> memref<1x1x3200xf32, #tpu.memory_space<hbm>>
      %dma_wait3A_79 = tpu.memref_squeeze %dma_wait3A_78 : memref<1x1x3200xf32, #tpu.memory_space<hbm>> -> memref<3200xf32, #tpu.memory_space<hbm>>
      %dma_wait3A_80 = tpu.memref_slice %arg7[%mul3A_71] : memref<51200xf32, #tpu.memory_space<vmem_shared>> -> memref<3200xf32, #tpu.memory_space<vmem_shared>>
      tpu.wait_dma2 semaphore(%run_scoped3A_75 : memref<!tpu.dma_semaphore, #tpu.memory_space<semaphore_mem>>) src(%dma_wait3A_80 : memref<3200xf32, #tpu.memory_space<vmem_shared>>) dst(%dma_wait3A_79 : memref<3200xf32, #tpu.memory_space<hbm>>)
      tpu.yield
    }) : () -> ()
    return
  }
}

#map = affine_map<(d0, d1) -> (0, 0)>
#map1 = affine_map<(d0, d1) -> (0, 0, 0)>
module attributes {stable_mosaic.version = 14 : i64} {
  func.func @k(%arg0: i32, %arg1: i32, %arg2: memref<102400x32xf32, #tpu.memory_space<hbm>>, %arg3: memref<6336x128xi32, #tpu.memory_space<hbm>>, %arg4: memref<6336x128xi32, #tpu.memory_space<hbm>>, %arg5: memref<2x51200x32xf32, #tpu.memory_space<hbm>>, %arg6: memref<2x3x128xi32, #tpu.memory_space<vmem>>, %arg7: memref<2x3x128xi32, #tpu.memory_space<vmem>>, %arg8: memref<2x3x128x32xf32, #tpu.memory_space<vmem>>, %arg9: memref<51200x32xf32, #tpu.memory_space<vmem_shared>>, %arg10: memref<!tpu.dma_semaphore, #tpu.memory_space<semaphore_mem>>, %arg11: memref<!tpu.dma_semaphore, #tpu.memory_space<semaphore_mem>>, %arg12: memref<!tpu.dma_semaphore, #tpu.memory_space<semaphore_mem>>, %arg13: memref<!tpu.dma_semaphore, #tpu.memory_space<semaphore_mem>>) attributes {dimension_semantics = [#tpu.dimension_semantics<core_parallel>, #tpu.dimension_semantics<subcore_parallel>], iteration_bounds = array<i64: 2, 16>, scalar_prefetch = 0 : i64, scratch_operands = 8 : i64, tpu.core_type = #tpu.core_type<sc_vector_subcore>, window_params = [{transform_indices = #map}, {transform_indices = #map}, {transform_indices = #map}, {transform_indices = #map1}]} {
    %scan3A = arith.constant 0 : i32
    %scan3A_0 = arith.constant 0 : i32
    %scan3A_1 = arith.constant 128 : i32
    %scan3A_2 = arith.addi %scan3A_0, %scan3A_1 : i32
    %scan3A_3 = arith.constant 1 : i32
    scf.for %scan3A_478 = %scan3A_0 to %scan3A_2 step %scan3A_3  : i32 {
      %broadcast_in_dim3A = arith.constant 0.000000e+00 : f32
      %broadcast_in_dim3A_479 = vector.broadcast %broadcast_in_dim3A : f32 to vector<16xf32>
      %swap3A_480 = arith.constant 0 : i32
      %swap3A_481 = arith.constant 0 : i32
      %swap3A_482 = arith.index_cast %swap3A_480 : i32 to index
      %swap3A_483 = arith.index_cast %swap3A_481 : i32 to index
      %swap3A_484 = arith.index_cast %scan3A_478 : i32 to index
      %swap3A_485 = arith.constant 0 : index
      %swap3A_486 = tpu.vector_load %arg8[%swap3A_482, %swap3A_483, %swap3A_484, %swap3A_485] {strides = array<i32>} : memref<2x3x128x32xf32, #tpu.memory_space<vmem>>, vector<1x1x1x16xf32>,
      %swap3A_487 = vector.shape_cast %swap3A_486 : vector<1x1x1x16xf32> to vector<16xf32>
      %swap3A_488 = vector.shape_cast %broadcast_in_dim3A_479 : vector<16xf32> to vector<1x1x1x16xf32>
      tpu.vector_store %arg8[%swap3A_482, %swap3A_483, %swap3A_484, %swap3A_485], %swap3A_488 {strides = array<i32>} : memref<2x3x128x32xf32, #tpu.memory_space<vmem>>, vector<1x1x1x16xf32>,
      %broadcast_in_dim3A_489 = arith.constant 0.000000e+00 : f32
      %broadcast_in_dim3A_490 = vector.broadcast %broadcast_in_dim3A_489 : f32 to vector<16xf32>
      %swap3A_491 = arith.constant 0 : i32
      %swap3A_492 = arith.constant 0 : i32
      %swap3A_493 = arith.index_cast %swap3A_491 : i32 to index
      %swap3A_494 = arith.index_cast %swap3A_492 : i32 to index
      %swap3A_495 = arith.index_cast %scan3A_478 : i32 to index
      %swap3A_496 = arith.constant 16 : index
      %swap3A_497 = tpu.vector_load %arg8[%swap3A_493, %swap3A_494, %swap3A_495, %swap3A_496] {strides = array<i32>} : memref<2x3x128x32xf32, #tpu.memory_space<vmem>>, vector<1x1x1x16xf32>,
      %swap3A_498 = vector.shape_cast %swap3A_497 : vector<1x1x1x16xf32> to vector<16xf32>
      %swap3A_499 = vector.shape_cast %broadcast_in_dim3A_490 : vector<16xf32> to vector<1x1x1x16xf32>
      tpu.vector_store %arg8[%swap3A_493, %swap3A_494, %swap3A_495, %swap3A_496], %swap3A_499 {strides = array<i32>} : memref<2x3x128x32xf32, #tpu.memory_space<vmem>>, vector<1x1x1x16xf32>,
    }
    %scan3A_4 = arith.constant 128 : i32
    %scan3A_5 = arith.constant 0 : i32
    %scan3A_6 = arith.constant 0 : i32
    %scan3A_7 = arith.constant 25 : i32
    %scan3A_8 = arith.addi %scan3A_6, %scan3A_7 : i32
    %scan3A_9 = arith.constant 1 : i32
    scf.for %scan3A_478 = %scan3A_6 to %scan3A_8 step %scan3A_9  : i32 {
      %mul3A_479 = arith.constant 3200 : i32
      %mul3A_480 = arith.muli %arg1, %mul3A_479 : i32
      %mul3A_481 = arith.constant 128 : i32
      %mul3A_482 = arith.muli %scan3A_478, %mul3A_481 : i32
      %add3A_483 = arith.addi %mul3A_480, %mul3A_482 : i32
      %run_scoped3A_484 = arith.constant 0 : i32
      %run_scoped3A_485 = arith.constant 0 : i32
      "tpu.region"() ({
        %run_scoped3A_486 = tpu.sem_alloc : memref<!tpu.dma_semaphore, #tpu.memory_space<semaphore_mem>>
        %dma_start3A = arith.constant 0 : i32
        %dma_start3A_487 = arith.constant 0 : i32
        %dma_start3A_488 = tpu.memref_slice %arg8[%run_scoped3A_484, %run_scoped3A_485, %dma_start3A, %dma_start3A_487] : memref<2x3x128x32xf32, #tpu.memory_space<vmem>> -> memref<1x1x128x32xf32, #tpu.memory_space<vmem>>
        %dma_start3A_489 = tpu.memref_squeeze %dma_start3A_488 : memref<1x1x128x32xf32, #tpu.memory_space<vmem>> -> memref<128x32xf32, #tpu.memory_space<vmem>>
        %dma_start3A_490 = arith.constant 0 : i32
        %dma_start3A_491 = tpu.memref_slice %arg9[%add3A_483, %dma_start3A_490] : memref<51200x32xf32, #tpu.memory_space<vmem_shared>> -> memref<128x32xf32, #tpu.memory_space<vmem_shared>>
        %dma_start3A_492 = arith.constant 0 : i32
        %dma_start3A_493 = tpu.memref_slice %arg9[%add3A_483, %dma_start3A_492] : memref<51200x32xf32, #tpu.memory_space<vmem_shared>> -> memref<128x32xf32, #tpu.memory_space<vmem_shared>>
        %dma_start3A_494 = arith.constant 0 : i32
        %dma_start3A_495 = arith.constant 0 : i32
        %dma_start3A_496 = tpu.memref_slice %arg8[%run_scoped3A_484, %run_scoped3A_485, %dma_start3A_494, %dma_start3A_495] : memref<2x3x128x32xf32, #tpu.memory_space<vmem>> -> memref<1x1x128x32xf32, #tpu.memory_space<vmem>>
        %dma_start3A_497 = tpu.memref_squeeze %dma_start3A_496 : memref<1x1x128x32xf32, #tpu.memory_space<vmem>> -> memref<128x32xf32, #tpu.memory_space<vmem>>
        tpu.enqueue_dma source(%dma_start3A_497 : memref<128x32xf32, #tpu.memory_space<vmem>>) target(%dma_start3A_493 : memref<128x32xf32, #tpu.memory_space<vmem_shared>>) target_semaphore(%run_scoped3A_486 : memref<!tpu.dma_semaphore, #tpu.memory_space<semaphore_mem>>)
        %dma_wait3A_498 = arith.constant 0 : i32
        %dma_wait3A_499 = arith.constant 0 : i32
        %dma_wait3A_500 = tpu.memref_slice %arg8[%run_scoped3A_484, %run_scoped3A_485, %dma_wait3A_498, %dma_wait3A_499] : memref<2x3x128x32xf32, #tpu.memory_space<vmem>> -> memref<1x1x128x32xf32, #tpu.memory_space<vmem>>
        %dma_wait3A_501 = tpu.memref_squeeze %dma_wait3A_500 : memref<1x1x128x32xf32, #tpu.memory_space<vmem>> -> memref<128x32xf32, #tpu.memory_space<vmem>>
        %dma_wait3A_502 = arith.constant 0 : i32
        %dma_wait3A_503 = tpu.memref_slice %arg9[%add3A_483, %dma_wait3A_502] : memref<51200x32xf32, #tpu.memory_space<vmem_shared>> -> memref<128x32xf32, #tpu.memory_space<vmem_shared>>
        %dma_wait3A_504 = arith.constant 0 : i32
        %dma_wait3A_505 = tpu.memref_slice %arg9[%add3A_483, %dma_wait3A_504] : memref<51200x32xf32, #tpu.memory_space<vmem_shared>> -> memref<128x32xf32, #tpu.memory_space<vmem_shared>>
        %dma_wait3A_506 = arith.constant 0 : i32
        %dma_wait3A_507 = arith.constant 0 : i32
        %dma_wait3A_508 = tpu.memref_slice %arg8[%run_scoped3A_484, %run_scoped3A_485, %dma_wait3A_506, %dma_wait3A_507] : memref<2x3x128x32xf32, #tpu.memory_space<vmem>> -> memref<1x1x128x32xf32, #tpu.memory_space<vmem>>
        %dma_wait3A_509 = tpu.memref_squeeze %dma_wait3A_508 : memref<1x1x128x32xf32, #tpu.memory_space<vmem>> -> memref<128x32xf32, #tpu.memory_space<vmem>>
        tpu.wait_dma2 semaphore(%run_scoped3A_486 : memref<!tpu.dma_semaphore, #tpu.memory_space<semaphore_mem>>) src(%dma_wait3A_509 : memref<128x32xf32, #tpu.memory_space<vmem>>) dst(%dma_wait3A_505 : memref<128x32xf32, #tpu.memory_space<vmem_shared>>)
        tpu.yield
      }) : () -> ()
    }
    %scan3A_10 = arith.constant 25 : i32
    %barrier3A = arith.constant 0 : index
    tpu.barrier barrier_id(%barrier3A)
    %mul3A = arith.constant 396 : i32
    %mul3A_11 = arith.muli %arg1, %mul3A : i32
    %mul3A_12 = arith.constant 51200 : i32
    %mul3A_13 = arith.muli %arg0, %mul3A_12 : i32
    %run_scoped3A = arith.constant 0 : i32
    "tpu.region"() ({
      %run_scoped3A_478 = tpu.sem_alloc : memref<!tpu.dma_semaphore, #tpu.memory_space<semaphore_mem>>
      %dma_start3A = arith.constant 0 : i32
      %dma_start3A_479 = arith.constant 0 : i32
      %dma_start3A_480 = tpu.memref_slice %arg6[%run_scoped3A, %dma_start3A, %dma_start3A_479] : memref<2x3x128xi32, #tpu.memory_space<vmem>> -> memref<1x3x128xi32, #tpu.memory_space<vmem>>
      %dma_start3A_481 = tpu.memref_squeeze %dma_start3A_480 : memref<1x3x128xi32, #tpu.memory_space<vmem>> -> memref<3x128xi32, #tpu.memory_space<vmem>>
      %dma_start3A_482 = arith.constant 0 : i32
      %dma_start3A_483 = tpu.memref_slice %arg3[%mul3A_11, %dma_start3A_482] : memref<6336x128xi32, #tpu.memory_space<hbm>> -> memref<3x128xi32, #tpu.memory_space<hbm>>
      %dma_start3A_484 = arith.constant 0 : i32
      %dma_start3A_485 = arith.constant 0 : i32
      %dma_start3A_486 = tpu.memref_slice %arg6[%run_scoped3A, %dma_start3A_484, %dma_start3A_485] : memref<2x3x128xi32, #tpu.memory_space<vmem>> -> memref<1x3x128xi32, #tpu.memory_space<vmem>>
      %dma_start3A_487 = tpu.memref_squeeze %dma_start3A_486 : memref<1x3x128xi32, #tpu.memory_space<vmem>> -> memref<3x128xi32, #tpu.memory_space<vmem>>
      %dma_start3A_488 = arith.constant 0 : i32
      %dma_start3A_489 = tpu.memref_slice %arg3[%mul3A_11, %dma_start3A_488] : memref<6336x128xi32, #tpu.memory_space<hbm>> -> memref<3x128xi32, #tpu.memory_space<hbm>>
      tpu.enqueue_dma source(%dma_start3A_489 : memref<3x128xi32, #tpu.memory_space<hbm>>) target(%dma_start3A_487 : memref<3x128xi32, #tpu.memory_space<vmem>>) target_semaphore(%run_scoped3A_478 : memref<!tpu.dma_semaphore, #tpu.memory_space<semaphore_mem>>)
      %dma_wait3A_490 = arith.constant 0 : i32
      %dma_wait3A_491 = arith.constant 0 : i32
      %dma_wait3A_492 = tpu.memref_slice %arg6[%run_scoped3A, %dma_wait3A_490, %dma_wait3A_491] : memref<2x3x128xi32, #tpu.memory_space<vmem>> -> memref<1x3x128xi32, #tpu.memory_space<vmem>>
      %dma_wait3A_493 = tpu.memref_squeeze %dma_wait3A_492 : memref<1x3x128xi32, #tpu.memory_space<vmem>> -> memref<3x128xi32, #tpu.memory_space<vmem>>
      %dma_wait3A_494 = arith.constant 0 : i32
      %dma_wait3A_495 = tpu.memref_slice %arg3[%mul3A_11, %dma_wait3A_494] : memref<6336x128xi32, #tpu.memory_space<hbm>> -> memref<3x128xi32, #tpu.memory_space<hbm>>
      %dma_wait3A_496 = arith.constant 0 : i32
      %dma_wait3A_497 = arith.constant 0 : i32
      %dma_wait3A_498 = tpu.memref_slice %arg6[%run_scoped3A, %dma_wait3A_496, %dma_wait3A_497] : memref<2x3x128xi32, #tpu.memory_space<vmem>> -> memref<1x3x128xi32, #tpu.memory_space<vmem>>
      %dma_wait3A_499 = tpu.memref_squeeze %dma_wait3A_498 : memref<1x3x128xi32, #tpu.memory_space<vmem>> -> memref<3x128xi32, #tpu.memory_space<vmem>>
      %dma_wait3A_500 = arith.constant 0 : i32
      %dma_wait3A_501 = tpu.memref_slice %arg3[%mul3A_11, %dma_wait3A_500] : memref<6336x128xi32, #tpu.memory_space<hbm>> -> memref<3x128xi32, #tpu.memory_space<hbm>>
      tpu.wait_dma2 semaphore(%run_scoped3A_478 : memref<!tpu.dma_semaphore, #tpu.memory_space<semaphore_mem>>) src(%dma_wait3A_501 : memref<3x128xi32, #tpu.memory_space<hbm>>) dst(%dma_wait3A_499 : memref<3x128xi32, #tpu.memory_space<vmem>>)
      tpu.yield
    }) : () -> ()
    %run_scoped3A_14 = arith.constant 0 : i32
    "tpu.region"() ({
      %run_scoped3A_478 = tpu.sem_alloc : memref<!tpu.dma_semaphore, #tpu.memory_space<semaphore_mem>>
      %dma_start3A = arith.constant 0 : i32
      %dma_start3A_479 = arith.constant 0 : i32
      %dma_start3A_480 = tpu.memref_slice %arg7[%run_scoped3A_14, %dma_start3A, %dma_start3A_479] : memref<2x3x128xi32, #tpu.memory_space<vmem>> -> memref<1x3x128xi32, #tpu.memory_space<vmem>>
      %dma_start3A_481 = tpu.memref_squeeze %dma_start3A_480 : memref<1x3x128xi32, #tpu.memory_space<vmem>> -> memref<3x128xi32, #tpu.memory_space<vmem>>
      %dma_start3A_482 = arith.constant 0 : i32
      %dma_start3A_483 = tpu.memref_slice %arg4[%mul3A_11, %dma_start3A_482] : memref<6336x128xi32, #tpu.memory_space<hbm>> -> memref<3x128xi32, #tpu.memory_space<hbm>>
      %dma_start3A_484 = arith.constant 0 : i32
      %dma_start3A_485 = arith.constant 0 : i32
      %dma_start3A_486 = tpu.memref_slice %arg7[%run_scoped3A_14, %dma_start3A_484, %dma_start3A_485] : memref<2x3x128xi32, #tpu.memory_space<vmem>> -> memref<1x3x128xi32, #tpu.memory_space<vmem>>
      %dma_start3A_487 = tpu.memref_squeeze %dma_start3A_486 : memref<1x3x128xi32, #tpu.memory_space<vmem>> -> memref<3x128xi32, #tpu.memory_space<vmem>>
      %dma_start3A_488 = arith.constant 0 : i32
      %dma_start3A_489 = tpu.memref_slice %arg4[%mul3A_11, %dma_start3A_488] : memref<6336x128xi32, #tpu.memory_space<hbm>> -> memref<3x128xi32, #tpu.memory_space<hbm>>
      tpu.enqueue_dma source(%dma_start3A_489 : memref<3x128xi32, #tpu.memory_space<hbm>>) target(%dma_start3A_487 : memref<3x128xi32, #tpu.memory_space<vmem>>) target_semaphore(%run_scoped3A_478 : memref<!tpu.dma_semaphore, #tpu.memory_space<semaphore_mem>>)
      %dma_wait3A_490 = arith.constant 0 : i32
      %dma_wait3A_491 = arith.constant 0 : i32
      %dma_wait3A_492 = tpu.memref_slice %arg7[%run_scoped3A_14, %dma_wait3A_490, %dma_wait3A_491] : memref<2x3x128xi32, #tpu.memory_space<vmem>> -> memref<1x3x128xi32, #tpu.memory_space<vmem>>
      %dma_wait3A_493 = tpu.memref_squeeze %dma_wait3A_492 : memref<1x3x128xi32, #tpu.memory_space<vmem>> -> memref<3x128xi32, #tpu.memory_space<vmem>>
      %dma_wait3A_494 = arith.constant 0 : i32
      %dma_wait3A_495 = tpu.memref_slice %arg4[%mul3A_11, %dma_wait3A_494] : memref<6336x128xi32, #tpu.memory_space<hbm>> -> memref<3x128xi32, #tpu.memory_space<hbm>>
      %dma_wait3A_496 = arith.constant 0 : i32
      %dma_wait3A_497 = arith.constant 0 : i32
      %dma_wait3A_498 = tpu.memref_slice %arg7[%run_scoped3A_14, %dma_wait3A_496, %dma_wait3A_497] : memref<2x3x128xi32, #tpu.memory_space<vmem>> -> memref<1x3x128xi32, #tpu.memory_space<vmem>>
      %dma_wait3A_499 = tpu.memref_squeeze %dma_wait3A_498 : memref<1x3x128xi32, #tpu.memory_space<vmem>> -> memref<3x128xi32, #tpu.memory_space<vmem>>
      %dma_wait3A_500 = arith.constant 0 : i32
      %dma_wait3A_501 = tpu.memref_slice %arg4[%mul3A_11, %dma_wait3A_500] : memref<6336x128xi32, #tpu.memory_space<hbm>> -> memref<3x128xi32, #tpu.memory_space<hbm>>
      tpu.wait_dma2 semaphore(%run_scoped3A_478 : memref<!tpu.dma_semaphore, #tpu.memory_space<semaphore_mem>>) src(%dma_wait3A_501 : memref<3x128xi32, #tpu.memory_space<hbm>>) dst(%dma_wait3A_499 : memref<3x128xi32, #tpu.memory_space<vmem>>)
      tpu.yield
    }) : () -> ()
    %get3A = arith.constant 0 : i32
    %get3A_15 = arith.constant 0 : i32
    %get3A_16 = arith.index_cast %get3A : i32 to index
    %get3A_17 = arith.index_cast %get3A_15 : i32 to index
    %get3A_18 = arith.constant 0 : index
    %get3A_19 = tpu.vector_load %arg6[%get3A_16, %get3A_17, %get3A_18] {strides = array<i32>} : memref<2x3x128xi32, #tpu.memory_space<vmem>>, vector<1x1x16xi32>,
    %get3A_20 = vector.shape_cast %get3A_19 : vector<1x1x16xi32> to vector<16xi32>
    %add3A = vector.broadcast %mul3A_13 : i32 to vector<16xi32>
    %add3A_21 = arith.addi %get3A_20, %add3A : vector<16xi32>
    %swap3A = arith.constant 0 : i32
    %swap3A_22 = arith.constant 0 : i32
    %swap3A_23 = arith.index_cast %swap3A : i32 to index
    %swap3A_24 = arith.index_cast %swap3A_22 : i32 to index
    %swap3A_25 = arith.constant 0 : index
    %swap3A_26 = tpu.vector_load %arg6[%swap3A_23, %swap3A_24, %swap3A_25] {strides = array<i32>} : memref<2x3x128xi32, #tpu.memory_space<vmem>>, vector<1x1x16xi32>,
    %swap3A_27 = vector.shape_cast %swap3A_26 : vector<1x1x16xi32> to vector<16xi32>
    %swap3A_28 = vector.shape_cast %add3A_21 : vector<16xi32> to vector<1x1x16xi32>
    tpu.vector_store %arg6[%swap3A_23, %swap3A_24, %swap3A_25], %swap3A_28 {strides = array<i32>} : memref<2x3x128xi32, #tpu.memory_space<vmem>>, vector<1x1x16xi32>,
    %get3A_29 = arith.constant 0 : i32
    %get3A_30 = arith.constant 0 : i32
    %get3A_31 = arith.index_cast %get3A_29 : i32 to index
    %get3A_32 = arith.index_cast %get3A_30 : i32 to index
    %get3A_33 = arith.constant 16 : index
    %get3A_34 = tpu.vector_load %arg6[%get3A_31, %get3A_32, %get3A_33] {strides = array<i32>} : memref<2x3x128xi32, #tpu.memory_space<vmem>>, vector<1x1x16xi32>,
    %get3A_35 = vector.shape_cast %get3A_34 : vector<1x1x16xi32> to vector<16xi32>
    %add3A_36 = vector.broadcast %mul3A_13 : i32 to vector<16xi32>
    %add3A_37 = arith.addi %get3A_35, %add3A_36 : vector<16xi32>
    %swap3A_38 = arith.constant 0 : i32
    %swap3A_39 = arith.constant 0 : i32
    %swap3A_40 = arith.index_cast %swap3A_38 : i32 to index
    %swap3A_41 = arith.index_cast %swap3A_39 : i32 to index
    %swap3A_42 = arith.constant 16 : index
    %swap3A_43 = tpu.vector_load %arg6[%swap3A_40, %swap3A_41, %swap3A_42] {strides = array<i32>} : memref<2x3x128xi32, #tpu.memory_space<vmem>>, vector<1x1x16xi32>,
    %swap3A_44 = vector.shape_cast %swap3A_43 : vector<1x1x16xi32> to vector<16xi32>
    %swap3A_45 = vector.shape_cast %add3A_37 : vector<16xi32> to vector<1x1x16xi32>
    tpu.vector_store %arg6[%swap3A_40, %swap3A_41, %swap3A_42], %swap3A_45 {strides = array<i32>} : memref<2x3x128xi32, #tpu.memory_space<vmem>>, vector<1x1x16xi32>,
    %get3A_46 = arith.constant 0 : i32
    %get3A_47 = arith.constant 0 : i32
    %get3A_48 = arith.index_cast %get3A_46 : i32 to index
    %get3A_49 = arith.index_cast %get3A_47 : i32 to index
    %get3A_50 = arith.constant 32 : index
    %get3A_51 = tpu.vector_load %arg6[%get3A_48, %get3A_49, %get3A_50] {strides = array<i32>} : memref<2x3x128xi32, #tpu.memory_space<vmem>>, vector<1x1x16xi32>,
    %get3A_52 = vector.shape_cast %get3A_51 : vector<1x1x16xi32> to vector<16xi32>
    %add3A_53 = vector.broadcast %mul3A_13 : i32 to vector<16xi32>
    %add3A_54 = arith.addi %get3A_52, %add3A_53 : vector<16xi32>
    %swap3A_55 = arith.constant 0 : i32
    %swap3A_56 = arith.constant 0 : i32
    %swap3A_57 = arith.index_cast %swap3A_55 : i32 to index
    %swap3A_58 = arith.index_cast %swap3A_56 : i32 to index
    %swap3A_59 = arith.constant 32 : index
    %swap3A_60 = tpu.vector_load %arg6[%swap3A_57, %swap3A_58, %swap3A_59] {strides = array<i32>} : memref<2x3x128xi32, #tpu.memory_space<vmem>>, vector<1x1x16xi32>,
    %swap3A_61 = vector.shape_cast %swap3A_60 : vector<1x1x16xi32> to vector<16xi32>
    %swap3A_62 = vector.shape_cast %add3A_54 : vector<16xi32> to vector<1x1x16xi32>
    tpu.vector_store %arg6[%swap3A_57, %swap3A_58, %swap3A_59], %swap3A_62 {strides = array<i32>} : memref<2x3x128xi32, #tpu.memory_space<vmem>>, vector<1x1x16xi32>,
    %get3A_63 = arith.constant 0 : i32
    %get3A_64 = arith.constant 0 : i32
    %get3A_65 = arith.index_cast %get3A_63 : i32 to index
    %get3A_66 = arith.index_cast %get3A_64 : i32 to index
    %get3A_67 = arith.constant 48 : index
    %get3A_68 = tpu.vector_load %arg6[%get3A_65, %get3A_66, %get3A_67] {strides = array<i32>} : memref<2x3x128xi32, #tpu.memory_space<vmem>>, vector<1x1x16xi32>,
    %get3A_69 = vector.shape_cast %get3A_68 : vector<1x1x16xi32> to vector<16xi32>
    %add3A_70 = vector.broadcast %mul3A_13 : i32 to vector<16xi32>
    %add3A_71 = arith.addi %get3A_69, %add3A_70 : vector<16xi32>
    %swap3A_72 = arith.constant 0 : i32
    %swap3A_73 = arith.constant 0 : i32
    %swap3A_74 = arith.index_cast %swap3A_72 : i32 to index
    %swap3A_75 = arith.index_cast %swap3A_73 : i32 to index
    %swap3A_76 = arith.constant 48 : index
    %swap3A_77 = tpu.vector_load %arg6[%swap3A_74, %swap3A_75, %swap3A_76] {strides = array<i32>} : memref<2x3x128xi32, #tpu.memory_space<vmem>>, vector<1x1x16xi32>,
    %swap3A_78 = vector.shape_cast %swap3A_77 : vector<1x1x16xi32> to vector<16xi32>
    %swap3A_79 = vector.shape_cast %add3A_71 : vector<16xi32> to vector<1x1x16xi32>
    tpu.vector_store %arg6[%swap3A_74, %swap3A_75, %swap3A_76], %swap3A_79 {strides = array<i32>} : memref<2x3x128xi32, #tpu.memory_space<vmem>>, vector<1x1x16xi32>,
    %get3A_80 = arith.constant 0 : i32
    %get3A_81 = arith.constant 0 : i32
    %get3A_82 = arith.index_cast %get3A_80 : i32 to index
    %get3A_83 = arith.index_cast %get3A_81 : i32 to index
    %get3A_84 = arith.constant 64 : index
    %get3A_85 = tpu.vector_load %arg6[%get3A_82, %get3A_83, %get3A_84] {strides = array<i32>} : memref<2x3x128xi32, #tpu.memory_space<vmem>>, vector<1x1x16xi32>,
    %get3A_86 = vector.shape_cast %get3A_85 : vector<1x1x16xi32> to vector<16xi32>
    %add3A_87 = vector.broadcast %mul3A_13 : i32 to vector<16xi32>
    %add3A_88 = arith.addi %get3A_86, %add3A_87 : vector<16xi32>
    %swap3A_89 = arith.constant 0 : i32
    %swap3A_90 = arith.constant 0 : i32
    %swap3A_91 = arith.index_cast %swap3A_89 : i32 to index
    %swap3A_92 = arith.index_cast %swap3A_90 : i32 to index
    %swap3A_93 = arith.constant 64 : index
    %swap3A_94 = tpu.vector_load %arg6[%swap3A_91, %swap3A_92, %swap3A_93] {strides = array<i32>} : memref<2x3x128xi32, #tpu.memory_space<vmem>>, vector<1x1x16xi32>,
    %swap3A_95 = vector.shape_cast %swap3A_94 : vector<1x1x16xi32> to vector<16xi32>
    %swap3A_96 = vector.shape_cast %add3A_88 : vector<16xi32> to vector<1x1x16xi32>
    tpu.vector_store %arg6[%swap3A_91, %swap3A_92, %swap3A_93], %swap3A_96 {strides = array<i32>} : memref<2x3x128xi32, #tpu.memory_space<vmem>>, vector<1x1x16xi32>,
    %get3A_97 = arith.constant 0 : i32
    %get3A_98 = arith.constant 0 : i32
    %get3A_99 = arith.index_cast %get3A_97 : i32 to index
    %get3A_100 = arith.index_cast %get3A_98 : i32 to index
    %get3A_101 = arith.constant 80 : index
    %get3A_102 = tpu.vector_load %arg6[%get3A_99, %get3A_100, %get3A_101] {strides = array<i32>} : memref<2x3x128xi32, #tpu.memory_space<vmem>>, vector<1x1x16xi32>,
    %get3A_103 = vector.shape_cast %get3A_102 : vector<1x1x16xi32> to vector<16xi32>
    %add3A_104 = vector.broadcast %mul3A_13 : i32 to vector<16xi32>
    %add3A_105 = arith.addi %get3A_103, %add3A_104 : vector<16xi32>
    %swap3A_106 = arith.constant 0 : i32
    %swap3A_107 = arith.constant 0 : i32
    %swap3A_108 = arith.index_cast %swap3A_106 : i32 to index
    %swap3A_109 = arith.index_cast %swap3A_107 : i32 to index
    %swap3A_110 = arith.constant 80 : index
    %swap3A_111 = tpu.vector_load %arg6[%swap3A_108, %swap3A_109, %swap3A_110] {strides = array<i32>} : memref<2x3x128xi32, #tpu.memory_space<vmem>>, vector<1x1x16xi32>,
    %swap3A_112 = vector.shape_cast %swap3A_111 : vector<1x1x16xi32> to vector<16xi32>
    %swap3A_113 = vector.shape_cast %add3A_105 : vector<16xi32> to vector<1x1x16xi32>
    tpu.vector_store %arg6[%swap3A_108, %swap3A_109, %swap3A_110], %swap3A_113 {strides = array<i32>} : memref<2x3x128xi32, #tpu.memory_space<vmem>>, vector<1x1x16xi32>,
    %get3A_114 = arith.constant 0 : i32
    %get3A_115 = arith.constant 0 : i32
    %get3A_116 = arith.index_cast %get3A_114 : i32 to index
    %get3A_117 = arith.index_cast %get3A_115 : i32 to index
    %get3A_118 = arith.constant 96 : index
    %get3A_119 = tpu.vector_load %arg6[%get3A_116, %get3A_117, %get3A_118] {strides = array<i32>} : memref<2x3x128xi32, #tpu.memory_space<vmem>>, vector<1x1x16xi32>,
    %get3A_120 = vector.shape_cast %get3A_119 : vector<1x1x16xi32> to vector<16xi32>
    %add3A_121 = vector.broadcast %mul3A_13 : i32 to vector<16xi32>
    %add3A_122 = arith.addi %get3A_120, %add3A_121 : vector<16xi32>
    %swap3A_123 = arith.constant 0 : i32
    %swap3A_124 = arith.constant 0 : i32
    %swap3A_125 = arith.index_cast %swap3A_123 : i32 to index
    %swap3A_126 = arith.index_cast %swap3A_124 : i32 to index
    %swap3A_127 = arith.constant 96 : index
    %swap3A_128 = tpu.vector_load %arg6[%swap3A_125, %swap3A_126, %swap3A_127] {strides = array<i32>} : memref<2x3x128xi32, #tpu.memory_space<vmem>>, vector<1x1x16xi32>,
    %swap3A_129 = vector.shape_cast %swap3A_128 : vector<1x1x16xi32> to vector<16xi32>
    %swap3A_130 = vector.shape_cast %add3A_122 : vector<16xi32> to vector<1x1x16xi32>
    tpu.vector_store %arg6[%swap3A_125, %swap3A_126, %swap3A_127], %swap3A_130 {strides = array<i32>} : memref<2x3x128xi32, #tpu.memory_space<vmem>>, vector<1x1x16xi32>,
    %get3A_131 = arith.constant 0 : i32
    %get3A_132 = arith.constant 0 : i32
    %get3A_133 = arith.index_cast %get3A_131 : i32 to index
    %get3A_134 = arith.index_cast %get3A_132 : i32 to index
    %get3A_135 = arith.constant 112 : index
    %get3A_136 = tpu.vector_load %arg6[%get3A_133, %get3A_134, %get3A_135] {strides = array<i32>} : memref<2x3x128xi32, #tpu.memory_space<vmem>>, vector<1x1x16xi32>,
    %get3A_137 = vector.shape_cast %get3A_136 : vector<1x1x16xi32> to vector<16xi32>
    %add3A_138 = vector.broadcast %mul3A_13 : i32 to vector<16xi32>
    %add3A_139 = arith.addi %get3A_137, %add3A_138 : vector<16xi32>
    %swap3A_140 = arith.constant 0 : i32
    %swap3A_141 = arith.constant 0 : i32
    %swap3A_142 = arith.index_cast %swap3A_140 : i32 to index
    %swap3A_143 = arith.index_cast %swap3A_141 : i32 to index
    %swap3A_144 = arith.constant 112 : index
    %swap3A_145 = tpu.vector_load %arg6[%swap3A_142, %swap3A_143, %swap3A_144] {strides = array<i32>} : memref<2x3x128xi32, #tpu.memory_space<vmem>>, vector<1x1x16xi32>,
    %swap3A_146 = vector.shape_cast %swap3A_145 : vector<1x1x16xi32> to vector<16xi32>
    %swap3A_147 = vector.shape_cast %add3A_139 : vector<16xi32> to vector<1x1x16xi32>
    tpu.vector_store %arg6[%swap3A_142, %swap3A_143, %swap3A_144], %swap3A_147 {strides = array<i32>} : memref<2x3x128xi32, #tpu.memory_space<vmem>>, vector<1x1x16xi32>,
    %get3A_148 = arith.constant 0 : i32
    %get3A_149 = arith.constant 1 : i32
    %get3A_150 = arith.index_cast %get3A_148 : i32 to index
    %get3A_151 = arith.index_cast %get3A_149 : i32 to index
    %get3A_152 = arith.constant 0 : index
    %get3A_153 = tpu.vector_load %arg6[%get3A_150, %get3A_151, %get3A_152] {strides = array<i32>} : memref<2x3x128xi32, #tpu.memory_space<vmem>>, vector<1x1x16xi32>,
    %get3A_154 = vector.shape_cast %get3A_153 : vector<1x1x16xi32> to vector<16xi32>
    %add3A_155 = vector.broadcast %mul3A_13 : i32 to vector<16xi32>
    %add3A_156 = arith.addi %get3A_154, %add3A_155 : vector<16xi32>
    %swap3A_157 = arith.constant 0 : i32
    %swap3A_158 = arith.constant 1 : i32
    %swap3A_159 = arith.index_cast %swap3A_157 : i32 to index
    %swap3A_160 = arith.index_cast %swap3A_158 : i32 to index
    %swap3A_161 = arith.constant 0 : index
    %swap3A_162 = tpu.vector_load %arg6[%swap3A_159, %swap3A_160, %swap3A_161] {strides = array<i32>} : memref<2x3x128xi32, #tpu.memory_space<vmem>>, vector<1x1x16xi32>,
    %swap3A_163 = vector.shape_cast %swap3A_162 : vector<1x1x16xi32> to vector<16xi32>
    %swap3A_164 = vector.shape_cast %add3A_156 : vector<16xi32> to vector<1x1x16xi32>
    tpu.vector_store %arg6[%swap3A_159, %swap3A_160, %swap3A_161], %swap3A_164 {strides = array<i32>} : memref<2x3x128xi32, #tpu.memory_space<vmem>>, vector<1x1x16xi32>,
    %get3A_165 = arith.constant 0 : i32
    %get3A_166 = arith.constant 1 : i32
    %get3A_167 = arith.index_cast %get3A_165 : i32 to index
    %get3A_168 = arith.index_cast %get3A_166 : i32 to index
    %get3A_169 = arith.constant 16 : index
    %get3A_170 = tpu.vector_load %arg6[%get3A_167, %get3A_168, %get3A_169] {strides = array<i32>} : memref<2x3x128xi32, #tpu.memory_space<vmem>>, vector<1x1x16xi32>,
    %get3A_171 = vector.shape_cast %get3A_170 : vector<1x1x16xi32> to vector<16xi32>
    %add3A_172 = vector.broadcast %mul3A_13 : i32 to vector<16xi32>
    %add3A_173 = arith.addi %get3A_171, %add3A_172 : vector<16xi32>
    %swap3A_174 = arith.constant 0 : i32
    %swap3A_175 = arith.constant 1 : i32
    %swap3A_176 = arith.index_cast %swap3A_174 : i32 to index
    %swap3A_177 = arith.index_cast %swap3A_175 : i32 to index
    %swap3A_178 = arith.constant 16 : index
    %swap3A_179 = tpu.vector_load %arg6[%swap3A_176, %swap3A_177, %swap3A_178] {strides = array<i32>} : memref<2x3x128xi32, #tpu.memory_space<vmem>>, vector<1x1x16xi32>,
    %swap3A_180 = vector.shape_cast %swap3A_179 : vector<1x1x16xi32> to vector<16xi32>
    %swap3A_181 = vector.shape_cast %add3A_173 : vector<16xi32> to vector<1x1x16xi32>
    tpu.vector_store %arg6[%swap3A_176, %swap3A_177, %swap3A_178], %swap3A_181 {strides = array<i32>} : memref<2x3x128xi32, #tpu.memory_space<vmem>>, vector<1x1x16xi32>,
    %get3A_182 = arith.constant 0 : i32
    %get3A_183 = arith.constant 1 : i32
    %get3A_184 = arith.index_cast %get3A_182 : i32 to index
    %get3A_185 = arith.index_cast %get3A_183 : i32 to index
    %get3A_186 = arith.constant 32 : index
    %get3A_187 = tpu.vector_load %arg6[%get3A_184, %get3A_185, %get3A_186] {strides = array<i32>} : memref<2x3x128xi32, #tpu.memory_space<vmem>>, vector<1x1x16xi32>,
    %get3A_188 = vector.shape_cast %get3A_187 : vector<1x1x16xi32> to vector<16xi32>
    %add3A_189 = vector.broadcast %mul3A_13 : i32 to vector<16xi32>
    %add3A_190 = arith.addi %get3A_188, %add3A_189 : vector<16xi32>
    %swap3A_191 = arith.constant 0 : i32
    %swap3A_192 = arith.constant 1 : i32
    %swap3A_193 = arith.index_cast %swap3A_191 : i32 to index
    %swap3A_194 = arith.index_cast %swap3A_192 : i32 to index
    %swap3A_195 = arith.constant 32 : index
    %swap3A_196 = tpu.vector_load %arg6[%swap3A_193, %swap3A_194, %swap3A_195] {strides = array<i32>} : memref<2x3x128xi32, #tpu.memory_space<vmem>>, vector<1x1x16xi32>,
    %swap3A_197 = vector.shape_cast %swap3A_196 : vector<1x1x16xi32> to vector<16xi32>
    %swap3A_198 = vector.shape_cast %add3A_190 : vector<16xi32> to vector<1x1x16xi32>
    tpu.vector_store %arg6[%swap3A_193, %swap3A_194, %swap3A_195], %swap3A_198 {strides = array<i32>} : memref<2x3x128xi32, #tpu.memory_space<vmem>>, vector<1x1x16xi32>,
    %get3A_199 = arith.constant 0 : i32
    %get3A_200 = arith.constant 1 : i32
    %get3A_201 = arith.index_cast %get3A_199 : i32 to index
    %get3A_202 = arith.index_cast %get3A_200 : i32 to index
    %get3A_203 = arith.constant 48 : index
    %get3A_204 = tpu.vector_load %arg6[%get3A_201, %get3A_202, %get3A_203] {strides = array<i32>} : memref<2x3x128xi32, #tpu.memory_space<vmem>>, vector<1x1x16xi32>,
    %get3A_205 = vector.shape_cast %get3A_204 : vector<1x1x16xi32> to vector<16xi32>
    %add3A_206 = vector.broadcast %mul3A_13 : i32 to vector<16xi32>
    %add3A_207 = arith.addi %get3A_205, %add3A_206 : vector<16xi32>
    %swap3A_208 = arith.constant 0 : i32
    %swap3A_209 = arith.constant 1 : i32
    %swap3A_210 = arith.index_cast %swap3A_208 : i32 to index
    %swap3A_211 = arith.index_cast %swap3A_209 : i32 to index
    %swap3A_212 = arith.constant 48 : index
    %swap3A_213 = tpu.vector_load %arg6[%swap3A_210, %swap3A_211, %swap3A_212] {strides = array<i32>} : memref<2x3x128xi32, #tpu.memory_space<vmem>>, vector<1x1x16xi32>,
    %swap3A_214 = vector.shape_cast %swap3A_213 : vector<1x1x16xi32> to vector<16xi32>
    %swap3A_215 = vector.shape_cast %add3A_207 : vector<16xi32> to vector<1x1x16xi32>
    tpu.vector_store %arg6[%swap3A_210, %swap3A_211, %swap3A_212], %swap3A_215 {strides = array<i32>} : memref<2x3x128xi32, #tpu.memory_space<vmem>>, vector<1x1x16xi32>,
    %get3A_216 = arith.constant 0 : i32
    %get3A_217 = arith.constant 1 : i32
    %get3A_218 = arith.index_cast %get3A_216 : i32 to index
    %get3A_219 = arith.index_cast %get3A_217 : i32 to index
    %get3A_220 = arith.constant 64 : index
    %get3A_221 = tpu.vector_load %arg6[%get3A_218, %get3A_219, %get3A_220] {strides = array<i32>} : memref<2x3x128xi32, #tpu.memory_space<vmem>>, vector<1x1x16xi32>,
    %get3A_222 = vector.shape_cast %get3A_221 : vector<1x1x16xi32> to vector<16xi32>
    %add3A_223 = vector.broadcast %mul3A_13 : i32 to vector<16xi32>
    %add3A_224 = arith.addi %get3A_222, %add3A_223 : vector<16xi32>
    %swap3A_225 = arith.constant 0 : i32
    %swap3A_226 = arith.constant 1 : i32
    %swap3A_227 = arith.index_cast %swap3A_225 : i32 to index
    %swap3A_228 = arith.index_cast %swap3A_226 : i32 to index
    %swap3A_229 = arith.constant 64 : index
    %swap3A_230 = tpu.vector_load %arg6[%swap3A_227, %swap3A_228, %swap3A_229] {strides = array<i32>} : memref<2x3x128xi32, #tpu.memory_space<vmem>>, vector<1x1x16xi32>,
    %swap3A_231 = vector.shape_cast %swap3A_230 : vector<1x1x16xi32> to vector<16xi32>
    %swap3A_232 = vector.shape_cast %add3A_224 : vector<16xi32> to vector<1x1x16xi32>
    tpu.vector_store %arg6[%swap3A_227, %swap3A_228, %swap3A_229], %swap3A_232 {strides = array<i32>} : memref<2x3x128xi32, #tpu.memory_space<vmem>>, vector<1x1x16xi32>,
    %get3A_233 = arith.constant 0 : i32
    %get3A_234 = arith.constant 1 : i32
    %get3A_235 = arith.index_cast %get3A_233 : i32 to index
    %get3A_236 = arith.index_cast %get3A_234 : i32 to index
    %get3A_237 = arith.constant 80 : index
    %get3A_238 = tpu.vector_load %arg6[%get3A_235, %get3A_236, %get3A_237] {strides = array<i32>} : memref<2x3x128xi32, #tpu.memory_space<vmem>>, vector<1x1x16xi32>,
    %get3A_239 = vector.shape_cast %get3A_238 : vector<1x1x16xi32> to vector<16xi32>
    %add3A_240 = vector.broadcast %mul3A_13 : i32 to vector<16xi32>
    %add3A_241 = arith.addi %get3A_239, %add3A_240 : vector<16xi32>
    %swap3A_242 = arith.constant 0 : i32
    %swap3A_243 = arith.constant 1 : i32
    %swap3A_244 = arith.index_cast %swap3A_242 : i32 to index
    %swap3A_245 = arith.index_cast %swap3A_243 : i32 to index
    %swap3A_246 = arith.constant 80 : index
    %swap3A_247 = tpu.vector_load %arg6[%swap3A_244, %swap3A_245, %swap3A_246] {strides = array<i32>} : memref<2x3x128xi32, #tpu.memory_space<vmem>>, vector<1x1x16xi32>,
    %swap3A_248 = vector.shape_cast %swap3A_247 : vector<1x1x16xi32> to vector<16xi32>
    %swap3A_249 = vector.shape_cast %add3A_241 : vector<16xi32> to vector<1x1x16xi32>
    tpu.vector_store %arg6[%swap3A_244, %swap3A_245, %swap3A_246], %swap3A_249 {strides = array<i32>} : memref<2x3x128xi32, #tpu.memory_space<vmem>>, vector<1x1x16xi32>,
    %get3A_250 = arith.constant 0 : i32
    %get3A_251 = arith.constant 1 : i32
    %get3A_252 = arith.index_cast %get3A_250 : i32 to index
    %get3A_253 = arith.index_cast %get3A_251 : i32 to index
    %get3A_254 = arith.constant 96 : index
    %get3A_255 = tpu.vector_load %arg6[%get3A_252, %get3A_253, %get3A_254] {strides = array<i32>} : memref<2x3x128xi32, #tpu.memory_space<vmem>>, vector<1x1x16xi32>,
    %get3A_256 = vector.shape_cast %get3A_255 : vector<1x1x16xi32> to vector<16xi32>
    %add3A_257 = vector.broadcast %mul3A_13 : i32 to vector<16xi32>
    %add3A_258 = arith.addi %get3A_256, %add3A_257 : vector<16xi32>
    %swap3A_259 = arith.constant 0 : i32
    %swap3A_260 = arith.constant 1 : i32
    %swap3A_261 = arith.index_cast %swap3A_259 : i32 to index
    %swap3A_262 = arith.index_cast %swap3A_260 : i32 to index
    %swap3A_263 = arith.constant 96 : index
    %swap3A_264 = tpu.vector_load %arg6[%swap3A_261, %swap3A_262, %swap3A_263] {strides = array<i32>} : memref<2x3x128xi32, #tpu.memory_space<vmem>>, vector<1x1x16xi32>,
    %swap3A_265 = vector.shape_cast %swap3A_264 : vector<1x1x16xi32> to vector<16xi32>
    %swap3A_266 = vector.shape_cast %add3A_258 : vector<16xi32> to vector<1x1x16xi32>
    tpu.vector_store %arg6[%swap3A_261, %swap3A_262, %swap3A_263], %swap3A_266 {strides = array<i32>} : memref<2x3x128xi32, #tpu.memory_space<vmem>>, vector<1x1x16xi32>,
    %get3A_267 = arith.constant 0 : i32
    %get3A_268 = arith.constant 1 : i32
    %get3A_269 = arith.index_cast %get3A_267 : i32 to index
    %get3A_270 = arith.index_cast %get3A_268 : i32 to index
    %get3A_271 = arith.constant 112 : index
    %get3A_272 = tpu.vector_load %arg6[%get3A_269, %get3A_270, %get3A_271] {strides = array<i32>} : memref<2x3x128xi32, #tpu.memory_space<vmem>>, vector<1x1x16xi32>,
    %get3A_273 = vector.shape_cast %get3A_272 : vector<1x1x16xi32> to vector<16xi32>
    %add3A_274 = vector.broadcast %mul3A_13 : i32 to vector<16xi32>
    %add3A_275 = arith.addi %get3A_273, %add3A_274 : vector<16xi32>
    %swap3A_276 = arith.constant 0 : i32
    %swap3A_277 = arith.constant 1 : i32
    %swap3A_278 = arith.index_cast %swap3A_276 : i32 to index
    %swap3A_279 = arith.index_cast %swap3A_277 : i32 to index
    %swap3A_280 = arith.constant 112 : index
    %swap3A_281 = tpu.vector_load %arg6[%swap3A_278, %swap3A_279, %swap3A_280] {strides = array<i32>} : memref<2x3x128xi32, #tpu.memory_space<vmem>>, vector<1x1x16xi32>,
    %swap3A_282 = vector.shape_cast %swap3A_281 : vector<1x1x16xi32> to vector<16xi32>
    %swap3A_283 = vector.shape_cast %add3A_275 : vector<16xi32> to vector<1x1x16xi32>
    tpu.vector_store %arg6[%swap3A_278, %swap3A_279, %swap3A_280], %swap3A_283 {strides = array<i32>} : memref<2x3x128xi32, #tpu.memory_space<vmem>>, vector<1x1x16xi32>,
    %get3A_284 = arith.constant 0 : i32
    %get3A_285 = arith.constant 2 : i32
    %get3A_286 = arith.index_cast %get3A_284 : i32 to index
    %get3A_287 = arith.index_cast %get3A_285 : i32 to index
    %get3A_288 = arith.constant 0 : index
    %get3A_289 = tpu.vector_load %arg6[%get3A_286, %get3A_287, %get3A_288] {strides = array<i32>} : memref<2x3x128xi32, #tpu.memory_space<vmem>>, vector<1x1x16xi32>,
    %get3A_290 = vector.shape_cast %get3A_289 : vector<1x1x16xi32> to vector<16xi32>
    %add3A_291 = vector.broadcast %mul3A_13 : i32 to vector<16xi32>
    %add3A_292 = arith.addi %get3A_290, %add3A_291 : vector<16xi32>
    %swap3A_293 = arith.constant 0 : i32
    %swap3A_294 = arith.constant 2 : i32
    %swap3A_295 = arith.index_cast %swap3A_293 : i32 to index
    %swap3A_296 = arith.index_cast %swap3A_294 : i32 to index
    %swap3A_297 = arith.constant 0 : index
    %swap3A_298 = tpu.vector_load %arg6[%swap3A_295, %swap3A_296, %swap3A_297] {strides = array<i32>} : memref<2x3x128xi32, #tpu.memory_space<vmem>>, vector<1x1x16xi32>,
    %swap3A_299 = vector.shape_cast %swap3A_298 : vector<1x1x16xi32> to vector<16xi32>
    %swap3A_300 = vector.shape_cast %add3A_292 : vector<16xi32> to vector<1x1x16xi32>
    tpu.vector_store %arg6[%swap3A_295, %swap3A_296, %swap3A_297], %swap3A_300 {strides = array<i32>} : memref<2x3x128xi32, #tpu.memory_space<vmem>>, vector<1x1x16xi32>,
    %get3A_301 = arith.constant 0 : i32
    %get3A_302 = arith.constant 2 : i32
    %get3A_303 = arith.index_cast %get3A_301 : i32 to index
    %get3A_304 = arith.index_cast %get3A_302 : i32 to index
    %get3A_305 = arith.constant 16 : index
    %get3A_306 = tpu.vector_load %arg6[%get3A_303, %get3A_304, %get3A_305] {strides = array<i32>} : memref<2x3x128xi32, #tpu.memory_space<vmem>>, vector<1x1x16xi32>,
    %get3A_307 = vector.shape_cast %get3A_306 : vector<1x1x16xi32> to vector<16xi32>
    %add3A_308 = vector.broadcast %mul3A_13 : i32 to vector<16xi32>
    %add3A_309 = arith.addi %get3A_307, %add3A_308 : vector<16xi32>
    %swap3A_310 = arith.constant 0 : i32
    %swap3A_311 = arith.constant 2 : i32
    %swap3A_312 = arith.index_cast %swap3A_310 : i32 to index
    %swap3A_313 = arith.index_cast %swap3A_311 : i32 to index
    %swap3A_314 = arith.constant 16 : index
    %swap3A_315 = tpu.vector_load %arg6[%swap3A_312, %swap3A_313, %swap3A_314] {strides = array<i32>} : memref<2x3x128xi32, #tpu.memory_space<vmem>>, vector<1x1x16xi32>,
    %swap3A_316 = vector.shape_cast %swap3A_315 : vector<1x1x16xi32> to vector<16xi32>
    %swap3A_317 = vector.shape_cast %add3A_309 : vector<16xi32> to vector<1x1x16xi32>
    tpu.vector_store %arg6[%swap3A_312, %swap3A_313, %swap3A_314], %swap3A_317 {strides = array<i32>} : memref<2x3x128xi32, #tpu.memory_space<vmem>>, vector<1x1x16xi32>,
    %get3A_318 = arith.constant 0 : i32
    %get3A_319 = arith.constant 2 : i32
    %get3A_320 = arith.index_cast %get3A_318 : i32 to index
    %get3A_321 = arith.index_cast %get3A_319 : i32 to index
    %get3A_322 = arith.constant 32 : index
    %get3A_323 = tpu.vector_load %arg6[%get3A_320, %get3A_321, %get3A_322] {strides = array<i32>} : memref<2x3x128xi32, #tpu.memory_space<vmem>>, vector<1x1x16xi32>,
    %get3A_324 = vector.shape_cast %get3A_323 : vector<1x1x16xi32> to vector<16xi32>
    %add3A_325 = vector.broadcast %mul3A_13 : i32 to vector<16xi32>
    %add3A_326 = arith.addi %get3A_324, %add3A_325 : vector<16xi32>
    %swap3A_327 = arith.constant 0 : i32
    %swap3A_328 = arith.constant 2 : i32
    %swap3A_329 = arith.index_cast %swap3A_327 : i32 to index
    %swap3A_330 = arith.index_cast %swap3A_328 : i32 to index
    %swap3A_331 = arith.constant 32 : index
    %swap3A_332 = tpu.vector_load %arg6[%swap3A_329, %swap3A_330, %swap3A_331] {strides = array<i32>} : memref<2x3x128xi32, #tpu.memory_space<vmem>>, vector<1x1x16xi32>,
    %swap3A_333 = vector.shape_cast %swap3A_332 : vector<1x1x16xi32> to vector<16xi32>
    %swap3A_334 = vector.shape_cast %add3A_326 : vector<16xi32> to vector<1x1x16xi32>
    tpu.vector_store %arg6[%swap3A_329, %swap3A_330, %swap3A_331], %swap3A_334 {strides = array<i32>} : memref<2x3x128xi32, #tpu.memory_space<vmem>>, vector<1x1x16xi32>,
    %get3A_335 = arith.constant 0 : i32
    %get3A_336 = arith.constant 2 : i32
    %get3A_337 = arith.index_cast %get3A_335 : i32 to index
    %get3A_338 = arith.index_cast %get3A_336 : i32 to index
    %get3A_339 = arith.constant 48 : index
    %get3A_340 = tpu.vector_load %arg6[%get3A_337, %get3A_338, %get3A_339] {strides = array<i32>} : memref<2x3x128xi32, #tpu.memory_space<vmem>>, vector<1x1x16xi32>,
    %get3A_341 = vector.shape_cast %get3A_340 : vector<1x1x16xi32> to vector<16xi32>
    %add3A_342 = vector.broadcast %mul3A_13 : i32 to vector<16xi32>
    %add3A_343 = arith.addi %get3A_341, %add3A_342 : vector<16xi32>
    %swap3A_344 = arith.constant 0 : i32
    %swap3A_345 = arith.constant 2 : i32
    %swap3A_346 = arith.index_cast %swap3A_344 : i32 to index
    %swap3A_347 = arith.index_cast %swap3A_345 : i32 to index
    %swap3A_348 = arith.constant 48 : index
    %swap3A_349 = tpu.vector_load %arg6[%swap3A_346, %swap3A_347, %swap3A_348] {strides = array<i32>} : memref<2x3x128xi32, #tpu.memory_space<vmem>>, vector<1x1x16xi32>,
    %swap3A_350 = vector.shape_cast %swap3A_349 : vector<1x1x16xi32> to vector<16xi32>
    %swap3A_351 = vector.shape_cast %add3A_343 : vector<16xi32> to vector<1x1x16xi32>
    tpu.vector_store %arg6[%swap3A_346, %swap3A_347, %swap3A_348], %swap3A_351 {strides = array<i32>} : memref<2x3x128xi32, #tpu.memory_space<vmem>>, vector<1x1x16xi32>,
    %get3A_352 = arith.constant 0 : i32
    %get3A_353 = arith.constant 2 : i32
    %get3A_354 = arith.index_cast %get3A_352 : i32 to index
    %get3A_355 = arith.index_cast %get3A_353 : i32 to index
    %get3A_356 = arith.constant 64 : index
    %get3A_357 = tpu.vector_load %arg6[%get3A_354, %get3A_355, %get3A_356] {strides = array<i32>} : memref<2x3x128xi32, #tpu.memory_space<vmem>>, vector<1x1x16xi32>,
    %get3A_358 = vector.shape_cast %get3A_357 : vector<1x1x16xi32> to vector<16xi32>
    %add3A_359 = vector.broadcast %mul3A_13 : i32 to vector<16xi32>
    %add3A_360 = arith.addi %get3A_358, %add3A_359 : vector<16xi32>
    %swap3A_361 = arith.constant 0 : i32
    %swap3A_362 = arith.constant 2 : i32
    %swap3A_363 = arith.index_cast %swap3A_361 : i32 to index
    %swap3A_364 = arith.index_cast %swap3A_362 : i32 to index
    %swap3A_365 = arith.constant 64 : index
    %swap3A_366 = tpu.vector_load %arg6[%swap3A_363, %swap3A_364, %swap3A_365] {strides = array<i32>} : memref<2x3x128xi32, #tpu.memory_space<vmem>>, vector<1x1x16xi32>,
    %swap3A_367 = vector.shape_cast %swap3A_366 : vector<1x1x16xi32> to vector<16xi32>
    %swap3A_368 = vector.shape_cast %add3A_360 : vector<16xi32> to vector<1x1x16xi32>
    tpu.vector_store %arg6[%swap3A_363, %swap3A_364, %swap3A_365], %swap3A_368 {strides = array<i32>} : memref<2x3x128xi32, #tpu.memory_space<vmem>>, vector<1x1x16xi32>,
    %get3A_369 = arith.constant 0 : i32
    %get3A_370 = arith.constant 2 : i32
    %get3A_371 = arith.index_cast %get3A_369 : i32 to index
    %get3A_372 = arith.index_cast %get3A_370 : i32 to index
    %get3A_373 = arith.constant 80 : index
    %get3A_374 = tpu.vector_load %arg6[%get3A_371, %get3A_372, %get3A_373] {strides = array<i32>} : memref<2x3x128xi32, #tpu.memory_space<vmem>>, vector<1x1x16xi32>,
    %get3A_375 = vector.shape_cast %get3A_374 : vector<1x1x16xi32> to vector<16xi32>
    %add3A_376 = vector.broadcast %mul3A_13 : i32 to vector<16xi32>
    %add3A_377 = arith.addi %get3A_375, %add3A_376 : vector<16xi32>
    %swap3A_378 = arith.constant 0 : i32
    %swap3A_379 = arith.constant 2 : i32
    %swap3A_380 = arith.index_cast %swap3A_378 : i32 to index
    %swap3A_381 = arith.index_cast %swap3A_379 : i32 to index
    %swap3A_382 = arith.constant 80 : index
    %swap3A_383 = tpu.vector_load %arg6[%swap3A_380, %swap3A_381, %swap3A_382] {strides = array<i32>} : memref<2x3x128xi32, #tpu.memory_space<vmem>>, vector<1x1x16xi32>,
    %swap3A_384 = vector.shape_cast %swap3A_383 : vector<1x1x16xi32> to vector<16xi32>
    %swap3A_385 = vector.shape_cast %add3A_377 : vector<16xi32> to vector<1x1x16xi32>
    tpu.vector_store %arg6[%swap3A_380, %swap3A_381, %swap3A_382], %swap3A_385 {strides = array<i32>} : memref<2x3x128xi32, #tpu.memory_space<vmem>>, vector<1x1x16xi32>,
    %get3A_386 = arith.constant 0 : i32
    %get3A_387 = arith.constant 2 : i32
    %get3A_388 = arith.index_cast %get3A_386 : i32 to index
    %get3A_389 = arith.index_cast %get3A_387 : i32 to index
    %get3A_390 = arith.constant 96 : index
    %get3A_391 = tpu.vector_load %arg6[%get3A_388, %get3A_389, %get3A_390] {strides = array<i32>} : memref<2x3x128xi32, #tpu.memory_space<vmem>>, vector<1x1x16xi32>,
    %get3A_392 = vector.shape_cast %get3A_391 : vector<1x1x16xi32> to vector<16xi32>
    %add3A_393 = vector.broadcast %mul3A_13 : i32 to vector<16xi32>
    %add3A_394 = arith.addi %get3A_392, %add3A_393 : vector<16xi32>
    %swap3A_395 = arith.constant 0 : i32
    %swap3A_396 = arith.constant 2 : i32
    %swap3A_397 = arith.index_cast %swap3A_395 : i32 to index
    %swap3A_398 = arith.index_cast %swap3A_396 : i32 to index
    %swap3A_399 = arith.constant 96 : index
    %swap3A_400 = tpu.vector_load %arg6[%swap3A_397, %swap3A_398, %swap3A_399] {strides = array<i32>} : memref<2x3x128xi32, #tpu.memory_space<vmem>>, vector<1x1x16xi32>,
    %swap3A_401 = vector.shape_cast %swap3A_400 : vector<1x1x16xi32> to vector<16xi32>
    %swap3A_402 = vector.shape_cast %add3A_394 : vector<16xi32> to vector<1x1x16xi32>
    tpu.vector_store %arg6[%swap3A_397, %swap3A_398, %swap3A_399], %swap3A_402 {strides = array<i32>} : memref<2x3x128xi32, #tpu.memory_space<vmem>>, vector<1x1x16xi32>,
    %get3A_403 = arith.constant 0 : i32
    %get3A_404 = arith.constant 2 : i32
    %get3A_405 = arith.index_cast %get3A_403 : i32 to index
    %get3A_406 = arith.index_cast %get3A_404 : i32 to index
    %get3A_407 = arith.constant 112 : index
    %get3A_408 = tpu.vector_load %arg6[%get3A_405, %get3A_406, %get3A_407] {strides = array<i32>} : memref<2x3x128xi32, #tpu.memory_space<vmem>>, vector<1x1x16xi32>,
    %get3A_409 = vector.shape_cast %get3A_408 : vector<1x1x16xi32> to vector<16xi32>
    %add3A_410 = vector.broadcast %mul3A_13 : i32 to vector<16xi32>
    %add3A_411 = arith.addi %get3A_409, %add3A_410 : vector<16xi32>
    %swap3A_412 = arith.constant 0 : i32
    %swap3A_413 = arith.constant 2 : i32
    %swap3A_414 = arith.index_cast %swap3A_412 : i32 to index
    %swap3A_415 = arith.index_cast %swap3A_413 : i32 to index
    %swap3A_416 = arith.constant 112 : index
    %swap3A_417 = tpu.vector_load %arg6[%swap3A_414, %swap3A_415, %swap3A_416] {strides = array<i32>} : memref<2x3x128xi32, #tpu.memory_space<vmem>>, vector<1x1x16xi32>,
    %swap3A_418 = vector.shape_cast %swap3A_417 : vector<1x1x16xi32> to vector<16xi32>
    %swap3A_419 = vector.shape_cast %add3A_411 : vector<16xi32> to vector<1x1x16xi32>
    tpu.vector_store %arg6[%swap3A_414, %swap3A_415, %swap3A_416], %swap3A_419 {strides = array<i32>} : memref<2x3x128xi32, #tpu.memory_space<vmem>>, vector<1x1x16xi32>,
    %scan3A_420 = arith.constant 0 : i32
    %scan3A_421 = arith.constant 0 : i32
    %scan3A_422 = arith.constant 132 : i32
    %scan3A_423 = arith.addi %scan3A_421, %scan3A_422 : i32
    %scan3A_424 = arith.constant 1 : i32
    scf.for %scan3A_478 = %scan3A_421 to %scan3A_423 step %scan3A_424  : i32 {
      %jit3A = arith.constant 2 : i32
      %eq3A = arith.constant 0 : i32
      %eq3A_479 = arith.cmpi eq, %jit3A, %eq3A : i32
      %jit3A_480 = arith.constant 1 : i32
      %select_n3A = arith.select %eq3A_479, %jit3A_480, %jit3A : i32
      %rem3A = arith.remsi %scan3A_478, %select_n3A : i32
      %ne3A = arith.constant 0 : i32
      %ne3A_481 = arith.cmpi ne, %rem3A, %ne3A : i32
      %lt3A = arith.constant 0 : i32
      %lt3A_482 = arith.cmpi slt, %rem3A, %lt3A : i32
      %lt3A_483 = arith.constant 0 : i32
      %lt3A_484 = arith.cmpi slt, %select_n3A, %lt3A_483 : i32
      %ne3A_485 = arith.xori %lt3A_482, %lt3A_484 : i1
      %and3A = arith.andi %ne3A_485, %ne3A_481 : i1
      %add3A_486 = arith.addi %rem3A, %select_n3A : i32
      %select_n3A_487 = arith.select %and3A, %add3A_486, %rem3A : i32
      %add3A_488 = arith.constant 1 : i32
      %add3A_489 = arith.addi %scan3A_478, %add3A_488 : i32
      %jit3A_490 = arith.constant 2 : i32
      %eq3A_491 = arith.constant 0 : i32
      %eq3A_492 = arith.cmpi eq, %jit3A_490, %eq3A_491 : i32
      %jit3A_493 = arith.constant 1 : i32
      %select_n3A_494 = arith.select %eq3A_492, %jit3A_493, %jit3A_490 : i32
      %rem3A_495 = arith.remsi %add3A_489, %select_n3A_494 : i32
      %ne3A_496 = arith.constant 0 : i32
      %ne3A_497 = arith.cmpi ne, %rem3A_495, %ne3A_496 : i32
      %lt3A_498 = arith.constant 0 : i32
      %lt3A_499 = arith.cmpi slt, %rem3A_495, %lt3A_498 : i32
      %lt3A_500 = arith.constant 0 : i32
      %lt3A_501 = arith.cmpi slt, %select_n3A_494, %lt3A_500 : i32
      %ne3A_502 = arith.xori %lt3A_499, %lt3A_501 : i1
      %and3A_503 = arith.andi %ne3A_502, %ne3A_497 : i1
      %add3A_504 = arith.addi %rem3A_495, %select_n3A_494 : i32
      %select_n3A_505 = arith.select %and3A_503, %add3A_504, %rem3A_495 : i32
      %ge3A = arith.constant 1 : i32
      %ge3A_506 = arith.cmpi sge, %scan3A_478, %ge3A : i32
      %convert_element_type3A = arith.extui %ge3A_506 : i1 to i32
      %cond3A = arith.constant 0 : i32
      %cond3A_507 = arith.cmpi ne, %convert_element_type3A, %cond3A : i32
      scf.if %cond3A_507 {
        %dma_wait3A_627 = arith.constant 0 : i32
        %dma_wait3A_628 = arith.constant 0 : i32
        %dma_wait3A_629 = tpu.memref_slice %arg6[%select_n3A_487, %dma_wait3A_627, %dma_wait3A_628] : memref<2x3x128xi32, #tpu.memory_space<vmem>> -> memref<1x3x128xi32, #tpu.memory_space<vmem>>
        %dma_wait3A_630 = tpu.memref_squeeze %dma_wait3A_629 : memref<1x3x128xi32, #tpu.memory_space<vmem>> -> memref<3x128xi32, #tpu.memory_space<vmem>>
        %dma_wait3A_631 = arith.constant 0 : i32
        %dma_wait3A_632 = tpu.memref_slice %arg3[%mul3A_11, %dma_wait3A_631] : memref<6336x128xi32, #tpu.memory_space<hbm>> -> memref<3x128xi32, #tpu.memory_space<hbm>>
        %dma_wait3A_633 = arith.constant 0 : i32
        %dma_wait3A_634 = arith.constant 0 : i32
        %dma_wait3A_635 = tpu.memref_slice %arg6[%select_n3A_487, %dma_wait3A_633, %dma_wait3A_634] : memref<2x3x128xi32, #tpu.memory_space<vmem>> -> memref<1x3x128xi32, #tpu.memory_space<vmem>>
        %dma_wait3A_636 = tpu.memref_squeeze %dma_wait3A_635 : memref<1x3x128xi32, #tpu.memory_space<vmem>> -> memref<3x128xi32, #tpu.memory_space<vmem>>
        %dma_wait3A_637 = arith.constant 0 : i32
        %dma_wait3A_638 = tpu.memref_slice %arg3[%mul3A_11, %dma_wait3A_637] : memref<6336x128xi32, #tpu.memory_space<hbm>> -> memref<3x128xi32, #tpu.memory_space<hbm>>
        tpu.wait_dma2 semaphore(%arg12 : memref<!tpu.dma_semaphore, #tpu.memory_space<semaphore_mem>>) src(%dma_wait3A_638 : memref<3x128xi32, #tpu.memory_space<hbm>>) dst(%dma_wait3A_636 : memref<3x128xi32, #tpu.memory_space<vmem>>)
        %dma_wait3A_639 = arith.constant 0 : i32
        %dma_wait3A_640 = arith.constant 0 : i32
        %dma_wait3A_641 = tpu.memref_slice %arg7[%select_n3A_487, %dma_wait3A_639, %dma_wait3A_640] : memref<2x3x128xi32, #tpu.memory_space<vmem>> -> memref<1x3x128xi32, #tpu.memory_space<vmem>>
        %dma_wait3A_642 = tpu.memref_squeeze %dma_wait3A_641 : memref<1x3x128xi32, #tpu.memory_space<vmem>> -> memref<3x128xi32, #tpu.memory_space<vmem>>
        %dma_wait3A_643 = arith.constant 0 : i32
        %dma_wait3A_644 = tpu.memref_slice %arg4[%mul3A_11, %dma_wait3A_643] : memref<6336x128xi32, #tpu.memory_space<hbm>> -> memref<3x128xi32, #tpu.memory_space<hbm>>
        %dma_wait3A_645 = arith.constant 0 : i32
        %dma_wait3A_646 = arith.constant 0 : i32
        %dma_wait3A_647 = tpu.memref_slice %arg7[%select_n3A_487, %dma_wait3A_645, %dma_wait3A_646] : memref<2x3x128xi32, #tpu.memory_space<vmem>> -> memref<1x3x128xi32, #tpu.memory_space<vmem>>
        %dma_wait3A_648 = tpu.memref_squeeze %dma_wait3A_647 : memref<1x3x128xi32, #tpu.memory_space<vmem>> -> memref<3x128xi32, #tpu.memory_space<vmem>>
        %dma_wait3A_649 = arith.constant 0 : i32
        %dma_wait3A_650 = tpu.memref_slice %arg4[%mul3A_11, %dma_wait3A_649] : memref<6336x128xi32, #tpu.memory_space<hbm>> -> memref<3x128xi32, #tpu.memory_space<hbm>>
        tpu.wait_dma2 semaphore(%arg13 : memref<!tpu.dma_semaphore, #tpu.memory_space<semaphore_mem>>) src(%dma_wait3A_650 : memref<3x128xi32, #tpu.memory_space<hbm>>) dst(%dma_wait3A_648 : memref<3x128xi32, #tpu.memory_space<vmem>>)
        %get3A_651 = arith.constant 0 : i32
        %get3A_652 = arith.index_cast %select_n3A_487 : i32 to index
        %get3A_653 = arith.index_cast %get3A_651 : i32 to index
        %get3A_654 = arith.constant 0 : index
        %get3A_655 = tpu.vector_load %arg6[%get3A_652, %get3A_653, %get3A_654] {strides = array<i32>} : memref<2x3x128xi32, #tpu.memory_space<vmem>>, vector<1x1x16xi32>,
        %get3A_656 = vector.shape_cast %get3A_655 : vector<1x1x16xi32> to vector<16xi32>
        %add3A_657 = vector.broadcast %mul3A_13 : i32 to vector<16xi32>
        %add3A_658 = arith.addi %get3A_656, %add3A_657 : vector<16xi32>
        %swap3A_659 = arith.constant 0 : i32
        %swap3A_660 = arith.index_cast %select_n3A_487 : i32 to index
        %swap3A_661 = arith.index_cast %swap3A_659 : i32 to index
        %swap3A_662 = arith.constant 0 : index
        %swap3A_663 = tpu.vector_load %arg6[%swap3A_660, %swap3A_661, %swap3A_662] {strides = array<i32>} : memref<2x3x128xi32, #tpu.memory_space<vmem>>, vector<1x1x16xi32>,
        %swap3A_664 = vector.shape_cast %swap3A_663 : vector<1x1x16xi32> to vector<16xi32>
        %swap3A_665 = vector.shape_cast %add3A_658 : vector<16xi32> to vector<1x1x16xi32>
        tpu.vector_store %arg6[%swap3A_660, %swap3A_661, %swap3A_662], %swap3A_665 {strides = array<i32>} : memref<2x3x128xi32, #tpu.memory_space<vmem>>, vector<1x1x16xi32>,
        %get3A_666 = arith.constant 0 : i32
        %get3A_667 = arith.index_cast %select_n3A_487 : i32 to index
        %get3A_668 = arith.index_cast %get3A_666 : i32 to index
        %get3A_669 = arith.constant 16 : index
        %get3A_670 = tpu.vector_load %arg6[%get3A_667, %get3A_668, %get3A_669] {strides = array<i32>} : memref<2x3x128xi32, #tpu.memory_space<vmem>>, vector<1x1x16xi32>,
        %get3A_671 = vector.shape_cast %get3A_670 : vector<1x1x16xi32> to vector<16xi32>
        %add3A_672 = vector.broadcast %mul3A_13 : i32 to vector<16xi32>
        %add3A_673 = arith.addi %get3A_671, %add3A_672 : vector<16xi32>
        %swap3A_674 = arith.constant 0 : i32
        %swap3A_675 = arith.index_cast %select_n3A_487 : i32 to index
        %swap3A_676 = arith.index_cast %swap3A_674 : i32 to index
        %swap3A_677 = arith.constant 16 : index
        %swap3A_678 = tpu.vector_load %arg6[%swap3A_675, %swap3A_676, %swap3A_677] {strides = array<i32>} : memref<2x3x128xi32, #tpu.memory_space<vmem>>, vector<1x1x16xi32>,
        %swap3A_679 = vector.shape_cast %swap3A_678 : vector<1x1x16xi32> to vector<16xi32>
        %swap3A_680 = vector.shape_cast %add3A_673 : vector<16xi32> to vector<1x1x16xi32>
        tpu.vector_store %arg6[%swap3A_675, %swap3A_676, %swap3A_677], %swap3A_680 {strides = array<i32>} : memref<2x3x128xi32, #tpu.memory_space<vmem>>, vector<1x1x16xi32>,
        %get3A_681 = arith.constant 0 : i32
        %get3A_682 = arith.index_cast %select_n3A_487 : i32 to index
        %get3A_683 = arith.index_cast %get3A_681 : i32 to index
        %get3A_684 = arith.constant 32 : index
        %get3A_685 = tpu.vector_load %arg6[%get3A_682, %get3A_683, %get3A_684] {strides = array<i32>} : memref<2x3x128xi32, #tpu.memory_space<vmem>>, vector<1x1x16xi32>,
        %get3A_686 = vector.shape_cast %get3A_685 : vector<1x1x16xi32> to vector<16xi32>
        %add3A_687 = vector.broadcast %mul3A_13 : i32 to vector<16xi32>
        %add3A_688 = arith.addi %get3A_686, %add3A_687 : vector<16xi32>
        %swap3A_689 = arith.constant 0 : i32
        %swap3A_690 = arith.index_cast %select_n3A_487 : i32 to index
        %swap3A_691 = arith.index_cast %swap3A_689 : i32 to index
        %swap3A_692 = arith.constant 32 : index
        %swap3A_693 = tpu.vector_load %arg6[%swap3A_690, %swap3A_691, %swap3A_692] {strides = array<i32>} : memref<2x3x128xi32, #tpu.memory_space<vmem>>, vector<1x1x16xi32>,
        %swap3A_694 = vector.shape_cast %swap3A_693 : vector<1x1x16xi32> to vector<16xi32>
        %swap3A_695 = vector.shape_cast %add3A_688 : vector<16xi32> to vector<1x1x16xi32>
        tpu.vector_store %arg6[%swap3A_690, %swap3A_691, %swap3A_692], %swap3A_695 {strides = array<i32>} : memref<2x3x128xi32, #tpu.memory_space<vmem>>, vector<1x1x16xi32>,
        %get3A_696 = arith.constant 0 : i32
        %get3A_697 = arith.index_cast %select_n3A_487 : i32 to index
        %get3A_698 = arith.index_cast %get3A_696 : i32 to index
        %get3A_699 = arith.constant 48 : index
        %get3A_700 = tpu.vector_load %arg6[%get3A_697, %get3A_698, %get3A_699] {strides = array<i32>} : memref<2x3x128xi32, #tpu.memory_space<vmem>>, vector<1x1x16xi32>,
        %get3A_701 = vector.shape_cast %get3A_700 : vector<1x1x16xi32> to vector<16xi32>
        %add3A_702 = vector.broadcast %mul3A_13 : i32 to vector<16xi32>
        %add3A_703 = arith.addi %get3A_701, %add3A_702 : vector<16xi32>
        %swap3A_704 = arith.constant 0 : i32
        %swap3A_705 = arith.index_cast %select_n3A_487 : i32 to index
        %swap3A_706 = arith.index_cast %swap3A_704 : i32 to index
        %swap3A_707 = arith.constant 48 : index
        %swap3A_708 = tpu.vector_load %arg6[%swap3A_705, %swap3A_706, %swap3A_707] {strides = array<i32>} : memref<2x3x128xi32, #tpu.memory_space<vmem>>, vector<1x1x16xi32>,
        %swap3A_709 = vector.shape_cast %swap3A_708 : vector<1x1x16xi32> to vector<16xi32>
        %swap3A_710 = vector.shape_cast %add3A_703 : vector<16xi32> to vector<1x1x16xi32>
        tpu.vector_store %arg6[%swap3A_705, %swap3A_706, %swap3A_707], %swap3A_710 {strides = array<i32>} : memref<2x3x128xi32, #tpu.memory_space<vmem>>, vector<1x1x16xi32>,
        %get3A_711 = arith.constant 0 : i32
        %get3A_712 = arith.index_cast %select_n3A_487 : i32 to index
        %get3A_713 = arith.index_cast %get3A_711 : i32 to index
        %get3A_714 = arith.constant 64 : index
        %get3A_715 = tpu.vector_load %arg6[%get3A_712, %get3A_713, %get3A_714] {strides = array<i32>} : memref<2x3x128xi32, #tpu.memory_space<vmem>>, vector<1x1x16xi32>,
        %get3A_716 = vector.shape_cast %get3A_715 : vector<1x1x16xi32> to vector<16xi32>
        %add3A_717 = vector.broadcast %mul3A_13 : i32 to vector<16xi32>
        %add3A_718 = arith.addi %get3A_716, %add3A_717 : vector<16xi32>
        %swap3A_719 = arith.constant 0 : i32
        %swap3A_720 = arith.index_cast %select_n3A_487 : i32 to index
        %swap3A_721 = arith.index_cast %swap3A_719 : i32 to index
        %swap3A_722 = arith.constant 64 : index
        %swap3A_723 = tpu.vector_load %arg6[%swap3A_720, %swap3A_721, %swap3A_722] {strides = array<i32>} : memref<2x3x128xi32, #tpu.memory_space<vmem>>, vector<1x1x16xi32>,
        %swap3A_724 = vector.shape_cast %swap3A_723 : vector<1x1x16xi32> to vector<16xi32>
        %swap3A_725 = vector.shape_cast %add3A_718 : vector<16xi32> to vector<1x1x16xi32>
        tpu.vector_store %arg6[%swap3A_720, %swap3A_721, %swap3A_722], %swap3A_725 {strides = array<i32>} : memref<2x3x128xi32, #tpu.memory_space<vmem>>, vector<1x1x16xi32>,
        %get3A_726 = arith.constant 0 : i32
        %get3A_727 = arith.index_cast %select_n3A_487 : i32 to index
        %get3A_728 = arith.index_cast %get3A_726 : i32 to index
        %get3A_729 = arith.constant 80 : index
        %get3A_730 = tpu.vector_load %arg6[%get3A_727, %get3A_728, %get3A_729] {strides = array<i32>} : memref<2x3x128xi32, #tpu.memory_space<vmem>>, vector<1x1x16xi32>,
        %get3A_731 = vector.shape_cast %get3A_730 : vector<1x1x16xi32> to vector<16xi32>
        %add3A_732 = vector.broadcast %mul3A_13 : i32 to vector<16xi32>
        %add3A_733 = arith.addi %get3A_731, %add3A_732 : vector<16xi32>
        %swap3A_734 = arith.constant 0 : i32
        %swap3A_735 = arith.index_cast %select_n3A_487 : i32 to index
        %swap3A_736 = arith.index_cast %swap3A_734 : i32 to index
        %swap3A_737 = arith.constant 80 : index
        %swap3A_738 = tpu.vector_load %arg6[%swap3A_735, %swap3A_736, %swap3A_737] {strides = array<i32>} : memref<2x3x128xi32, #tpu.memory_space<vmem>>, vector<1x1x16xi32>,
        %swap3A_739 = vector.shape_cast %swap3A_738 : vector<1x1x16xi32> to vector<16xi32>
        %swap3A_740 = vector.shape_cast %add3A_733 : vector<16xi32> to vector<1x1x16xi32>
        tpu.vector_store %arg6[%swap3A_735, %swap3A_736, %swap3A_737], %swap3A_740 {strides = array<i32>} : memref<2x3x128xi32, #tpu.memory_space<vmem>>, vector<1x1x16xi32>,
        %get3A_741 = arith.constant 0 : i32
        %get3A_742 = arith.index_cast %select_n3A_487 : i32 to index
        %get3A_743 = arith.index_cast %get3A_741 : i32 to index
        %get3A_744 = arith.constant 96 : index
        %get3A_745 = tpu.vector_load %arg6[%get3A_742, %get3A_743, %get3A_744] {strides = array<i32>} : memref<2x3x128xi32, #tpu.memory_space<vmem>>, vector<1x1x16xi32>,
        %get3A_746 = vector.shape_cast %get3A_745 : vector<1x1x16xi32> to vector<16xi32>
        %add3A_747 = vector.broadcast %mul3A_13 : i32 to vector<16xi32>
        %add3A_748 = arith.addi %get3A_746, %add3A_747 : vector<16xi32>
        %swap3A_749 = arith.constant 0 : i32
        %swap3A_750 = arith.index_cast %select_n3A_487 : i32 to index
        %swap3A_751 = arith.index_cast %swap3A_749 : i32 to index
        %swap3A_752 = arith.constant 96 : index
        %swap3A_753 = tpu.vector_load %arg6[%swap3A_750, %swap3A_751, %swap3A_752] {strides = array<i32>} : memref<2x3x128xi32, #tpu.memory_space<vmem>>, vector<1x1x16xi32>,
        %swap3A_754 = vector.shape_cast %swap3A_753 : vector<1x1x16xi32> to vector<16xi32>
        %swap3A_755 = vector.shape_cast %add3A_748 : vector<16xi32> to vector<1x1x16xi32>
        tpu.vector_store %arg6[%swap3A_750, %swap3A_751, %swap3A_752], %swap3A_755 {strides = array<i32>} : memref<2x3x128xi32, #tpu.memory_space<vmem>>, vector<1x1x16xi32>,
        %get3A_756 = arith.constant 0 : i32
        %get3A_757 = arith.index_cast %select_n3A_487 : i32 to index
        %get3A_758 = arith.index_cast %get3A_756 : i32 to index
        %get3A_759 = arith.constant 112 : index
        %get3A_760 = tpu.vector_load %arg6[%get3A_757, %get3A_758, %get3A_759] {strides = array<i32>} : memref<2x3x128xi32, #tpu.memory_space<vmem>>, vector<1x1x16xi32>,
        %get3A_761 = vector.shape_cast %get3A_760 : vector<1x1x16xi32> to vector<16xi32>
        %add3A_762 = vector.broadcast %mul3A_13 : i32 to vector<16xi32>
        %add3A_763 = arith.addi %get3A_761, %add3A_762 : vector<16xi32>
        %swap3A_764 = arith.constant 0 : i32
        %swap3A_765 = arith.index_cast %select_n3A_487 : i32 to index
        %swap3A_766 = arith.index_cast %swap3A_764 : i32 to index
        %swap3A_767 = arith.constant 112 : index
        %swap3A_768 = tpu.vector_load %arg6[%swap3A_765, %swap3A_766, %swap3A_767] {strides = array<i32>} : memref<2x3x128xi32, #tpu.memory_space<vmem>>, vector<1x1x16xi32>,
        %swap3A_769 = vector.shape_cast %swap3A_768 : vector<1x1x16xi32> to vector<16xi32>
        %swap3A_770 = vector.shape_cast %add3A_763 : vector<16xi32> to vector<1x1x16xi32>
        tpu.vector_store %arg6[%swap3A_765, %swap3A_766, %swap3A_767], %swap3A_770 {strides = array<i32>} : memref<2x3x128xi32, #tpu.memory_space<vmem>>, vector<1x1x16xi32>,
        %get3A_771 = arith.constant 1 : i32
        %get3A_772 = arith.index_cast %select_n3A_487 : i32 to index
        %get3A_773 = arith.index_cast %get3A_771 : i32 to index
        %get3A_774 = arith.constant 0 : index
        %get3A_775 = tpu.vector_load %arg6[%get3A_772, %get3A_773, %get3A_774] {strides = array<i32>} : memref<2x3x128xi32, #tpu.memory_space<vmem>>, vector<1x1x16xi32>,
        %get3A_776 = vector.shape_cast %get3A_775 : vector<1x1x16xi32> to vector<16xi32>
        %add3A_777 = vector.broadcast %mul3A_13 : i32 to vector<16xi32>
        %add3A_778 = arith.addi %get3A_776, %add3A_777 : vector<16xi32>
        %swap3A_779 = arith.constant 1 : i32
        %swap3A_780 = arith.index_cast %select_n3A_487 : i32 to index
        %swap3A_781 = arith.index_cast %swap3A_779 : i32 to index
        %swap3A_782 = arith.constant 0 : index
        %swap3A_783 = tpu.vector_load %arg6[%swap3A_780, %swap3A_781, %swap3A_782] {strides = array<i32>} : memref<2x3x128xi32, #tpu.memory_space<vmem>>, vector<1x1x16xi32>,
        %swap3A_784 = vector.shape_cast %swap3A_783 : vector<1x1x16xi32> to vector<16xi32>
        %swap3A_785 = vector.shape_cast %add3A_778 : vector<16xi32> to vector<1x1x16xi32>
        tpu.vector_store %arg6[%swap3A_780, %swap3A_781, %swap3A_782], %swap3A_785 {strides = array<i32>} : memref<2x3x128xi32, #tpu.memory_space<vmem>>, vector<1x1x16xi32>,
        %get3A_786 = arith.constant 1 : i32
        %get3A_787 = arith.index_cast %select_n3A_487 : i32 to index
        %get3A_788 = arith.index_cast %get3A_786 : i32 to index
        %get3A_789 = arith.constant 16 : index
        %get3A_790 = tpu.vector_load %arg6[%get3A_787, %get3A_788, %get3A_789] {strides = array<i32>} : memref<2x3x128xi32, #tpu.memory_space<vmem>>, vector<1x1x16xi32>,
        %get3A_791 = vector.shape_cast %get3A_790 : vector<1x1x16xi32> to vector<16xi32>
        %add3A_792 = vector.broadcast %mul3A_13 : i32 to vector<16xi32>
        %add3A_793 = arith.addi %get3A_791, %add3A_792 : vector<16xi32>
        %swap3A_794 = arith.constant 1 : i32
        %swap3A_795 = arith.index_cast %select_n3A_487 : i32 to index
        %swap3A_796 = arith.index_cast %swap3A_794 : i32 to index
        %swap3A_797 = arith.constant 16 : index
        %swap3A_798 = tpu.vector_load %arg6[%swap3A_795, %swap3A_796, %swap3A_797] {strides = array<i32>} : memref<2x3x128xi32, #tpu.memory_space<vmem>>, vector<1x1x16xi32>,
        %swap3A_799 = vector.shape_cast %swap3A_798 : vector<1x1x16xi32> to vector<16xi32>
        %swap3A_800 = vector.shape_cast %add3A_793 : vector<16xi32> to vector<1x1x16xi32>
        tpu.vector_store %arg6[%swap3A_795, %swap3A_796, %swap3A_797], %swap3A_800 {strides = array<i32>} : memref<2x3x128xi32, #tpu.memory_space<vmem>>, vector<1x1x16xi32>,
        %get3A_801 = arith.constant 1 : i32
        %get3A_802 = arith.index_cast %select_n3A_487 : i32 to index
        %get3A_803 = arith.index_cast %get3A_801 : i32 to index
        %get3A_804 = arith.constant 32 : index
        %get3A_805 = tpu.vector_load %arg6[%get3A_802, %get3A_803, %get3A_804] {strides = array<i32>} : memref<2x3x128xi32, #tpu.memory_space<vmem>>, vector<1x1x16xi32>,
        %get3A_806 = vector.shape_cast %get3A_805 : vector<1x1x16xi32> to vector<16xi32>
        %add3A_807 = vector.broadcast %mul3A_13 : i32 to vector<16xi32>
        %add3A_808 = arith.addi %get3A_806, %add3A_807 : vector<16xi32>
        %swap3A_809 = arith.constant 1 : i32
        %swap3A_810 = arith.index_cast %select_n3A_487 : i32 to index
        %swap3A_811 = arith.index_cast %swap3A_809 : i32 to index
        %swap3A_812 = arith.constant 32 : index
        %swap3A_813 = tpu.vector_load %arg6[%swap3A_810, %swap3A_811, %swap3A_812] {strides = array<i32>} : memref<2x3x128xi32, #tpu.memory_space<vmem>>, vector<1x1x16xi32>,
        %swap3A_814 = vector.shape_cast %swap3A_813 : vector<1x1x16xi32> to vector<16xi32>
        %swap3A_815 = vector.shape_cast %add3A_808 : vector<16xi32> to vector<1x1x16xi32>
        tpu.vector_store %arg6[%swap3A_810, %swap3A_811, %swap3A_812], %swap3A_815 {strides = array<i32>} : memref<2x3x128xi32, #tpu.memory_space<vmem>>, vector<1x1x16xi32>,
        %get3A_816 = arith.constant 1 : i32
        %get3A_817 = arith.index_cast %select_n3A_487 : i32 to index
        %get3A_818 = arith.index_cast %get3A_816 : i32 to index
        %get3A_819 = arith.constant 48 : index
        %get3A_820 = tpu.vector_load %arg6[%get3A_817, %get3A_818, %get3A_819] {strides = array<i32>} : memref<2x3x128xi32, #tpu.memory_space<vmem>>, vector<1x1x16xi32>,
        %get3A_821 = vector.shape_cast %get3A_820 : vector<1x1x16xi32> to vector<16xi32>
        %add3A_822 = vector.broadcast %mul3A_13 : i32 to vector<16xi32>
        %add3A_823 = arith.addi %get3A_821, %add3A_822 : vector<16xi32>
        %swap3A_824 = arith.constant 1 : i32
        %swap3A_825 = arith.index_cast %select_n3A_487 : i32 to index
        %swap3A_826 = arith.index_cast %swap3A_824 : i32 to index
        %swap3A_827 = arith.constant 48 : index
        %swap3A_828 = tpu.vector_load %arg6[%swap3A_825, %swap3A_826, %swap3A_827] {strides = array<i32>} : memref<2x3x128xi32, #tpu.memory_space<vmem>>, vector<1x1x16xi32>,
        %swap3A_829 = vector.shape_cast %swap3A_828 : vector<1x1x16xi32> to vector<16xi32>
        %swap3A_830 = vector.shape_cast %add3A_823 : vector<16xi32> to vector<1x1x16xi32>
        tpu.vector_store %arg6[%swap3A_825, %swap3A_826, %swap3A_827], %swap3A_830 {strides = array<i32>} : memref<2x3x128xi32, #tpu.memory_space<vmem>>, vector<1x1x16xi32>,
        %get3A_831 = arith.constant 1 : i32
        %get3A_832 = arith.index_cast %select_n3A_487 : i32 to index
        %get3A_833 = arith.index_cast %get3A_831 : i32 to index
        %get3A_834 = arith.constant 64 : index
        %get3A_835 = tpu.vector_load %arg6[%get3A_832, %get3A_833, %get3A_834] {strides = array<i32>} : memref<2x3x128xi32, #tpu.memory_space<vmem>>, vector<1x1x16xi32>,
        %get3A_836 = vector.shape_cast %get3A_835 : vector<1x1x16xi32> to vector<16xi32>
        %add3A_837 = vector.broadcast %mul3A_13 : i32 to vector<16xi32>
        %add3A_838 = arith.addi %get3A_836, %add3A_837 : vector<16xi32>
        %swap3A_839 = arith.constant 1 : i32
        %swap3A_840 = arith.index_cast %select_n3A_487 : i32 to index
        %swap3A_841 = arith.index_cast %swap3A_839 : i32 to index
        %swap3A_842 = arith.constant 64 : index
        %swap3A_843 = tpu.vector_load %arg6[%swap3A_840, %swap3A_841, %swap3A_842] {strides = array<i32>} : memref<2x3x128xi32, #tpu.memory_space<vmem>>, vector<1x1x16xi32>,
        %swap3A_844 = vector.shape_cast %swap3A_843 : vector<1x1x16xi32> to vector<16xi32>
        %swap3A_845 = vector.shape_cast %add3A_838 : vector<16xi32> to vector<1x1x16xi32>
        tpu.vector_store %arg6[%swap3A_840, %swap3A_841, %swap3A_842], %swap3A_845 {strides = array<i32>} : memref<2x3x128xi32, #tpu.memory_space<vmem>>, vector<1x1x16xi32>,
        %get3A_846 = arith.constant 1 : i32
        %get3A_847 = arith.index_cast %select_n3A_487 : i32 to index
        %get3A_848 = arith.index_cast %get3A_846 : i32 to index
        %get3A_849 = arith.constant 80 : index
        %get3A_850 = tpu.vector_load %arg6[%get3A_847, %get3A_848, %get3A_849] {strides = array<i32>} : memref<2x3x128xi32, #tpu.memory_space<vmem>>, vector<1x1x16xi32>,
        %get3A_851 = vector.shape_cast %get3A_850 : vector<1x1x16xi32> to vector<16xi32>
        %add3A_852 = vector.broadcast %mul3A_13 : i32 to vector<16xi32>
        %add3A_853 = arith.addi %get3A_851, %add3A_852 : vector<16xi32>
        %swap3A_854 = arith.constant 1 : i32
        %swap3A_855 = arith.index_cast %select_n3A_487 : i32 to index
        %swap3A_856 = arith.index_cast %swap3A_854 : i32 to index
        %swap3A_857 = arith.constant 80 : index
        %swap3A_858 = tpu.vector_load %arg6[%swap3A_855, %swap3A_856, %swap3A_857] {strides = array<i32>} : memref<2x3x128xi32, #tpu.memory_space<vmem>>, vector<1x1x16xi32>,
        %swap3A_859 = vector.shape_cast %swap3A_858 : vector<1x1x16xi32> to vector<16xi32>
        %swap3A_860 = vector.shape_cast %add3A_853 : vector<16xi32> to vector<1x1x16xi32>
        tpu.vector_store %arg6[%swap3A_855, %swap3A_856, %swap3A_857], %swap3A_860 {strides = array<i32>} : memref<2x3x128xi32, #tpu.memory_space<vmem>>, vector<1x1x16xi32>,
        %get3A_861 = arith.constant 1 : i32
        %get3A_862 = arith.index_cast %select_n3A_487 : i32 to index
        %get3A_863 = arith.index_cast %get3A_861 : i32 to index
        %get3A_864 = arith.constant 96 : index
        %get3A_865 = tpu.vector_load %arg6[%get3A_862, %get3A_863, %get3A_864] {strides = array<i32>} : memref<2x3x128xi32, #tpu.memory_space<vmem>>, vector<1x1x16xi32>,
        %get3A_866 = vector.shape_cast %get3A_865 : vector<1x1x16xi32> to vector<16xi32>
        %add3A_867 = vector.broadcast %mul3A_13 : i32 to vector<16xi32>
        %add3A_868 = arith.addi %get3A_866, %add3A_867 : vector<16xi32>
        %swap3A_869 = arith.constant 1 : i32
        %swap3A_870 = arith.index_cast %select_n3A_487 : i32 to index
        %swap3A_871 = arith.index_cast %swap3A_869 : i32 to index
        %swap3A_872 = arith.constant 96 : index
        %swap3A_873 = tpu.vector_load %arg6[%swap3A_870, %swap3A_871, %swap3A_872] {strides = array<i32>} : memref<2x3x128xi32, #tpu.memory_space<vmem>>, vector<1x1x16xi32>,
        %swap3A_874 = vector.shape_cast %swap3A_873 : vector<1x1x16xi32> to vector<16xi32>
        %swap3A_875 = vector.shape_cast %add3A_868 : vector<16xi32> to vector<1x1x16xi32>
        tpu.vector_store %arg6[%swap3A_870, %swap3A_871, %swap3A_872], %swap3A_875 {strides = array<i32>} : memref<2x3x128xi32, #tpu.memory_space<vmem>>, vector<1x1x16xi32>,
        %get3A_876 = arith.constant 1 : i32
        %get3A_877 = arith.index_cast %select_n3A_487 : i32 to index
        %get3A_878 = arith.index_cast %get3A_876 : i32 to index
        %get3A_879 = arith.constant 112 : index
        %get3A_880 = tpu.vector_load %arg6[%get3A_877, %get3A_878, %get3A_879] {strides = array<i32>} : memref<2x3x128xi32, #tpu.memory_space<vmem>>, vector<1x1x16xi32>,
        %get3A_881 = vector.shape_cast %get3A_880 : vector<1x1x16xi32> to vector<16xi32>
        %add3A_882 = vector.broadcast %mul3A_13 : i32 to vector<16xi32>
        %add3A_883 = arith.addi %get3A_881, %add3A_882 : vector<16xi32>
        %swap3A_884 = arith.constant 1 : i32
        %swap3A_885 = arith.index_cast %select_n3A_487 : i32 to index
        %swap3A_886 = arith.index_cast %swap3A_884 : i32 to index
        %swap3A_887 = arith.constant 112 : index
        %swap3A_888 = tpu.vector_load %arg6[%swap3A_885, %swap3A_886, %swap3A_887] {strides = array<i32>} : memref<2x3x128xi32, #tpu.memory_space<vmem>>, vector<1x1x16xi32>,
        %swap3A_889 = vector.shape_cast %swap3A_888 : vector<1x1x16xi32> to vector<16xi32>
        %swap3A_890 = vector.shape_cast %add3A_883 : vector<16xi32> to vector<1x1x16xi32>
        tpu.vector_store %arg6[%swap3A_885, %swap3A_886, %swap3A_887], %swap3A_890 {strides = array<i32>} : memref<2x3x128xi32, #tpu.memory_space<vmem>>, vector<1x1x16xi32>,
        %get3A_891 = arith.constant 2 : i32
        %get3A_892 = arith.index_cast %select_n3A_487 : i32 to index
        %get3A_893 = arith.index_cast %get3A_891 : i32 to index
        %get3A_894 = arith.constant 0 : index
        %get3A_895 = tpu.vector_load %arg6[%get3A_892, %get3A_893, %get3A_894] {strides = array<i32>} : memref<2x3x128xi32, #tpu.memory_space<vmem>>, vector<1x1x16xi32>,
        %get3A_896 = vector.shape_cast %get3A_895 : vector<1x1x16xi32> to vector<16xi32>
        %add3A_897 = vector.broadcast %mul3A_13 : i32 to vector<16xi32>
        %add3A_898 = arith.addi %get3A_896, %add3A_897 : vector<16xi32>
        %swap3A_899 = arith.constant 2 : i32
        %swap3A_900 = arith.index_cast %select_n3A_487 : i32 to index
        %swap3A_901 = arith.index_cast %swap3A_899 : i32 to index
        %swap3A_902 = arith.constant 0 : index
        %swap3A_903 = tpu.vector_load %arg6[%swap3A_900, %swap3A_901, %swap3A_902] {strides = array<i32>} : memref<2x3x128xi32, #tpu.memory_space<vmem>>, vector<1x1x16xi32>,
        %swap3A_904 = vector.shape_cast %swap3A_903 : vector<1x1x16xi32> to vector<16xi32>
        %swap3A_905 = vector.shape_cast %add3A_898 : vector<16xi32> to vector<1x1x16xi32>
        tpu.vector_store %arg6[%swap3A_900, %swap3A_901, %swap3A_902], %swap3A_905 {strides = array<i32>} : memref<2x3x128xi32, #tpu.memory_space<vmem>>, vector<1x1x16xi32>,
        %get3A_906 = arith.constant 2 : i32
        %get3A_907 = arith.index_cast %select_n3A_487 : i32 to index
        %get3A_908 = arith.index_cast %get3A_906 : i32 to index
        %get3A_909 = arith.constant 16 : index
        %get3A_910 = tpu.vector_load %arg6[%get3A_907, %get3A_908, %get3A_909] {strides = array<i32>} : memref<2x3x128xi32, #tpu.memory_space<vmem>>, vector<1x1x16xi32>,
        %get3A_911 = vector.shape_cast %get3A_910 : vector<1x1x16xi32> to vector<16xi32>
        %add3A_912 = vector.broadcast %mul3A_13 : i32 to vector<16xi32>
        %add3A_913 = arith.addi %get3A_911, %add3A_912 : vector<16xi32>
        %swap3A_914 = arith.constant 2 : i32
        %swap3A_915 = arith.index_cast %select_n3A_487 : i32 to index
        %swap3A_916 = arith.index_cast %swap3A_914 : i32 to index
        %swap3A_917 = arith.constant 16 : index
        %swap3A_918 = tpu.vector_load %arg6[%swap3A_915, %swap3A_916, %swap3A_917] {strides = array<i32>} : memref<2x3x128xi32, #tpu.memory_space<vmem>>, vector<1x1x16xi32>,
        %swap3A_919 = vector.shape_cast %swap3A_918 : vector<1x1x16xi32> to vector<16xi32>
        %swap3A_920 = vector.shape_cast %add3A_913 : vector<16xi32> to vector<1x1x16xi32>
        tpu.vector_store %arg6[%swap3A_915, %swap3A_916, %swap3A_917], %swap3A_920 {strides = array<i32>} : memref<2x3x128xi32, #tpu.memory_space<vmem>>, vector<1x1x16xi32>,
        %get3A_921 = arith.constant 2 : i32
        %get3A_922 = arith.index_cast %select_n3A_487 : i32 to index
        %get3A_923 = arith.index_cast %get3A_921 : i32 to index
        %get3A_924 = arith.constant 32 : index
        %get3A_925 = tpu.vector_load %arg6[%get3A_922, %get3A_923, %get3A_924] {strides = array<i32>} : memref<2x3x128xi32, #tpu.memory_space<vmem>>, vector<1x1x16xi32>,
        %get3A_926 = vector.shape_cast %get3A_925 : vector<1x1x16xi32> to vector<16xi32>
        %add3A_927 = vector.broadcast %mul3A_13 : i32 to vector<16xi32>
        %add3A_928 = arith.addi %get3A_926, %add3A_927 : vector<16xi32>
        %swap3A_929 = arith.constant 2 : i32
        %swap3A_930 = arith.index_cast %select_n3A_487 : i32 to index
        %swap3A_931 = arith.index_cast %swap3A_929 : i32 to index
        %swap3A_932 = arith.constant 32 : index
        %swap3A_933 = tpu.vector_load %arg6[%swap3A_930, %swap3A_931, %swap3A_932] {strides = array<i32>} : memref<2x3x128xi32, #tpu.memory_space<vmem>>, vector<1x1x16xi32>,
        %swap3A_934 = vector.shape_cast %swap3A_933 : vector<1x1x16xi32> to vector<16xi32>
        %swap3A_935 = vector.shape_cast %add3A_928 : vector<16xi32> to vector<1x1x16xi32>
        tpu.vector_store %arg6[%swap3A_930, %swap3A_931, %swap3A_932], %swap3A_935 {strides = array<i32>} : memref<2x3x128xi32, #tpu.memory_space<vmem>>, vector<1x1x16xi32>,
        %get3A_936 = arith.constant 2 : i32
        %get3A_937 = arith.index_cast %select_n3A_487 : i32 to index
        %get3A_938 = arith.index_cast %get3A_936 : i32 to index
        %get3A_939 = arith.constant 48 : index
        %get3A_940 = tpu.vector_load %arg6[%get3A_937, %get3A_938, %get3A_939] {strides = array<i32>} : memref<2x3x128xi32, #tpu.memory_space<vmem>>, vector<1x1x16xi32>,
        %get3A_941 = vector.shape_cast %get3A_940 : vector<1x1x16xi32> to vector<16xi32>
        %add3A_942 = vector.broadcast %mul3A_13 : i32 to vector<16xi32>
        %add3A_943 = arith.addi %get3A_941, %add3A_942 : vector<16xi32>
        %swap3A_944 = arith.constant 2 : i32
        %swap3A_945 = arith.index_cast %select_n3A_487 : i32 to index
        %swap3A_946 = arith.index_cast %swap3A_944 : i32 to index
        %swap3A_947 = arith.constant 48 : index
        %swap3A_948 = tpu.vector_load %arg6[%swap3A_945, %swap3A_946, %swap3A_947] {strides = array<i32>} : memref<2x3x128xi32, #tpu.memory_space<vmem>>, vector<1x1x16xi32>,
        %swap3A_949 = vector.shape_cast %swap3A_948 : vector<1x1x16xi32> to vector<16xi32>
        %swap3A_950 = vector.shape_cast %add3A_943 : vector<16xi32> to vector<1x1x16xi32>
        tpu.vector_store %arg6[%swap3A_945, %swap3A_946, %swap3A_947], %swap3A_950 {strides = array<i32>} : memref<2x3x128xi32, #tpu.memory_space<vmem>>, vector<1x1x16xi32>,
        %get3A_951 = arith.constant 2 : i32
        %get3A_952 = arith.index_cast %select_n3A_487 : i32 to index
        %get3A_953 = arith.index_cast %get3A_951 : i32 to index
        %get3A_954 = arith.constant 64 : index
        %get3A_955 = tpu.vector_load %arg6[%get3A_952, %get3A_953, %get3A_954] {strides = array<i32>} : memref<2x3x128xi32, #tpu.memory_space<vmem>>, vector<1x1x16xi32>,
        %get3A_956 = vector.shape_cast %get3A_955 : vector<1x1x16xi32> to vector<16xi32>
        %add3A_957 = vector.broadcast %mul3A_13 : i32 to vector<16xi32>
        %add3A_958 = arith.addi %get3A_956, %add3A_957 : vector<16xi32>
        %swap3A_959 = arith.constant 2 : i32
        %swap3A_960 = arith.index_cast %select_n3A_487 : i32 to index
        %swap3A_961 = arith.index_cast %swap3A_959 : i32 to index
        %swap3A_962 = arith.constant 64 : index
        %swap3A_963 = tpu.vector_load %arg6[%swap3A_960, %swap3A_961, %swap3A_962] {strides = array<i32>} : memref<2x3x128xi32, #tpu.memory_space<vmem>>, vector<1x1x16xi32>,
        %swap3A_964 = vector.shape_cast %swap3A_963 : vector<1x1x16xi32> to vector<16xi32>
        %swap3A_965 = vector.shape_cast %add3A_958 : vector<16xi32> to vector<1x1x16xi32>
        tpu.vector_store %arg6[%swap3A_960, %swap3A_961, %swap3A_962], %swap3A_965 {strides = array<i32>} : memref<2x3x128xi32, #tpu.memory_space<vmem>>, vector<1x1x16xi32>,
        %get3A_966 = arith.constant 2 : i32
        %get3A_967 = arith.index_cast %select_n3A_487 : i32 to index
        %get3A_968 = arith.index_cast %get3A_966 : i32 to index
        %get3A_969 = arith.constant 80 : index
        %get3A_970 = tpu.vector_load %arg6[%get3A_967, %get3A_968, %get3A_969] {strides = array<i32>} : memref<2x3x128xi32, #tpu.memory_space<vmem>>, vector<1x1x16xi32>,
        %get3A_971 = vector.shape_cast %get3A_970 : vector<1x1x16xi32> to vector<16xi32>
        %add3A_972 = vector.broadcast %mul3A_13 : i32 to vector<16xi32>
        %add3A_973 = arith.addi %get3A_971, %add3A_972 : vector<16xi32>
        %swap3A_974 = arith.constant 2 : i32
        %swap3A_975 = arith.index_cast %select_n3A_487 : i32 to index
        %swap3A_976 = arith.index_cast %swap3A_974 : i32 to index
        %swap3A_977 = arith.constant 80 : index
        %swap3A_978 = tpu.vector_load %arg6[%swap3A_975, %swap3A_976, %swap3A_977] {strides = array<i32>} : memref<2x3x128xi32, #tpu.memory_space<vmem>>, vector<1x1x16xi32>,
        %swap3A_979 = vector.shape_cast %swap3A_978 : vector<1x1x16xi32> to vector<16xi32>
        %swap3A_980 = vector.shape_cast %add3A_973 : vector<16xi32> to vector<1x1x16xi32>
        tpu.vector_store %arg6[%swap3A_975, %swap3A_976, %swap3A_977], %swap3A_980 {strides = array<i32>} : memref<2x3x128xi32, #tpu.memory_space<vmem>>, vector<1x1x16xi32>,
        %get3A_981 = arith.constant 2 : i32
        %get3A_982 = arith.index_cast %select_n3A_487 : i32 to index
        %get3A_983 = arith.index_cast %get3A_981 : i32 to index
        %get3A_984 = arith.constant 96 : index
        %get3A_985 = tpu.vector_load %arg6[%get3A_982, %get3A_983, %get3A_984] {strides = array<i32>} : memref<2x3x128xi32, #tpu.memory_space<vmem>>, vector<1x1x16xi32>,
        %get3A_986 = vector.shape_cast %get3A_985 : vector<1x1x16xi32> to vector<16xi32>
        %add3A_987 = vector.broadcast %mul3A_13 : i32 to vector<16xi32>
        %add3A_988 = arith.addi %get3A_986, %add3A_987 : vector<16xi32>
        %swap3A_989 = arith.constant 2 : i32
        %swap3A_990 = arith.index_cast %select_n3A_487 : i32 to index
        %swap3A_991 = arith.index_cast %swap3A_989 : i32 to index
        %swap3A_992 = arith.constant 96 : index
        %swap3A_993 = tpu.vector_load %arg6[%swap3A_990, %swap3A_991, %swap3A_992] {strides = array<i32>} : memref<2x3x128xi32, #tpu.memory_space<vmem>>, vector<1x1x16xi32>,
        %swap3A_994 = vector.shape_cast %swap3A_993 : vector<1x1x16xi32> to vector<16xi32>
        %swap3A_995 = vector.shape_cast %add3A_988 : vector<16xi32> to vector<1x1x16xi32>
        tpu.vector_store %arg6[%swap3A_990, %swap3A_991, %swap3A_992], %swap3A_995 {strides = array<i32>} : memref<2x3x128xi32, #tpu.memory_space<vmem>>, vector<1x1x16xi32>,
        %get3A_996 = arith.constant 2 : i32
        %get3A_997 = arith.index_cast %select_n3A_487 : i32 to index
        %get3A_998 = arith.index_cast %get3A_996 : i32 to index
        %get3A_999 = arith.constant 112 : index
        %get3A_1000 = tpu.vector_load %arg6[%get3A_997, %get3A_998, %get3A_999] {strides = array<i32>} : memref<2x3x128xi32, #tpu.memory_space<vmem>>, vector<1x1x16xi32>,
        %get3A_1001 = vector.shape_cast %get3A_1000 : vector<1x1x16xi32> to vector<16xi32>
        %add3A_1002 = vector.broadcast %mul3A_13 : i32 to vector<16xi32>
        %add3A_1003 = arith.addi %get3A_1001, %add3A_1002 : vector<16xi32>
        %swap3A_1004 = arith.constant 2 : i32
        %swap3A_1005 = arith.index_cast %select_n3A_487 : i32 to index
        %swap3A_1006 = arith.index_cast %swap3A_1004 : i32 to index
        %swap3A_1007 = arith.constant 112 : index
        %swap3A_1008 = tpu.vector_load %arg6[%swap3A_1005, %swap3A_1006, %swap3A_1007] {strides = array<i32>} : memref<2x3x128xi32, #tpu.memory_space<vmem>>, vector<1x1x16xi32>,
        %swap3A_1009 = vector.shape_cast %swap3A_1008 : vector<1x1x16xi32> to vector<16xi32>
        %swap3A_1010 = vector.shape_cast %add3A_1003 : vector<16xi32> to vector<1x1x16xi32>
        tpu.vector_store %arg6[%swap3A_1005, %swap3A_1006, %swap3A_1007], %swap3A_1010 {strides = array<i32>} : memref<2x3x128xi32, #tpu.memory_space<vmem>>, vector<1x1x16xi32>,
      } else {
      }
      %dma_start3A = arith.constant 0 : i32
      %dma_start3A_508 = arith.constant 0 : i32
      %dma_start3A_509 = arith.constant 0 : i32
      %dma_start3A_510 = arith.constant 0 : i32
      %dma_start3A_511 = tpu.memref_slice %arg8[%select_n3A_487, %dma_start3A_508, %dma_start3A_509, %dma_start3A_510] : memref<2x3x128x32xf32, #tpu.memory_space<vmem>> -> memref<1x1x128x32xf32, #tpu.memory_space<vmem>>
      %dma_start3A_512 = tpu.memref_squeeze %dma_start3A_511 : memref<1x1x128x32xf32, #tpu.memory_space<vmem>> -> memref<128x32xf32, #tpu.memory_space<vmem>>
      %dma_start3A_513 = arith.constant 0 : i32
      %dma_start3A_514 = tpu.memref_slice %arg6[%select_n3A_487, %dma_start3A, %dma_start3A_513] : memref<2x3x128xi32, #tpu.memory_space<vmem>> -> memref<1x1x128xi32, #tpu.memory_space<vmem>>
      %dma_start3A_515 = tpu.memref_squeeze %dma_start3A_514 : memref<1x1x128xi32, #tpu.memory_space<vmem>> -> memref<128xi32, #tpu.memory_space<vmem>>
      %dma_start3A_516 = arith.constant 0 : i32
      %dma_start3A_517 = arith.constant 0 : i32
      %dma_start3A_518 = tpu.memref_slice %arg2[%dma_start3A_516, %dma_start3A_517] : memref<102400x32xf32, #tpu.memory_space<hbm>> -> memref<102400x32xf32, #tpu.memory_space<hbm>>
      tpu.enqueue_indirect_dma source(%dma_start3A_518 : memref<102400x32xf32, #tpu.memory_space<hbm>>) target(%dma_start3A_512 : memref<128x32xf32, #tpu.memory_space<vmem>>) offsets(%dma_start3A_515 : memref<128xi32, #tpu.memory_space<vmem>>) semaphore(%arg10 : memref<!tpu.dma_semaphore, #tpu.memory_space<semaphore_mem>>)
      %dma_start3A_519 = arith.constant 1 : i32
      %dma_start3A_520 = arith.constant 1 : i32
      %dma_start3A_521 = arith.constant 0 : i32
      %dma_start3A_522 = arith.constant 0 : i32
      %dma_start3A_523 = tpu.memref_slice %arg8[%select_n3A_487, %dma_start3A_520, %dma_start3A_521, %dma_start3A_522] : memref<2x3x128x32xf32, #tpu.memory_space<vmem>> -> memref<1x1x128x32xf32, #tpu.memory_space<vmem>>
      %dma_start3A_524 = tpu.memref_squeeze %dma_start3A_523 : memref<1x1x128x32xf32, #tpu.memory_space<vmem>> -> memref<128x32xf32, #tpu.memory_space<vmem>>
      %dma_start3A_525 = arith.constant 0 : i32
      %dma_start3A_526 = tpu.memref_slice %arg6[%select_n3A_487, %dma_start3A_519, %dma_start3A_525] : memref<2x3x128xi32, #tpu.memory_space<vmem>> -> memref<1x1x128xi32, #tpu.memory_space<vmem>>
      %dma_start3A_527 = tpu.memref_squeeze %dma_start3A_526 : memref<1x1x128xi32, #tpu.memory_space<vmem>> -> memref<128xi32, #tpu.memory_space<vmem>>
      %dma_start3A_528 = arith.constant 0 : i32
      %dma_start3A_529 = arith.constant 0 : i32
      %dma_start3A_530 = tpu.memref_slice %arg2[%dma_start3A_528, %dma_start3A_529] : memref<102400x32xf32, #tpu.memory_space<hbm>> -> memref<102400x32xf32, #tpu.memory_space<hbm>>
      tpu.enqueue_indirect_dma source(%dma_start3A_530 : memref<102400x32xf32, #tpu.memory_space<hbm>>) target(%dma_start3A_524 : memref<128x32xf32, #tpu.memory_space<vmem>>) offsets(%dma_start3A_527 : memref<128xi32, #tpu.memory_space<vmem>>) semaphore(%arg10 : memref<!tpu.dma_semaphore, #tpu.memory_space<semaphore_mem>>)
      %dma_start3A_531 = arith.constant 2 : i32
      %dma_start3A_532 = arith.constant 2 : i32
      %dma_start3A_533 = arith.constant 0 : i32
      %dma_start3A_534 = arith.constant 0 : i32
      %dma_start3A_535 = tpu.memref_slice %arg8[%select_n3A_487, %dma_start3A_532, %dma_start3A_533, %dma_start3A_534] : memref<2x3x128x32xf32, #tpu.memory_space<vmem>> -> memref<1x1x128x32xf32, #tpu.memory_space<vmem>>
      %dma_start3A_536 = tpu.memref_squeeze %dma_start3A_535 : memref<1x1x128x32xf32, #tpu.memory_space<vmem>> -> memref<128x32xf32, #tpu.memory_space<vmem>>
      %dma_start3A_537 = arith.constant 0 : i32
      %dma_start3A_538 = tpu.memref_slice %arg6[%select_n3A_487, %dma_start3A_531, %dma_start3A_537] : memref<2x3x128xi32, #tpu.memory_space<vmem>> -> memref<1x1x128xi32, #tpu.memory_space<vmem>>
      %dma_start3A_539 = tpu.memref_squeeze %dma_start3A_538 : memref<1x1x128xi32, #tpu.memory_space<vmem>> -> memref<128xi32, #tpu.memory_space<vmem>>
      %dma_start3A_540 = arith.constant 0 : i32
      %dma_start3A_541 = arith.constant 0 : i32
      %dma_start3A_542 = tpu.memref_slice %arg2[%dma_start3A_540, %dma_start3A_541] : memref<102400x32xf32, #tpu.memory_space<hbm>> -> memref<102400x32xf32, #tpu.memory_space<hbm>>
      tpu.enqueue_indirect_dma source(%dma_start3A_542 : memref<102400x32xf32, #tpu.memory_space<hbm>>) target(%dma_start3A_536 : memref<128x32xf32, #tpu.memory_space<vmem>>) offsets(%dma_start3A_539 : memref<128xi32, #tpu.memory_space<vmem>>) semaphore(%arg10 : memref<!tpu.dma_semaphore, #tpu.memory_space<semaphore_mem>>)
      %dma_wait3A_543 = arith.constant 0 : i32
      %dma_wait3A_544 = arith.constant 0 : i32
      %dma_wait3A_545 = arith.constant 0 : i32
      %dma_wait3A_546 = arith.constant 0 : i32
      %dma_wait3A_547 = tpu.memref_slice %arg8[%select_n3A_487, %dma_wait3A_544, %dma_wait3A_545, %dma_wait3A_546] : memref<2x3x128x32xf32, #tpu.memory_space<vmem>> -> memref<1x1x128x32xf32, #tpu.memory_space<vmem>>
      %dma_wait3A_548 = tpu.memref_squeeze %dma_wait3A_547 : memref<1x1x128x32xf32, #tpu.memory_space<vmem>> -> memref<128x32xf32, #tpu.memory_space<vmem>>
      %dma_wait3A_549 = arith.constant 0 : i32
      %dma_wait3A_550 = tpu.memref_slice %arg6[%select_n3A_487, %dma_wait3A_543, %dma_wait3A_549] : memref<2x3x128xi32, #tpu.memory_space<vmem>> -> memref<1x1x128xi32, #tpu.memory_space<vmem>>
      %dma_wait3A_551 = tpu.memref_squeeze %dma_wait3A_550 : memref<1x1x128xi32, #tpu.memory_space<vmem>> -> memref<128xi32, #tpu.memory_space<vmem>>
      %dma_wait3A_552 = arith.constant 0 : i32
      %dma_wait3A_553 = arith.constant 0 : i32
      %dma_wait3A_554 = tpu.memref_slice %arg2[%dma_wait3A_552, %dma_wait3A_553] : memref<102400x32xf32, #tpu.memory_space<hbm>> -> memref<102400x32xf32, #tpu.memory_space<hbm>>
      tpu.wait_indirect_dma semaphore(%arg10 : memref<!tpu.dma_semaphore, #tpu.memory_space<semaphore_mem>>) src(%dma_wait3A_554 : memref<102400x32xf32, #tpu.memory_space<hbm>>) dst(%dma_wait3A_548 : memref<128x32xf32, #tpu.memory_space<vmem>>)
      %dma_wait3A_555 = arith.constant 1 : i32
      %dma_wait3A_556 = arith.constant 1 : i32
      %dma_wait3A_557 = arith.constant 0 : i32
      %dma_wait3A_558 = arith.constant 0 : i32
      %dma_wait3A_559 = tpu.memref_slice %arg8[%select_n3A_487, %dma_wait3A_556, %dma_wait3A_557, %dma_wait3A_558] : memref<2x3x128x32xf32, #tpu.memory_space<vmem>> -> memref<1x1x128x32xf32, #tpu.memory_space<vmem>>
      %dma_wait3A_560 = tpu.memref_squeeze %dma_wait3A_559 : memref<1x1x128x32xf32, #tpu.memory_space<vmem>> -> memref<128x32xf32, #tpu.memory_space<vmem>>
      %dma_wait3A_561 = arith.constant 0 : i32
      %dma_wait3A_562 = tpu.memref_slice %arg6[%select_n3A_487, %dma_wait3A_555, %dma_wait3A_561] : memref<2x3x128xi32, #tpu.memory_space<vmem>> -> memref<1x1x128xi32, #tpu.memory_space<vmem>>
      %dma_wait3A_563 = tpu.memref_squeeze %dma_wait3A_562 : memref<1x1x128xi32, #tpu.memory_space<vmem>> -> memref<128xi32, #tpu.memory_space<vmem>>
      %dma_wait3A_564 = arith.constant 0 : i32
      %dma_wait3A_565 = arith.constant 0 : i32
      %dma_wait3A_566 = tpu.memref_slice %arg2[%dma_wait3A_564, %dma_wait3A_565] : memref<102400x32xf32, #tpu.memory_space<hbm>> -> memref<102400x32xf32, #tpu.memory_space<hbm>>
      tpu.wait_indirect_dma semaphore(%arg10 : memref<!tpu.dma_semaphore, #tpu.memory_space<semaphore_mem>>) src(%dma_wait3A_566 : memref<102400x32xf32, #tpu.memory_space<hbm>>) dst(%dma_wait3A_560 : memref<128x32xf32, #tpu.memory_space<vmem>>)
      %dma_wait3A_567 = arith.constant 2 : i32
      %dma_wait3A_568 = arith.constant 2 : i32
      %dma_wait3A_569 = arith.constant 0 : i32
      %dma_wait3A_570 = arith.constant 0 : i32
      %dma_wait3A_571 = tpu.memref_slice %arg8[%select_n3A_487, %dma_wait3A_568, %dma_wait3A_569, %dma_wait3A_570] : memref<2x3x128x32xf32, #tpu.memory_space<vmem>> -> memref<1x1x128x32xf32, #tpu.memory_space<vmem>>
      %dma_wait3A_572 = tpu.memref_squeeze %dma_wait3A_571 : memref<1x1x128x32xf32, #tpu.memory_space<vmem>> -> memref<128x32xf32, #tpu.memory_space<vmem>>
      %dma_wait3A_573 = arith.constant 0 : i32
      %dma_wait3A_574 = tpu.memref_slice %arg6[%select_n3A_487, %dma_wait3A_567, %dma_wait3A_573] : memref<2x3x128xi32, #tpu.memory_space<vmem>> -> memref<1x1x128xi32, #tpu.memory_space<vmem>>
      %dma_wait3A_575 = tpu.memref_squeeze %dma_wait3A_574 : memref<1x1x128xi32, #tpu.memory_space<vmem>> -> memref<128xi32, #tpu.memory_space<vmem>>
      %dma_wait3A_576 = arith.constant 0 : i32
      %dma_wait3A_577 = arith.constant 0 : i32
      %dma_wait3A_578 = tpu.memref_slice %arg2[%dma_wait3A_576, %dma_wait3A_577] : memref<102400x32xf32, #tpu.memory_space<hbm>> -> memref<102400x32xf32, #tpu.memory_space<hbm>>
      tpu.wait_indirect_dma semaphore(%arg10 : memref<!tpu.dma_semaphore, #tpu.memory_space<semaphore_mem>>) src(%dma_wait3A_578 : memref<102400x32xf32, #tpu.memory_space<hbm>>) dst(%dma_wait3A_572 : memref<128x32xf32, #tpu.memory_space<vmem>>)
      %ge3A_579 = arith.constant 1 : i32
      %ge3A_580 = arith.cmpi sge, %scan3A_478, %ge3A_579 : i32
      %convert_element_type3A_581 = arith.extui %ge3A_580 : i1 to i32
      %cond3A_582 = arith.constant 0 : i32
      %cond3A_583 = arith.cmpi ne, %convert_element_type3A_581, %cond3A_582 : i32
      scf.if %cond3A_583 {
        %dma_wait3A_627 = arith.constant 0 : i32
        %dma_wait3A_628 = arith.constant 0 : i32
        %dma_wait3A_629 = arith.constant 0 : i32
        %dma_wait3A_630 = tpu.memref_slice %arg8[%select_n3A_505, %dma_wait3A_627, %dma_wait3A_628, %dma_wait3A_629] : memref<2x3x128x32xf32, #tpu.memory_space<vmem>> -> memref<1x1x128x32xf32, #tpu.memory_space<vmem>>
        %dma_wait3A_631 = tpu.memref_squeeze %dma_wait3A_630 : memref<1x1x128x32xf32, #tpu.memory_space<vmem>> -> memref<128x32xf32, #tpu.memory_space<vmem>>
        %dma_wait3A_632 = arith.constant 0 : i32
        %dma_wait3A_633 = arith.constant 0 : i32
        %dma_wait3A_634 = tpu.memref_slice %arg2[%dma_wait3A_632, %dma_wait3A_633] : memref<102400x32xf32, #tpu.memory_space<hbm>> -> memref<128x32xf32, #tpu.memory_space<hbm>>
        %dma_wait3A_635 = arith.constant 0 : i32
        %dma_wait3A_636 = arith.constant 0 : i32
        %dma_wait3A_637 = tpu.memref_slice %arg8[%select_n3A_505, %dma_wait3A_627, %dma_wait3A_635, %dma_wait3A_636] : memref<2x3x128x32xf32, #tpu.memory_space<vmem>> -> memref<1x1x128x32xf32, #tpu.memory_space<vmem>>
        %dma_wait3A_638 = tpu.memref_squeeze %dma_wait3A_637 : memref<1x1x128x32xf32, #tpu.memory_space<vmem>> -> memref<128x32xf32, #tpu.memory_space<vmem>>
        %dma_wait3A_639 = arith.constant 0 : i32
        %dma_wait3A_640 = arith.constant 0 : i32
        %dma_wait3A_641 = tpu.memref_slice %arg2[%dma_wait3A_639, %dma_wait3A_640] : memref<102400x32xf32, #tpu.memory_space<hbm>> -> memref<128x32xf32, #tpu.memory_space<hbm>>
        tpu.wait_dma2 semaphore(%arg11 : memref<!tpu.dma_semaphore, #tpu.memory_space<semaphore_mem>>) src(%dma_wait3A_641 : memref<128x32xf32, #tpu.memory_space<hbm>>) dst(%dma_wait3A_638 : memref<128x32xf32, #tpu.memory_space<vmem>>)
        %dma_wait3A_642 = arith.constant 1 : i32
        %dma_wait3A_643 = arith.constant 0 : i32
        %dma_wait3A_644 = arith.constant 0 : i32
        %dma_wait3A_645 = tpu.memref_slice %arg8[%select_n3A_505, %dma_wait3A_642, %dma_wait3A_643, %dma_wait3A_644] : memref<2x3x128x32xf32, #tpu.memory_space<vmem>> -> memref<1x1x128x32xf32, #tpu.memory_space<vmem>>
        %dma_wait3A_646 = tpu.memref_squeeze %dma_wait3A_645 : memref<1x1x128x32xf32, #tpu.memory_space<vmem>> -> memref<128x32xf32, #tpu.memory_space<vmem>>
        %dma_wait3A_647 = arith.constant 0 : i32
        %dma_wait3A_648 = arith.constant 0 : i32
        %dma_wait3A_649 = tpu.memref_slice %arg2[%dma_wait3A_647, %dma_wait3A_648] : memref<102400x32xf32, #tpu.memory_space<hbm>> -> memref<128x32xf32, #tpu.memory_space<hbm>>
        %dma_wait3A_650 = arith.constant 0 : i32
        %dma_wait3A_651 = arith.constant 0 : i32
        %dma_wait3A_652 = tpu.memref_slice %arg8[%select_n3A_505, %dma_wait3A_642, %dma_wait3A_650, %dma_wait3A_651] : memref<2x3x128x32xf32, #tpu.memory_space<vmem>> -> memref<1x1x128x32xf32, #tpu.memory_space<vmem>>
        %dma_wait3A_653 = tpu.memref_squeeze %dma_wait3A_652 : memref<1x1x128x32xf32, #tpu.memory_space<vmem>> -> memref<128x32xf32, #tpu.memory_space<vmem>>
        %dma_wait3A_654 = arith.constant 0 : i32
        %dma_wait3A_655 = arith.constant 0 : i32
        %dma_wait3A_656 = tpu.memref_slice %arg2[%dma_wait3A_654, %dma_wait3A_655] : memref<102400x32xf32, #tpu.memory_space<hbm>> -> memref<128x32xf32, #tpu.memory_space<hbm>>
        tpu.wait_dma2 semaphore(%arg11 : memref<!tpu.dma_semaphore, #tpu.memory_space<semaphore_mem>>) src(%dma_wait3A_656 : memref<128x32xf32, #tpu.memory_space<hbm>>) dst(%dma_wait3A_653 : memref<128x32xf32, #tpu.memory_space<vmem>>)
        %dma_wait3A_657 = arith.constant 2 : i32
        %dma_wait3A_658 = arith.constant 0 : i32
        %dma_wait3A_659 = arith.constant 0 : i32
        %dma_wait3A_660 = tpu.memref_slice %arg8[%select_n3A_505, %dma_wait3A_657, %dma_wait3A_658, %dma_wait3A_659] : memref<2x3x128x32xf32, #tpu.memory_space<vmem>> -> memref<1x1x128x32xf32, #tpu.memory_space<vmem>>
        %dma_wait3A_661 = tpu.memref_squeeze %dma_wait3A_660 : memref<1x1x128x32xf32, #tpu.memory_space<vmem>> -> memref<128x32xf32, #tpu.memory_space<vmem>>
        %dma_wait3A_662 = arith.constant 0 : i32
        %dma_wait3A_663 = arith.constant 0 : i32
        %dma_wait3A_664 = tpu.memref_slice %arg2[%dma_wait3A_662, %dma_wait3A_663] : memref<102400x32xf32, #tpu.memory_space<hbm>> -> memref<128x32xf32, #tpu.memory_space<hbm>>
        %dma_wait3A_665 = arith.constant 0 : i32
        %dma_wait3A_666 = arith.constant 0 : i32
        %dma_wait3A_667 = tpu.memref_slice %arg8[%select_n3A_505, %dma_wait3A_657, %dma_wait3A_665, %dma_wait3A_666] : memref<2x3x128x32xf32, #tpu.memory_space<vmem>> -> memref<1x1x128x32xf32, #tpu.memory_space<vmem>>
        %dma_wait3A_668 = tpu.memref_squeeze %dma_wait3A_667 : memref<1x1x128x32xf32, #tpu.memory_space<vmem>> -> memref<128x32xf32, #tpu.memory_space<vmem>>
        %dma_wait3A_669 = arith.constant 0 : i32
        %dma_wait3A_670 = arith.constant 0 : i32
        %dma_wait3A_671 = tpu.memref_slice %arg2[%dma_wait3A_669, %dma_wait3A_670] : memref<102400x32xf32, #tpu.memory_space<hbm>> -> memref<128x32xf32, #tpu.memory_space<hbm>>
        tpu.wait_dma2 semaphore(%arg11 : memref<!tpu.dma_semaphore, #tpu.memory_space<semaphore_mem>>) src(%dma_wait3A_671 : memref<128x32xf32, #tpu.memory_space<hbm>>) dst(%dma_wait3A_668 : memref<128x32xf32, #tpu.memory_space<vmem>>)
      } else {
      }
      %add3A_584 = arith.constant 1 : i32
      %add3A_585 = arith.addi %scan3A_478, %add3A_584 : i32
      %lt3A_586 = arith.constant 132 : i32
      %lt3A_587 = arith.cmpi slt, %add3A_585, %lt3A_586 : i32
      %convert_element_type3A_588 = arith.extui %lt3A_587 : i1 to i32
      %cond3A_589 = arith.constant 0 : i32
      %cond3A_590 = arith.cmpi ne, %convert_element_type3A_588, %cond3A_589 : i32
      scf.if %cond3A_590 {
        %add3A_627 = arith.constant 1 : i32
        %add3A_628 = arith.addi %scan3A_478, %add3A_627 : i32
        %mul3A_629 = arith.constant 3 : i32
        %mul3A_630 = arith.muli %add3A_628, %mul3A_629 : i32
        %add3A_631 = arith.addi %mul3A_11, %mul3A_630 : i32
        %dma_start3A_632 = arith.constant 0 : i32
        %dma_start3A_633 = arith.constant 0 : i32
        %dma_start3A_634 = tpu.memref_slice %arg6[%select_n3A_505, %dma_start3A_632, %dma_start3A_633] : memref<2x3x128xi32, #tpu.memory_space<vmem>> -> memref<1x3x128xi32, #tpu.memory_space<vmem>>
        %dma_start3A_635 = tpu.memref_squeeze %dma_start3A_634 : memref<1x3x128xi32, #tpu.memory_space<vmem>> -> memref<3x128xi32, #tpu.memory_space<vmem>>
        %dma_start3A_636 = arith.constant 0 : i32
        %dma_start3A_637 = tpu.memref_slice %arg3[%add3A_631, %dma_start3A_636] : memref<6336x128xi32, #tpu.memory_space<hbm>> -> memref<3x128xi32, #tpu.memory_space<hbm>>
        %dma_start3A_638 = arith.constant 0 : i32
        %dma_start3A_639 = arith.constant 0 : i32
        %dma_start3A_640 = tpu.memref_slice %arg6[%select_n3A_505, %dma_start3A_638, %dma_start3A_639] : memref<2x3x128xi32, #tpu.memory_space<vmem>> -> memref<1x3x128xi32, #tpu.memory_space<vmem>>
        %dma_start3A_641 = tpu.memref_squeeze %dma_start3A_640 : memref<1x3x128xi32, #tpu.memory_space<vmem>> -> memref<3x128xi32, #tpu.memory_space<vmem>>
        %dma_start3A_642 = arith.constant 0 : i32
        %dma_start3A_643 = tpu.memref_slice %arg3[%add3A_631, %dma_start3A_642] : memref<6336x128xi32, #tpu.memory_space<hbm>> -> memref<3x128xi32, #tpu.memory_space<hbm>>
        tpu.enqueue_dma source(%dma_start3A_643 : memref<3x128xi32, #tpu.memory_space<hbm>>) target(%dma_start3A_641 : memref<3x128xi32, #tpu.memory_space<vmem>>) target_semaphore(%arg12 : memref<!tpu.dma_semaphore, #tpu.memory_space<semaphore_mem>>)
        %dma_start3A_644 = arith.constant 0 : i32
        %dma_start3A_645 = arith.constant 0 : i32
        %dma_start3A_646 = tpu.memref_slice %arg7[%select_n3A_505, %dma_start3A_644, %dma_start3A_645] : memref<2x3x128xi32, #tpu.memory_space<vmem>> -> memref<1x3x128xi32, #tpu.memory_space<vmem>>
        %dma_start3A_647 = tpu.memref_squeeze %dma_start3A_646 : memref<1x3x128xi32, #tpu.memory_space<vmem>> -> memref<3x128xi32, #tpu.memory_space<vmem>>
        %dma_start3A_648 = arith.constant 0 : i32
        %dma_start3A_649 = tpu.memref_slice %arg4[%add3A_631, %dma_start3A_648] : memref<6336x128xi32, #tpu.memory_space<hbm>> -> memref<3x128xi32, #tpu.memory_space<hbm>>
        %dma_start3A_650 = arith.constant 0 : i32
        %dma_start3A_651 = arith.constant 0 : i32
        %dma_start3A_652 = tpu.memref_slice %arg7[%select_n3A_505, %dma_start3A_650, %dma_start3A_651] : memref<2x3x128xi32, #tpu.memory_space<vmem>> -> memref<1x3x128xi32, #tpu.memory_space<vmem>>
        %dma_start3A_653 = tpu.memref_squeeze %dma_start3A_652 : memref<1x3x128xi32, #tpu.memory_space<vmem>> -> memref<3x128xi32, #tpu.memory_space<vmem>>
        %dma_start3A_654 = arith.constant 0 : i32
        %dma_start3A_655 = tpu.memref_slice %arg4[%add3A_631, %dma_start3A_654] : memref<6336x128xi32, #tpu.memory_space<hbm>> -> memref<3x128xi32, #tpu.memory_space<hbm>>
        tpu.enqueue_dma source(%dma_start3A_655 : memref<3x128xi32, #tpu.memory_space<hbm>>) target(%dma_start3A_653 : memref<3x128xi32, #tpu.memory_space<vmem>>) target_semaphore(%arg13 : memref<!tpu.dma_semaphore, #tpu.memory_space<semaphore_mem>>)
      } else {
      }
      %dma_start3A_591 = arith.constant 0 : i32
      %dma_start3A_592 = arith.constant 0 : i32
      %dma_start3A_593 = arith.constant 0 : i32
      %dma_start3A_594 = arith.constant 0 : i32
      %dma_start3A_595 = tpu.memref_slice %arg8[%select_n3A_487, %dma_start3A_591, %dma_start3A_593, %dma_start3A_594] : memref<2x3x128x32xf32, #tpu.memory_space<vmem>> -> memref<1x1x128x32xf32, #tpu.memory_space<vmem>>
      %dma_start3A_596 = tpu.memref_squeeze %dma_start3A_595 : memref<1x1x128x32xf32, #tpu.memory_space<vmem>> -> memref<128x32xf32, #tpu.memory_space<vmem>>
      %dma_start3A_597 = arith.constant 0 : i32
      %dma_start3A_598 = tpu.memref_slice %arg7[%select_n3A_487, %dma_start3A_592, %dma_start3A_597] : memref<2x3x128xi32, #tpu.memory_space<vmem>> -> memref<1x1x128xi32, #tpu.memory_space<vmem>>
      %dma_start3A_599 = tpu.memref_squeeze %dma_start3A_598 : memref<1x1x128xi32, #tpu.memory_space<vmem>> -> memref<128xi32, #tpu.memory_space<vmem>>
      %dma_start3A_600 = arith.constant 0 : i32
      %dma_start3A_601 = arith.constant 0 : i32
      %dma_start3A_602 = tpu.memref_slice %arg9[%dma_start3A_600, %dma_start3A_601] : memref<51200x32xf32, #tpu.memory_space<vmem_shared>> -> memref<51200x32xf32, #tpu.memory_space<vmem_shared>>
      tpu.enqueue_indirect_dma source(%dma_start3A_596 : memref<128x32xf32, #tpu.memory_space<vmem>>) target(%dma_start3A_602 : memref<51200x32xf32, #tpu.memory_space<vmem_shared>>) offsets(%dma_start3A_599 : memref<128xi32, #tpu.memory_space<vmem>>) semaphore(%arg11 : memref<!tpu.dma_semaphore, #tpu.memory_space<semaphore_mem>>) {add = true}
      %dma_start3A_603 = arith.constant 1 : i32
      %dma_start3A_604 = arith.constant 1 : i32
      %dma_start3A_605 = arith.constant 0 : i32
      %dma_start3A_606 = arith.constant 0 : i32
      %dma_start3A_607 = tpu.memref_slice %arg8[%select_n3A_487, %dma_start3A_603, %dma_start3A_605, %dma_start3A_606] : memref<2x3x128x32xf32, #tpu.memory_space<vmem>> -> memref<1x1x128x32xf32, #tpu.memory_space<vmem>>
      %dma_start3A_608 = tpu.memref_squeeze %dma_start3A_607 : memref<1x1x128x32xf32, #tpu.memory_space<vmem>> -> memref<128x32xf32, #tpu.memory_space<vmem>>
      %dma_start3A_609 = arith.constant 0 : i32
      %dma_start3A_610 = tpu.memref_slice %arg7[%select_n3A_487, %dma_start3A_604, %dma_start3A_609] : memref<2x3x128xi32, #tpu.memory_space<vmem>> -> memref<1x1x128xi32, #tpu.memory_space<vmem>>
      %dma_start3A_611 = tpu.memref_squeeze %dma_start3A_610 : memref<1x1x128xi32, #tpu.memory_space<vmem>> -> memref<128xi32, #tpu.memory_space<vmem>>
      %dma_start3A_612 = arith.constant 0 : i32
      %dma_start3A_613 = arith.constant 0 : i32
      %dma_start3A_614 = tpu.memref_slice %arg9[%dma_start3A_612, %dma_start3A_613] : memref<51200x32xf32, #tpu.memory_space<vmem_shared>> -> memref<51200x32xf32, #tpu.memory_space<vmem_shared>>
      tpu.enqueue_indirect_dma source(%dma_start3A_608 : memref<128x32xf32, #tpu.memory_space<vmem>>) target(%dma_start3A_614 : memref<51200x32xf32, #tpu.memory_space<vmem_shared>>) offsets(%dma_start3A_611 : memref<128xi32, #tpu.memory_space<vmem>>) semaphore(%arg11 : memref<!tpu.dma_semaphore, #tpu.memory_space<semaphore_mem>>) {add = true}
      %dma_start3A_615 = arith.constant 2 : i32
      %dma_start3A_616 = arith.constant 2 : i32
      %dma_start3A_617 = arith.constant 0 : i32
      %dma_start3A_618 = arith.constant 0 : i32
      %dma_start3A_619 = tpu.memref_slice %arg8[%select_n3A_487, %dma_start3A_615, %dma_start3A_617, %dma_start3A_618] : memref<2x3x128x32xf32, #tpu.memory_space<vmem>> -> memref<1x1x128x32xf32, #tpu.memory_space<vmem>>
      %dma_start3A_620 = tpu.memref_squeeze %dma_start3A_619 : memref<1x1x128x32xf32, #tpu.memory_space<vmem>> -> memref<128x32xf32, #tpu.memory_space<vmem>>
      %dma_start3A_621 = arith.constant 0 : i32
      %dma_start3A_622 = tpu.memref_slice %arg7[%select_n3A_487, %dma_start3A_616, %dma_start3A_621] : memref<2x3x128xi32, #tpu.memory_space<vmem>> -> memref<1x1x128xi32, #tpu.memory_space<vmem>>
      %dma_start3A_623 = tpu.memref_squeeze %dma_start3A_622 : memref<1x1x128xi32, #tpu.memory_space<vmem>> -> memref<128xi32, #tpu.memory_space<vmem>>
      %dma_start3A_624 = arith.constant 0 : i32
      %dma_start3A_625 = arith.constant 0 : i32
      %dma_start3A_626 = tpu.memref_slice %arg9[%dma_start3A_624, %dma_start3A_625] : memref<51200x32xf32, #tpu.memory_space<vmem_shared>> -> memref<51200x32xf32, #tpu.memory_space<vmem_shared>>
      tpu.enqueue_indirect_dma source(%dma_start3A_620 : memref<128x32xf32, #tpu.memory_space<vmem>>) target(%dma_start3A_626 : memref<51200x32xf32, #tpu.memory_space<vmem_shared>>) offsets(%dma_start3A_623 : memref<128xi32, #tpu.memory_space<vmem>>) semaphore(%arg11 : memref<!tpu.dma_semaphore, #tpu.memory_space<semaphore_mem>>) {add = true}
    }
    %scan3A_425 = arith.constant 132 : i32
    %dma_wait3A = arith.constant 1 : i32
    %dma_wait3A_426 = arith.constant 0 : i32
    %dma_wait3A_427 = arith.constant 0 : i32
    %dma_wait3A_428 = arith.constant 0 : i32
    %dma_wait3A_429 = tpu.memref_slice %arg8[%dma_wait3A, %dma_wait3A_426, %dma_wait3A_427, %dma_wait3A_428] : memref<2x3x128x32xf32, #tpu.memory_space<vmem>> -> memref<1x1x128x32xf32, #tpu.memory_space<vmem>>
    %dma_wait3A_430 = tpu.memref_squeeze %dma_wait3A_429 : memref<1x1x128x32xf32, #tpu.memory_space<vmem>> -> memref<128x32xf32, #tpu.memory_space<vmem>>
    %dma_wait3A_431 = arith.constant 0 : i32
    %dma_wait3A_432 = arith.constant 0 : i32
    %dma_wait3A_433 = tpu.memref_slice %arg2[%dma_wait3A_431, %dma_wait3A_432] : memref<102400x32xf32, #tpu.memory_space<hbm>> -> memref<128x32xf32, #tpu.memory_space<hbm>>
    %dma_wait3A_434 = arith.constant 0 : i32
    %dma_wait3A_435 = arith.constant 0 : i32
    %dma_wait3A_436 = tpu.memref_slice %arg8[%dma_wait3A, %dma_wait3A_426, %dma_wait3A_434, %dma_wait3A_435] : memref<2x3x128x32xf32, #tpu.memory_space<vmem>> -> memref<1x1x128x32xf32, #tpu.memory_space<vmem>>
    %dma_wait3A_437 = tpu.memref_squeeze %dma_wait3A_436 : memref<1x1x128x32xf32, #tpu.memory_space<vmem>> -> memref<128x32xf32, #tpu.memory_space<vmem>>
    %dma_wait3A_438 = arith.constant 0 : i32
    %dma_wait3A_439 = arith.constant 0 : i32
    %dma_wait3A_440 = tpu.memref_slice %arg2[%dma_wait3A_438, %dma_wait3A_439] : memref<102400x32xf32, #tpu.memory_space<hbm>> -> memref<128x32xf32, #tpu.memory_space<hbm>>
    tpu.wait_dma2 semaphore(%arg11 : memref<!tpu.dma_semaphore, #tpu.memory_space<semaphore_mem>>) src(%dma_wait3A_440 : memref<128x32xf32, #tpu.memory_space<hbm>>) dst(%dma_wait3A_437 : memref<128x32xf32, #tpu.memory_space<vmem>>)
    %dma_wait3A_441 = arith.constant 1 : i32
    %dma_wait3A_442 = arith.constant 1 : i32
    %dma_wait3A_443 = arith.constant 0 : i32
    %dma_wait3A_444 = arith.constant 0 : i32
    %dma_wait3A_445 = tpu.memref_slice %arg8[%dma_wait3A_441, %dma_wait3A_442, %dma_wait3A_443, %dma_wait3A_444] : memref<2x3x128x32xf32, #tpu.memory_space<vmem>> -> memref<1x1x128x32xf32, #tpu.memory_space<vmem>>
    %dma_wait3A_446 = tpu.memref_squeeze %dma_wait3A_445 : memref<1x1x128x32xf32, #tpu.memory_space<vmem>> -> memref<128x32xf32, #tpu.memory_space<vmem>>
    %dma_wait3A_447 = arith.constant 0 : i32
    %dma_wait3A_448 = arith.constant 0 : i32
    %dma_wait3A_449 = tpu.memref_slice %arg2[%dma_wait3A_447, %dma_wait3A_448] : memref<102400x32xf32, #tpu.memory_space<hbm>> -> memref<128x32xf32, #tpu.memory_space<hbm>>
    %dma_wait3A_450 = arith.constant 0 : i32
    %dma_wait3A_451 = arith.constant 0 : i32
    %dma_wait3A_452 = tpu.memref_slice %arg8[%dma_wait3A_441, %dma_wait3A_442, %dma_wait3A_450, %dma_wait3A_451] : memref<2x3x128x32xf32, #tpu.memory_space<vmem>> -> memref<1x1x128x32xf32, #tpu.memory_space<vmem>>
    %dma_wait3A_453 = tpu.memref_squeeze %dma_wait3A_452 : memref<1x1x128x32xf32, #tpu.memory_space<vmem>> -> memref<128x32xf32, #tpu.memory_space<vmem>>
    %dma_wait3A_454 = arith.constant 0 : i32
    %dma_wait3A_455 = arith.constant 0 : i32
    %dma_wait3A_456 = tpu.memref_slice %arg2[%dma_wait3A_454, %dma_wait3A_455] : memref<102400x32xf32, #tpu.memory_space<hbm>> -> memref<128x32xf32, #tpu.memory_space<hbm>>
    tpu.wait_dma2 semaphore(%arg11 : memref<!tpu.dma_semaphore, #tpu.memory_space<semaphore_mem>>) src(%dma_wait3A_456 : memref<128x32xf32, #tpu.memory_space<hbm>>) dst(%dma_wait3A_453 : memref<128x32xf32, #tpu.memory_space<vmem>>)
    %dma_wait3A_457 = arith.constant 1 : i32
    %dma_wait3A_458 = arith.constant 2 : i32
    %dma_wait3A_459 = arith.constant 0 : i32
    %dma_wait3A_460 = arith.constant 0 : i32
    %dma_wait3A_461 = tpu.memref_slice %arg8[%dma_wait3A_457, %dma_wait3A_458, %dma_wait3A_459, %dma_wait3A_460] : memref<2x3x128x32xf32, #tpu.memory_space<vmem>> -> memref<1x1x128x32xf32, #tpu.memory_space<vmem>>
    %dma_wait3A_462 = tpu.memref_squeeze %dma_wait3A_461 : memref<1x1x128x32xf32, #tpu.memory_space<vmem>> -> memref<128x32xf32, #tpu.memory_space<vmem>>
    %dma_wait3A_463 = arith.constant 0 : i32
    %dma_wait3A_464 = arith.constant 0 : i32
    %dma_wait3A_465 = tpu.memref_slice %arg2[%dma_wait3A_463, %dma_wait3A_464] : memref<102400x32xf32, #tpu.memory_space<hbm>> -> memref<128x32xf32, #tpu.memory_space<hbm>>
    %dma_wait3A_466 = arith.constant 0 : i32
    %dma_wait3A_467 = arith.constant 0 : i32
    %dma_wait3A_468 = tpu.memref_slice %arg8[%dma_wait3A_457, %dma_wait3A_458, %dma_wait3A_466, %dma_wait3A_467] : memref<2x3x128x32xf32, #tpu.memory_space<vmem>> -> memref<1x1x128x32xf32, #tpu.memory_space<vmem>>
    %dma_wait3A_469 = tpu.memref_squeeze %dma_wait3A_468 : memref<1x1x128x32xf32, #tpu.memory_space<vmem>> -> memref<128x32xf32, #tpu.memory_space<vmem>>
    %dma_wait3A_470 = arith.constant 0 : i32
    %dma_wait3A_471 = arith.constant 0 : i32
    %dma_wait3A_472 = tpu.memref_slice %arg2[%dma_wait3A_470, %dma_wait3A_471] : memref<102400x32xf32, #tpu.memory_space<hbm>> -> memref<128x32xf32, #tpu.memory_space<hbm>>
    tpu.wait_dma2 semaphore(%arg11 : memref<!tpu.dma_semaphore, #tpu.memory_space<semaphore_mem>>) src(%dma_wait3A_472 : memref<128x32xf32, #tpu.memory_space<hbm>>) dst(%dma_wait3A_469 : memref<128x32xf32, #tpu.memory_space<vmem>>)
    %barrier3A_473 = arith.constant 0 : index
    tpu.barrier barrier_id(%barrier3A_473)
    %mul3A_474 = arith.constant 3200 : i32
    %mul3A_475 = arith.muli %arg1, %mul3A_474 : i32
    %mul3A_476 = arith.constant 3200 : i32
    %mul3A_477 = arith.muli %arg1, %mul3A_476 : i32
    "tpu.region"() ({
      %run_scoped3A_478 = tpu.sem_alloc : memref<!tpu.dma_semaphore, #tpu.memory_space<semaphore_mem>>
      %dma_start3A = arith.constant 0 : i32
      %dma_start3A_479 = tpu.memref_slice %arg5[%arg0, %mul3A_477, %dma_start3A] : memref<2x51200x32xf32, #tpu.memory_space<hbm>> -> memref<1x3200x32xf32, #tpu.memory_space<hbm>>
      %dma_start3A_480 = tpu.memref_squeeze %dma_start3A_479 : memref<1x3200x32xf32, #tpu.memory_space<hbm>> -> memref<3200x32xf32, #tpu.memory_space<hbm>>
      %dma_start3A_481 = arith.constant 0 : i32
      %dma_start3A_482 = tpu.memref_slice %arg9[%mul3A_475, %dma_start3A_481] : memref<51200x32xf32, #tpu.memory_space<vmem_shared>> -> memref<3200x32xf32, #tpu.memory_space<vmem_shared>>
      tpu.enqueue_dma source(%dma_start3A_482 : memref<3200x32xf32, #tpu.memory_space<vmem_shared>>) target(%dma_start3A_480 : memref<3200x32xf32, #tpu.memory_space<hbm>>) target_semaphore(%run_scoped3A_478 : memref<!tpu.dma_semaphore, #tpu.memory_space<semaphore_mem>>)
      %dma_wait3A_483 = arith.constant 0 : i32
      %dma_wait3A_484 = tpu.memref_slice %arg5[%arg0, %mul3A_477, %dma_wait3A_483] : memref<2x51200x32xf32, #tpu.memory_space<hbm>> -> memref<1x3200x32xf32, #tpu.memory_space<hbm>>
      %dma_wait3A_485 = tpu.memref_squeeze %dma_wait3A_484 : memref<1x3200x32xf32, #tpu.memory_space<hbm>> -> memref<3200x32xf32, #tpu.memory_space<hbm>>
      %dma_wait3A_486 = arith.constant 0 : i32
      %dma_wait3A_487 = tpu.memref_slice %arg9[%mul3A_475, %dma_wait3A_486] : memref<51200x32xf32, #tpu.memory_space<vmem_shared>> -> memref<3200x32xf32, #tpu.memory_space<vmem_shared>>
      tpu.wait_dma2 semaphore(%run_scoped3A_478 : memref<!tpu.dma_semaphore, #tpu.memory_space<semaphore_mem>>) src(%dma_wait3A_487 : memref<3200x32xf32, #tpu.memory_space<vmem_shared>>) dst(%dma_wait3A_485 : memref<3200x32xf32, #tpu.memory_space<hbm>>)
      tpu.yield
    }) : () -> ()
    return
  }
}

#map = affine_map<(d0, d1) -> (0, 0)>
#map1 = affine_map<(d0, d1) -> (0, 0, 0)>
module attributes {stable_mosaic.version = 14 : i64} {
  func.func @k(%arg0: i32, %arg1: i32, %arg2: memref<51200x32xf32, #tpu.memory_space<hbm>>, %arg3: memref<6336x128xi32, #tpu.memory_space<hbm>>, %arg4: memref<6336x128xi32, #tpu.memory_space<hbm>>, %arg5: memref<2x51200x32xf32, #tpu.memory_space<hbm>>, %arg6: memref<2x3x128xi32, #tpu.memory_space<vmem>>, %arg7: memref<2x3x128xi32, #tpu.memory_space<vmem>>, %arg8: memref<2x3x128x32xf32, #tpu.memory_space<vmem>>, %arg9: memref<51200x32xf32, #tpu.memory_space<vmem_shared>>, %arg10: memref<!tpu.dma_semaphore, #tpu.memory_space<semaphore_mem>>, %arg11: memref<!tpu.dma_semaphore, #tpu.memory_space<semaphore_mem>>, %arg12: memref<!tpu.dma_semaphore, #tpu.memory_space<semaphore_mem>>, %arg13: memref<!tpu.dma_semaphore, #tpu.memory_space<semaphore_mem>>) attributes {dimension_semantics = [#tpu.dimension_semantics<core_parallel>, #tpu.dimension_semantics<subcore_parallel>], iteration_bounds = array<i64: 2, 16>, scalar_prefetch = 0 : i64, scratch_operands = 8 : i64, tpu.core_type = #tpu.core_type<sc_vector_subcore>, window_params = [{transform_indices = #map}, {transform_indices = #map}, {transform_indices = #map}, {transform_indices = #map1}]} {
    %mul3A = arith.constant 16 : i32
    %mul3A_0 = arith.muli %arg0, %mul3A : i32
    %add3A = arith.addi %mul3A_0, %arg1 : i32
    %scan3A = arith.constant 0 : i32
    %scan3A_1 = arith.constant 0 : i32
    %scan3A_2 = arith.constant 128 : i32
    %scan3A_3 = arith.addi %scan3A_1, %scan3A_2 : i32
    %scan3A_4 = arith.constant 1 : i32
    scf.for %scan3A_73 = %scan3A_1 to %scan3A_3 step %scan3A_4  : i32 {
      %broadcast_in_dim3A = arith.constant 0.000000e+00 : f32
      %broadcast_in_dim3A_74 = vector.broadcast %broadcast_in_dim3A : f32 to vector<16xf32>
      %swap3A = arith.constant 0 : i32
      %swap3A_75 = arith.constant 0 : i32
      %swap3A_76 = arith.index_cast %swap3A : i32 to index
      %swap3A_77 = arith.index_cast %swap3A_75 : i32 to index
      %swap3A_78 = arith.index_cast %scan3A_73 : i32 to index
      %swap3A_79 = arith.constant 0 : index
      %swap3A_80 = tpu.vector_load %arg8[%swap3A_76, %swap3A_77, %swap3A_78, %swap3A_79] {strides = array<i32>} : memref<2x3x128x32xf32, #tpu.memory_space<vmem>>, vector<1x1x1x16xf32>,
      %swap3A_81 = vector.shape_cast %swap3A_80 : vector<1x1x1x16xf32> to vector<16xf32>
      %swap3A_82 = vector.shape_cast %broadcast_in_dim3A_74 : vector<16xf32> to vector<1x1x1x16xf32>
      tpu.vector_store %arg8[%swap3A_76, %swap3A_77, %swap3A_78, %swap3A_79], %swap3A_82 {strides = array<i32>} : memref<2x3x128x32xf32, #tpu.memory_space<vmem>>, vector<1x1x1x16xf32>,
      %broadcast_in_dim3A_83 = arith.constant 0.000000e+00 : f32
      %broadcast_in_dim3A_84 = vector.broadcast %broadcast_in_dim3A_83 : f32 to vector<16xf32>
      %swap3A_85 = arith.constant 0 : i32
      %swap3A_86 = arith.constant 0 : i32
      %swap3A_87 = arith.index_cast %swap3A_85 : i32 to index
      %swap3A_88 = arith.index_cast %swap3A_86 : i32 to index
      %swap3A_89 = arith.index_cast %scan3A_73 : i32 to index
      %swap3A_90 = arith.constant 16 : index
      %swap3A_91 = tpu.vector_load %arg8[%swap3A_87, %swap3A_88, %swap3A_89, %swap3A_90] {strides = array<i32>} : memref<2x3x128x32xf32, #tpu.memory_space<vmem>>, vector<1x1x1x16xf32>,
      %swap3A_92 = vector.shape_cast %swap3A_91 : vector<1x1x1x16xf32> to vector<16xf32>
      %swap3A_93 = vector.shape_cast %broadcast_in_dim3A_84 : vector<16xf32> to vector<1x1x1x16xf32>
      tpu.vector_store %arg8[%swap3A_87, %swap3A_88, %swap3A_89, %swap3A_90], %swap3A_93 {strides = array<i32>} : memref<2x3x128x32xf32, #tpu.memory_space<vmem>>, vector<1x1x1x16xf32>,
    }
    %scan3A_5 = arith.constant 128 : i32
    %scan3A_6 = arith.constant 0 : i32
    %scan3A_7 = arith.constant 0 : i32
    %scan3A_8 = arith.constant 25 : i32
    %scan3A_9 = arith.addi %scan3A_7, %scan3A_8 : i32
    %scan3A_10 = arith.constant 1 : i32
    scf.for %scan3A_73 = %scan3A_7 to %scan3A_9 step %scan3A_10  : i32 {
      %mul3A_74 = arith.constant 3200 : i32
      %mul3A_75 = arith.muli %arg1, %mul3A_74 : i32
      %mul3A_76 = arith.constant 128 : i32
      %mul3A_77 = arith.muli %scan3A_73, %mul3A_76 : i32
      %add3A_78 = arith.addi %mul3A_75, %mul3A_77 : i32
      %run_scoped3A_79 = arith.constant 0 : i32
      %run_scoped3A_80 = arith.constant 0 : i32
      "tpu.region"() ({
        %run_scoped3A_81 = tpu.sem_alloc : memref<!tpu.dma_semaphore, #tpu.memory_space<semaphore_mem>>
        %dma_start3A = arith.constant 0 : i32
        %dma_start3A_82 = arith.constant 0 : i32
        %dma_start3A_83 = tpu.memref_slice %arg8[%run_scoped3A_79, %run_scoped3A_80, %dma_start3A, %dma_start3A_82] : memref<2x3x128x32xf32, #tpu.memory_space<vmem>> -> memref<1x1x128x32xf32, #tpu.memory_space<vmem>>
        %dma_start3A_84 = tpu.memref_squeeze %dma_start3A_83 : memref<1x1x128x32xf32, #tpu.memory_space<vmem>> -> memref<128x32xf32, #tpu.memory_space<vmem>>
        %dma_start3A_85 = arith.constant 0 : i32
        %dma_start3A_86 = tpu.memref_slice %arg9[%add3A_78, %dma_start3A_85] : memref<51200x32xf32, #tpu.memory_space<vmem_shared>> -> memref<128x32xf32, #tpu.memory_space<vmem_shared>>
        %dma_start3A_87 = arith.constant 0 : i32
        %dma_start3A_88 = tpu.memref_slice %arg9[%add3A_78, %dma_start3A_87] : memref<51200x32xf32, #tpu.memory_space<vmem_shared>> -> memref<128x32xf32, #tpu.memory_space<vmem_shared>>
        %dma_start3A_89 = arith.constant 0 : i32
        %dma_start3A_90 = arith.constant 0 : i32
        %dma_start3A_91 = tpu.memref_slice %arg8[%run_scoped3A_79, %run_scoped3A_80, %dma_start3A_89, %dma_start3A_90] : memref<2x3x128x32xf32, #tpu.memory_space<vmem>> -> memref<1x1x128x32xf32, #tpu.memory_space<vmem>>
        %dma_start3A_92 = tpu.memref_squeeze %dma_start3A_91 : memref<1x1x128x32xf32, #tpu.memory_space<vmem>> -> memref<128x32xf32, #tpu.memory_space<vmem>>
        tpu.enqueue_dma source(%dma_start3A_92 : memref<128x32xf32, #tpu.memory_space<vmem>>) target(%dma_start3A_88 : memref<128x32xf32, #tpu.memory_space<vmem_shared>>) target_semaphore(%run_scoped3A_81 : memref<!tpu.dma_semaphore, #tpu.memory_space<semaphore_mem>>)
        %dma_wait3A_93 = arith.constant 0 : i32
        %dma_wait3A_94 = arith.constant 0 : i32
        %dma_wait3A_95 = tpu.memref_slice %arg8[%run_scoped3A_79, %run_scoped3A_80, %dma_wait3A_93, %dma_wait3A_94] : memref<2x3x128x32xf32, #tpu.memory_space<vmem>> -> memref<1x1x128x32xf32, #tpu.memory_space<vmem>>
        %dma_wait3A_96 = tpu.memref_squeeze %dma_wait3A_95 : memref<1x1x128x32xf32, #tpu.memory_space<vmem>> -> memref<128x32xf32, #tpu.memory_space<vmem>>
        %dma_wait3A_97 = arith.constant 0 : i32
        %dma_wait3A_98 = tpu.memref_slice %arg9[%add3A_78, %dma_wait3A_97] : memref<51200x32xf32, #tpu.memory_space<vmem_shared>> -> memref<128x32xf32, #tpu.memory_space<vmem_shared>>
        %dma_wait3A_99 = arith.constant 0 : i32
        %dma_wait3A_100 = tpu.memref_slice %arg9[%add3A_78, %dma_wait3A_99] : memref<51200x32xf32, #tpu.memory_space<vmem_shared>> -> memref<128x32xf32, #tpu.memory_space<vmem_shared>>
        %dma_wait3A_101 = arith.constant 0 : i32
        %dma_wait3A_102 = arith.constant 0 : i32
        %dma_wait3A_103 = tpu.memref_slice %arg8[%run_scoped3A_79, %run_scoped3A_80, %dma_wait3A_101, %dma_wait3A_102] : memref<2x3x128x32xf32, #tpu.memory_space<vmem>> -> memref<1x1x128x32xf32, #tpu.memory_space<vmem>>
        %dma_wait3A_104 = tpu.memref_squeeze %dma_wait3A_103 : memref<1x1x128x32xf32, #tpu.memory_space<vmem>> -> memref<128x32xf32, #tpu.memory_space<vmem>>
        tpu.wait_dma2 semaphore(%run_scoped3A_81 : memref<!tpu.dma_semaphore, #tpu.memory_space<semaphore_mem>>) src(%dma_wait3A_104 : memref<128x32xf32, #tpu.memory_space<vmem>>) dst(%dma_wait3A_100 : memref<128x32xf32, #tpu.memory_space<vmem_shared>>)
        tpu.yield
      }) : () -> ()
    }
    %scan3A_11 = arith.constant 25 : i32
    %barrier3A = arith.constant 0 : index
    tpu.barrier barrier_id(%barrier3A)
    %mul3A_12 = arith.constant 198 : i32
    %mul3A_13 = arith.muli %add3A, %mul3A_12 : i32
    %run_scoped3A = arith.constant 0 : i32
    "tpu.region"() ({
      %run_scoped3A_73 = tpu.sem_alloc : memref<!tpu.dma_semaphore, #tpu.memory_space<semaphore_mem>>
      %dma_start3A = arith.constant 0 : i32
      %dma_start3A_74 = arith.constant 0 : i32
      %dma_start3A_75 = tpu.memref_slice %arg6[%run_scoped3A, %dma_start3A, %dma_start3A_74] : memref<2x3x128xi32, #tpu.memory_space<vmem>> -> memref<1x3x128xi32, #tpu.memory_space<vmem>>
      %dma_start3A_76 = tpu.memref_squeeze %dma_start3A_75 : memref<1x3x128xi32, #tpu.memory_space<vmem>> -> memref<3x128xi32, #tpu.memory_space<vmem>>
      %dma_start3A_77 = arith.constant 0 : i32
      %dma_start3A_78 = tpu.memref_slice %arg3[%mul3A_13, %dma_start3A_77] : memref<6336x128xi32, #tpu.memory_space<hbm>> -> memref<3x128xi32, #tpu.memory_space<hbm>>
      %dma_start3A_79 = arith.constant 0 : i32
      %dma_start3A_80 = arith.constant 0 : i32
      %dma_start3A_81 = tpu.memref_slice %arg6[%run_scoped3A, %dma_start3A_79, %dma_start3A_80] : memref<2x3x128xi32, #tpu.memory_space<vmem>> -> memref<1x3x128xi32, #tpu.memory_space<vmem>>
      %dma_start3A_82 = tpu.memref_squeeze %dma_start3A_81 : memref<1x3x128xi32, #tpu.memory_space<vmem>> -> memref<3x128xi32, #tpu.memory_space<vmem>>
      %dma_start3A_83 = arith.constant 0 : i32
      %dma_start3A_84 = tpu.memref_slice %arg3[%mul3A_13, %dma_start3A_83] : memref<6336x128xi32, #tpu.memory_space<hbm>> -> memref<3x128xi32, #tpu.memory_space<hbm>>
      tpu.enqueue_dma source(%dma_start3A_84 : memref<3x128xi32, #tpu.memory_space<hbm>>) target(%dma_start3A_82 : memref<3x128xi32, #tpu.memory_space<vmem>>) target_semaphore(%run_scoped3A_73 : memref<!tpu.dma_semaphore, #tpu.memory_space<semaphore_mem>>)
      %dma_wait3A_85 = arith.constant 0 : i32
      %dma_wait3A_86 = arith.constant 0 : i32
      %dma_wait3A_87 = tpu.memref_slice %arg6[%run_scoped3A, %dma_wait3A_85, %dma_wait3A_86] : memref<2x3x128xi32, #tpu.memory_space<vmem>> -> memref<1x3x128xi32, #tpu.memory_space<vmem>>
      %dma_wait3A_88 = tpu.memref_squeeze %dma_wait3A_87 : memref<1x3x128xi32, #tpu.memory_space<vmem>> -> memref<3x128xi32, #tpu.memory_space<vmem>>
      %dma_wait3A_89 = arith.constant 0 : i32
      %dma_wait3A_90 = tpu.memref_slice %arg3[%mul3A_13, %dma_wait3A_89] : memref<6336x128xi32, #tpu.memory_space<hbm>> -> memref<3x128xi32, #tpu.memory_space<hbm>>
      %dma_wait3A_91 = arith.constant 0 : i32
      %dma_wait3A_92 = arith.constant 0 : i32
      %dma_wait3A_93 = tpu.memref_slice %arg6[%run_scoped3A, %dma_wait3A_91, %dma_wait3A_92] : memref<2x3x128xi32, #tpu.memory_space<vmem>> -> memref<1x3x128xi32, #tpu.memory_space<vmem>>
      %dma_wait3A_94 = tpu.memref_squeeze %dma_wait3A_93 : memref<1x3x128xi32, #tpu.memory_space<vmem>> -> memref<3x128xi32, #tpu.memory_space<vmem>>
      %dma_wait3A_95 = arith.constant 0 : i32
      %dma_wait3A_96 = tpu.memref_slice %arg3[%mul3A_13, %dma_wait3A_95] : memref<6336x128xi32, #tpu.memory_space<hbm>> -> memref<3x128xi32, #tpu.memory_space<hbm>>
      tpu.wait_dma2 semaphore(%run_scoped3A_73 : memref<!tpu.dma_semaphore, #tpu.memory_space<semaphore_mem>>) src(%dma_wait3A_96 : memref<3x128xi32, #tpu.memory_space<hbm>>) dst(%dma_wait3A_94 : memref<3x128xi32, #tpu.memory_space<vmem>>)
      tpu.yield
    }) : () -> ()
    %run_scoped3A_14 = arith.constant 0 : i32
    "tpu.region"() ({
      %run_scoped3A_73 = tpu.sem_alloc : memref<!tpu.dma_semaphore, #tpu.memory_space<semaphore_mem>>
      %dma_start3A = arith.constant 0 : i32
      %dma_start3A_74 = arith.constant 0 : i32
      %dma_start3A_75 = tpu.memref_slice %arg7[%run_scoped3A_14, %dma_start3A, %dma_start3A_74] : memref<2x3x128xi32, #tpu.memory_space<vmem>> -> memref<1x3x128xi32, #tpu.memory_space<vmem>>
      %dma_start3A_76 = tpu.memref_squeeze %dma_start3A_75 : memref<1x3x128xi32, #tpu.memory_space<vmem>> -> memref<3x128xi32, #tpu.memory_space<vmem>>
      %dma_start3A_77 = arith.constant 0 : i32
      %dma_start3A_78 = tpu.memref_slice %arg4[%mul3A_13, %dma_start3A_77] : memref<6336x128xi32, #tpu.memory_space<hbm>> -> memref<3x128xi32, #tpu.memory_space<hbm>>
      %dma_start3A_79 = arith.constant 0 : i32
      %dma_start3A_80 = arith.constant 0 : i32
      %dma_start3A_81 = tpu.memref_slice %arg7[%run_scoped3A_14, %dma_start3A_79, %dma_start3A_80] : memref<2x3x128xi32, #tpu.memory_space<vmem>> -> memref<1x3x128xi32, #tpu.memory_space<vmem>>
      %dma_start3A_82 = tpu.memref_squeeze %dma_start3A_81 : memref<1x3x128xi32, #tpu.memory_space<vmem>> -> memref<3x128xi32, #tpu.memory_space<vmem>>
      %dma_start3A_83 = arith.constant 0 : i32
      %dma_start3A_84 = tpu.memref_slice %arg4[%mul3A_13, %dma_start3A_83] : memref<6336x128xi32, #tpu.memory_space<hbm>> -> memref<3x128xi32, #tpu.memory_space<hbm>>
      tpu.enqueue_dma source(%dma_start3A_84 : memref<3x128xi32, #tpu.memory_space<hbm>>) target(%dma_start3A_82 : memref<3x128xi32, #tpu.memory_space<vmem>>) target_semaphore(%run_scoped3A_73 : memref<!tpu.dma_semaphore, #tpu.memory_space<semaphore_mem>>)
      %dma_wait3A_85 = arith.constant 0 : i32
      %dma_wait3A_86 = arith.constant 0 : i32
      %dma_wait3A_87 = tpu.memref_slice %arg7[%run_scoped3A_14, %dma_wait3A_85, %dma_wait3A_86] : memref<2x3x128xi32, #tpu.memory_space<vmem>> -> memref<1x3x128xi32, #tpu.memory_space<vmem>>
      %dma_wait3A_88 = tpu.memref_squeeze %dma_wait3A_87 : memref<1x3x128xi32, #tpu.memory_space<vmem>> -> memref<3x128xi32, #tpu.memory_space<vmem>>
      %dma_wait3A_89 = arith.constant 0 : i32
      %dma_wait3A_90 = tpu.memref_slice %arg4[%mul3A_13, %dma_wait3A_89] : memref<6336x128xi32, #tpu.memory_space<hbm>> -> memref<3x128xi32, #tpu.memory_space<hbm>>
      %dma_wait3A_91 = arith.constant 0 : i32
      %dma_wait3A_92 = arith.constant 0 : i32
      %dma_wait3A_93 = tpu.memref_slice %arg7[%run_scoped3A_14, %dma_wait3A_91, %dma_wait3A_92] : memref<2x3x128xi32, #tpu.memory_space<vmem>> -> memref<1x3x128xi32, #tpu.memory_space<vmem>>
      %dma_wait3A_94 = tpu.memref_squeeze %dma_wait3A_93 : memref<1x3x128xi32, #tpu.memory_space<vmem>> -> memref<3x128xi32, #tpu.memory_space<vmem>>
      %dma_wait3A_95 = arith.constant 0 : i32
      %dma_wait3A_96 = tpu.memref_slice %arg4[%mul3A_13, %dma_wait3A_95] : memref<6336x128xi32, #tpu.memory_space<hbm>> -> memref<3x128xi32, #tpu.memory_space<hbm>>
      tpu.wait_dma2 semaphore(%run_scoped3A_73 : memref<!tpu.dma_semaphore, #tpu.memory_space<semaphore_mem>>) src(%dma_wait3A_96 : memref<3x128xi32, #tpu.memory_space<hbm>>) dst(%dma_wait3A_94 : memref<3x128xi32, #tpu.memory_space<vmem>>)
      tpu.yield
    }) : () -> ()
    %scan3A_15 = arith.constant 0 : i32
    %scan3A_16 = arith.constant 0 : i32
    %scan3A_17 = arith.constant 66 : i32
    %scan3A_18 = arith.addi %scan3A_16, %scan3A_17 : i32
    %scan3A_19 = arith.constant 1 : i32
    scf.for %scan3A_73 = %scan3A_16 to %scan3A_18 step %scan3A_19  : i32 {
      %jit3A = arith.constant 2 : i32
      %eq3A = arith.constant 0 : i32
      %eq3A_74 = arith.cmpi eq, %jit3A, %eq3A : i32
      %jit3A_75 = arith.constant 1 : i32
      %select_n3A = arith.select %eq3A_74, %jit3A_75, %jit3A : i32
      %rem3A = arith.remsi %scan3A_73, %select_n3A : i32
      %ne3A = arith.constant 0 : i32
      %ne3A_76 = arith.cmpi ne, %rem3A, %ne3A : i32
      %lt3A = arith.constant 0 : i32
      %lt3A_77 = arith.cmpi slt, %rem3A, %lt3A : i32
      %lt3A_78 = arith.constant 0 : i32
      %lt3A_79 = arith.cmpi slt, %select_n3A, %lt3A_78 : i32
      %ne3A_80 = arith.xori %lt3A_77, %lt3A_79 : i1
      %and3A = arith.andi %ne3A_80, %ne3A_76 : i1
      %add3A_81 = arith.addi %rem3A, %select_n3A : i32
      %select_n3A_82 = arith.select %and3A, %add3A_81, %rem3A : i32
      %add3A_83 = arith.constant 1 : i32
      %add3A_84 = arith.addi %scan3A_73, %add3A_83 : i32
      %jit3A_85 = arith.constant 2 : i32
      %eq3A_86 = arith.constant 0 : i32
      %eq3A_87 = arith.cmpi eq, %jit3A_85, %eq3A_86 : i32
      %jit3A_88 = arith.constant 1 : i32
      %select_n3A_89 = arith.select %eq3A_87, %jit3A_88, %jit3A_85 : i32
      %rem3A_90 = arith.remsi %add3A_84, %select_n3A_89 : i32
      %ne3A_91 = arith.constant 0 : i32
      %ne3A_92 = arith.cmpi ne, %rem3A_90, %ne3A_91 : i32
      %lt3A_93 = arith.constant 0 : i32
      %lt3A_94 = arith.cmpi slt, %rem3A_90, %lt3A_93 : i32
      %lt3A_95 = arith.constant 0 : i32
      %lt3A_96 = arith.cmpi slt, %select_n3A_89, %lt3A_95 : i32
      %ne3A_97 = arith.xori %lt3A_94, %lt3A_96 : i1
      %and3A_98 = arith.andi %ne3A_97, %ne3A_92 : i1
      %add3A_99 = arith.addi %rem3A_90, %select_n3A_89 : i32
      %select_n3A_100 = arith.select %and3A_98, %add3A_99, %rem3A_90 : i32
      %ge3A = arith.constant 1 : i32
      %ge3A_101 = arith.cmpi sge, %scan3A_73, %ge3A : i32
      %convert_element_type3A = arith.extui %ge3A_101 : i1 to i32
      %cond3A = arith.constant 0 : i32
      %cond3A_102 = arith.cmpi ne, %convert_element_type3A, %cond3A : i32
      scf.if %cond3A_102 {
        %dma_wait3A_222 = arith.constant 0 : i32
        %dma_wait3A_223 = arith.constant 0 : i32
        %dma_wait3A_224 = tpu.memref_slice %arg6[%select_n3A_82, %dma_wait3A_222, %dma_wait3A_223] : memref<2x3x128xi32, #tpu.memory_space<vmem>> -> memref<1x3x128xi32, #tpu.memory_space<vmem>>
        %dma_wait3A_225 = tpu.memref_squeeze %dma_wait3A_224 : memref<1x3x128xi32, #tpu.memory_space<vmem>> -> memref<3x128xi32, #tpu.memory_space<vmem>>
        %dma_wait3A_226 = arith.constant 0 : i32
        %dma_wait3A_227 = tpu.memref_slice %arg3[%mul3A_13, %dma_wait3A_226] : memref<6336x128xi32, #tpu.memory_space<hbm>> -> memref<3x128xi32, #tpu.memory_space<hbm>>
        %dma_wait3A_228 = arith.constant 0 : i32
        %dma_wait3A_229 = arith.constant 0 : i32
        %dma_wait3A_230 = tpu.memref_slice %arg6[%select_n3A_82, %dma_wait3A_228, %dma_wait3A_229] : memref<2x3x128xi32, #tpu.memory_space<vmem>> -> memref<1x3x128xi32, #tpu.memory_space<vmem>>
        %dma_wait3A_231 = tpu.memref_squeeze %dma_wait3A_230 : memref<1x3x128xi32, #tpu.memory_space<vmem>> -> memref<3x128xi32, #tpu.memory_space<vmem>>
        %dma_wait3A_232 = arith.constant 0 : i32
        %dma_wait3A_233 = tpu.memref_slice %arg3[%mul3A_13, %dma_wait3A_232] : memref<6336x128xi32, #tpu.memory_space<hbm>> -> memref<3x128xi32, #tpu.memory_space<hbm>>
        tpu.wait_dma2 semaphore(%arg12 : memref<!tpu.dma_semaphore, #tpu.memory_space<semaphore_mem>>) src(%dma_wait3A_233 : memref<3x128xi32, #tpu.memory_space<hbm>>) dst(%dma_wait3A_231 : memref<3x128xi32, #tpu.memory_space<vmem>>)
        %dma_wait3A_234 = arith.constant 0 : i32
        %dma_wait3A_235 = arith.constant 0 : i32
        %dma_wait3A_236 = tpu.memref_slice %arg7[%select_n3A_82, %dma_wait3A_234, %dma_wait3A_235] : memref<2x3x128xi32, #tpu.memory_space<vmem>> -> memref<1x3x128xi32, #tpu.memory_space<vmem>>
        %dma_wait3A_237 = tpu.memref_squeeze %dma_wait3A_236 : memref<1x3x128xi32, #tpu.memory_space<vmem>> -> memref<3x128xi32, #tpu.memory_space<vmem>>
        %dma_wait3A_238 = arith.constant 0 : i32
        %dma_wait3A_239 = tpu.memref_slice %arg4[%mul3A_13, %dma_wait3A_238] : memref<6336x128xi32, #tpu.memory_space<hbm>> -> memref<3x128xi32, #tpu.memory_space<hbm>>
        %dma_wait3A_240 = arith.constant 0 : i32
        %dma_wait3A_241 = arith.constant 0 : i32
        %dma_wait3A_242 = tpu.memref_slice %arg7[%select_n3A_82, %dma_wait3A_240, %dma_wait3A_241] : memref<2x3x128xi32, #tpu.memory_space<vmem>> -> memref<1x3x128xi32, #tpu.memory_space<vmem>>
        %dma_wait3A_243 = tpu.memref_squeeze %dma_wait3A_242 : memref<1x3x128xi32, #tpu.memory_space<vmem>> -> memref<3x128xi32, #tpu.memory_space<vmem>>
        %dma_wait3A_244 = arith.constant 0 : i32
        %dma_wait3A_245 = tpu.memref_slice %arg4[%mul3A_13, %dma_wait3A_244] : memref<6336x128xi32, #tpu.memory_space<hbm>> -> memref<3x128xi32, #tpu.memory_space<hbm>>
        tpu.wait_dma2 semaphore(%arg13 : memref<!tpu.dma_semaphore, #tpu.memory_space<semaphore_mem>>) src(%dma_wait3A_245 : memref<3x128xi32, #tpu.memory_space<hbm>>) dst(%dma_wait3A_243 : memref<3x128xi32, #tpu.memory_space<vmem>>)
      } else {
      }
      %dma_start3A = arith.constant 0 : i32
      %dma_start3A_103 = arith.constant 0 : i32
      %dma_start3A_104 = arith.constant 0 : i32
      %dma_start3A_105 = arith.constant 0 : i32
      %dma_start3A_106 = tpu.memref_slice %arg8[%select_n3A_82, %dma_start3A_103, %dma_start3A_104, %dma_start3A_105] : memref<2x3x128x32xf32, #tpu.memory_space<vmem>> -> memref<1x1x128x32xf32, #tpu.memory_space<vmem>>
      %dma_start3A_107 = tpu.memref_squeeze %dma_start3A_106 : memref<1x1x128x32xf32, #tpu.memory_space<vmem>> -> memref<128x32xf32, #tpu.memory_space<vmem>>
      %dma_start3A_108 = arith.constant 0 : i32
      %dma_start3A_109 = tpu.memref_slice %arg6[%select_n3A_82, %dma_start3A, %dma_start3A_108] : memref<2x3x128xi32, #tpu.memory_space<vmem>> -> memref<1x1x128xi32, #tpu.memory_space<vmem>>
      %dma_start3A_110 = tpu.memref_squeeze %dma_start3A_109 : memref<1x1x128xi32, #tpu.memory_space<vmem>> -> memref<128xi32, #tpu.memory_space<vmem>>
      %dma_start3A_111 = arith.constant 0 : i32
      %dma_start3A_112 = arith.constant 0 : i32
      %dma_start3A_113 = tpu.memref_slice %arg2[%dma_start3A_111, %dma_start3A_112] : memref<51200x32xf32, #tpu.memory_space<hbm>> -> memref<51200x32xf32, #tpu.memory_space<hbm>>
      tpu.enqueue_indirect_dma source(%dma_start3A_113 : memref<51200x32xf32, #tpu.memory_space<hbm>>) target(%dma_start3A_107 : memref<128x32xf32, #tpu.memory_space<vmem>>) offsets(%dma_start3A_110 : memref<128xi32, #tpu.memory_space<vmem>>) semaphore(%arg10 : memref<!tpu.dma_semaphore, #tpu.memory_space<semaphore_mem>>)
      %dma_start3A_114 = arith.constant 1 : i32
      %dma_start3A_115 = arith.constant 1 : i32
      %dma_start3A_116 = arith.constant 0 : i32
      %dma_start3A_117 = arith.constant 0 : i32
      %dma_start3A_118 = tpu.memref_slice %arg8[%select_n3A_82, %dma_start3A_115, %dma_start3A_116, %dma_start3A_117] : memref<2x3x128x32xf32, #tpu.memory_space<vmem>> -> memref<1x1x128x32xf32, #tpu.memory_space<vmem>>
      %dma_start3A_119 = tpu.memref_squeeze %dma_start3A_118 : memref<1x1x128x32xf32, #tpu.memory_space<vmem>> -> memref<128x32xf32, #tpu.memory_space<vmem>>
      %dma_start3A_120 = arith.constant 0 : i32
      %dma_start3A_121 = tpu.memref_slice %arg6[%select_n3A_82, %dma_start3A_114, %dma_start3A_120] : memref<2x3x128xi32, #tpu.memory_space<vmem>> -> memref<1x1x128xi32, #tpu.memory_space<vmem>>
      %dma_start3A_122 = tpu.memref_squeeze %dma_start3A_121 : memref<1x1x128xi32, #tpu.memory_space<vmem>> -> memref<128xi32, #tpu.memory_space<vmem>>
      %dma_start3A_123 = arith.constant 0 : i32
      %dma_start3A_124 = arith.constant 0 : i32
      %dma_start3A_125 = tpu.memref_slice %arg2[%dma_start3A_123, %dma_start3A_124] : memref<51200x32xf32, #tpu.memory_space<hbm>> -> memref<51200x32xf32, #tpu.memory_space<hbm>>
      tpu.enqueue_indirect_dma source(%dma_start3A_125 : memref<51200x32xf32, #tpu.memory_space<hbm>>) target(%dma_start3A_119 : memref<128x32xf32, #tpu.memory_space<vmem>>) offsets(%dma_start3A_122 : memref<128xi32, #tpu.memory_space<vmem>>) semaphore(%arg10 : memref<!tpu.dma_semaphore, #tpu.memory_space<semaphore_mem>>)
      %dma_start3A_126 = arith.constant 2 : i32
      %dma_start3A_127 = arith.constant 2 : i32
      %dma_start3A_128 = arith.constant 0 : i32
      %dma_start3A_129 = arith.constant 0 : i32
      %dma_start3A_130 = tpu.memref_slice %arg8[%select_n3A_82, %dma_start3A_127, %dma_start3A_128, %dma_start3A_129] : memref<2x3x128x32xf32, #tpu.memory_space<vmem>> -> memref<1x1x128x32xf32, #tpu.memory_space<vmem>>
      %dma_start3A_131 = tpu.memref_squeeze %dma_start3A_130 : memref<1x1x128x32xf32, #tpu.memory_space<vmem>> -> memref<128x32xf32, #tpu.memory_space<vmem>>
      %dma_start3A_132 = arith.constant 0 : i32
      %dma_start3A_133 = tpu.memref_slice %arg6[%select_n3A_82, %dma_start3A_126, %dma_start3A_132] : memref<2x3x128xi32, #tpu.memory_space<vmem>> -> memref<1x1x128xi32, #tpu.memory_space<vmem>>
      %dma_start3A_134 = tpu.memref_squeeze %dma_start3A_133 : memref<1x1x128xi32, #tpu.memory_space<vmem>> -> memref<128xi32, #tpu.memory_space<vmem>>
      %dma_start3A_135 = arith.constant 0 : i32
      %dma_start3A_136 = arith.constant 0 : i32
      %dma_start3A_137 = tpu.memref_slice %arg2[%dma_start3A_135, %dma_start3A_136] : memref<51200x32xf32, #tpu.memory_space<hbm>> -> memref<51200x32xf32, #tpu.memory_space<hbm>>
      tpu.enqueue_indirect_dma source(%dma_start3A_137 : memref<51200x32xf32, #tpu.memory_space<hbm>>) target(%dma_start3A_131 : memref<128x32xf32, #tpu.memory_space<vmem>>) offsets(%dma_start3A_134 : memref<128xi32, #tpu.memory_space<vmem>>) semaphore(%arg10 : memref<!tpu.dma_semaphore, #tpu.memory_space<semaphore_mem>>)
      %dma_wait3A_138 = arith.constant 0 : i32
      %dma_wait3A_139 = arith.constant 0 : i32
      %dma_wait3A_140 = arith.constant 0 : i32
      %dma_wait3A_141 = arith.constant 0 : i32
      %dma_wait3A_142 = tpu.memref_slice %arg8[%select_n3A_82, %dma_wait3A_139, %dma_wait3A_140, %dma_wait3A_141] : memref<2x3x128x32xf32, #tpu.memory_space<vmem>> -> memref<1x1x128x32xf32, #tpu.memory_space<vmem>>
      %dma_wait3A_143 = tpu.memref_squeeze %dma_wait3A_142 : memref<1x1x128x32xf32, #tpu.memory_space<vmem>> -> memref<128x32xf32, #tpu.memory_space<vmem>>
      %dma_wait3A_144 = arith.constant 0 : i32
      %dma_wait3A_145 = tpu.memref_slice %arg6[%select_n3A_82, %dma_wait3A_138, %dma_wait3A_144] : memref<2x3x128xi32, #tpu.memory_space<vmem>> -> memref<1x1x128xi32, #tpu.memory_space<vmem>>
      %dma_wait3A_146 = tpu.memref_squeeze %dma_wait3A_145 : memref<1x1x128xi32, #tpu.memory_space<vmem>> -> memref<128xi32, #tpu.memory_space<vmem>>
      %dma_wait3A_147 = arith.constant 0 : i32
      %dma_wait3A_148 = arith.constant 0 : i32
      %dma_wait3A_149 = tpu.memref_slice %arg2[%dma_wait3A_147, %dma_wait3A_148] : memref<51200x32xf32, #tpu.memory_space<hbm>> -> memref<51200x32xf32, #tpu.memory_space<hbm>>
      tpu.wait_indirect_dma semaphore(%arg10 : memref<!tpu.dma_semaphore, #tpu.memory_space<semaphore_mem>>) src(%dma_wait3A_149 : memref<51200x32xf32, #tpu.memory_space<hbm>>) dst(%dma_wait3A_143 : memref<128x32xf32, #tpu.memory_space<vmem>>)
      %dma_wait3A_150 = arith.constant 1 : i32
      %dma_wait3A_151 = arith.constant 1 : i32
      %dma_wait3A_152 = arith.constant 0 : i32
      %dma_wait3A_153 = arith.constant 0 : i32
      %dma_wait3A_154 = tpu.memref_slice %arg8[%select_n3A_82, %dma_wait3A_151, %dma_wait3A_152, %dma_wait3A_153] : memref<2x3x128x32xf32, #tpu.memory_space<vmem>> -> memref<1x1x128x32xf32, #tpu.memory_space<vmem>>
      %dma_wait3A_155 = tpu.memref_squeeze %dma_wait3A_154 : memref<1x1x128x32xf32, #tpu.memory_space<vmem>> -> memref<128x32xf32, #tpu.memory_space<vmem>>
      %dma_wait3A_156 = arith.constant 0 : i32
      %dma_wait3A_157 = tpu.memref_slice %arg6[%select_n3A_82, %dma_wait3A_150, %dma_wait3A_156] : memref<2x3x128xi32, #tpu.memory_space<vmem>> -> memref<1x1x128xi32, #tpu.memory_space<vmem>>
      %dma_wait3A_158 = tpu.memref_squeeze %dma_wait3A_157 : memref<1x1x128xi32, #tpu.memory_space<vmem>> -> memref<128xi32, #tpu.memory_space<vmem>>
      %dma_wait3A_159 = arith.constant 0 : i32
      %dma_wait3A_160 = arith.constant 0 : i32
      %dma_wait3A_161 = tpu.memref_slice %arg2[%dma_wait3A_159, %dma_wait3A_160] : memref<51200x32xf32, #tpu.memory_space<hbm>> -> memref<51200x32xf32, #tpu.memory_space<hbm>>
      tpu.wait_indirect_dma semaphore(%arg10 : memref<!tpu.dma_semaphore, #tpu.memory_space<semaphore_mem>>) src(%dma_wait3A_161 : memref<51200x32xf32, #tpu.memory_space<hbm>>) dst(%dma_wait3A_155 : memref<128x32xf32, #tpu.memory_space<vmem>>)
      %dma_wait3A_162 = arith.constant 2 : i32
      %dma_wait3A_163 = arith.constant 2 : i32
      %dma_wait3A_164 = arith.constant 0 : i32
      %dma_wait3A_165 = arith.constant 0 : i32
      %dma_wait3A_166 = tpu.memref_slice %arg8[%select_n3A_82, %dma_wait3A_163, %dma_wait3A_164, %dma_wait3A_165] : memref<2x3x128x32xf32, #tpu.memory_space<vmem>> -> memref<1x1x128x32xf32, #tpu.memory_space<vmem>>
      %dma_wait3A_167 = tpu.memref_squeeze %dma_wait3A_166 : memref<1x1x128x32xf32, #tpu.memory_space<vmem>> -> memref<128x32xf32, #tpu.memory_space<vmem>>
      %dma_wait3A_168 = arith.constant 0 : i32
      %dma_wait3A_169 = tpu.memref_slice %arg6[%select_n3A_82, %dma_wait3A_162, %dma_wait3A_168] : memref<2x3x128xi32, #tpu.memory_space<vmem>> -> memref<1x1x128xi32, #tpu.memory_space<vmem>>
      %dma_wait3A_170 = tpu.memref_squeeze %dma_wait3A_169 : memref<1x1x128xi32, #tpu.memory_space<vmem>> -> memref<128xi32, #tpu.memory_space<vmem>>
      %dma_wait3A_171 = arith.constant 0 : i32
      %dma_wait3A_172 = arith.constant 0 : i32
      %dma_wait3A_173 = tpu.memref_slice %arg2[%dma_wait3A_171, %dma_wait3A_172] : memref<51200x32xf32, #tpu.memory_space<hbm>> -> memref<51200x32xf32, #tpu.memory_space<hbm>>
      tpu.wait_indirect_dma semaphore(%arg10 : memref<!tpu.dma_semaphore, #tpu.memory_space<semaphore_mem>>) src(%dma_wait3A_173 : memref<51200x32xf32, #tpu.memory_space<hbm>>) dst(%dma_wait3A_167 : memref<128x32xf32, #tpu.memory_space<vmem>>)
      %ge3A_174 = arith.constant 1 : i32
      %ge3A_175 = arith.cmpi sge, %scan3A_73, %ge3A_174 : i32
      %convert_element_type3A_176 = arith.extui %ge3A_175 : i1 to i32
      %cond3A_177 = arith.constant 0 : i32
      %cond3A_178 = arith.cmpi ne, %convert_element_type3A_176, %cond3A_177 : i32
      scf.if %cond3A_178 {
        %dma_wait3A_222 = arith.constant 0 : i32
        %dma_wait3A_223 = arith.constant 0 : i32
        %dma_wait3A_224 = arith.constant 0 : i32
        %dma_wait3A_225 = tpu.memref_slice %arg8[%select_n3A_100, %dma_wait3A_222, %dma_wait3A_223, %dma_wait3A_224] : memref<2x3x128x32xf32, #tpu.memory_space<vmem>> -> memref<1x1x128x32xf32, #tpu.memory_space<vmem>>
        %dma_wait3A_226 = tpu.memref_squeeze %dma_wait3A_225 : memref<1x1x128x32xf32, #tpu.memory_space<vmem>> -> memref<128x32xf32, #tpu.memory_space<vmem>>
        %dma_wait3A_227 = arith.constant 0 : i32
        %dma_wait3A_228 = arith.constant 0 : i32
        %dma_wait3A_229 = tpu.memref_slice %arg2[%dma_wait3A_227, %dma_wait3A_228] : memref<51200x32xf32, #tpu.memory_space<hbm>> -> memref<128x32xf32, #tpu.memory_space<hbm>>
        %dma_wait3A_230 = arith.constant 0 : i32
        %dma_wait3A_231 = arith.constant 0 : i32
        %dma_wait3A_232 = tpu.memref_slice %arg8[%select_n3A_100, %dma_wait3A_222, %dma_wait3A_230, %dma_wait3A_231] : memref<2x3x128x32xf32, #tpu.memory_space<vmem>> -> memref<1x1x128x32xf32, #tpu.memory_space<vmem>>
        %dma_wait3A_233 = tpu.memref_squeeze %dma_wait3A_232 : memref<1x1x128x32xf32, #tpu.memory_space<vmem>> -> memref<128x32xf32, #tpu.memory_space<vmem>>
        %dma_wait3A_234 = arith.constant 0 : i32
        %dma_wait3A_235 = arith.constant 0 : i32
        %dma_wait3A_236 = tpu.memref_slice %arg2[%dma_wait3A_234, %dma_wait3A_235] : memref<51200x32xf32, #tpu.memory_space<hbm>> -> memref<128x32xf32, #tpu.memory_space<hbm>>
        tpu.wait_dma2 semaphore(%arg11 : memref<!tpu.dma_semaphore, #tpu.memory_space<semaphore_mem>>) src(%dma_wait3A_236 : memref<128x32xf32, #tpu.memory_space<hbm>>) dst(%dma_wait3A_233 : memref<128x32xf32, #tpu.memory_space<vmem>>)
        %dma_wait3A_237 = arith.constant 1 : i32
        %dma_wait3A_238 = arith.constant 0 : i32
        %dma_wait3A_239 = arith.constant 0 : i32
        %dma_wait3A_240 = tpu.memref_slice %arg8[%select_n3A_100, %dma_wait3A_237, %dma_wait3A_238, %dma_wait3A_239] : memref<2x3x128x32xf32, #tpu.memory_space<vmem>> -> memref<1x1x128x32xf32, #tpu.memory_space<vmem>>
        %dma_wait3A_241 = tpu.memref_squeeze %dma_wait3A_240 : memref<1x1x128x32xf32, #tpu.memory_space<vmem>> -> memref<128x32xf32, #tpu.memory_space<vmem>>
        %dma_wait3A_242 = arith.constant 0 : i32
        %dma_wait3A_243 = arith.constant 0 : i32
        %dma_wait3A_244 = tpu.memref_slice %arg2[%dma_wait3A_242, %dma_wait3A_243] : memref<51200x32xf32, #tpu.memory_space<hbm>> -> memref<128x32xf32, #tpu.memory_space<hbm>>
        %dma_wait3A_245 = arith.constant 0 : i32
        %dma_wait3A_246 = arith.constant 0 : i32
        %dma_wait3A_247 = tpu.memref_slice %arg8[%select_n3A_100, %dma_wait3A_237, %dma_wait3A_245, %dma_wait3A_246] : memref<2x3x128x32xf32, #tpu.memory_space<vmem>> -> memref<1x1x128x32xf32, #tpu.memory_space<vmem>>
        %dma_wait3A_248 = tpu.memref_squeeze %dma_wait3A_247 : memref<1x1x128x32xf32, #tpu.memory_space<vmem>> -> memref<128x32xf32, #tpu.memory_space<vmem>>
        %dma_wait3A_249 = arith.constant 0 : i32
        %dma_wait3A_250 = arith.constant 0 : i32
        %dma_wait3A_251 = tpu.memref_slice %arg2[%dma_wait3A_249, %dma_wait3A_250] : memref<51200x32xf32, #tpu.memory_space<hbm>> -> memref<128x32xf32, #tpu.memory_space<hbm>>
        tpu.wait_dma2 semaphore(%arg11 : memref<!tpu.dma_semaphore, #tpu.memory_space<semaphore_mem>>) src(%dma_wait3A_251 : memref<128x32xf32, #tpu.memory_space<hbm>>) dst(%dma_wait3A_248 : memref<128x32xf32, #tpu.memory_space<vmem>>)
        %dma_wait3A_252 = arith.constant 2 : i32
        %dma_wait3A_253 = arith.constant 0 : i32
        %dma_wait3A_254 = arith.constant 0 : i32
        %dma_wait3A_255 = tpu.memref_slice %arg8[%select_n3A_100, %dma_wait3A_252, %dma_wait3A_253, %dma_wait3A_254] : memref<2x3x128x32xf32, #tpu.memory_space<vmem>> -> memref<1x1x128x32xf32, #tpu.memory_space<vmem>>
        %dma_wait3A_256 = tpu.memref_squeeze %dma_wait3A_255 : memref<1x1x128x32xf32, #tpu.memory_space<vmem>> -> memref<128x32xf32, #tpu.memory_space<vmem>>
        %dma_wait3A_257 = arith.constant 0 : i32
        %dma_wait3A_258 = arith.constant 0 : i32
        %dma_wait3A_259 = tpu.memref_slice %arg2[%dma_wait3A_257, %dma_wait3A_258] : memref<51200x32xf32, #tpu.memory_space<hbm>> -> memref<128x32xf32, #tpu.memory_space<hbm>>
        %dma_wait3A_260 = arith.constant 0 : i32
        %dma_wait3A_261 = arith.constant 0 : i32
        %dma_wait3A_262 = tpu.memref_slice %arg8[%select_n3A_100, %dma_wait3A_252, %dma_wait3A_260, %dma_wait3A_261] : memref<2x3x128x32xf32, #tpu.memory_space<vmem>> -> memref<1x1x128x32xf32, #tpu.memory_space<vmem>>
        %dma_wait3A_263 = tpu.memref_squeeze %dma_wait3A_262 : memref<1x1x128x32xf32, #tpu.memory_space<vmem>> -> memref<128x32xf32, #tpu.memory_space<vmem>>
        %dma_wait3A_264 = arith.constant 0 : i32
        %dma_wait3A_265 = arith.constant 0 : i32
        %dma_wait3A_266 = tpu.memref_slice %arg2[%dma_wait3A_264, %dma_wait3A_265] : memref<51200x32xf32, #tpu.memory_space<hbm>> -> memref<128x32xf32, #tpu.memory_space<hbm>>
        tpu.wait_dma2 semaphore(%arg11 : memref<!tpu.dma_semaphore, #tpu.memory_space<semaphore_mem>>) src(%dma_wait3A_266 : memref<128x32xf32, #tpu.memory_space<hbm>>) dst(%dma_wait3A_263 : memref<128x32xf32, #tpu.memory_space<vmem>>)
      } else {
      }
      %add3A_179 = arith.constant 1 : i32
      %add3A_180 = arith.addi %scan3A_73, %add3A_179 : i32
      %lt3A_181 = arith.constant 66 : i32
      %lt3A_182 = arith.cmpi slt, %add3A_180, %lt3A_181 : i32
      %convert_element_type3A_183 = arith.extui %lt3A_182 : i1 to i32
      %cond3A_184 = arith.constant 0 : i32
      %cond3A_185 = arith.cmpi ne, %convert_element_type3A_183, %cond3A_184 : i32
      scf.if %cond3A_185 {
        %add3A_222 = arith.constant 1 : i32
        %add3A_223 = arith.addi %scan3A_73, %add3A_222 : i32
        %mul3A_224 = arith.constant 3 : i32
        %mul3A_225 = arith.muli %add3A_223, %mul3A_224 : i32
        %add3A_226 = arith.addi %mul3A_13, %mul3A_225 : i32
        %dma_start3A_227 = arith.constant 0 : i32
        %dma_start3A_228 = arith.constant 0 : i32
        %dma_start3A_229 = tpu.memref_slice %arg6[%select_n3A_100, %dma_start3A_227, %dma_start3A_228] : memref<2x3x128xi32, #tpu.memory_space<vmem>> -> memref<1x3x128xi32, #tpu.memory_space<vmem>>
        %dma_start3A_230 = tpu.memref_squeeze %dma_start3A_229 : memref<1x3x128xi32, #tpu.memory_space<vmem>> -> memref<3x128xi32, #tpu.memory_space<vmem>>
        %dma_start3A_231 = arith.constant 0 : i32
        %dma_start3A_232 = tpu.memref_slice %arg3[%add3A_226, %dma_start3A_231] : memref<6336x128xi32, #tpu.memory_space<hbm>> -> memref<3x128xi32, #tpu.memory_space<hbm>>
        %dma_start3A_233 = arith.constant 0 : i32
        %dma_start3A_234 = arith.constant 0 : i32
        %dma_start3A_235 = tpu.memref_slice %arg6[%select_n3A_100, %dma_start3A_233, %dma_start3A_234] : memref<2x3x128xi32, #tpu.memory_space<vmem>> -> memref<1x3x128xi32, #tpu.memory_space<vmem>>
        %dma_start3A_236 = tpu.memref_squeeze %dma_start3A_235 : memref<1x3x128xi32, #tpu.memory_space<vmem>> -> memref<3x128xi32, #tpu.memory_space<vmem>>
        %dma_start3A_237 = arith.constant 0 : i32
        %dma_start3A_238 = tpu.memref_slice %arg3[%add3A_226, %dma_start3A_237] : memref<6336x128xi32, #tpu.memory_space<hbm>> -> memref<3x128xi32, #tpu.memory_space<hbm>>
        tpu.enqueue_dma source(%dma_start3A_238 : memref<3x128xi32, #tpu.memory_space<hbm>>) target(%dma_start3A_236 : memref<3x128xi32, #tpu.memory_space<vmem>>) target_semaphore(%arg12 : memref<!tpu.dma_semaphore, #tpu.memory_space<semaphore_mem>>)
        %dma_start3A_239 = arith.constant 0 : i32
        %dma_start3A_240 = arith.constant 0 : i32
        %dma_start3A_241 = tpu.memref_slice %arg7[%select_n3A_100, %dma_start3A_239, %dma_start3A_240] : memref<2x3x128xi32, #tpu.memory_space<vmem>> -> memref<1x3x128xi32, #tpu.memory_space<vmem>>
        %dma_start3A_242 = tpu.memref_squeeze %dma_start3A_241 : memref<1x3x128xi32, #tpu.memory_space<vmem>> -> memref<3x128xi32, #tpu.memory_space<vmem>>
        %dma_start3A_243 = arith.constant 0 : i32
        %dma_start3A_244 = tpu.memref_slice %arg4[%add3A_226, %dma_start3A_243] : memref<6336x128xi32, #tpu.memory_space<hbm>> -> memref<3x128xi32, #tpu.memory_space<hbm>>
        %dma_start3A_245 = arith.constant 0 : i32
        %dma_start3A_246 = arith.constant 0 : i32
        %dma_start3A_247 = tpu.memref_slice %arg7[%select_n3A_100, %dma_start3A_245, %dma_start3A_246] : memref<2x3x128xi32, #tpu.memory_space<vmem>> -> memref<1x3x128xi32, #tpu.memory_space<vmem>>
        %dma_start3A_248 = tpu.memref_squeeze %dma_start3A_247 : memref<1x3x128xi32, #tpu.memory_space<vmem>> -> memref<3x128xi32, #tpu.memory_space<vmem>>
        %dma_start3A_249 = arith.constant 0 : i32
        %dma_start3A_250 = tpu.memref_slice %arg4[%add3A_226, %dma_start3A_249] : memref<6336x128xi32, #tpu.memory_space<hbm>> -> memref<3x128xi32, #tpu.memory_space<hbm>>
        tpu.enqueue_dma source(%dma_start3A_250 : memref<3x128xi32, #tpu.memory_space<hbm>>) target(%dma_start3A_248 : memref<3x128xi32, #tpu.memory_space<vmem>>) target_semaphore(%arg13 : memref<!tpu.dma_semaphore, #tpu.memory_space<semaphore_mem>>)
      } else {
      }
      %dma_start3A_186 = arith.constant 0 : i32
      %dma_start3A_187 = arith.constant 0 : i32
      %dma_start3A_188 = arith.constant 0 : i32
      %dma_start3A_189 = arith.constant 0 : i32
      %dma_start3A_190 = tpu.memref_slice %arg8[%select_n3A_82, %dma_start3A_186, %dma_start3A_188, %dma_start3A_189] : memref<2x3x128x32xf32, #tpu.memory_space<vmem>> -> memref<1x1x128x32xf32, #tpu.memory_space<vmem>>
      %dma_start3A_191 = tpu.memref_squeeze %dma_start3A_190 : memref<1x1x128x32xf32, #tpu.memory_space<vmem>> -> memref<128x32xf32, #tpu.memory_space<vmem>>
      %dma_start3A_192 = arith.constant 0 : i32
      %dma_start3A_193 = tpu.memref_slice %arg7[%select_n3A_82, %dma_start3A_187, %dma_start3A_192] : memref<2x3x128xi32, #tpu.memory_space<vmem>> -> memref<1x1x128xi32, #tpu.memory_space<vmem>>
      %dma_start3A_194 = tpu.memref_squeeze %dma_start3A_193 : memref<1x1x128xi32, #tpu.memory_space<vmem>> -> memref<128xi32, #tpu.memory_space<vmem>>
      %dma_start3A_195 = arith.constant 0 : i32
      %dma_start3A_196 = arith.constant 0 : i32
      %dma_start3A_197 = tpu.memref_slice %arg9[%dma_start3A_195, %dma_start3A_196] : memref<51200x32xf32, #tpu.memory_space<vmem_shared>> -> memref<51200x32xf32, #tpu.memory_space<vmem_shared>>
      tpu.enqueue_indirect_dma source(%dma_start3A_191 : memref<128x32xf32, #tpu.memory_space<vmem>>) target(%dma_start3A_197 : memref<51200x32xf32, #tpu.memory_space<vmem_shared>>) offsets(%dma_start3A_194 : memref<128xi32, #tpu.memory_space<vmem>>) semaphore(%arg11 : memref<!tpu.dma_semaphore, #tpu.memory_space<semaphore_mem>>) {add = true}
      %dma_start3A_198 = arith.constant 1 : i32
      %dma_start3A_199 = arith.constant 1 : i32
      %dma_start3A_200 = arith.constant 0 : i32
      %dma_start3A_201 = arith.constant 0 : i32
      %dma_start3A_202 = tpu.memref_slice %arg8[%select_n3A_82, %dma_start3A_198, %dma_start3A_200, %dma_start3A_201] : memref<2x3x128x32xf32, #tpu.memory_space<vmem>> -> memref<1x1x128x32xf32, #tpu.memory_space<vmem>>
      %dma_start3A_203 = tpu.memref_squeeze %dma_start3A_202 : memref<1x1x128x32xf32, #tpu.memory_space<vmem>> -> memref<128x32xf32, #tpu.memory_space<vmem>>
      %dma_start3A_204 = arith.constant 0 : i32
      %dma_start3A_205 = tpu.memref_slice %arg7[%select_n3A_82, %dma_start3A_199, %dma_start3A_204] : memref<2x3x128xi32, #tpu.memory_space<vmem>> -> memref<1x1x128xi32, #tpu.memory_space<vmem>>
      %dma_start3A_206 = tpu.memref_squeeze %dma_start3A_205 : memref<1x1x128xi32, #tpu.memory_space<vmem>> -> memref<128xi32, #tpu.memory_space<vmem>>
      %dma_start3A_207 = arith.constant 0 : i32
      %dma_start3A_208 = arith.constant 0 : i32
      %dma_start3A_209 = tpu.memref_slice %arg9[%dma_start3A_207, %dma_start3A_208] : memref<51200x32xf32, #tpu.memory_space<vmem_shared>> -> memref<51200x32xf32, #tpu.memory_space<vmem_shared>>
      tpu.enqueue_indirect_dma source(%dma_start3A_203 : memref<128x32xf32, #tpu.memory_space<vmem>>) target(%dma_start3A_209 : memref<51200x32xf32, #tpu.memory_space<vmem_shared>>) offsets(%dma_start3A_206 : memref<128xi32, #tpu.memory_space<vmem>>) semaphore(%arg11 : memref<!tpu.dma_semaphore, #tpu.memory_space<semaphore_mem>>) {add = true}
      %dma_start3A_210 = arith.constant 2 : i32
      %dma_start3A_211 = arith.constant 2 : i32
      %dma_start3A_212 = arith.constant 0 : i32
      %dma_start3A_213 = arith.constant 0 : i32
      %dma_start3A_214 = tpu.memref_slice %arg8[%select_n3A_82, %dma_start3A_210, %dma_start3A_212, %dma_start3A_213] : memref<2x3x128x32xf32, #tpu.memory_space<vmem>> -> memref<1x1x128x32xf32, #tpu.memory_space<vmem>>
      %dma_start3A_215 = tpu.memref_squeeze %dma_start3A_214 : memref<1x1x128x32xf32, #tpu.memory_space<vmem>> -> memref<128x32xf32, #tpu.memory_space<vmem>>
      %dma_start3A_216 = arith.constant 0 : i32
      %dma_start3A_217 = tpu.memref_slice %arg7[%select_n3A_82, %dma_start3A_211, %dma_start3A_216] : memref<2x3x128xi32, #tpu.memory_space<vmem>> -> memref<1x1x128xi32, #tpu.memory_space<vmem>>
      %dma_start3A_218 = tpu.memref_squeeze %dma_start3A_217 : memref<1x1x128xi32, #tpu.memory_space<vmem>> -> memref<128xi32, #tpu.memory_space<vmem>>
      %dma_start3A_219 = arith.constant 0 : i32
      %dma_start3A_220 = arith.constant 0 : i32
      %dma_start3A_221 = tpu.memref_slice %arg9[%dma_start3A_219, %dma_start3A_220] : memref<51200x32xf32, #tpu.memory_space<vmem_shared>> -> memref<51200x32xf32, #tpu.memory_space<vmem_shared>>
      tpu.enqueue_indirect_dma source(%dma_start3A_215 : memref<128x32xf32, #tpu.memory_space<vmem>>) target(%dma_start3A_221 : memref<51200x32xf32, #tpu.memory_space<vmem_shared>>) offsets(%dma_start3A_218 : memref<128xi32, #tpu.memory_space<vmem>>) semaphore(%arg11 : memref<!tpu.dma_semaphore, #tpu.memory_space<semaphore_mem>>) {add = true}
    }
    %scan3A_20 = arith.constant 66 : i32
    %dma_wait3A = arith.constant 1 : i32
    %dma_wait3A_21 = arith.constant 0 : i32
    %dma_wait3A_22 = arith.constant 0 : i32
    %dma_wait3A_23 = arith.constant 0 : i32
    %dma_wait3A_24 = tpu.memref_slice %arg8[%dma_wait3A, %dma_wait3A_21, %dma_wait3A_22, %dma_wait3A_23] : memref<2x3x128x32xf32, #tpu.memory_space<vmem>> -> memref<1x1x128x32xf32, #tpu.memory_space<vmem>>
    %dma_wait3A_25 = tpu.memref_squeeze %dma_wait3A_24 : memref<1x1x128x32xf32, #tpu.memory_space<vmem>> -> memref<128x32xf32, #tpu.memory_space<vmem>>
    %dma_wait3A_26 = arith.constant 0 : i32
    %dma_wait3A_27 = arith.constant 0 : i32
    %dma_wait3A_28 = tpu.memref_slice %arg2[%dma_wait3A_26, %dma_wait3A_27] : memref<51200x32xf32, #tpu.memory_space<hbm>> -> memref<128x32xf32, #tpu.memory_space<hbm>>
    %dma_wait3A_29 = arith.constant 0 : i32
    %dma_wait3A_30 = arith.constant 0 : i32
    %dma_wait3A_31 = tpu.memref_slice %arg8[%dma_wait3A, %dma_wait3A_21, %dma_wait3A_29, %dma_wait3A_30] : memref<2x3x128x32xf32, #tpu.memory_space<vmem>> -> memref<1x1x128x32xf32, #tpu.memory_space<vmem>>
    %dma_wait3A_32 = tpu.memref_squeeze %dma_wait3A_31 : memref<1x1x128x32xf32, #tpu.memory_space<vmem>> -> memref<128x32xf32, #tpu.memory_space<vmem>>
    %dma_wait3A_33 = arith.constant 0 : i32
    %dma_wait3A_34 = arith.constant 0 : i32
    %dma_wait3A_35 = tpu.memref_slice %arg2[%dma_wait3A_33, %dma_wait3A_34] : memref<51200x32xf32, #tpu.memory_space<hbm>> -> memref<128x32xf32, #tpu.memory_space<hbm>>
    tpu.wait_dma2 semaphore(%arg11 : memref<!tpu.dma_semaphore, #tpu.memory_space<semaphore_mem>>) src(%dma_wait3A_35 : memref<128x32xf32, #tpu.memory_space<hbm>>) dst(%dma_wait3A_32 : memref<128x32xf32, #tpu.memory_space<vmem>>)
    %dma_wait3A_36 = arith.constant 1 : i32
    %dma_wait3A_37 = arith.constant 1 : i32
    %dma_wait3A_38 = arith.constant 0 : i32
    %dma_wait3A_39 = arith.constant 0 : i32
    %dma_wait3A_40 = tpu.memref_slice %arg8[%dma_wait3A_36, %dma_wait3A_37, %dma_wait3A_38, %dma_wait3A_39] : memref<2x3x128x32xf32, #tpu.memory_space<vmem>> -> memref<1x1x128x32xf32, #tpu.memory_space<vmem>>
    %dma_wait3A_41 = tpu.memref_squeeze %dma_wait3A_40 : memref<1x1x128x32xf32, #tpu.memory_space<vmem>> -> memref<128x32xf32, #tpu.memory_space<vmem>>
    %dma_wait3A_42 = arith.constant 0 : i32
    %dma_wait3A_43 = arith.constant 0 : i32
    %dma_wait3A_44 = tpu.memref_slice %arg2[%dma_wait3A_42, %dma_wait3A_43] : memref<51200x32xf32, #tpu.memory_space<hbm>> -> memref<128x32xf32, #tpu.memory_space<hbm>>
    %dma_wait3A_45 = arith.constant 0 : i32
    %dma_wait3A_46 = arith.constant 0 : i32
    %dma_wait3A_47 = tpu.memref_slice %arg8[%dma_wait3A_36, %dma_wait3A_37, %dma_wait3A_45, %dma_wait3A_46] : memref<2x3x128x32xf32, #tpu.memory_space<vmem>> -> memref<1x1x128x32xf32, #tpu.memory_space<vmem>>
    %dma_wait3A_48 = tpu.memref_squeeze %dma_wait3A_47 : memref<1x1x128x32xf32, #tpu.memory_space<vmem>> -> memref<128x32xf32, #tpu.memory_space<vmem>>
    %dma_wait3A_49 = arith.constant 0 : i32
    %dma_wait3A_50 = arith.constant 0 : i32
    %dma_wait3A_51 = tpu.memref_slice %arg2[%dma_wait3A_49, %dma_wait3A_50] : memref<51200x32xf32, #tpu.memory_space<hbm>> -> memref<128x32xf32, #tpu.memory_space<hbm>>
    tpu.wait_dma2 semaphore(%arg11 : memref<!tpu.dma_semaphore, #tpu.memory_space<semaphore_mem>>) src(%dma_wait3A_51 : memref<128x32xf32, #tpu.memory_space<hbm>>) dst(%dma_wait3A_48 : memref<128x32xf32, #tpu.memory_space<vmem>>)
    %dma_wait3A_52 = arith.constant 1 : i32
    %dma_wait3A_53 = arith.constant 2 : i32
    %dma_wait3A_54 = arith.constant 0 : i32
    %dma_wait3A_55 = arith.constant 0 : i32
    %dma_wait3A_56 = tpu.memref_slice %arg8[%dma_wait3A_52, %dma_wait3A_53, %dma_wait3A_54, %dma_wait3A_55] : memref<2x3x128x32xf32, #tpu.memory_space<vmem>> -> memref<1x1x128x32xf32, #tpu.memory_space<vmem>>
    %dma_wait3A_57 = tpu.memref_squeeze %dma_wait3A_56 : memref<1x1x128x32xf32, #tpu.memory_space<vmem>> -> memref<128x32xf32, #tpu.memory_space<vmem>>
    %dma_wait3A_58 = arith.constant 0 : i32
    %dma_wait3A_59 = arith.constant 0 : i32
    %dma_wait3A_60 = tpu.memref_slice %arg2[%dma_wait3A_58, %dma_wait3A_59] : memref<51200x32xf32, #tpu.memory_space<hbm>> -> memref<128x32xf32, #tpu.memory_space<hbm>>
    %dma_wait3A_61 = arith.constant 0 : i32
    %dma_wait3A_62 = arith.constant 0 : i32
    %dma_wait3A_63 = tpu.memref_slice %arg8[%dma_wait3A_52, %dma_wait3A_53, %dma_wait3A_61, %dma_wait3A_62] : memref<2x3x128x32xf32, #tpu.memory_space<vmem>> -> memref<1x1x128x32xf32, #tpu.memory_space<vmem>>
    %dma_wait3A_64 = tpu.memref_squeeze %dma_wait3A_63 : memref<1x1x128x32xf32, #tpu.memory_space<vmem>> -> memref<128x32xf32, #tpu.memory_space<vmem>>
    %dma_wait3A_65 = arith.constant 0 : i32
    %dma_wait3A_66 = arith.constant 0 : i32
    %dma_wait3A_67 = tpu.memref_slice %arg2[%dma_wait3A_65, %dma_wait3A_66] : memref<51200x32xf32, #tpu.memory_space<hbm>> -> memref<128x32xf32, #tpu.memory_space<hbm>>
    tpu.wait_dma2 semaphore(%arg11 : memref<!tpu.dma_semaphore, #tpu.memory_space<semaphore_mem>>) src(%dma_wait3A_67 : memref<128x32xf32, #tpu.memory_space<hbm>>) dst(%dma_wait3A_64 : memref<128x32xf32, #tpu.memory_space<vmem>>)
    %barrier3A_68 = arith.constant 0 : index
    tpu.barrier barrier_id(%barrier3A_68)
    %mul3A_69 = arith.constant 3200 : i32
    %mul3A_70 = arith.muli %arg1, %mul3A_69 : i32
    %mul3A_71 = arith.constant 3200 : i32
    %mul3A_72 = arith.muli %arg1, %mul3A_71 : i32
    "tpu.region"() ({
      %run_scoped3A_73 = tpu.sem_alloc : memref<!tpu.dma_semaphore, #tpu.memory_space<semaphore_mem>>
      %dma_start3A = arith.constant 0 : i32
      %dma_start3A_74 = tpu.memref_slice %arg5[%arg0, %mul3A_72, %dma_start3A] : memref<2x51200x32xf32, #tpu.memory_space<hbm>> -> memref<1x3200x32xf32, #tpu.memory_space<hbm>>
      %dma_start3A_75 = tpu.memref_squeeze %dma_start3A_74 : memref<1x3200x32xf32, #tpu.memory_space<hbm>> -> memref<3200x32xf32, #tpu.memory_space<hbm>>
      %dma_start3A_76 = arith.constant 0 : i32
      %dma_start3A_77 = tpu.memref_slice %arg9[%mul3A_70, %dma_start3A_76] : memref<51200x32xf32, #tpu.memory_space<vmem_shared>> -> memref<3200x32xf32, #tpu.memory_space<vmem_shared>>
      tpu.enqueue_dma source(%dma_start3A_77 : memref<3200x32xf32, #tpu.memory_space<vmem_shared>>) target(%dma_start3A_75 : memref<3200x32xf32, #tpu.memory_space<hbm>>) target_semaphore(%run_scoped3A_73 : memref<!tpu.dma_semaphore, #tpu.memory_space<semaphore_mem>>)
      %dma_wait3A_78 = arith.constant 0 : i32
      %dma_wait3A_79 = tpu.memref_slice %arg5[%arg0, %mul3A_72, %dma_wait3A_78] : memref<2x51200x32xf32, #tpu.memory_space<hbm>> -> memref<1x3200x32xf32, #tpu.memory_space<hbm>>
      %dma_wait3A_80 = tpu.memref_squeeze %dma_wait3A_79 : memref<1x3200x32xf32, #tpu.memory_space<hbm>> -> memref<3200x32xf32, #tpu.memory_space<hbm>>
      %dma_wait3A_81 = arith.constant 0 : i32
      %dma_wait3A_82 = tpu.memref_slice %arg9[%mul3A_70, %dma_wait3A_81] : memref<51200x32xf32, #tpu.memory_space<vmem_shared>> -> memref<3200x32xf32, #tpu.memory_space<vmem_shared>>
      tpu.wait_dma2 semaphore(%run_scoped3A_73 : memref<!tpu.dma_semaphore, #tpu.memory_space<semaphore_mem>>) src(%dma_wait3A_82 : memref<3200x32xf32, #tpu.memory_space<vmem_shared>>) dst(%dma_wait3A_80 : memref<3200x32xf32, #tpu.memory_space<hbm>>)
      tpu.yield
    }) : () -> ()
    return
  }
}

module attributes {stable_mosaic.version = 14 : i64} {
  func.func @body(%arg0: i32, %arg1: i32, %arg2: memref<3200x64xf32, #tpu.memory_space<vmem>>, %arg3: memref<3200x2xf32, #tpu.memory_space<vmem>>, %arg4: memref<3200x32xf32, #tpu.memory_space<vmem>>) attributes {dimension_semantics = [#tpu.dimension_semantics<arbitrary>, #tpu.dimension_semantics<arbitrary>], iteration_bounds = array<i64: 2, 16>, scalar_prefetch = 0 : i64, scratch_operands = 0 : i64, tpu.core_type = #tpu.core_type<tc>, window_params = [{transform_indices = @transform_0, window_bounds = array<i64: 3200, 64>}, {transform_indices = @transform_1, window_bounds = array<i64: 3200, 2>}, {transform_indices = @transform_2, window_bounds = array<i64: 3200, 32>}]} {
    %get3A = arith.constant 0 : index
    %get3A_0 = arith.constant 0 : index
    %get3A_1 = vector.load %arg3[%get3A, %get3A_0] : memref<3200x2xf32, #tpu.memory_space<vmem>>, vector<3200x1xf32>
    %get3A_2 = arith.constant 0 : index
    %get3A_3 = arith.constant 1 : index
    %get3A_4 = vector.load %arg3[%get3A_2, %get3A_3] : memref<3200x2xf32, #tpu.memory_space<vmem>>, vector<3200x1xf32>
    %add3A = arith.addf %get3A_1, %get3A_4 : vector<3200x1xf32>
    %add3A_5 = arith.constant 1.000000e+00 : f32
    %add3A_6 = vector.broadcast %add3A_5 : f32 to vector<3200x1xf32>
    %add3A_7 = arith.addf %add3A, %add3A_6 : vector<3200x1xf32>
    %rsqrt3A = math.rsqrt %add3A_7 : vector<3200x1xf32>
    %get3A_8 = arith.constant 0 : index
    %get3A_9 = arith.constant 0 : index
    %get3A_10 = vector.load %arg2[%get3A_8, %get3A_9] : memref<3200x64xf32, #tpu.memory_space<vmem>>, vector<3200x64xf32>
    %eq3A = arith.constant 0 : i32
    %eq3A_11 = arith.cmpi eq, %arg0, %eq3A : i32
    %slice3A = vector.extract_strided_slice %get3A_10 {offsets = [0, 0], sizes = [3200, 32], strides = [1, 1]} : vector<3200x64xf32> to vector<3200x32xf32>
    %slice3A_12 = vector.extract_strided_slice %get3A_10 {offsets = [0, 32], sizes = [3200, 32], strides = [1, 1]} : vector<3200x64xf32> to vector<3200x32xf32>
    %select_n3A = arith.select %eq3A_11, %slice3A, %slice3A_12 : vector<3200x32xf32>
    %mul3A = vector.broadcast %rsqrt3A : vector<3200x1xf32> to vector<3200x32xf32>
    %mul3A_13 = arith.mulf %select_n3A, %mul3A : vector<3200x32xf32>
    %swap3A = arith.constant 0 : index
    %swap3A_14 = arith.constant 0 : index
    %swap3A_15 = vector.load %arg4[%swap3A, %swap3A_14] : memref<3200x32xf32, #tpu.memory_space<vmem>>, vector<3200x32xf32>
    tpu.vector_store %arg4[%swap3A, %swap3A_14], %mul3A_13 {strides = array<i32>} : memref<3200x32xf32, #tpu.memory_space<vmem>>, vector<3200x32xf32>,
    return
  }
  func.func @transform_0(%arg0: i32, %arg1: i32) -> (i32, i32) {
    %c0_i32 = arith.constant 0 : i32
    %c0_i32_0 = arith.constant 0 : i32
    return %arg1, %c0_i32 : i32, i32
  }
  func.func @transform_1(%arg0: i32, %arg1: i32) -> (i32, i32) {
    %c0_i32 = arith.constant 0 : i32
    %c0_i32_0 = arith.constant 0 : i32
    return %arg1, %c0_i32 : i32, i32
  }
  func.func @transform_2(%arg0: i32, %arg1: i32) -> (i32, i32) {
    %mul3A = arith.constant 16 : i32
    %mul3A_0 = arith.muli %arg0, %mul3A : i32
    %add3A = arith.addi %mul3A_0, %arg1 : i32
    %c0_i32 = arith.constant 0 : i32
    %c0_i32_1 = arith.constant 0 : i32
    return %add3A, %c0_i32 : i32, i32
  }
}

module attributes {stable_mosaic.version = 14 : i64} {
  func.func @body(%arg0: i32, %arg1: memref<2x32x3200xf32, #tpu.memory_space<vmem>>, %arg2: memref<64x3200xf32, #tpu.memory_space<vmem>>, %arg3: memref<2x3200xf32, #tpu.memory_space<vmem>>, %arg4: memref<96x16xf32, #tpu.memory_space<vmem>>, %arg5: memref<96x1xf32, #tpu.memory_space<vmem>>, %arg6: memref<32x64xf32, #tpu.memory_space<vmem>>, %arg7: memref<32x64xf32, #tpu.memory_space<vmem>>, %arg8: memref<32x64xf32, #tpu.memory_space<vmem>>, %arg9: memref<32x1xf32, #tpu.memory_space<vmem>>, %arg10: memref<32x1xf32, #tpu.memory_space<vmem>>, %arg11: memref<32x1xf32, #tpu.memory_space<vmem>>, %arg12: memref<1x4xf32, #tpu.memory_space<vmem>>, %arg13: memref<32x3200xf32, #tpu.memory_space<vmem>>, %arg14: memref<4x3200xf32, #tpu.memory_space<vmem>>) attributes {dimension_semantics = [#tpu.dimension_semantics<arbitrary>], iteration_bounds = array<i64: 16>, scalar_prefetch = 0 : i64, scratch_operands = 0 : i64, tpu.core_type = #tpu.core_type<tc>, window_params = [{transform_indices = @transform_0, window_bounds = array<i64: 2, 32, 3200>}, {transform_indices = @transform_1, window_bounds = array<i64: 64, 3200>}, {transform_indices = @transform_2, window_bounds = array<i64: 2, 3200>}, {pipeline_mode = #tpu.pipeline_mode<synchronous>, transform_indices = @transform_3, window_bounds = array<i64: 96, 16>}, {pipeline_mode = #tpu.pipeline_mode<synchronous>, transform_indices = @transform_4, window_bounds = array<i64: 96, 1>}, {pipeline_mode = #tpu.pipeline_mode<synchronous>, transform_indices = @transform_5, window_bounds = array<i64: 32, 64>}, {pipeline_mode = #tpu.pipeline_mode<synchronous>, transform_indices = @transform_6, window_bounds = array<i64: 32, 64>}, {pipeline_mode = #tpu.pipeline_mode<synchronous>, transform_indices = @transform_7, window_bounds = array<i64: 32, 64>}, {pipeline_mode = #tpu.pipeline_mode<synchronous>, transform_indices = @transform_8, window_bounds = array<i64: 32, 1>}, {pipeline_mode = #tpu.pipeline_mode<synchronous>, transform_indices = @transform_9, window_bounds = array<i64: 32, 1>}, {pipeline_mode = #tpu.pipeline_mode<synchronous>, transform_indices = @transform_10, window_bounds = array<i64: 32, 1>}, {pipeline_mode = #tpu.pipeline_mode<synchronous>, transform_indices = @transform_11, window_bounds = array<i64: 1, 4>}, {transform_indices = @transform_12, window_bounds = array<i64: 32, 3200>}, {transform_indices = @transform_13, window_bounds = array<i64: 4, 3200>}]} {
    %get3A = arith.constant 0 : index
    %get3A_0 = arith.constant 0 : index
    %get3A_1 = vector.load %arg3[%get3A, %get3A_0] : memref<2x3200xf32, #tpu.memory_space<vmem>>, vector<1x3200xf32>
    %get3A_2 = arith.constant 1 : index
    %get3A_3 = arith.constant 0 : index
    %get3A_4 = vector.load %arg3[%get3A_2, %get3A_3] : memref<2x3200xf32, #tpu.memory_space<vmem>>, vector<1x3200xf32>
    %add3A = arith.addf %get3A_1, %get3A_4 : vector<1x3200xf32>
    %add3A_5 = arith.constant 1.000000e+00 : f32
    %add3A_6 = vector.broadcast %add3A_5 : f32 to vector<1x3200xf32>
    %add3A_7 = arith.addf %add3A, %add3A_6 : vector<1x3200xf32>
    %rsqrt3A = math.rsqrt %add3A_7 : vector<1x3200xf32>
    %get3A_8 = arith.constant 0 : index
    %get3A_9 = arith.constant 0 : index
    %get3A_10 = arith.constant 0 : index
    %get3A_11 = vector.load %arg1[%get3A_8, %get3A_9, %get3A_10] : memref<2x32x3200xf32, #tpu.memory_space<vmem>>, vector<1x32x3200xf32>
    %get3A_12 = vector.shape_cast %get3A_11 : vector<1x32x3200xf32> to vector<32x3200xf32>
    %get3A_13 = arith.constant 1 : index
    %get3A_14 = arith.constant 0 : index
    %get3A_15 = arith.constant 0 : index
    %get3A_16 = vector.load %arg1[%get3A_13, %get3A_14, %get3A_15] : memref<2x32x3200xf32, #tpu.memory_space<vmem>>, vector<1x32x3200xf32>
    %get3A_17 = vector.shape_cast %get3A_16 : vector<1x32x3200xf32> to vector<32x3200xf32>
    %concatenate3A = tpu.concatenate %get3A_12, %get3A_17 in 0 : vector<32x3200xf32>, vector<32x3200xf32> -> vector<64x3200xf32>
    %mul3A = vector.broadcast %rsqrt3A : vector<1x3200xf32> to vector<64x3200xf32>
    %mul3A_18 = arith.mulf %concatenate3A, %mul3A : vector<64x3200xf32>
    %get3A_19 = arith.constant 0 : index
    %get3A_20 = arith.constant 0 : index
    %get3A_21 = vector.load %arg2[%get3A_19, %get3A_20] : memref<64x3200xf32, #tpu.memory_space<vmem>>, vector<64x3200xf32>
    %mul3A_22 = arith.mulf %rsqrt3A, %rsqrt3A : vector<1x3200xf32>
    %mul3A_23 = vector.broadcast %mul3A_22 : vector<1x3200xf32> to vector<64x3200xf32>
    %mul3A_24 = arith.mulf %get3A_21, %mul3A_23 : vector<64x3200xf32>
    %add3A_25 = arith.addf %mul3A_18, %mul3A_24 : vector<64x3200xf32>
    %get3A_26 = arith.constant 0 : index
    %get3A_27 = arith.constant 0 : index
    %get3A_28 = vector.load %arg12[%get3A_26, %get3A_27] : memref<1x4xf32, #tpu.memory_space<vmem>>, vector<1x4xf32>
    %reduce_max3A = vector.shape_cast %get3A_28 : vector<1x4xf32> to vector<1x1x4xf32>
    %reduce_max3A_29 = arith.constant dense<0xFF800000> : vector<1xf32>
    %reduce_max3A_30 = vector.multi_reduction <maximumf>, %reduce_max3A, %reduce_max3A_29 [1, 2] : vector<1x1x4xf32> to vector<1xf32>
    %reduce_max3A_31 = vector.shape_cast %reduce_max3A_30 : vector<1xf32> to vector<1x1x1xf32>
    %reduce_max3A_32 = vector.extract %reduce_max3A_31[0, 0, 0] : f32 from vector<1x1x1xf32>
    %sub3A = vector.broadcast %reduce_max3A_32 : f32 to vector<1x4xf32>
    %sub3A_33 = arith.subf %get3A_28, %sub3A : vector<1x4xf32>
    %exp3A = math.exp %sub3A_33 : vector<1x4xf32>
    %reduce_sum3A = vector.shape_cast %exp3A : vector<1x4xf32> to vector<1x1x4xf32>
    %reduce_sum3A_34 = arith.constant dense<0.000000e+00> : vector<1xf32>
    %reduce_sum3A_35 = vector.multi_reduction <add>, %reduce_sum3A, %reduce_sum3A_34 [1, 2] : vector<1x1x4xf32> to vector<1xf32>
    %reduce_sum3A_36 = vector.shape_cast %reduce_sum3A_35 : vector<1xf32> to vector<1x1x1xf32>
    %reduce_sum3A_37 = vector.extract %reduce_sum3A_36[0, 0, 0] : f32 from vector<1x1x1xf32>
    %div3A = vector.broadcast %reduce_sum3A_37 : f32 to vector<1x4xf32>
    %div3A_38 = arith.divf %exp3A, %div3A : vector<1x4xf32>
    %get3A_39 = arith.constant 0 : index
    %get3A_40 = arith.constant 0 : index
    %get3A_41 = vector.load %arg4[%get3A_39, %get3A_40] : memref<96x16xf32, #tpu.memory_space<vmem>>, vector<96x16xf32>
    %get3A_42 = arith.constant 0 : index
    %get3A_43 = arith.constant 0 : index
    %get3A_44 = vector.load %arg5[%get3A_42, %get3A_43] : memref<96x1xf32, #tpu.memory_space<vmem>>, vector<96x1xf32>
    %get3A_45 = arith.constant 0 : index
    %get3A_46 = arith.constant 0 : index
    %get3A_47 = vector.load %arg6[%get3A_45, %get3A_46] : memref<32x64xf32, #tpu.memory_space<vmem>>, vector<32x64xf32>
    %get3A_48 = arith.constant 0 : index
    %get3A_49 = arith.constant 0 : index
    %get3A_50 = vector.load %arg7[%get3A_48, %get3A_49] : memref<32x64xf32, #tpu.memory_space<vmem>>, vector<32x64xf32>
    %get3A_51 = arith.constant 0 : index
    %get3A_52 = arith.constant 0 : index
    %get3A_53 = vector.load %arg8[%get3A_51, %get3A_52] : memref<32x64xf32, #tpu.memory_space<vmem>>, vector<32x64xf32>
    %get3A_54 = arith.constant 0 : index
    %get3A_55 = arith.constant 0 : index
    %get3A_56 = vector.load %arg9[%get3A_54, %get3A_55] : memref<32x1xf32, #tpu.memory_space<vmem>>, vector<32x1xf32>
    %get3A_57 = arith.constant 0 : index
    %get3A_58 = arith.constant 0 : index
    %get3A_59 = vector.load %arg10[%get3A_57, %get3A_58] : memref<32x1xf32, #tpu.memory_space<vmem>>, vector<32x1xf32>
    %get3A_60 = arith.constant 0 : index
    %get3A_61 = arith.constant 0 : index
    %get3A_62 = vector.load %arg11[%get3A_60, %get3A_61] : memref<32x1xf32, #tpu.memory_space<vmem>>, vector<32x1xf32>
    %broadcast_in_dim3A = arith.constant 0.000000e+00 : f32
    %broadcast_in_dim3A_63 = vector.broadcast %broadcast_in_dim3A : f32 to vector<32x3200xf32>
    %broadcast_in_dim3A_64 = arith.constant 0.000000e+00 : f32
    %broadcast_in_dim3A_65 = vector.broadcast %broadcast_in_dim3A_64 : f32 to vector<32x3200xf32>
    %slice3A = vector.extract_strided_slice %add3A_25 {offsets = [0, 0], sizes = [16, 3200], strides = [1, 1]} : vector<64x3200xf32> to vector<16x3200xf32>
    %dot_general3A = arith.constant dense<0.000000e+00> : vector<96x3200xf32>
    %dot_general3A_66 = tpu.matmul %get3A_41, %slice3A, %dot_general3A {dimension_numbers = #tpu.dot_dimension_numbers<[1], [0], [0], [1], [0, 0, 1, 1], [], []>, precision = #tpu.contract_precision<fp32>, transpose_lhs_hint = false} : vector<96x16xf32>, vector<16x3200xf32>, vector<96x3200xf32> -> vector<96x3200xf32>
    %add3A_67 = vector.broadcast %get3A_44 : vector<96x1xf32> to vector<96x3200xf32>
    %add3A_68 = arith.addf %dot_general3A_66, %add3A_67 : vector<96x3200xf32>
    %slice3A_69 = vector.extract_strided_slice %add3A_68 {offsets = [0, 0], sizes = [32, 3200], strides = [1, 1]} : vector<96x3200xf32> to vector<32x3200xf32>
    %slice3A_70 = vector.extract_strided_slice %add3A_68 {offsets = [32, 0], sizes = [32, 3200], strides = [1, 1]} : vector<96x3200xf32> to vector<32x3200xf32>
    %slice3A_71 = vector.extract_strided_slice %add3A_68 {offsets = [64, 0], sizes = [32, 3200], strides = [1, 1]} : vector<96x3200xf32> to vector<32x3200xf32>
    %concatenate3A_72 = tpu.concatenate %slice3A_69, %broadcast_in_dim3A_63 in 0 : vector<32x3200xf32>, vector<32x3200xf32> -> vector<64x3200xf32>
    %convert_element_type3A = arith.truncf %get3A_47 : vector<32x64xf32> to vector<32x64xbf16>
    %convert_element_type3A_73 = arith.truncf %concatenate3A_72 : vector<64x3200xf32> to vector<64x3200xbf16>
    %dot_general3A_74 = arith.constant dense<0.000000e+00> : vector<32x3200xf32>
    %dot_general3A_75 = tpu.matmul %convert_element_type3A, %convert_element_type3A_73, %dot_general3A_74 {dimension_numbers = #tpu.dot_dimension_numbers<[1], [0], [0], [1], [0, 0, 1, 1], [], []>, transpose_lhs_hint = false} : vector<32x64xbf16>, vector<64x3200xbf16>, vector<32x3200xf32> -> vector<32x3200xf32>
    %add3A_76 = vector.broadcast %get3A_56 : vector<32x1xf32> to vector<32x3200xf32>
    %add3A_77 = arith.addf %dot_general3A_75, %add3A_76 : vector<32x3200xf32>
    %logistic3A = arith.negf %add3A_77 : vector<32x3200xf32>
    %logistic3A_78 = math.exp %logistic3A : vector<32x3200xf32>
    %logistic3A_79 = arith.constant 1.000000e+00 : f32
    %logistic3A_80 = vector.broadcast %logistic3A_79 : f32 to vector<32x3200xf32>
    %logistic3A_81 = arith.addf %logistic3A_80, %logistic3A_78 : vector<32x3200xf32>
    %logistic3A_82 = arith.divf %logistic3A_80, %logistic3A_81 : vector<32x3200xf32>
    %concatenate3A_83 = tpu.concatenate %slice3A_70, %broadcast_in_dim3A_63 in 0 : vector<32x3200xf32>, vector<32x3200xf32> -> vector<64x3200xf32>
    %convert_element_type3A_84 = arith.truncf %get3A_50 : vector<32x64xf32> to vector<32x64xbf16>
    %convert_element_type3A_85 = arith.truncf %concatenate3A_83 : vector<64x3200xf32> to vector<64x3200xbf16>
    %dot_general3A_86 = arith.constant dense<0.000000e+00> : vector<32x3200xf32>
    %dot_general3A_87 = tpu.matmul %convert_element_type3A_84, %convert_element_type3A_85, %dot_general3A_86 {dimension_numbers = #tpu.dot_dimension_numbers<[1], [0], [0], [1], [0, 0, 1, 1], [], []>, transpose_lhs_hint = false} : vector<32x64xbf16>, vector<64x3200xbf16>, vector<32x3200xf32> -> vector<32x3200xf32>
    %add3A_88 = vector.broadcast %get3A_59 : vector<32x1xf32> to vector<32x3200xf32>
    %add3A_89 = arith.addf %dot_general3A_87, %add3A_88 : vector<32x3200xf32>
    %logistic3A_90 = arith.negf %add3A_89 : vector<32x3200xf32>
    %logistic3A_91 = math.exp %logistic3A_90 : vector<32x3200xf32>
    %logistic3A_92 = arith.constant 1.000000e+00 : f32
    %logistic3A_93 = vector.broadcast %logistic3A_92 : f32 to vector<32x3200xf32>
    %logistic3A_94 = arith.addf %logistic3A_93, %logistic3A_91 : vector<32x3200xf32>
    %logistic3A_95 = arith.divf %logistic3A_93, %logistic3A_94 : vector<32x3200xf32>
    %mul3A_96 = arith.mulf %broadcast_in_dim3A_63, %logistic3A_95 : vector<32x3200xf32>
    %concatenate3A_97 = tpu.concatenate %slice3A_71, %mul3A_96 in 0 : vector<32x3200xf32>, vector<32x3200xf32> -> vector<64x3200xf32>
    %convert_element_type3A_98 = arith.truncf %get3A_53 : vector<32x64xf32> to vector<32x64xbf16>
    %convert_element_type3A_99 = arith.truncf %concatenate3A_97 : vector<64x3200xf32> to vector<64x3200xbf16>
    %dot_general3A_100 = arith.constant dense<0.000000e+00> : vector<32x3200xf32>
    %dot_general3A_101 = tpu.matmul %convert_element_type3A_98, %convert_element_type3A_99, %dot_general3A_100 {dimension_numbers = #tpu.dot_dimension_numbers<[1], [0], [0], [1], [0, 0, 1, 1], [], []>, transpose_lhs_hint = false} : vector<32x64xbf16>, vector<64x3200xbf16>, vector<32x3200xf32> -> vector<32x3200xf32>
    %add3A_102 = vector.broadcast %get3A_62 : vector<32x1xf32> to vector<32x3200xf32>
    %add3A_103 = arith.addf %dot_general3A_101, %add3A_102 : vector<32x3200xf32>
    %tanh3A = math.tanh %add3A_103 : vector<32x3200xf32>
    %mul3A_104 = arith.mulf %logistic3A_82, %broadcast_in_dim3A_63 : vector<32x3200xf32>
    %sub3A_105 = arith.constant 1.000000e+00 : f32
    %sub3A_106 = vector.broadcast %sub3A_105 : f32 to vector<32x3200xf32>
    %sub3A_107 = arith.subf %sub3A_106, %logistic3A_82 : vector<32x3200xf32>
    %mul3A_108 = arith.mulf %sub3A_107, %tanh3A : vector<32x3200xf32>
    %add3A_109 = arith.addf %mul3A_104, %mul3A_108 : vector<32x3200xf32>
    %slice3A_110 = vector.extract_strided_slice %div3A_38 {offsets = [0, 0], sizes = [1, 1], strides = [1, 1]} : vector<1x4xf32> to vector<1x1xf32>
    %mul3A_111 = vector.broadcast %slice3A_110 : vector<1x1xf32> to vector<32x3200xf32>
    %mul3A_112 = arith.mulf %mul3A_111, %add3A_109 : vector<32x3200xf32>
    %add3A_113 = arith.addf %broadcast_in_dim3A_65, %mul3A_112 : vector<32x3200xf32>
    %slice3A_114 = vector.extract_strided_slice %add3A_25 {offsets = [16, 0], sizes = [16, 3200], strides = [1, 1]} : vector<64x3200xf32> to vector<16x3200xf32>
    %dot_general3A_115 = arith.constant dense<0.000000e+00> : vector<96x3200xf32>
    %dot_general3A_116 = tpu.matmul %get3A_41, %slice3A_114, %dot_general3A_115 {dimension_numbers = #tpu.dot_dimension_numbers<[1], [0], [0], [1], [0, 0, 1, 1], [], []>, precision = #tpu.contract_precision<fp32>, transpose_lhs_hint = false} : vector<96x16xf32>, vector<16x3200xf32>, vector<96x3200xf32> -> vector<96x3200xf32>
    %add3A_117 = vector.broadcast %get3A_44 : vector<96x1xf32> to vector<96x3200xf32>
    %add3A_118 = arith.addf %dot_general3A_116, %add3A_117 : vector<96x3200xf32>
    %slice3A_119 = vector.extract_strided_slice %add3A_118 {offsets = [0, 0], sizes = [32, 3200], strides = [1, 1]} : vector<96x3200xf32> to vector<32x3200xf32>
    %slice3A_120 = vector.extract_strided_slice %add3A_118 {offsets = [32, 0], sizes = [32, 3200], strides = [1, 1]} : vector<96x3200xf32> to vector<32x3200xf32>
    %slice3A_121 = vector.extract_strided_slice %add3A_118 {offsets = [64, 0], sizes = [32, 3200], strides = [1, 1]} : vector<96x3200xf32> to vector<32x3200xf32>
    %concatenate3A_122 = tpu.concatenate %slice3A_119, %add3A_109 in 0 : vector<32x3200xf32>, vector<32x3200xf32> -> vector<64x3200xf32>
    %convert_element_type3A_123 = arith.truncf %get3A_47 : vector<32x64xf32> to vector<32x64xbf16>
    %convert_element_type3A_124 = arith.truncf %concatenate3A_122 : vector<64x3200xf32> to vector<64x3200xbf16>
    %dot_general3A_125 = arith.constant dense<0.000000e+00> : vector<32x3200xf32>
    %dot_general3A_126 = tpu.matmul %convert_element_type3A_123, %convert_element_type3A_124, %dot_general3A_125 {dimension_numbers = #tpu.dot_dimension_numbers<[1], [0], [0], [1], [0, 0, 1, 1], [], []>, transpose_lhs_hint = false} : vector<32x64xbf16>, vector<64x3200xbf16>, vector<32x3200xf32> -> vector<32x3200xf32>
    %add3A_127 = vector.broadcast %get3A_56 : vector<32x1xf32> to vector<32x3200xf32>
    %add3A_128 = arith.addf %dot_general3A_126, %add3A_127 : vector<32x3200xf32>
    %logistic3A_129 = arith.negf %add3A_128 : vector<32x3200xf32>
    %logistic3A_130 = math.exp %logistic3A_129 : vector<32x3200xf32>
    %logistic3A_131 = arith.constant 1.000000e+00 : f32
    %logistic3A_132 = vector.broadcast %logistic3A_131 : f32 to vector<32x3200xf32>
    %logistic3A_133 = arith.addf %logistic3A_132, %logistic3A_130 : vector<32x3200xf32>
    %logistic3A_134 = arith.divf %logistic3A_132, %logistic3A_133 : vector<32x3200xf32>
    %concatenate3A_135 = tpu.concatenate %slice3A_120, %add3A_109 in 0 : vector<32x3200xf32>, vector<32x3200xf32> -> vector<64x3200xf32>
    %convert_element_type3A_136 = arith.truncf %get3A_50 : vector<32x64xf32> to vector<32x64xbf16>
    %convert_element_type3A_137 = arith.truncf %concatenate3A_135 : vector<64x3200xf32> to vector<64x3200xbf16>
    %dot_general3A_138 = arith.constant dense<0.000000e+00> : vector<32x3200xf32>
    %dot_general3A_139 = tpu.matmul %convert_element_type3A_136, %convert_element_type3A_137, %dot_general3A_138 {dimension_numbers = #tpu.dot_dimension_numbers<[1], [0], [0], [1], [0, 0, 1, 1], [], []>, transpose_lhs_hint = false} : vector<32x64xbf16>, vector<64x3200xbf16>, vector<32x3200xf32> -> vector<32x3200xf32>
    %add3A_140 = vector.broadcast %get3A_59 : vector<32x1xf32> to vector<32x3200xf32>
    %add3A_141 = arith.addf %dot_general3A_139, %add3A_140 : vector<32x3200xf32>
    %logistic3A_142 = arith.negf %add3A_141 : vector<32x3200xf32>
    %logistic3A_143 = math.exp %logistic3A_142 : vector<32x3200xf32>
    %logistic3A_144 = arith.constant 1.000000e+00 : f32
    %logistic3A_145 = vector.broadcast %logistic3A_144 : f32 to vector<32x3200xf32>
    %logistic3A_146 = arith.addf %logistic3A_145, %logistic3A_143 : vector<32x3200xf32>
    %logistic3A_147 = arith.divf %logistic3A_145, %logistic3A_146 : vector<32x3200xf32>
    %mul3A_148 = arith.mulf %add3A_109, %logistic3A_147 : vector<32x3200xf32>
    %concatenate3A_149 = tpu.concatenate %slice3A_121, %mul3A_148 in 0 : vector<32x3200xf32>, vector<32x3200xf32> -> vector<64x3200xf32>
    %convert_element_type3A_150 = arith.truncf %get3A_53 : vector<32x64xf32> to vector<32x64xbf16>
    %convert_element_type3A_151 = arith.truncf %concatenate3A_149 : vector<64x3200xf32> to vector<64x3200xbf16>
    %dot_general3A_152 = arith.constant dense<0.000000e+00> : vector<32x3200xf32>
    %dot_general3A_153 = tpu.matmul %convert_element_type3A_150, %convert_element_type3A_151, %dot_general3A_152 {dimension_numbers = #tpu.dot_dimension_numbers<[1], [0], [0], [1], [0, 0, 1, 1], [], []>, transpose_lhs_hint = false} : vector<32x64xbf16>, vector<64x3200xbf16>, vector<32x3200xf32> -> vector<32x3200xf32>
    %add3A_154 = vector.broadcast %get3A_62 : vector<32x1xf32> to vector<32x3200xf32>
    %add3A_155 = arith.addf %dot_general3A_153, %add3A_154 : vector<32x3200xf32>
    %tanh3A_156 = math.tanh %add3A_155 : vector<32x3200xf32>
    %mul3A_157 = arith.mulf %logistic3A_134, %add3A_109 : vector<32x3200xf32>
    %sub3A_158 = arith.constant 1.000000e+00 : f32
    %sub3A_159 = vector.broadcast %sub3A_158 : f32 to vector<32x3200xf32>
    %sub3A_160 = arith.subf %sub3A_159, %logistic3A_134 : vector<32x3200xf32>
    %mul3A_161 = arith.mulf %sub3A_160, %tanh3A_156 : vector<32x3200xf32>
    %add3A_162 = arith.addf %mul3A_157, %mul3A_161 : vector<32x3200xf32>
    %slice3A_163 = vector.extract_strided_slice %div3A_38 {offsets = [0, 1], sizes = [1, 1], strides = [1, 1]} : vector<1x4xf32> to vector<1x1xf32>
    %mul3A_164 = vector.broadcast %slice3A_163 : vector<1x1xf32> to vector<32x3200xf32>
    %mul3A_165 = arith.mulf %mul3A_164, %add3A_162 : vector<32x3200xf32>
    %add3A_166 = arith.addf %add3A_113, %mul3A_165 : vector<32x3200xf32>
    %slice3A_167 = vector.extract_strided_slice %add3A_25 {offsets = [32, 0], sizes = [16, 3200], strides = [1, 1]} : vector<64x3200xf32> to vector<16x3200xf32>
    %dot_general3A_168 = arith.constant dense<0.000000e+00> : vector<96x3200xf32>
    %dot_general3A_169 = tpu.matmul %get3A_41, %slice3A_167, %dot_general3A_168 {dimension_numbers = #tpu.dot_dimension_numbers<[1], [0], [0], [1], [0, 0, 1, 1], [], []>, precision = #tpu.contract_precision<fp32>, transpose_lhs_hint = false} : vector<96x16xf32>, vector<16x3200xf32>, vector<96x3200xf32> -> vector<96x3200xf32>
    %add3A_170 = vector.broadcast %get3A_44 : vector<96x1xf32> to vector<96x3200xf32>
    %add3A_171 = arith.addf %dot_general3A_169, %add3A_170 : vector<96x3200xf32>
    %slice3A_172 = vector.extract_strided_slice %add3A_171 {offsets = [0, 0], sizes = [32, 3200], strides = [1, 1]} : vector<96x3200xf32> to vector<32x3200xf32>
    %slice3A_173 = vector.extract_strided_slice %add3A_171 {offsets = [32, 0], sizes = [32, 3200], strides = [1, 1]} : vector<96x3200xf32> to vector<32x3200xf32>
    %slice3A_174 = vector.extract_strided_slice %add3A_171 {offsets = [64, 0], sizes = [32, 3200], strides = [1, 1]} : vector<96x3200xf32> to vector<32x3200xf32>
    %concatenate3A_175 = tpu.concatenate %slice3A_172, %add3A_162 in 0 : vector<32x3200xf32>, vector<32x3200xf32> -> vector<64x3200xf32>
    %convert_element_type3A_176 = arith.truncf %get3A_47 : vector<32x64xf32> to vector<32x64xbf16>
    %convert_element_type3A_177 = arith.truncf %concatenate3A_175 : vector<64x3200xf32> to vector<64x3200xbf16>
    %dot_general3A_178 = arith.constant dense<0.000000e+00> : vector<32x3200xf32>
    %dot_general3A_179 = tpu.matmul %convert_element_type3A_176, %convert_element_type3A_177, %dot_general3A_178 {dimension_numbers = #tpu.dot_dimension_numbers<[1], [0], [0], [1], [0, 0, 1, 1], [], []>, transpose_lhs_hint = false} : vector<32x64xbf16>, vector<64x3200xbf16>, vector<32x3200xf32> -> vector<32x3200xf32>
    %add3A_180 = vector.broadcast %get3A_56 : vector<32x1xf32> to vector<32x3200xf32>
    %add3A_181 = arith.addf %dot_general3A_179, %add3A_180 : vector<32x3200xf32>
    %logistic3A_182 = arith.negf %add3A_181 : vector<32x3200xf32>
    %logistic3A_183 = math.exp %logistic3A_182 : vector<32x3200xf32>
    %logistic3A_184 = arith.constant 1.000000e+00 : f32
    %logistic3A_185 = vector.broadcast %logistic3A_184 : f32 to vector<32x3200xf32>
    %logistic3A_186 = arith.addf %logistic3A_185, %logistic3A_183 : vector<32x3200xf32>
    %logistic3A_187 = arith.divf %logistic3A_185, %logistic3A_186 : vector<32x3200xf32>
    %concatenate3A_188 = tpu.concatenate %slice3A_173, %add3A_162 in 0 : vector<32x3200xf32>, vector<32x3200xf32> -> vector<64x3200xf32>
    %convert_element_type3A_189 = arith.truncf %get3A_50 : vector<32x64xf32> to vector<32x64xbf16>
    %convert_element_type3A_190 = arith.truncf %concatenate3A_188 : vector<64x3200xf32> to vector<64x3200xbf16>
    %dot_general3A_191 = arith.constant dense<0.000000e+00> : vector<32x3200xf32>
    %dot_general3A_192 = tpu.matmul %convert_element_type3A_189, %convert_element_type3A_190, %dot_general3A_191 {dimension_numbers = #tpu.dot_dimension_numbers<[1], [0], [0], [1], [0, 0, 1, 1], [], []>, transpose_lhs_hint = false} : vector<32x64xbf16>, vector<64x3200xbf16>, vector<32x3200xf32> -> vector<32x3200xf32>
    %add3A_193 = vector.broadcast %get3A_59 : vector<32x1xf32> to vector<32x3200xf32>
    %add3A_194 = arith.addf %dot_general3A_192, %add3A_193 : vector<32x3200xf32>
    %logistic3A_195 = arith.negf %add3A_194 : vector<32x3200xf32>
    %logistic3A_196 = math.exp %logistic3A_195 : vector<32x3200xf32>
    %logistic3A_197 = arith.constant 1.000000e+00 : f32
    %logistic3A_198 = vector.broadcast %logistic3A_197 : f32 to vector<32x3200xf32>
    %logistic3A_199 = arith.addf %logistic3A_198, %logistic3A_196 : vector<32x3200xf32>
    %logistic3A_200 = arith.divf %logistic3A_198, %logistic3A_199 : vector<32x3200xf32>
    %mul3A_201 = arith.mulf %add3A_162, %logistic3A_200 : vector<32x3200xf32>
    %concatenate3A_202 = tpu.concatenate %slice3A_174, %mul3A_201 in 0 : vector<32x3200xf32>, vector<32x3200xf32> -> vector<64x3200xf32>
    %convert_element_type3A_203 = arith.truncf %get3A_53 : vector<32x64xf32> to vector<32x64xbf16>
    %convert_element_type3A_204 = arith.truncf %concatenate3A_202 : vector<64x3200xf32> to vector<64x3200xbf16>
    %dot_general3A_205 = arith.constant dense<0.000000e+00> : vector<32x3200xf32>
    %dot_general3A_206 = tpu.matmul %convert_element_type3A_203, %convert_element_type3A_204, %dot_general3A_205 {dimension_numbers = #tpu.dot_dimension_numbers<[1], [0], [0], [1], [0, 0, 1, 1], [], []>, transpose_lhs_hint = false} : vector<32x64xbf16>, vector<64x3200xbf16>, vector<32x3200xf32> -> vector<32x3200xf32>
    %add3A_207 = vector.broadcast %get3A_62 : vector<32x1xf32> to vector<32x3200xf32>
    %add3A_208 = arith.addf %dot_general3A_206, %add3A_207 : vector<32x3200xf32>
    %tanh3A_209 = math.tanh %add3A_208 : vector<32x3200xf32>
    %mul3A_210 = arith.mulf %logistic3A_187, %add3A_162 : vector<32x3200xf32>
    %sub3A_211 = arith.constant 1.000000e+00 : f32
    %sub3A_212 = vector.broadcast %sub3A_211 : f32 to vector<32x3200xf32>
    %sub3A_213 = arith.subf %sub3A_212, %logistic3A_187 : vector<32x3200xf32>
    %mul3A_214 = arith.mulf %sub3A_213, %tanh3A_209 : vector<32x3200xf32>
    %add3A_215 = arith.addf %mul3A_210, %mul3A_214 : vector<32x3200xf32>
    %slice3A_216 = vector.extract_strided_slice %div3A_38 {offsets = [0, 2], sizes = [1, 1], strides = [1, 1]} : vector<1x4xf32> to vector<1x1xf32>
    %mul3A_217 = vector.broadcast %slice3A_216 : vector<1x1xf32> to vector<32x3200xf32>
    %mul3A_218 = arith.mulf %mul3A_217, %add3A_215 : vector<32x3200xf32>
    %add3A_219 = arith.addf %add3A_166, %mul3A_218 : vector<32x3200xf32>
    %slice3A_220 = vector.extract_strided_slice %add3A_25 {offsets = [48, 0], sizes = [16, 3200], strides = [1, 1]} : vector<64x3200xf32> to vector<16x3200xf32>
    %dot_general3A_221 = arith.constant dense<0.000000e+00> : vector<96x3200xf32>
    %dot_general3A_222 = tpu.matmul %get3A_41, %slice3A_220, %dot_general3A_221 {dimension_numbers = #tpu.dot_dimension_numbers<[1], [0], [0], [1], [0, 0, 1, 1], [], []>, precision = #tpu.contract_precision<fp32>, transpose_lhs_hint = false} : vector<96x16xf32>, vector<16x3200xf32>, vector<96x3200xf32> -> vector<96x3200xf32>
    %add3A_223 = vector.broadcast %get3A_44 : vector<96x1xf32> to vector<96x3200xf32>
    %add3A_224 = arith.addf %dot_general3A_222, %add3A_223 : vector<96x3200xf32>
    %slice3A_225 = vector.extract_strided_slice %add3A_224 {offsets = [0, 0], sizes = [32, 3200], strides = [1, 1]} : vector<96x3200xf32> to vector<32x3200xf32>
    %slice3A_226 = vector.extract_strided_slice %add3A_224 {offsets = [32, 0], sizes = [32, 3200], strides = [1, 1]} : vector<96x3200xf32> to vector<32x3200xf32>
    %slice3A_227 = vector.extract_strided_slice %add3A_224 {offsets = [64, 0], sizes = [32, 3200], strides = [1, 1]} : vector<96x3200xf32> to vector<32x3200xf32>
    %concatenate3A_228 = tpu.concatenate %slice3A_225, %add3A_215 in 0 : vector<32x3200xf32>, vector<32x3200xf32> -> vector<64x3200xf32>
    %convert_element_type3A_229 = arith.truncf %get3A_47 : vector<32x64xf32> to vector<32x64xbf16>
    %convert_element_type3A_230 = arith.truncf %concatenate3A_228 : vector<64x3200xf32> to vector<64x3200xbf16>
    %dot_general3A_231 = arith.constant dense<0.000000e+00> : vector<32x3200xf32>
    %dot_general3A_232 = tpu.matmul %convert_element_type3A_229, %convert_element_type3A_230, %dot_general3A_231 {dimension_numbers = #tpu.dot_dimension_numbers<[1], [0], [0], [1], [0, 0, 1, 1], [], []>, transpose_lhs_hint = false} : vector<32x64xbf16>, vector<64x3200xbf16>, vector<32x3200xf32> -> vector<32x3200xf32>
    %add3A_233 = vector.broadcast %get3A_56 : vector<32x1xf32> to vector<32x3200xf32>
    %add3A_234 = arith.addf %dot_general3A_232, %add3A_233 : vector<32x3200xf32>
    %logistic3A_235 = arith.negf %add3A_234 : vector<32x3200xf32>
    %logistic3A_236 = math.exp %logistic3A_235 : vector<32x3200xf32>
    %logistic3A_237 = arith.constant 1.000000e+00 : f32
    %logistic3A_238 = vector.broadcast %logistic3A_237 : f32 to vector<32x3200xf32>
    %logistic3A_239 = arith.addf %logistic3A_238, %logistic3A_236 : vector<32x3200xf32>
    %logistic3A_240 = arith.divf %logistic3A_238, %logistic3A_239 : vector<32x3200xf32>
    %concatenate3A_241 = tpu.concatenate %slice3A_226, %add3A_215 in 0 : vector<32x3200xf32>, vector<32x3200xf32> -> vector<64x3200xf32>
    %convert_element_type3A_242 = arith.truncf %get3A_50 : vector<32x64xf32> to vector<32x64xbf16>
    %convert_element_type3A_243 = arith.truncf %concatenate3A_241 : vector<64x3200xf32> to vector<64x3200xbf16>
    %dot_general3A_244 = arith.constant dense<0.000000e+00> : vector<32x3200xf32>
    %dot_general3A_245 = tpu.matmul %convert_element_type3A_242, %convert_element_type3A_243, %dot_general3A_244 {dimension_numbers = #tpu.dot_dimension_numbers<[1], [0], [0], [1], [0, 0, 1, 1], [], []>, transpose_lhs_hint = false} : vector<32x64xbf16>, vector<64x3200xbf16>, vector<32x3200xf32> -> vector<32x3200xf32>
    %add3A_246 = vector.broadcast %get3A_59 : vector<32x1xf32> to vector<32x3200xf32>
    %add3A_247 = arith.addf %dot_general3A_245, %add3A_246 : vector<32x3200xf32>
    %logistic3A_248 = arith.negf %add3A_247 : vector<32x3200xf32>
    %logistic3A_249 = math.exp %logistic3A_248 : vector<32x3200xf32>
    %logistic3A_250 = arith.constant 1.000000e+00 : f32
    %logistic3A_251 = vector.broadcast %logistic3A_250 : f32 to vector<32x3200xf32>
    %logistic3A_252 = arith.addf %logistic3A_251, %logistic3A_249 : vector<32x3200xf32>
    %logistic3A_253 = arith.divf %logistic3A_251, %logistic3A_252 : vector<32x3200xf32>
    %mul3A_254 = arith.mulf %add3A_215, %logistic3A_253 : vector<32x3200xf32>
    %concatenate3A_255 = tpu.concatenate %slice3A_227, %mul3A_254 in 0 : vector<32x3200xf32>, vector<32x3200xf32> -> vector<64x3200xf32>
    %convert_element_type3A_256 = arith.truncf %get3A_53 : vector<32x64xf32> to vector<32x64xbf16>
    %convert_element_type3A_257 = arith.truncf %concatenate3A_255 : vector<64x3200xf32> to vector<64x3200xbf16>
    %dot_general3A_258 = arith.constant dense<0.000000e+00> : vector<32x3200xf32>
    %dot_general3A_259 = tpu.matmul %convert_element_type3A_256, %convert_element_type3A_257, %dot_general3A_258 {dimension_numbers = #tpu.dot_dimension_numbers<[1], [0], [0], [1], [0, 0, 1, 1], [], []>, transpose_lhs_hint = false} : vector<32x64xbf16>, vector<64x3200xbf16>, vector<32x3200xf32> -> vector<32x3200xf32>
    %add3A_260 = vector.broadcast %get3A_62 : vector<32x1xf32> to vector<32x3200xf32>
    %add3A_261 = arith.addf %dot_general3A_259, %add3A_260 : vector<32x3200xf32>
    %tanh3A_262 = math.tanh %add3A_261 : vector<32x3200xf32>
    %mul3A_263 = arith.mulf %logistic3A_240, %add3A_215 : vector<32x3200xf32>
    %sub3A_264 = arith.constant 1.000000e+00 : f32
    %sub3A_265 = vector.broadcast %sub3A_264 : f32 to vector<32x3200xf32>
    %sub3A_266 = arith.subf %sub3A_265, %logistic3A_240 : vector<32x3200xf32>
    %mul3A_267 = arith.mulf %sub3A_266, %tanh3A_262 : vector<32x3200xf32>
    %add3A_268 = arith.addf %mul3A_263, %mul3A_267 : vector<32x3200xf32>
    %slice3A_269 = vector.extract_strided_slice %div3A_38 {offsets = [0, 3], sizes = [1, 1], strides = [1, 1]} : vector<1x4xf32> to vector<1x1xf32>
    %mul3A_270 = vector.broadcast %slice3A_269 : vector<1x1xf32> to vector<32x3200xf32>
    %mul3A_271 = arith.mulf %mul3A_270, %add3A_268 : vector<32x3200xf32>
    %add3A_272 = arith.addf %add3A_219, %mul3A_271 : vector<32x3200xf32>
    %max3A = arith.constant 0.000000e+00 : f32
    %max3A_273 = vector.broadcast %max3A : f32 to vector<32x3200xf32>
    %max3A_274 = arith.maximumf %add3A_272, %max3A_273 : vector<32x3200xf32>
    %convert_element_type3A_275 = arith.truncf %max3A_274 : vector<32x3200xf32> to vector<32x3200xbf16>
    %convert_element_type3A_276 = arith.extf %convert_element_type3A_275 : vector<32x3200xbf16> to vector<32x3200xf32>
    %mul3A_277 = vector.broadcast %rsqrt3A : vector<1x3200xf32> to vector<32x3200xf32>
    %mul3A_278 = arith.mulf %convert_element_type3A_276, %mul3A_277 : vector<32x3200xf32>
    %swap3A = arith.constant 0 : index
    %swap3A_279 = arith.constant 0 : index
    %swap3A_280 = vector.load %arg13[%swap3A, %swap3A_279] : memref<32x3200xf32, #tpu.memory_space<vmem>>, vector<32x3200xf32>
    tpu.vector_store %arg13[%swap3A, %swap3A_279], %mul3A_278 {strides = array<i32>} : memref<32x3200xf32, #tpu.memory_space<vmem>>, vector<32x3200xf32>,
    %slice3A_281 = vector.extract_strided_slice %add3A_25 {offsets = [15, 0], sizes = [1, 3200], strides = [1, 1]} : vector<64x3200xf32> to vector<1x3200xf32>
    %slice3A_282 = vector.extract_strided_slice %add3A_25 {offsets = [31, 0], sizes = [1, 3200], strides = [1, 1]} : vector<64x3200xf32> to vector<1x3200xf32>
    %slice3A_283 = vector.extract_strided_slice %add3A_25 {offsets = [47, 0], sizes = [1, 3200], strides = [1, 1]} : vector<64x3200xf32> to vector<1x3200xf32>
    %slice3A_284 = vector.extract_strided_slice %add3A_25 {offsets = [63, 0], sizes = [1, 3200], strides = [1, 1]} : vector<64x3200xf32> to vector<1x3200xf32>
    %concatenate3A_285 = tpu.concatenate %slice3A_281, %slice3A_282, %slice3A_283, %slice3A_284 in 0 : vector<1x3200xf32>, vector<1x3200xf32>, vector<1x3200xf32>, vector<1x3200xf32> -> vector<4x3200xf32>
    %swap3A_286 = arith.constant 0 : index
    %swap3A_287 = arith.constant 0 : index
    %swap3A_288 = vector.load %arg14[%swap3A_286, %swap3A_287] : memref<4x3200xf32, #tpu.memory_space<vmem>>, vector<4x3200xf32>
    tpu.vector_store %arg14[%swap3A_286, %swap3A_287], %concatenate3A_285 {strides = array<i32>} : memref<4x3200xf32, #tpu.memory_space<vmem>>, vector<4x3200xf32>,
    return
  }
  func.func @transform_0(%arg0: i32) -> (i32, i32, i32) {
    %c0_i32 = arith.constant 0 : i32
    %c0_i32_0 = arith.constant 0 : i32
    %c0_i32_1 = arith.constant 0 : i32
    return %c0_i32, %c0_i32_0, %arg0 : i32, i32, i32
  }
  func.func @transform_1(%arg0: i32) -> (i32, i32) {
    %c0_i32 = arith.constant 0 : i32
    %c0_i32_0 = arith.constant 0 : i32
    return %c0_i32, %arg0 : i32, i32
  }
  func.func @transform_2(%arg0: i32) -> (i32, i32) {
    %c0_i32 = arith.constant 0 : i32
    %c0_i32_0 = arith.constant 0 : i32
    return %c0_i32, %arg0 : i32, i32
  }
  func.func @transform_3(%arg0: i32) -> (i32, i32) {
    %c0_i32 = arith.constant 0 : i32
    %c0_i32_0 = arith.constant 0 : i32
    %c0_i32_1 = arith.constant 0 : i32
    return %c0_i32, %c0_i32_0 : i32, i32
  }
  func.func @transform_4(%arg0: i32) -> (i32, i32) {
    %c0_i32 = arith.constant 0 : i32
    %c0_i32_0 = arith.constant 0 : i32
    %c0_i32_1 = arith.constant 0 : i32
    return %c0_i32, %c0_i32_0 : i32, i32
  }
  func.func @transform_5(%arg0: i32) -> (i32, i32) {
    %c0_i32 = arith.constant 0 : i32
    %c0_i32_0 = arith.constant 0 : i32
    %c0_i32_1 = arith.constant 0 : i32
    return %c0_i32, %c0_i32_0 : i32, i32
  }
  func.func @transform_6(%arg0: i32) -> (i32, i32) {
    %c0_i32 = arith.constant 0 : i32
    %c0_i32_0 = arith.constant 0 : i32
    %c0_i32_1 = arith.constant 0 : i32
    return %c0_i32, %c0_i32_0 : i32, i32
  }
  func.func @transform_7(%arg0: i32) -> (i32, i32) {
    %c0_i32 = arith.constant 0 : i32
    %c0_i32_0 = arith.constant 0 : i32
    %c0_i32_1 = arith.constant 0 : i32
    return %c0_i32, %c0_i32_0 : i32, i32
  }
  func.func @transform_8(%arg0: i32) -> (i32, i32) {
    %c0_i32 = arith.constant 0 : i32
    %c0_i32_0 = arith.constant 0 : i32
    %c0_i32_1 = arith.constant 0 : i32
    return %c0_i32, %c0_i32_0 : i32, i32
  }
  func.func @transform_9(%arg0: i32) -> (i32, i32) {
    %c0_i32 = arith.constant 0 : i32
    %c0_i32_0 = arith.constant 0 : i32
    %c0_i32_1 = arith.constant 0 : i32
    return %c0_i32, %c0_i32_0 : i32, i32
  }
  func.func @transform_10(%arg0: i32) -> (i32, i32) {
    %c0_i32 = arith.constant 0 : i32
    %c0_i32_0 = arith.constant 0 : i32
    %c0_i32_1 = arith.constant 0 : i32
    return %c0_i32, %c0_i32_0 : i32, i32
  }
  func.func @transform_11(%arg0: i32) -> (i32, i32) {
    %c0_i32 = arith.constant 0 : i32
    %c0_i32_0 = arith.constant 0 : i32
    %c0_i32_1 = arith.constant 0 : i32
    return %c0_i32, %c0_i32_0 : i32, i32
  }
  func.func @transform_12(%arg0: i32) -> (i32, i32) {
    %c0_i32 = arith.constant 0 : i32
    %c0_i32_0 = arith.constant 0 : i32
    return %c0_i32, %arg0 : i32, i32
  }
  func.func @transform_13(%arg0: i32) -> (i32, i32) {
    %c0_i32 = arith.constant 0 : i32
    %c0_i32_0 = arith.constant 0 : i32
    return %c0_i32, %arg0 : i32, i32
  }
}

module attributes {stable_mosaic.version = 14 : i64} {
  func.func @body(%arg0: i32, %arg1: memref<2x32x3200xf32, #tpu.memory_space<vmem>>, %arg2: memref<32x3200xf32, #tpu.memory_space<vmem>>, %arg3: memref<4x3200xf32, #tpu.memory_space<vmem>>, %arg4: memref<2x3200xf32, #tpu.memory_space<vmem>>, %arg5: memref<96x32xf32, #tpu.memory_space<vmem>>, %arg6: memref<96x1xf32, #tpu.memory_space<vmem>>, %arg7: memref<96x1xf32, #tpu.memory_space<vmem>>, %arg8: memref<32x64xf32, #tpu.memory_space<vmem>>, %arg9: memref<32x64xf32, #tpu.memory_space<vmem>>, %arg10: memref<32x64xf32, #tpu.memory_space<vmem>>, %arg11: memref<32x1xf32, #tpu.memory_space<vmem>>, %arg12: memref<32x1xf32, #tpu.memory_space<vmem>>, %arg13: memref<32x1xf32, #tpu.memory_space<vmem>>, %arg14: memref<1x4xf32, #tpu.memory_space<vmem>>, %arg15: memref<32x32xf32, #tpu.memory_space<vmem>>, %arg16: memref<32x1xf32, #tpu.memory_space<vmem>>, %arg17: memref<8x32xf32, #tpu.memory_space<vmem>>, %arg18: memref<8x1xf32, #tpu.memory_space<vmem>>, %arg19: memref<8x3200xf32, #tpu.memory_space<vmem>>) attributes {dimension_semantics = [#tpu.dimension_semantics<arbitrary>], iteration_bounds = array<i64: 16>, scalar_prefetch = 0 : i64, scratch_operands = 0 : i64, tpu.core_type = #tpu.core_type<tc>, window_params = [{transform_indices = @transform_0, window_bounds = array<i64: 2, 32, 3200>}, {transform_indices = @transform_1, window_bounds = array<i64: 32, 3200>}, {transform_indices = @transform_2, window_bounds = array<i64: 4, 3200>}, {transform_indices = @transform_3, window_bounds = array<i64: 2, 3200>}, {pipeline_mode = #tpu.pipeline_mode<synchronous>, transform_indices = @transform_4, window_bounds = array<i64: 96, 32>}, {pipeline_mode = #tpu.pipeline_mode<synchronous>, transform_indices = @transform_5, window_bounds = array<i64: 96, 1>}, {pipeline_mode = #tpu.pipeline_mode<synchronous>, transform_indices = @transform_6, window_bounds = array<i64: 96, 1>}, {pipeline_mode = #tpu.pipeline_mode<synchronous>, transform_indices = @transform_7, window_bounds = array<i64: 32, 64>}, {pipeline_mode = #tpu.pipeline_mode<synchronous>, transform_indices = @transform_8, window_bounds = array<i64: 32, 64>}, {pipeline_mode = #tpu.pipeline_mode<synchronous>, transform_indices = @transform_9, window_bounds = array<i64: 32, 64>}, {pipeline_mode = #tpu.pipeline_mode<synchronous>, transform_indices = @transform_10, window_bounds = array<i64: 32, 1>}, {pipeline_mode = #tpu.pipeline_mode<synchronous>, transform_indices = @transform_11, window_bounds = array<i64: 32, 1>}, {pipeline_mode = #tpu.pipeline_mode<synchronous>, transform_indices = @transform_12, window_bounds = array<i64: 32, 1>}, {pipeline_mode = #tpu.pipeline_mode<synchronous>, transform_indices = @transform_13, window_bounds = array<i64: 1, 4>}, {pipeline_mode = #tpu.pipeline_mode<synchronous>, transform_indices = @transform_14, window_bounds = array<i64: 32, 32>}, {pipeline_mode = #tpu.pipeline_mode<synchronous>, transform_indices = @transform_15, window_bounds = array<i64: 32, 1>}, {pipeline_mode = #tpu.pipeline_mode<synchronous>, transform_indices = @transform_16, window_bounds = array<i64: 8, 32>}, {pipeline_mode = #tpu.pipeline_mode<synchronous>, transform_indices = @transform_17, window_bounds = array<i64: 8, 1>}, {transform_indices = @transform_18, window_bounds = array<i64: 8, 3200>}]} {
    %get3A = arith.constant 0 : index
    %get3A_0 = arith.constant 0 : index
    %get3A_1 = vector.load %arg4[%get3A, %get3A_0] : memref<2x3200xf32, #tpu.memory_space<vmem>>, vector<1x3200xf32>
    %get3A_2 = arith.constant 1 : index
    %get3A_3 = arith.constant 0 : index
    %get3A_4 = vector.load %arg4[%get3A_2, %get3A_3] : memref<2x3200xf32, #tpu.memory_space<vmem>>, vector<1x3200xf32>
    %add3A = arith.addf %get3A_1, %get3A_4 : vector<1x3200xf32>
    %add3A_5 = arith.constant 1.000000e+00 : f32
    %add3A_6 = vector.broadcast %add3A_5 : f32 to vector<1x3200xf32>
    %add3A_7 = arith.addf %add3A, %add3A_6 : vector<1x3200xf32>
    %rsqrt3A = math.rsqrt %add3A_7 : vector<1x3200xf32>
    %get3A_8 = arith.constant 0 : index
    %get3A_9 = arith.constant 0 : index
    %get3A_10 = arith.constant 0 : index
    %get3A_11 = vector.load %arg1[%get3A_8, %get3A_9, %get3A_10] : memref<2x32x3200xf32, #tpu.memory_space<vmem>>, vector<1x32x3200xf32>
    %get3A_12 = vector.shape_cast %get3A_11 : vector<1x32x3200xf32> to vector<32x3200xf32>
    %get3A_13 = arith.constant 1 : index
    %get3A_14 = arith.constant 0 : index
    %get3A_15 = arith.constant 0 : index
    %get3A_16 = vector.load %arg1[%get3A_13, %get3A_14, %get3A_15] : memref<2x32x3200xf32, #tpu.memory_space<vmem>>, vector<1x32x3200xf32>
    %get3A_17 = vector.shape_cast %get3A_16 : vector<1x32x3200xf32> to vector<32x3200xf32>
    %add3A_18 = arith.addf %get3A_12, %get3A_17 : vector<32x3200xf32>
    %get3A_19 = arith.constant 0 : index
    %get3A_20 = arith.constant 0 : index
    %get3A_21 = vector.load %arg2[%get3A_19, %get3A_20] : memref<32x3200xf32, #tpu.memory_space<vmem>>, vector<32x3200xf32>
    %add3A_22 = arith.addf %add3A_18, %get3A_21 : vector<32x3200xf32>
    %mul3A = vector.broadcast %rsqrt3A : vector<1x3200xf32> to vector<32x3200xf32>
    %mul3A_23 = arith.mulf %add3A_22, %mul3A : vector<32x3200xf32>
    %get3A_24 = arith.constant 0 : index
    %get3A_25 = arith.constant 0 : index
    %get3A_26 = vector.load %arg14[%get3A_24, %get3A_25] : memref<1x4xf32, #tpu.memory_space<vmem>>, vector<1x4xf32>
    %reduce_max3A = vector.shape_cast %get3A_26 : vector<1x4xf32> to vector<1x1x4xf32>
    %reduce_max3A_27 = arith.constant dense<0xFF800000> : vector<1xf32>
    %reduce_max3A_28 = vector.multi_reduction <maximumf>, %reduce_max3A, %reduce_max3A_27 [1, 2] : vector<1x1x4xf32> to vector<1xf32>
    %reduce_max3A_29 = vector.shape_cast %reduce_max3A_28 : vector<1xf32> to vector<1x1x1xf32>
    %reduce_max3A_30 = vector.extract %reduce_max3A_29[0, 0, 0] : f32 from vector<1x1x1xf32>
    %sub3A = vector.broadcast %reduce_max3A_30 : f32 to vector<1x4xf32>
    %sub3A_31 = arith.subf %get3A_26, %sub3A : vector<1x4xf32>
    %exp3A = math.exp %sub3A_31 : vector<1x4xf32>
    %reduce_sum3A = vector.shape_cast %exp3A : vector<1x4xf32> to vector<1x1x4xf32>
    %reduce_sum3A_32 = arith.constant dense<0.000000e+00> : vector<1xf32>
    %reduce_sum3A_33 = vector.multi_reduction <add>, %reduce_sum3A, %reduce_sum3A_32 [1, 2] : vector<1x1x4xf32> to vector<1xf32>
    %reduce_sum3A_34 = vector.shape_cast %reduce_sum3A_33 : vector<1xf32> to vector<1x1x1xf32>
    %reduce_sum3A_35 = vector.extract %reduce_sum3A_34[0, 0, 0] : f32 from vector<1x1x1xf32>
    %div3A = vector.broadcast %reduce_sum3A_35 : f32 to vector<1x4xf32>
    %div3A_36 = arith.divf %exp3A, %div3A : vector<1x4xf32>
    %get3A_37 = arith.constant 0 : index
    %get3A_38 = arith.constant 0 : index
    %get3A_39 = vector.load %arg5[%get3A_37, %get3A_38] : memref<96x32xf32, #tpu.memory_space<vmem>>, vector<96x32xf32>
    %dot_general3A = arith.constant dense<0.000000e+00> : vector<96x3200xf32>
    %dot_general3A_40 = tpu.matmul %get3A_39, %mul3A_23, %dot_general3A {dimension_numbers = #tpu.dot_dimension_numbers<[1], [0], [0], [1], [0, 0, 1, 1], [], []>, precision = #tpu.contract_precision<fp32>, transpose_lhs_hint = false} : vector<96x32xf32>, vector<32x3200xf32>, vector<96x3200xf32> -> vector<96x3200xf32>
    %get3A_41 = arith.constant 0 : index
    %get3A_42 = arith.constant 0 : index
    %get3A_43 = vector.load %arg6[%get3A_41, %get3A_42] : memref<96x1xf32, #tpu.memory_space<vmem>>, vector<96x1xf32>
    %get3A_44 = arith.constant 0 : index
    %get3A_45 = arith.constant 0 : index
    %get3A_46 = vector.load %arg7[%get3A_44, %get3A_45] : memref<96x1xf32, #tpu.memory_space<vmem>>, vector<96x1xf32>
    %get3A_47 = arith.constant 0 : index
    %get3A_48 = arith.constant 0 : index
    %get3A_49 = vector.load %arg8[%get3A_47, %get3A_48] : memref<32x64xf32, #tpu.memory_space<vmem>>, vector<32x64xf32>
    %get3A_50 = arith.constant 0 : index
    %get3A_51 = arith.constant 0 : index
    %get3A_52 = vector.load %arg9[%get3A_50, %get3A_51] : memref<32x64xf32, #tpu.memory_space<vmem>>, vector<32x64xf32>
    %get3A_53 = arith.constant 0 : index
    %get3A_54 = arith.constant 0 : index
    %get3A_55 = vector.load %arg10[%get3A_53, %get3A_54] : memref<32x64xf32, #tpu.memory_space<vmem>>, vector<32x64xf32>
    %get3A_56 = arith.constant 0 : index
    %get3A_57 = arith.constant 0 : index
    %get3A_58 = vector.load %arg11[%get3A_56, %get3A_57] : memref<32x1xf32, #tpu.memory_space<vmem>>, vector<32x1xf32>
    %get3A_59 = arith.constant 0 : index
    %get3A_60 = arith.constant 0 : index
    %get3A_61 = vector.load %arg12[%get3A_59, %get3A_60] : memref<32x1xf32, #tpu.memory_space<vmem>>, vector<32x1xf32>
    %get3A_62 = arith.constant 0 : index
    %get3A_63 = arith.constant 0 : index
    %get3A_64 = vector.load %arg13[%get3A_62, %get3A_63] : memref<32x1xf32, #tpu.memory_space<vmem>>, vector<32x1xf32>
    %get3A_65 = arith.constant 0 : index
    %get3A_66 = arith.constant 0 : index
    %get3A_67 = vector.load %arg3[%get3A_65, %get3A_66] : memref<4x3200xf32, #tpu.memory_space<vmem>>, vector<4x3200xf32>
    %broadcast_in_dim3A = arith.constant 0.000000e+00 : f32
    %broadcast_in_dim3A_68 = vector.broadcast %broadcast_in_dim3A : f32 to vector<32x3200xf32>
    %broadcast_in_dim3A_69 = arith.constant 0.000000e+00 : f32
    %broadcast_in_dim3A_70 = vector.broadcast %broadcast_in_dim3A_69 : f32 to vector<32x3200xf32>
    %slice3A = vector.extract_strided_slice %get3A_67 {offsets = [0, 0], sizes = [1, 3200], strides = [1, 1]} : vector<4x3200xf32> to vector<1x3200xf32>
    %mul3A_71 = vector.broadcast %get3A_43 : vector<96x1xf32> to vector<96x3200xf32>
    %mul3A_72 = vector.broadcast %slice3A : vector<1x3200xf32> to vector<96x3200xf32>
    %mul3A_73 = arith.mulf %mul3A_71, %mul3A_72 : vector<96x3200xf32>
    %add3A_74 = arith.addf %dot_general3A_40, %mul3A_73 : vector<96x3200xf32>
    %add3A_75 = vector.broadcast %get3A_46 : vector<96x1xf32> to vector<96x3200xf32>
    %add3A_76 = arith.addf %add3A_74, %add3A_75 : vector<96x3200xf32>
    %slice3A_77 = vector.extract_strided_slice %add3A_76 {offsets = [0, 0], sizes = [32, 3200], strides = [1, 1]} : vector<96x3200xf32> to vector<32x3200xf32>
    %slice3A_78 = vector.extract_strided_slice %add3A_76 {offsets = [32, 0], sizes = [32, 3200], strides = [1, 1]} : vector<96x3200xf32> to vector<32x3200xf32>
    %slice3A_79 = vector.extract_strided_slice %add3A_76 {offsets = [64, 0], sizes = [32, 3200], strides = [1, 1]} : vector<96x3200xf32> to vector<32x3200xf32>
    %concatenate3A = tpu.concatenate %slice3A_77, %broadcast_in_dim3A_68 in 0 : vector<32x3200xf32>, vector<32x3200xf32> -> vector<64x3200xf32>
    %convert_element_type3A = arith.truncf %get3A_49 : vector<32x64xf32> to vector<32x64xbf16>
    %convert_element_type3A_80 = arith.truncf %concatenate3A : vector<64x3200xf32> to vector<64x3200xbf16>
    %dot_general3A_81 = arith.constant dense<0.000000e+00> : vector<32x3200xf32>
    %dot_general3A_82 = tpu.matmul %convert_element_type3A, %convert_element_type3A_80, %dot_general3A_81 {dimension_numbers = #tpu.dot_dimension_numbers<[1], [0], [0], [1], [0, 0, 1, 1], [], []>, transpose_lhs_hint = false} : vector<32x64xbf16>, vector<64x3200xbf16>, vector<32x3200xf32> -> vector<32x3200xf32>
    %add3A_83 = vector.broadcast %get3A_58 : vector<32x1xf32> to vector<32x3200xf32>
    %add3A_84 = arith.addf %dot_general3A_82, %add3A_83 : vector<32x3200xf32>
    %logistic3A = arith.negf %add3A_84 : vector<32x3200xf32>
    %logistic3A_85 = math.exp %logistic3A : vector<32x3200xf32>
    %logistic3A_86 = arith.constant 1.000000e+00 : f32
    %logistic3A_87 = vector.broadcast %logistic3A_86 : f32 to vector<32x3200xf32>
    %logistic3A_88 = arith.addf %logistic3A_87, %logistic3A_85 : vector<32x3200xf32>
    %logistic3A_89 = arith.divf %logistic3A_87, %logistic3A_88 : vector<32x3200xf32>
    %concatenate3A_90 = tpu.concatenate %slice3A_78, %broadcast_in_dim3A_68 in 0 : vector<32x3200xf32>, vector<32x3200xf32> -> vector<64x3200xf32>
    %convert_element_type3A_91 = arith.truncf %get3A_52 : vector<32x64xf32> to vector<32x64xbf16>
    %convert_element_type3A_92 = arith.truncf %concatenate3A_90 : vector<64x3200xf32> to vector<64x3200xbf16>
    %dot_general3A_93 = arith.constant dense<0.000000e+00> : vector<32x3200xf32>
    %dot_general3A_94 = tpu.matmul %convert_element_type3A_91, %convert_element_type3A_92, %dot_general3A_93 {dimension_numbers = #tpu.dot_dimension_numbers<[1], [0], [0], [1], [0, 0, 1, 1], [], []>, transpose_lhs_hint = false} : vector<32x64xbf16>, vector<64x3200xbf16>, vector<32x3200xf32> -> vector<32x3200xf32>
    %add3A_95 = vector.broadcast %get3A_61 : vector<32x1xf32> to vector<32x3200xf32>
    %add3A_96 = arith.addf %dot_general3A_94, %add3A_95 : vector<32x3200xf32>
    %logistic3A_97 = arith.negf %add3A_96 : vector<32x3200xf32>
    %logistic3A_98 = math.exp %logistic3A_97 : vector<32x3200xf32>
    %logistic3A_99 = arith.constant 1.000000e+00 : f32
    %logistic3A_100 = vector.broadcast %logistic3A_99 : f32 to vector<32x3200xf32>
    %logistic3A_101 = arith.addf %logistic3A_100, %logistic3A_98 : vector<32x3200xf32>
    %logistic3A_102 = arith.divf %logistic3A_100, %logistic3A_101 : vector<32x3200xf32>
    %mul3A_103 = arith.mulf %broadcast_in_dim3A_68, %logistic3A_102 : vector<32x3200xf32>
    %concatenate3A_104 = tpu.concatenate %slice3A_79, %mul3A_103 in 0 : vector<32x3200xf32>, vector<32x3200xf32> -> vector<64x3200xf32>
    %convert_element_type3A_105 = arith.truncf %get3A_55 : vector<32x64xf32> to vector<32x64xbf16>
    %convert_element_type3A_106 = arith.truncf %concatenate3A_104 : vector<64x3200xf32> to vector<64x3200xbf16>
    %dot_general3A_107 = arith.constant dense<0.000000e+00> : vector<32x3200xf32>
    %dot_general3A_108 = tpu.matmul %convert_element_type3A_105, %convert_element_type3A_106, %dot_general3A_107 {dimension_numbers = #tpu.dot_dimension_numbers<[1], [0], [0], [1], [0, 0, 1, 1], [], []>, transpose_lhs_hint = false} : vector<32x64xbf16>, vector<64x3200xbf16>, vector<32x3200xf32> -> vector<32x3200xf32>
    %add3A_109 = vector.broadcast %get3A_64 : vector<32x1xf32> to vector<32x3200xf32>
    %add3A_110 = arith.addf %dot_general3A_108, %add3A_109 : vector<32x3200xf32>
    %tanh3A = math.tanh %add3A_110 : vector<32x3200xf32>
    %mul3A_111 = arith.mulf %logistic3A_89, %broadcast_in_dim3A_68 : vector<32x3200xf32>
    %sub3A_112 = arith.constant 1.000000e+00 : f32
    %sub3A_113 = vector.broadcast %sub3A_112 : f32 to vector<32x3200xf32>
    %sub3A_114 = arith.subf %sub3A_113, %logistic3A_89 : vector<32x3200xf32>
    %mul3A_115 = arith.mulf %sub3A_114, %tanh3A : vector<32x3200xf32>
    %add3A_116 = arith.addf %mul3A_111, %mul3A_115 : vector<32x3200xf32>
    %slice3A_117 = vector.extract_strided_slice %div3A_36 {offsets = [0, 0], sizes = [1, 1], strides = [1, 1]} : vector<1x4xf32> to vector<1x1xf32>
    %mul3A_118 = vector.broadcast %slice3A_117 : vector<1x1xf32> to vector<32x3200xf32>
    %mul3A_119 = arith.mulf %mul3A_118, %add3A_116 : vector<32x3200xf32>
    %add3A_120 = arith.addf %broadcast_in_dim3A_70, %mul3A_119 : vector<32x3200xf32>
    %slice3A_121 = vector.extract_strided_slice %get3A_67 {offsets = [1, 0], sizes = [1, 3200], strides = [1, 1]} : vector<4x3200xf32> to vector<1x3200xf32>
    %mul3A_122 = vector.broadcast %get3A_43 : vector<96x1xf32> to vector<96x3200xf32>
    %mul3A_123 = vector.broadcast %slice3A_121 : vector<1x3200xf32> to vector<96x3200xf32>
    %mul3A_124 = arith.mulf %mul3A_122, %mul3A_123 : vector<96x3200xf32>
    %add3A_125 = arith.addf %dot_general3A_40, %mul3A_124 : vector<96x3200xf32>
    %add3A_126 = vector.broadcast %get3A_46 : vector<96x1xf32> to vector<96x3200xf32>
    %add3A_127 = arith.addf %add3A_125, %add3A_126 : vector<96x3200xf32>
    %slice3A_128 = vector.extract_strided_slice %add3A_127 {offsets = [0, 0], sizes = [32, 3200], strides = [1, 1]} : vector<96x3200xf32> to vector<32x3200xf32>
    %slice3A_129 = vector.extract_strided_slice %add3A_127 {offsets = [32, 0], sizes = [32, 3200], strides = [1, 1]} : vector<96x3200xf32> to vector<32x3200xf32>
    %slice3A_130 = vector.extract_strided_slice %add3A_127 {offsets = [64, 0], sizes = [32, 3200], strides = [1, 1]} : vector<96x3200xf32> to vector<32x3200xf32>
    %concatenate3A_131 = tpu.concatenate %slice3A_128, %add3A_116 in 0 : vector<32x3200xf32>, vector<32x3200xf32> -> vector<64x3200xf32>
    %convert_element_type3A_132 = arith.truncf %get3A_49 : vector<32x64xf32> to vector<32x64xbf16>
    %convert_element_type3A_133 = arith.truncf %concatenate3A_131 : vector<64x3200xf32> to vector<64x3200xbf16>
    %dot_general3A_134 = arith.constant dense<0.000000e+00> : vector<32x3200xf32>
    %dot_general3A_135 = tpu.matmul %convert_element_type3A_132, %convert_element_type3A_133, %dot_general3A_134 {dimension_numbers = #tpu.dot_dimension_numbers<[1], [0], [0], [1], [0, 0, 1, 1], [], []>, transpose_lhs_hint = false} : vector<32x64xbf16>, vector<64x3200xbf16>, vector<32x3200xf32> -> vector<32x3200xf32>
    %add3A_136 = vector.broadcast %get3A_58 : vector<32x1xf32> to vector<32x3200xf32>
    %add3A_137 = arith.addf %dot_general3A_135, %add3A_136 : vector<32x3200xf32>
    %logistic3A_138 = arith.negf %add3A_137 : vector<32x3200xf32>
    %logistic3A_139 = math.exp %logistic3A_138 : vector<32x3200xf32>
    %logistic3A_140 = arith.constant 1.000000e+00 : f32
    %logistic3A_141 = vector.broadcast %logistic3A_140 : f32 to vector<32x3200xf32>
    %logistic3A_142 = arith.addf %logistic3A_141, %logistic3A_139 : vector<32x3200xf32>
    %logistic3A_143 = arith.divf %logistic3A_141, %logistic3A_142 : vector<32x3200xf32>
    %concatenate3A_144 = tpu.concatenate %slice3A_129, %add3A_116 in 0 : vector<32x3200xf32>, vector<32x3200xf32> -> vector<64x3200xf32>
    %convert_element_type3A_145 = arith.truncf %get3A_52 : vector<32x64xf32> to vector<32x64xbf16>
    %convert_element_type3A_146 = arith.truncf %concatenate3A_144 : vector<64x3200xf32> to vector<64x3200xbf16>
    %dot_general3A_147 = arith.constant dense<0.000000e+00> : vector<32x3200xf32>
    %dot_general3A_148 = tpu.matmul %convert_element_type3A_145, %convert_element_type3A_146, %dot_general3A_147 {dimension_numbers = #tpu.dot_dimension_numbers<[1], [0], [0], [1], [0, 0, 1, 1], [], []>, transpose_lhs_hint = false} : vector<32x64xbf16>, vector<64x3200xbf16>, vector<32x3200xf32> -> vector<32x3200xf32>
    %add3A_149 = vector.broadcast %get3A_61 : vector<32x1xf32> to vector<32x3200xf32>
    %add3A_150 = arith.addf %dot_general3A_148, %add3A_149 : vector<32x3200xf32>
    %logistic3A_151 = arith.negf %add3A_150 : vector<32x3200xf32>
    %logistic3A_152 = math.exp %logistic3A_151 : vector<32x3200xf32>
    %logistic3A_153 = arith.constant 1.000000e+00 : f32
    %logistic3A_154 = vector.broadcast %logistic3A_153 : f32 to vector<32x3200xf32>
    %logistic3A_155 = arith.addf %logistic3A_154, %logistic3A_152 : vector<32x3200xf32>
    %logistic3A_156 = arith.divf %logistic3A_154, %logistic3A_155 : vector<32x3200xf32>
    %mul3A_157 = arith.mulf %add3A_116, %logistic3A_156 : vector<32x3200xf32>
    %concatenate3A_158 = tpu.concatenate %slice3A_130, %mul3A_157 in 0 : vector<32x3200xf32>, vector<32x3200xf32> -> vector<64x3200xf32>
    %convert_element_type3A_159 = arith.truncf %get3A_55 : vector<32x64xf32> to vector<32x64xbf16>
    %convert_element_type3A_160 = arith.truncf %concatenate3A_158 : vector<64x3200xf32> to vector<64x3200xbf16>
    %dot_general3A_161 = arith.constant dense<0.000000e+00> : vector<32x3200xf32>
    %dot_general3A_162 = tpu.matmul %convert_element_type3A_159, %convert_element_type3A_160, %dot_general3A_161 {dimension_numbers = #tpu.dot_dimension_numbers<[1], [0], [0], [1], [0, 0, 1, 1], [], []>, transpose_lhs_hint = false} : vector<32x64xbf16>, vector<64x3200xbf16>, vector<32x3200xf32> -> vector<32x3200xf32>
    %add3A_163 = vector.broadcast %get3A_64 : vector<32x1xf32> to vector<32x3200xf32>
    %add3A_164 = arith.addf %dot_general3A_162, %add3A_163 : vector<32x3200xf32>
    %tanh3A_165 = math.tanh %add3A_164 : vector<32x3200xf32>
    %mul3A_166 = arith.mulf %logistic3A_143, %add3A_116 : vector<32x3200xf32>
    %sub3A_167 = arith.constant 1.000000e+00 : f32
    %sub3A_168 = vector.broadcast %sub3A_167 : f32 to vector<32x3200xf32>
    %sub3A_169 = arith.subf %sub3A_168, %logistic3A_143 : vector<32x3200xf32>
    %mul3A_170 = arith.mulf %sub3A_169, %tanh3A_165 : vector<32x3200xf32>
    %add3A_171 = arith.addf %mul3A_166, %mul3A_170 : vector<32x3200xf32>
    %slice3A_172 = vector.extract_strided_slice %div3A_36 {offsets = [0, 1], sizes = [1, 1], strides = [1, 1]} : vector<1x4xf32> to vector<1x1xf32>
    %mul3A_173 = vector.broadcast %slice3A_172 : vector<1x1xf32> to vector<32x3200xf32>
    %mul3A_174 = arith.mulf %mul3A_173, %add3A_171 : vector<32x3200xf32>
    %add3A_175 = arith.addf %add3A_120, %mul3A_174 : vector<32x3200xf32>
    %slice3A_176 = vector.extract_strided_slice %get3A_67 {offsets = [2, 0], sizes = [1, 3200], strides = [1, 1]} : vector<4x3200xf32> to vector<1x3200xf32>
    %mul3A_177 = vector.broadcast %get3A_43 : vector<96x1xf32> to vector<96x3200xf32>
    %mul3A_178 = vector.broadcast %slice3A_176 : vector<1x3200xf32> to vector<96x3200xf32>
    %mul3A_179 = arith.mulf %mul3A_177, %mul3A_178 : vector<96x3200xf32>
    %add3A_180 = arith.addf %dot_general3A_40, %mul3A_179 : vector<96x3200xf32>
    %add3A_181 = vector.broadcast %get3A_46 : vector<96x1xf32> to vector<96x3200xf32>
    %add3A_182 = arith.addf %add3A_180, %add3A_181 : vector<96x3200xf32>
    %slice3A_183 = vector.extract_strided_slice %add3A_182 {offsets = [0, 0], sizes = [32, 3200], strides = [1, 1]} : vector<96x3200xf32> to vector<32x3200xf32>
    %slice3A_184 = vector.extract_strided_slice %add3A_182 {offsets = [32, 0], sizes = [32, 3200], strides = [1, 1]} : vector<96x3200xf32> to vector<32x3200xf32>
    %slice3A_185 = vector.extract_strided_slice %add3A_182 {offsets = [64, 0], sizes = [32, 3200], strides = [1, 1]} : vector<96x3200xf32> to vector<32x3200xf32>
    %concatenate3A_186 = tpu.concatenate %slice3A_183, %add3A_171 in 0 : vector<32x3200xf32>, vector<32x3200xf32> -> vector<64x3200xf32>
    %convert_element_type3A_187 = arith.truncf %get3A_49 : vector<32x64xf32> to vector<32x64xbf16>
    %convert_element_type3A_188 = arith.truncf %concatenate3A_186 : vector<64x3200xf32> to vector<64x3200xbf16>
    %dot_general3A_189 = arith.constant dense<0.000000e+00> : vector<32x3200xf32>
    %dot_general3A_190 = tpu.matmul %convert_element_type3A_187, %convert_element_type3A_188, %dot_general3A_189 {dimension_numbers = #tpu.dot_dimension_numbers<[1], [0], [0], [1], [0, 0, 1, 1], [], []>, transpose_lhs_hint = false} : vector<32x64xbf16>, vector<64x3200xbf16>, vector<32x3200xf32> -> vector<32x3200xf32>
    %add3A_191 = vector.broadcast %get3A_58 : vector<32x1xf32> to vector<32x3200xf32>
    %add3A_192 = arith.addf %dot_general3A_190, %add3A_191 : vector<32x3200xf32>
    %logistic3A_193 = arith.negf %add3A_192 : vector<32x3200xf32>
    %logistic3A_194 = math.exp %logistic3A_193 : vector<32x3200xf32>
    %logistic3A_195 = arith.constant 1.000000e+00 : f32
    %logistic3A_196 = vector.broadcast %logistic3A_195 : f32 to vector<32x3200xf32>
    %logistic3A_197 = arith.addf %logistic3A_196, %logistic3A_194 : vector<32x3200xf32>
    %logistic3A_198 = arith.divf %logistic3A_196, %logistic3A_197 : vector<32x3200xf32>
    %concatenate3A_199 = tpu.concatenate %slice3A_184, %add3A_171 in 0 : vector<32x3200xf32>, vector<32x3200xf32> -> vector<64x3200xf32>
    %convert_element_type3A_200 = arith.truncf %get3A_52 : vector<32x64xf32> to vector<32x64xbf16>
    %convert_element_type3A_201 = arith.truncf %concatenate3A_199 : vector<64x3200xf32> to vector<64x3200xbf16>
    %dot_general3A_202 = arith.constant dense<0.000000e+00> : vector<32x3200xf32>
    %dot_general3A_203 = tpu.matmul %convert_element_type3A_200, %convert_element_type3A_201, %dot_general3A_202 {dimension_numbers = #tpu.dot_dimension_numbers<[1], [0], [0], [1], [0, 0, 1, 1], [], []>, transpose_lhs_hint = false} : vector<32x64xbf16>, vector<64x3200xbf16>, vector<32x3200xf32> -> vector<32x3200xf32>
    %add3A_204 = vector.broadcast %get3A_61 : vector<32x1xf32> to vector<32x3200xf32>
    %add3A_205 = arith.addf %dot_general3A_203, %add3A_204 : vector<32x3200xf32>
    %logistic3A_206 = arith.negf %add3A_205 : vector<32x3200xf32>
    %logistic3A_207 = math.exp %logistic3A_206 : vector<32x3200xf32>
    %logistic3A_208 = arith.constant 1.000000e+00 : f32
    %logistic3A_209 = vector.broadcast %logistic3A_208 : f32 to vector<32x3200xf32>
    %logistic3A_210 = arith.addf %logistic3A_209, %logistic3A_207 : vector<32x3200xf32>
    %logistic3A_211 = arith.divf %logistic3A_209, %logistic3A_210 : vector<32x3200xf32>
    %mul3A_212 = arith.mulf %add3A_171, %logistic3A_211 : vector<32x3200xf32>
    %concatenate3A_213 = tpu.concatenate %slice3A_185, %mul3A_212 in 0 : vector<32x3200xf32>, vector<32x3200xf32> -> vector<64x3200xf32>
    %convert_element_type3A_214 = arith.truncf %get3A_55 : vector<32x64xf32> to vector<32x64xbf16>
    %convert_element_type3A_215 = arith.truncf %concatenate3A_213 : vector<64x3200xf32> to vector<64x3200xbf16>
    %dot_general3A_216 = arith.constant dense<0.000000e+00> : vector<32x3200xf32>
    %dot_general3A_217 = tpu.matmul %convert_element_type3A_214, %convert_element_type3A_215, %dot_general3A_216 {dimension_numbers = #tpu.dot_dimension_numbers<[1], [0], [0], [1], [0, 0, 1, 1], [], []>, transpose_lhs_hint = false} : vector<32x64xbf16>, vector<64x3200xbf16>, vector<32x3200xf32> -> vector<32x3200xf32>
    %add3A_218 = vector.broadcast %get3A_64 : vector<32x1xf32> to vector<32x3200xf32>
    %add3A_219 = arith.addf %dot_general3A_217, %add3A_218 : vector<32x3200xf32>
    %tanh3A_220 = math.tanh %add3A_219 : vector<32x3200xf32>
    %mul3A_221 = arith.mulf %logistic3A_198, %add3A_171 : vector<32x3200xf32>
    %sub3A_222 = arith.constant 1.000000e+00 : f32
    %sub3A_223 = vector.broadcast %sub3A_222 : f32 to vector<32x3200xf32>
    %sub3A_224 = arith.subf %sub3A_223, %logistic3A_198 : vector<32x3200xf32>
    %mul3A_225 = arith.mulf %sub3A_224, %tanh3A_220 : vector<32x3200xf32>
    %add3A_226 = arith.addf %mul3A_221, %mul3A_225 : vector<32x3200xf32>
    %slice3A_227 = vector.extract_strided_slice %div3A_36 {offsets = [0, 2], sizes = [1, 1], strides = [1, 1]} : vector<1x4xf32> to vector<1x1xf32>
    %mul3A_228 = vector.broadcast %slice3A_227 : vector<1x1xf32> to vector<32x3200xf32>
    %mul3A_229 = arith.mulf %mul3A_228, %add3A_226 : vector<32x3200xf32>
    %add3A_230 = arith.addf %add3A_175, %mul3A_229 : vector<32x3200xf32>
    %slice3A_231 = vector.extract_strided_slice %get3A_67 {offsets = [3, 0], sizes = [1, 3200], strides = [1, 1]} : vector<4x3200xf32> to vector<1x3200xf32>
    %mul3A_232 = vector.broadcast %get3A_43 : vector<96x1xf32> to vector<96x3200xf32>
    %mul3A_233 = vector.broadcast %slice3A_231 : vector<1x3200xf32> to vector<96x3200xf32>
    %mul3A_234 = arith.mulf %mul3A_232, %mul3A_233 : vector<96x3200xf32>
    %add3A_235 = arith.addf %dot_general3A_40, %mul3A_234 : vector<96x3200xf32>
    %add3A_236 = vector.broadcast %get3A_46 : vector<96x1xf32> to vector<96x3200xf32>
    %add3A_237 = arith.addf %add3A_235, %add3A_236 : vector<96x3200xf32>
    %slice3A_238 = vector.extract_strided_slice %add3A_237 {offsets = [0, 0], sizes = [32, 3200], strides = [1, 1]} : vector<96x3200xf32> to vector<32x3200xf32>
    %slice3A_239 = vector.extract_strided_slice %add3A_237 {offsets = [32, 0], sizes = [32, 3200], strides = [1, 1]} : vector<96x3200xf32> to vector<32x3200xf32>
    %slice3A_240 = vector.extract_strided_slice %add3A_237 {offsets = [64, 0], sizes = [32, 3200], strides = [1, 1]} : vector<96x3200xf32> to vector<32x3200xf32>
    %concatenate3A_241 = tpu.concatenate %slice3A_238, %add3A_226 in 0 : vector<32x3200xf32>, vector<32x3200xf32> -> vector<64x3200xf32>
    %convert_element_type3A_242 = arith.truncf %get3A_49 : vector<32x64xf32> to vector<32x64xbf16>
    %convert_element_type3A_243 = arith.truncf %concatenate3A_241 : vector<64x3200xf32> to vector<64x3200xbf16>
    %dot_general3A_244 = arith.constant dense<0.000000e+00> : vector<32x3200xf32>
    %dot_general3A_245 = tpu.matmul %convert_element_type3A_242, %convert_element_type3A_243, %dot_general3A_244 {dimension_numbers = #tpu.dot_dimension_numbers<[1], [0], [0], [1], [0, 0, 1, 1], [], []>, transpose_lhs_hint = false} : vector<32x64xbf16>, vector<64x3200xbf16>, vector<32x3200xf32> -> vector<32x3200xf32>
    %add3A_246 = vector.broadcast %get3A_58 : vector<32x1xf32> to vector<32x3200xf32>
    %add3A_247 = arith.addf %dot_general3A_245, %add3A_246 : vector<32x3200xf32>
    %logistic3A_248 = arith.negf %add3A_247 : vector<32x3200xf32>
    %logistic3A_249 = math.exp %logistic3A_248 : vector<32x3200xf32>
    %logistic3A_250 = arith.constant 1.000000e+00 : f32
    %logistic3A_251 = vector.broadcast %logistic3A_250 : f32 to vector<32x3200xf32>
    %logistic3A_252 = arith.addf %logistic3A_251, %logistic3A_249 : vector<32x3200xf32>
    %logistic3A_253 = arith.divf %logistic3A_251, %logistic3A_252 : vector<32x3200xf32>
    %concatenate3A_254 = tpu.concatenate %slice3A_239, %add3A_226 in 0 : vector<32x3200xf32>, vector<32x3200xf32> -> vector<64x3200xf32>
    %convert_element_type3A_255 = arith.truncf %get3A_52 : vector<32x64xf32> to vector<32x64xbf16>
    %convert_element_type3A_256 = arith.truncf %concatenate3A_254 : vector<64x3200xf32> to vector<64x3200xbf16>
    %dot_general3A_257 = arith.constant dense<0.000000e+00> : vector<32x3200xf32>
    %dot_general3A_258 = tpu.matmul %convert_element_type3A_255, %convert_element_type3A_256, %dot_general3A_257 {dimension_numbers = #tpu.dot_dimension_numbers<[1], [0], [0], [1], [0, 0, 1, 1], [], []>, transpose_lhs_hint = false} : vector<32x64xbf16>, vector<64x3200xbf16>, vector<32x3200xf32> -> vector<32x3200xf32>
    %add3A_259 = vector.broadcast %get3A_61 : vector<32x1xf32> to vector<32x3200xf32>
    %add3A_260 = arith.addf %dot_general3A_258, %add3A_259 : vector<32x3200xf32>
    %logistic3A_261 = arith.negf %add3A_260 : vector<32x3200xf32>
    %logistic3A_262 = math.exp %logistic3A_261 : vector<32x3200xf32>
    %logistic3A_263 = arith.constant 1.000000e+00 : f32
    %logistic3A_264 = vector.broadcast %logistic3A_263 : f32 to vector<32x3200xf32>
    %logistic3A_265 = arith.addf %logistic3A_264, %logistic3A_262 : vector<32x3200xf32>
    %logistic3A_266 = arith.divf %logistic3A_264, %logistic3A_265 : vector<32x3200xf32>
    %mul3A_267 = arith.mulf %add3A_226, %logistic3A_266 : vector<32x3200xf32>
    %concatenate3A_268 = tpu.concatenate %slice3A_240, %mul3A_267 in 0 : vector<32x3200xf32>, vector<32x3200xf32> -> vector<64x3200xf32>
    %convert_element_type3A_269 = arith.truncf %get3A_55 : vector<32x64xf32> to vector<32x64xbf16>
    %convert_element_type3A_270 = arith.truncf %concatenate3A_268 : vector<64x3200xf32> to vector<64x3200xbf16>
    %dot_general3A_271 = arith.constant dense<0.000000e+00> : vector<32x3200xf32>
    %dot_general3A_272 = tpu.matmul %convert_element_type3A_269, %convert_element_type3A_270, %dot_general3A_271 {dimension_numbers = #tpu.dot_dimension_numbers<[1], [0], [0], [1], [0, 0, 1, 1], [], []>, transpose_lhs_hint = false} : vector<32x64xbf16>, vector<64x3200xbf16>, vector<32x3200xf32> -> vector<32x3200xf32>
    %add3A_273 = vector.broadcast %get3A_64 : vector<32x1xf32> to vector<32x3200xf32>
    %add3A_274 = arith.addf %dot_general3A_272, %add3A_273 : vector<32x3200xf32>
    %tanh3A_275 = math.tanh %add3A_274 : vector<32x3200xf32>
    %mul3A_276 = arith.mulf %logistic3A_253, %add3A_226 : vector<32x3200xf32>
    %sub3A_277 = arith.constant 1.000000e+00 : f32
    %sub3A_278 = vector.broadcast %sub3A_277 : f32 to vector<32x3200xf32>
    %sub3A_279 = arith.subf %sub3A_278, %logistic3A_253 : vector<32x3200xf32>
    %mul3A_280 = arith.mulf %sub3A_279, %tanh3A_275 : vector<32x3200xf32>
    %add3A_281 = arith.addf %mul3A_276, %mul3A_280 : vector<32x3200xf32>
    %slice3A_282 = vector.extract_strided_slice %div3A_36 {offsets = [0, 3], sizes = [1, 1], strides = [1, 1]} : vector<1x4xf32> to vector<1x1xf32>
    %mul3A_283 = vector.broadcast %slice3A_282 : vector<1x1xf32> to vector<32x3200xf32>
    %mul3A_284 = arith.mulf %mul3A_283, %add3A_281 : vector<32x3200xf32>
    %add3A_285 = arith.addf %add3A_230, %mul3A_284 : vector<32x3200xf32>
    %max3A = arith.constant 0.000000e+00 : f32
    %max3A_286 = vector.broadcast %max3A : f32 to vector<32x3200xf32>
    %max3A_287 = arith.maximumf %add3A_285, %max3A_286 : vector<32x3200xf32>
    %get3A_288 = arith.constant 0 : index
    %get3A_289 = arith.constant 0 : index
    %get3A_290 = vector.load %arg15[%get3A_288, %get3A_289] : memref<32x32xf32, #tpu.memory_space<vmem>>, vector<32x32xf32>
    %convert_element_type3A_291 = arith.truncf %get3A_290 : vector<32x32xf32> to vector<32x32xbf16>
    %convert_element_type3A_292 = arith.truncf %max3A_287 : vector<32x3200xf32> to vector<32x3200xbf16>
    %dot_general3A_293 = arith.constant dense<0.000000e+00> : vector<32x3200xf32>
    %dot_general3A_294 = tpu.matmul %convert_element_type3A_291, %convert_element_type3A_292, %dot_general3A_293 {dimension_numbers = #tpu.dot_dimension_numbers<[1], [0], [0], [1], [0, 0, 1, 1], [], []>, transpose_lhs_hint = false} : vector<32x32xbf16>, vector<32x3200xbf16>, vector<32x3200xf32> -> vector<32x3200xf32>
    %get3A_295 = arith.constant 0 : index
    %get3A_296 = arith.constant 0 : index
    %get3A_297 = vector.load %arg16[%get3A_295, %get3A_296] : memref<32x1xf32, #tpu.memory_space<vmem>>, vector<32x1xf32>
    %add3A_298 = vector.broadcast %get3A_297 : vector<32x1xf32> to vector<32x3200xf32>
    %add3A_299 = arith.addf %dot_general3A_294, %add3A_298 : vector<32x3200xf32>
    %max3A_300 = arith.constant 0.000000e+00 : f32
    %max3A_301 = vector.broadcast %max3A_300 : f32 to vector<32x3200xf32>
    %max3A_302 = arith.maximumf %add3A_299, %max3A_301 : vector<32x3200xf32>
    %get3A_303 = arith.constant 0 : index
    %get3A_304 = arith.constant 0 : index
    %get3A_305 = vector.load %arg17[%get3A_303, %get3A_304] : memref<8x32xf32, #tpu.memory_space<vmem>>, vector<8x32xf32>
    %convert_element_type3A_306 = arith.truncf %get3A_305 : vector<8x32xf32> to vector<8x32xbf16>
    %convert_element_type3A_307 = arith.truncf %max3A_302 : vector<32x3200xf32> to vector<32x3200xbf16>
    %dot_general3A_308 = arith.constant dense<0.000000e+00> : vector<8x3200xf32>
    %dot_general3A_309 = tpu.matmul %convert_element_type3A_306, %convert_element_type3A_307, %dot_general3A_308 {dimension_numbers = #tpu.dot_dimension_numbers<[1], [0], [0], [1], [0, 0, 1, 1], [], []>, transpose_lhs_hint = false} : vector<8x32xbf16>, vector<32x3200xbf16>, vector<8x3200xf32> -> vector<8x3200xf32>
    %get3A_310 = arith.constant 0 : index
    %get3A_311 = arith.constant 0 : index
    %get3A_312 = vector.load %arg18[%get3A_310, %get3A_311] : memref<8x1xf32, #tpu.memory_space<vmem>>, vector<8x1xf32>
    %add3A_313 = vector.broadcast %get3A_312 : vector<8x1xf32> to vector<8x3200xf32>
    %add3A_314 = arith.addf %dot_general3A_309, %add3A_313 : vector<8x3200xf32>
    %swap3A = arith.constant 0 : index
    %swap3A_315 = arith.constant 0 : index
    %swap3A_316 = vector.load %arg19[%swap3A, %swap3A_315] : memref<8x3200xf32, #tpu.memory_space<vmem>>, vector<8x3200xf32>
    tpu.vector_store %arg19[%swap3A, %swap3A_315], %add3A_314 {strides = array<i32>} : memref<8x3200xf32, #tpu.memory_space<vmem>>, vector<8x3200xf32>,
    return
  }
  func.func @transform_0(%arg0: i32) -> (i32, i32, i32) {
    %c0_i32 = arith.constant 0 : i32
    %c0_i32_0 = arith.constant 0 : i32
    %c0_i32_1 = arith.constant 0 : i32
    return %c0_i32, %c0_i32_0, %arg0 : i32, i32, i32
  }
  func.func @transform_1(%arg0: i32) -> (i32, i32) {
    %c0_i32 = arith.constant 0 : i32
    %c0_i32_0 = arith.constant 0 : i32
    return %c0_i32, %arg0 : i32, i32
  }
  func.func @transform_2(%arg0: i32) -> (i32, i32) {
    %c0_i32 = arith.constant 0 : i32
    %c0_i32_0 = arith.constant 0 : i32
    return %c0_i32, %arg0 : i32, i32
  }
  func.func @transform_3(%arg0: i32) -> (i32, i32) {
    %c0_i32 = arith.constant 0 : i32
    %c0_i32_0 = arith.constant 0 : i32
    return %c0_i32, %arg0 : i32, i32
  }
  func.func @transform_4(%arg0: i32) -> (i32, i32) {
    %c0_i32 = arith.constant 0 : i32
    %c0_i32_0 = arith.constant 0 : i32
    %c0_i32_1 = arith.constant 0 : i32
    return %c0_i32, %c0_i32_0 : i32, i32
  }
  func.func @transform_5(%arg0: i32) -> (i32, i32) {
    %c0_i32 = arith.constant 0 : i32
    %c0_i32_0 = arith.constant 0 : i32
    %c0_i32_1 = arith.constant 0 : i32
    return %c0_i32, %c0_i32_0 : i32, i32
  }
  func.func @transform_6(%arg0: i32) -> (i32, i32) {
    %c0_i32 = arith.constant 0 : i32
    %c0_i32_0 = arith.constant 0 : i32
    %c0_i32_1 = arith.constant 0 : i32
    return %c0_i32, %c0_i32_0 : i32, i32
  }
  func.func @transform_7(%arg0: i32) -> (i32, i32) {
    %c0_i32 = arith.constant 0 : i32
    %c0_i32_0 = arith.constant 0 : i32
    %c0_i32_1 = arith.constant 0 : i32
    return %c0_i32, %c0_i32_0 : i32, i32
  }
  func.func @transform_8(%arg0: i32) -> (i32, i32) {
    %c0_i32 = arith.constant 0 : i32
    %c0_i32_0 = arith.constant 0 : i32
    %c0_i32_1 = arith.constant 0 : i32
    return %c0_i32, %c0_i32_0 : i32, i32
  }
  func.func @transform_9(%arg0: i32) -> (i32, i32) {
    %c0_i32 = arith.constant 0 : i32
    %c0_i32_0 = arith.constant 0 : i32
    %c0_i32_1 = arith.constant 0 : i32
    return %c0_i32, %c0_i32_0 : i32, i32
  }
  func.func @transform_10(%arg0: i32) -> (i32, i32) {
    %c0_i32 = arith.constant 0 : i32
    %c0_i32_0 = arith.constant 0 : i32
    %c0_i32_1 = arith.constant 0 : i32
    return %c0_i32, %c0_i32_0 : i32, i32
  }
  func.func @transform_11(%arg0: i32) -> (i32, i32) {
    %c0_i32 = arith.constant 0 : i32
    %c0_i32_0 = arith.constant 0 : i32
    %c0_i32_1 = arith.constant 0 : i32
    return %c0_i32, %c0_i32_0 : i32, i32
  }
  func.func @transform_12(%arg0: i32) -> (i32, i32) {
    %c0_i32 = arith.constant 0 : i32
    %c0_i32_0 = arith.constant 0 : i32
    %c0_i32_1 = arith.constant 0 : i32
    return %c0_i32, %c0_i32_0 : i32, i32
  }
  func.func @transform_13(%arg0: i32) -> (i32, i32) {
    %c0_i32 = arith.constant 0 : i32
    %c0_i32_0 = arith.constant 0 : i32
    %c0_i32_1 = arith.constant 0 : i32
    return %c0_i32, %c0_i32_0 : i32, i32
  }
  func.func @transform_14(%arg0: i32) -> (i32, i32) {
    %c0_i32 = arith.constant 0 : i32
    %c0_i32_0 = arith.constant 0 : i32
    %c0_i32_1 = arith.constant 0 : i32
    return %c0_i32, %c0_i32_0 : i32, i32
  }
  func.func @transform_15(%arg0: i32) -> (i32, i32) {
    %c0_i32 = arith.constant 0 : i32
    %c0_i32_0 = arith.constant 0 : i32
    %c0_i32_1 = arith.constant 0 : i32
    return %c0_i32, %c0_i32_0 : i32, i32
  }
  func.func @transform_16(%arg0: i32) -> (i32, i32) {
    %c0_i32 = arith.constant 0 : i32
    %c0_i32_0 = arith.constant 0 : i32
    %c0_i32_1 = arith.constant 0 : i32
    return %c0_i32, %c0_i32_0 : i32, i32
  }
  func.func @transform_17(%arg0: i32) -> (i32, i32) {
    %c0_i32 = arith.constant 0 : i32
    %c0_i32_0 = arith.constant 0 : i32
    %c0_i32_1 = arith.constant 0 : i32
    return %c0_i32, %c0_i32_0 : i32, i32
  }
  func.func @transform_18(%arg0: i32) -> (i32, i32) {
    %c0_i32 = arith.constant 0 : i32
    %c0_i32_0 = arith.constant 0 : i32
    return %c0_i32, %arg0 : i32, i32
  }
}

</mosaic_0001>

<sc_bundles>
// kernel: _run.11.cloned.1.call-start
scs
__scs_entry_jumppad:
0x0: {  	(pc) =	sbr.rel $0x88, $3  }
0x1: {  	(tag) =	ssettag $0x0;
	lr =	simm.s32 $0x1  }
0x2: {  	[smem:$0x3F81] =	sst lr;
	_ =	strace $0xD0000000  }
0x3: {  	_ = 	snop  }
0x4: {  	_ = 	snop  }
0x5: {  	_ = 	snop  }
0x6: {  	_ = 	snop  }
0x7: {  	_ = 	snop  }
__scs_overlays_trampoline_lowered:
0x8: {  	[smem:$0x3F90] =	sst s0  }
0x9: {  	[smem:$0x3F91] =	sst s1  }
0xa: {  	[smem:$0x3F92] =	sst s2  }
0xb: {  	[smem:$0x3F93] =	sst s3  }
0xc: {  	[smem:$0x3F94] =	sst s4  }
0xd: {  	[smem:$0x3F95] =	sst s5  }
0xe: {  	[smem:$0x3F96] =	sst s6  }
0xf: {  	[smem:$0x3F97] =	sst s7  }
0x10: {  	[smem:$0x3F98] =	sst s8  }
0x11: {  	[smem:$0x3F99] =	sst s9;
	s0 =	simm.s32 @!p0 $0x0  }
0x12: {  	s1 =	sld [smem:$0x3F7F];
	s0 =	simm.s32 @p0 $0x1  }
0x13: {  	[smem:$0x3F9A] =	sst s0;
	s0 =	simm.s32 @!p1 $0x0  }
0x14: {  	s2 =	sld [smem:$0x3F7E];
	s0 =	simm.s32 @p1 $0x1  }
0x15: {  	[smem:$0x3F9B] =	sst s0;
	s0 =	simm.s32 @!p2 $0x0  }
0x16: {  	s3 =	sld [smem:$0x3FDB];
	s0 =	simm.s32 @p2 $0x1  }
0x17: {  	s4 =	simm.s32 $0x1BF5;
	[smem:$0x3F9D] =	sst s0  }
0x18: {  	s0 =	sld [smem:$0x3F80];
	_ =	swait.ge [sflag:s4], $0x0  }
0x19: {  	s7 =	sld [smem:$0x3F81]  }
0x1a: {  	s8 =	sadd.s32 $0xFFFFE003, lr  }
0x1b: {  	s9 =	sadd.s32 $0xFFFFFEF7, lr;
	s5 =	simm.s32 $0xFFFFFFFF;
	p2 =	slt.u32 s8, $0xFFFFF086  }
0x1c: {  	p1 =	slt.u32 s9, $0xF7A;
	s5 =	simm.s32 @!p2 $0x0  }
0x1d: {  	s5 =	simm.s32 @p1 $0x1;
	p0 =	seq.s32 s7, s2  }
0x1e: {  	s7 =	smul.u32 @!p0 $0xF7A, s2;
	p2 =	seq.s32 @!p0 s5, $0x0  }
0x1f: {  	s9 =	smul.u32 $0xF7A, s1;
	s8 =	simm.s32 @!p0 $0x1BF5;
	p2 =	por !p2, p0  }
0x20: {  	[sflag:s8] =	ssyncset.s32 @!p0 $0xFFFFF086;
	s6 =	sadd.s32 @!p0 s3, s7;
	s7 =	simm.s32 @!p0 $0x108  }
0x21: {  	s3 =	sadd.s32 s3, s9;
	s6 =	sadd.s32 @!p0 $0x88, s6;
	s7 =	simm.s32 @p2 $0x1082  }
0x22: {  	[simem:s7], [sflag:s8] =	dma.local @!p0 [hbm:s6], $0xF7A  }
0x23: {  	s9 =	sor.u32 $0xD0000000, s2;
	s6 =	simm.s32 $0x108;
	_ =	swait.ge @!p0 [sflag:s8], $0x0  }
0x24: {  	s3 =	sadd.s32 $0x88, s3;
	s6 =	simm.s32 @!p1 $0x1082;
	[sflag:s4] =	ssyncset.s32 $0xFFFFF086  }
0x25: {  	[simem:s6], [sflag:s4] =	dma.local [hbm:s3], $0xF7A  }
0x26: {  	[smem:$0x3F81] =	sst s1;
	(tag) =	ssettag s2;
	_ =	strace s9  }
0x27: {  	s1 =	sld [smem:$0x3F91]  }
0x28: {  	s2 =	sld [smem:$0x3F92]  }
0x29: {  	s4 =	sld [smem:$0x3F94]  }
0x2a: {  	p0 =	seq.s32 s5, $0x0;
	s5 =	sld [smem:$0x3F95]  }
0x2b: {  	s6 =	sld [smem:$0x3F96]  }
0x2c: {  	s7 =	sld [smem:$0x3F97]  }
0x2d: {  	s3 =	simm.s32 $0x108;
	s8 =	sld [smem:$0x3F98]  }
0x2e: {  	s3 =	simm.s32 @!p0 $0x1082;
	s9 =	sld [smem:$0x3F99]  }
0x2f: {  	lr =	sadd.s32 s0, s3;
	s0 =	sld [smem:$0x3F90]  }
0x30: {  	s3 =	sld [smem:$0x3F93]  }
0x31: {  	[smem:$0x3F9C] =	sst s10  }
0x32: {  	s10 =	sld [smem:$0x3F9A];
	_ =	sdelay $0x3  }
0x33: {  	p0 =	seq.s32 s10, $0x1;
	s10 =	sld [smem:$0x3F9C];
	_ =	sdelay $0x3  }
0x34: {  	[smem:$0x3F9C] =	sst s10  }
0x35: {  	s10 =	sld [smem:$0x3F9B];
	_ =	sdelay $0x3  }
0x36: {  	p1 =	seq.s32 s10, $0x1;
	s10 =	sld [smem:$0x3F9C];
	_ =	sdelay $0x3  }
0x37: {  	[smem:$0x3F9C] =	sst s10  }
0x38: {  	s10 =	sld [smem:$0x3F9D]  }
0x39: {  	_ = 	snop;
	(pc) =	sbr.ind lr, $3  }
0x3a: {  	_ = 	snop  }
0x3b: {  	_ = 	snop  }
0x3c: {  	p2 =	seq.s32 s10, $0x1;
	s10 =	sld [smem:$0x3F9C]  }
0x3d: {  	_ =	shalt  }
0x3e: {  	_ =	shalt  }
0x3f: {  	_ =	shalt  }
0x40: {  	_ =	shalt  }
0x41: {  	_ =	shalt  }
0x42: {  	_ =	shalt  }
0x43: {  	_ =	shalt  }
0x44: {  	_ =	shalt  }
0x45: {  	_ =	shalt  }
0x46: {  	_ =	shalt  }
0x47: {  	_ =	shalt  }
0x48: {  	_ =	shalt  }
0x49: {  	_ =	shalt  }
0x4a: {  	_ =	shalt  }
0x4b: {  	_ =	shalt  }
0x4c: {  	_ =	shalt  }
0x4d: {  	_ =	shalt  }
0x4e: {  	_ =	shalt  }
0x4f: {  	_ =	shalt  }
0x50: {  	_ =	shalt  }
0x51: {  	_ =	shalt  }
0x52: {  	_ =	shalt  }
0x53: {  	_ =	shalt  }
0x54: {  	_ =	shalt  }
0x55: {  	_ =	shalt  }
0x56: {  	_ =	shalt  }
0x57: {  	_ =	shalt  }
0x58: {  	_ =	shalt  }
0x59: {  	_ =	shalt  }
0x5a: {  	_ =	shalt  }
0x5b: {  	_ =	shalt  }
0x5c: {  	_ =	shalt  }
0x5d: {  	_ =	shalt  }
0x5e: {  	_ =	shalt  }
0x5f: {  	_ =	shalt  }
0x60: {  	_ =	shalt  }
0x61: {  	_ =	shalt  }
0x62: {  	_ =	shalt  }
0x63: {  	_ =	shalt  }
0x64: {  	_ =	shalt  }
0x65: {  	_ =	shalt  }
0x66: {  	_ =	shalt  }
0x67: {  	_ =	shalt  }
0x68: {  	_ =	shalt  }
0x69: {  	_ =	shalt  }
0x6a: {  	_ =	shalt  }
0x6b: {  	_ =	shalt  }
0x6c: {  	_ =	shalt  }
0x6d: {  	_ =	shalt  }
0x6e: {  	_ =	shalt  }
0x6f: {  	_ =	shalt  }
0x70: {  	_ =	shalt  }
0x71: {  	_ =	shalt  }
0x72: {  	_ =	shalt  }
0x73: {  	_ =	shalt  }
0x74: {  	_ =	shalt  }
0x75: {  	_ =	shalt  }
0x76: {  	_ =	shalt  }
0x77: {  	_ =	shalt  }
0x78: {  	_ =	shalt  }
0x79: {  	_ =	shalt  }
0x7a: {  	_ =	shalt  }
0x7b: {  	_ =	shalt  }
0x7c: {  	_ =	shalt  }
0x7d: {  	_ =	shalt  }
0x7e: {  	_ =	shalt  }
0x7f: {  	_ =	shalt  }
0x80: {  	_ =	shalt  }
0x81: {  	_ =	shalt  }
0x82: {  	_ =	shalt  }
0x83: {  	_ =	shalt  }
0x84: {  	_ =	shalt  }
0x85: {  	_ =	shalt  }
0x86: {  	_ =	shalt  }
0x87: {  	_ =	shalt  }
.Lfunc_end0:
.L_simem_size_0:
called_computation.1_lowered:
.L_overlay_start_0:
0x88: {  	s2 =	sld [smem:$0x3FD9]  }
0x89: {  	s3 =	sld [smem:$0x3FFE];
	_ =	sdelay $0x1  }
0x8a: {  	s1 =	srdreg.scid  }
0x8b: {  	s0 =	sand.u32 $0x1, s1  }
0x8c: {  	s16 =	sshll.u32 s0, $0xA;
	s2 =	sadd.s32 s3, s2  }
0x8d: {  	s2 =	sadd.s32 s2, s16  }
0x8e: {  	[smem:$0x3FA8] =	sst s2  }
0x8f: {  	_ = 	snop  }
0x90: {  	(tm) =	ssettm $0x1  }
0x91: {  	s17 =	sld [smem:$0x3FFB];
	_ =	sdelay $0x3  }
0x92: {  	_ =	strace s17  }
0x93: {  	s2 =	sld [smem:$0x3FFC];
	_ =	sdelay $0x3  }
0x94: {  	_ =	strace s2  }
0x95: {  	s2 =	sld [smem:$0x3FFD];
	_ =	sdelay $0x3  }
0x96: {  	_ =	strace s2  }
0x97: {  	_ =	strace $0x8FFFFFFF  }
0x98: {  	s18 =	sld [smem:$0x3FDB];
	_ =	sdelay $0x1  }
0x99: {  	s19 =	simm.s32 $_scs_section_size  }
0x9a: {  	s4 =	simm.s32 $_size__tile_overlayer_lowered;
	s5 =	simm.s32 $_tile_overlayer_lowered  }
0x9b: {  	s22 =	simm.s32 $0x1BFF;
	s21 =	sshll.u32 s5, $0x1;
	s2 =	sadd.s32 s19, s18  }
0x9c: {  	s6 =	simm.s32 $0x0;
	s20 =	sshll.u32 s4, $0x1;
	s4 =	sadd.s32 s21, s2  }
0x9d: {  	[timem:s6], [sflag:s22] =	dma.local [hbm:s4], s20  }
0x9e: {  	_ =	swait.ge [sflag:s22], s20  }
0x9f: {  	s3 =	ssub.s32 $0x0, s20;
	[sflag:s22] =	ssyncset.done $0x0  }
0xa0: {  	[sflag:s22] =	ssyncadd.s32 s3;
	_ =	sdelay $0x1  }
0xa1: {  	s23 =	simm.s32 $0x1B8B  }
0xa2: {  	_ =	swait.ge [sflag:s23], $0x1  }
0xa3: {  	[sflag:s23] =	ssyncset.done $0x0  }
0xa4: {  	s25 =	simm.s32 $0x1B8E;
	s24 =	sld [smem:$0x3FFE];
	[sflag:s23] =	ssyncadd.s32 $0xFFFFFFFF  }
0xa5: {  	s26 =	simm.s32 $execute0_lowered;
	[smem:$0x3FD2] =	sst s25  }
0xa6: {  	s4 =	sshll.u32 s26, $0x1;
	_ =	strace $0x80000049;
	[dreg:$0x1] =	wrdreg $0xFFFFFFFF  }
0xa7: {  	s28 =	simm.s32 $_size_execute0_lowered;
	s2 =	sadd.s32 s2, s4;
	[dreg:$0x0] =	wrdreg $0x0  }
0xa8: {  	s4 =	sshll.u32 s28, $0x1;
	[dreg:$0x2] =	wrdreg s2  }
0xa9: {  	[dreg:$0x3] =	wrdreg s4  }
0xaa: {  	[dreg:$0x4] =	wrdreg $0xC0  }
0xab: {  	_ =	task [dreg:s6], $0x5FFFF  }
0xac: {  	[dreg:$0x1] =	wrdreg $0xFFFFFFFF  }
0xad: {  	[dreg:$0x0] =	wrdreg $0x60  }
0xae: {  	[dreg:$0x2] =	wrdreg s24  }
0xaf: {  	[dreg:$0x3] =	wrdreg $0x66000  }
0xb0: {  	[dreg:$0x4] =	wrdreg $0x9  }
0xb1: {  	_ =	task.clear_ibuf [dreg:s6], $0x5FFFF;
	_ =	strace $0x90000049  }
0xb2: {  	s29 =	simm.s32 $0x9;
	_ =	strace $0x8000004B  }
0xb3: {  	_ =	swait.ge [sflag:s29], $0x1  }
0xb4: {  	[sflag:s29] =	ssyncadd.s32 $0xFFFFFFFF  }
0xb5: {  	_ =	strace $0x9000004B  }
0xb6: {  	_ =	sfence  }
0xb7: {  	s30 =	sld [smem:$0x0];
	_ =	sdelay $0x2  }
0xb8: {  	s31 =	sshll.u32 s1, $0xD;
	s1 =	sshrl.u32 s1, $0x2  }
0xb9: {  	s3 =	sand.u32 $0x4000, s31;
	s1 =	sadd.s32 s1, s30  }
0xba: {  	s0 =	sor.u32 s3, s0;
	s1 =	sshll.u32 s1, $0x11  }
0xbb: {  	s0 =	sor.u32 s1, s0  }
0xbc: {  	s0 =	sadd.s32 $0x8F2B, s0  }
0xbd: {  	[sflag:s0] =	ssyncadd.remote.s32 $0x1  }
0xbe: {  	_ =	sfence.sel $0xFFFF  }
0xbf: {  	[dreg:$0x0] =	wrdreg $0xFFFFFFFF;
	(pc) =	sbr.abs _section_cstart, $3  }
0xc0: {  	[dreg:$0x1] =	wrdreg $0xFFFFFFFF  }
0xc1: {  	_ =	task.clear_ibuf [dreg:s6], $0x2FFFF;
	_ =	strace $0x9FFFFFFF  }
0xc2: {  	(tm) =	ssettm $0x7FFFFFFF  }
0xc3: {  	_ =	shalt  }
tec
execute0_lowered:
.L_overlay_start_1:
0x0: {  	(tag) =	ssettag $0x1  }
0x1: {  	s5 =	rddreg [dreg:$0x0];
	s0 =	stileid.u32  }
0x2: {  	s1 =	srdreg.scid;
	s2 =	rddreg [dreg:$0x1];
	s3 =	simm.s32 $0x0  }
0x3: {  	s14 =	simm.s32 $0x300;
	s15 =	simm.s32 $0x80;
	s16 =	simm.s32 $0x1  }
0x4: {  	s17 =	simm.s32 $0x2;
	s20 =	simm.s32 $0x4;
	s6 =	smul.u32 $0x18C0, s0  }
0x5: {  	s21 =	simm.s32 $0x0;
	s7 =	sand.u32 $0x1, s1;
	s9 =	smul.u32 $0x19000, s0  }
0x6: {  	[smem:$0x7FF] =	sst s3;
	s4 =	sadd.s32 $0x83A00, s5;
	s10 =	smul.u32 $0x64000, s0  }
0x7: {  	s8 =	smul.u32 $0x190000, s7;
	_ =	strace $0x8000004A;
	s31 =	ssub.s32 $0x2, s7  }
0x8: {  	s19 =	smul.u32 $0xC800, s7;
	s11 =	sadd.s32 s6, s5;
	s12 =	sshrl.u32 s31, $0x1  }
0x9: {  	s10 =	sshrl.u32 s10, $0x2;
	s18 =	sadd.s32 s9, s2;
	s30 =	sadd.s32 s9, s8  }
.Ltmp0:
0xa: {  	s12 =	ssub.s32 s31, s12;
	s7 =	sadd.s32 $0x5400, s11;
	(pc) =	sbr.rel .LBB2_1-.Ltmp0, $4  }
0xb: {  	s18 =	sshrl.u32 s18, $0x3;
	v0 =	vmov s19;
	s19 =	simm.s32 $0x3;
	s6 =	sshrl.u32 s30, $0x3  }
0xc: {  	s9 =	smax.u32 s12, $0x1;
	s12 =	simm.s32 $0x600;
	s13 =	sadd.s32 s6, s5  }
0xd: {  	s5 =	sadd.s32 s10, s2;
	s6 =	sadd.s32 $0x14BA00, s11;
	s10 =	sadd.s32 $0x5430, s11  }
0xe: {  	v1 =	vimm.f32 $0.0e+00;
	s11 =	sadd.s32 $0x14BA30, s11;
	s8 =	sadd.s32 $0xE7A00, s13;
	s13 =	simm.s32 $0x5  }
.LBB2_11:
0xf: {  	_ =	swait.ge [sflag:s17], $0x1000  }
0x10: {  	[sflag:s17] =	ssyncset.done $0x0  }
0x11: {  	[sflag:s17] =	ssyncadd.s32 $0xFFFFF000  }
0x12: {  	_ =	swait.ge [sflag:s17], $0x1000  }
0x13: {  	[sflag:s17] =	ssyncset.done $0x0  }
0x14: {  	[sflag:s17] =	ssyncadd.s32 $0xFFFFF000  }
0x15: {  	_ =	swait.ge [sflag:s17], $0x1000  }
0x16: {  	s21 =	sadd.s32 $0x1, s21;
	[sflag:s17] =	ssyncset.done $0x0  }
0x17: {  	s1 =	sshll.u32 s0, $0x6;
	p0 =	sne.s32 s21, s9;
	[sflag:s17] =	ssyncadd.s32 $0xFFFFF000  }
.Ltmp1:
0x18: {  	s1 =	sor.u32 $0x1C05, s1;
	[bflag:$0x0] =	sbarrier.arrive $0xFFFF;
	(pc) =	sbr.rel @!p0 .LBB2_12-.Ltmp1, $4  }
0x19: {  	[hbm:s8], [sflag:s1] =	dma.local [spmem:s18], $0x3200  }
0x1a: {  	_ =	swait.ge [sflag:s13], $0x3200  }
0x1b: {  	[sflag:s13] =	ssyncset.done $0x0  }
0x1c: {  	[sflag:s13] =	ssyncadd.s32 $0xFFFFCE00  }
.LBB2_1:
0x1d: {  	s22 =	simm.s32 $0x0  }
.LBB2_2:
0x1e: {  	p0 =	sne.s32 s22, $0x3F80  }
.Ltmp2:
0x1f: {  	_ = 	snop;
	(pc) =	sbr.rel @p0 .LBB2_2-.Ltmp2, $4  }
0x20: {  	_ = 	snop  }
0x21: {  	s23 =	sshra.s32 s22, $0x2  }
0x22: {  	[tilespmem:s23+$0x600] =	vst v1  }
0x23: {  	s22 =	sadd.s32 $0x80, s22;
	[tilespmem:s23+$0x610] =	vst v1  }
0x24: {  	s22 =	sadd.s32 $0x0, s5  }
0x25: {  	[spmem:s22] =	stream.linear.scatter [tilespmem:s12], [sflag:$0x5], $0x1000, $0x38;
	[tilespmem:$0x1F600] =	vst v63  }
0x26: {  	s22 =	simm.s32 $0x4000;
	_ =	swait.ge [sflag:s13], $0x1000  }
.LBB2_4:
0x27: {  	s23 =	sshra.s32 s22, $0x2;
	[sflag:s13] =	ssyncset.done $0x0;
	p0 =	sne.s32 s22, $0x60000  }
.Ltmp3:
0x28: {  	s23 =	sadd.s32 s23, s5;
	[sflag:s13] =	ssyncadd.s32 $0xFFFFF000;
	(pc) =	sbr.rel @p0 .LBB2_4-.Ltmp3, $3  }
0x29: {  	[spmem:s23] =	stream.linear.scatter [tilespmem:s12], [sflag:$0x5], $0x1000, $0x38;
	[tilespmem:$0x1F600] =	vst v63  }
0x2a: {  	s22 =	sadd.s32 $0x4000, s22;
	_ =	sdelay $0x1  }
0x2b: {  	_ =	swait.ge [sflag:s13], $0x1000  }
0x2c: {  	[sflag:s13] =	ssyncset.done $0x0  }
0x2d: {  	[sflag:s13] =	ssyncadd.s32 $0xFFFFF000  }
0x2e: {  	s22 =	simm.s32 $0x0;
	[bflag:$0x0] =	sbarrier.arrive $0xFFFF  }
0x2f: {  	[tilespmem:s22], [sflag:$0x5] =	stream.linear.gather [hbm4b:s6+s22], $0x180, $0x38;
	[tilespmem:$0x1F600] =	vst v63  }
0x30: {  	_ =	swait.ge [sflag:s13], $0x180  }
0x31: {  	[sflag:s13] =	ssyncset.done $0x0  }
0x32: {  	[sflag:s13] =	ssyncadd.s32 $0xFFFFFE80  }
0x33: {  	[tilespmem:s14], [sflag:$0x5] =	stream.linear.gather [hbm4b:s7+s22], $0x180, $0x38;
	[tilespmem:$0x1F600] =	vst v63  }
0x34: {  	_ =	swait.ge [sflag:s13], $0x180  }
0x35: {  	[sflag:s13] =	ssyncset.done $0x0  }
0x36: {  	[sflag:s13] =	ssyncadd.s32 $0xFFFFFE80  }
0x37: {  	v2 =	vld [tilespmem:$0x0]  }
0x38: {  	v3 =	vld [tilespmem:$0x10]  }
0x39: {  	v4 =	vld [tilespmem:$0x20]  }
0x3a: {  	v5 =	vld [tilespmem:$0x30]  }
0x3b: {  	v6 =	vld [tilespmem:$0x40]  }
0x3c: {  	v7 =	vld [tilespmem:$0x50];
	v2 =	vadd.s32 v0, v2  }
0x3d: {  	[tilespmem:$0x0] =	vst v2;
	v2 =	vadd.s32 v0, v3;
	v3 =	vld [tilespmem:$0x60]  }
0x3e: {  	v50 =	vld [tilespmem:$0x70];
	[tilespmem:$0x10] =	vst v2;
	v2 =	vadd.s32 v0, v4  }
0x3f: {  	v51 =	vld [tilespmem:$0x80];
	[tilespmem:$0x20] =	vst v2;
	v2 =	vadd.s32 v0, v5  }
0x40: {  	v52 =	vld [tilespmem:$0x90];
	[tilespmem:$0x30] =	vst v2;
	v2 =	vadd.s32 v0, v6  }
0x41: {  	v53 =	vld [tilespmem:$0xA0];
	[tilespmem:$0x40] =	vst v2;
	v2 =	vadd.s32 v0, v7  }
0x42: {  	[tilespmem:$0x50] =	vst v2;
	v2 =	vadd.s32 v0, v3;
	v3 =	vld [tilespmem:$0xB0]  }
0x43: {  	v54 =	vld [tilespmem:$0xC0];
	[tilespmem:$0x60] =	vst v2;
	v2 =	vadd.s32 v0, v50  }
0x44: {  	v55 =	vld [tilespmem:$0xD0];
	[tilespmem:$0x70] =	vst v2;
	v2 =	vadd.s32 v0, v51  }
0x45: {  	v56 =	vld [tilespmem:$0xE0];
	[tilespmem:$0x80] =	vst v2;
	v2 =	vadd.s32 v0, v52  }
0x46: {  	v57 =	vld [tilespmem:$0xF0];
	[tilespmem:$0x90] =	vst v2;
	v2 =	vadd.s32 v0, v53  }
0x47: {  	[tilespmem:$0xA0] =	vst v2;
	v2 =	vadd.s32 v0, v3;
	v3 =	vld [tilespmem:$0x100]  }
0x48: {  	v58 =	vld [tilespmem:$0x110];
	[tilespmem:$0xB0] =	vst v2;
	v2 =	vadd.s32 v0, v54  }
0x49: {  	v59 =	vld [tilespmem:$0x120];
	[tilespmem:$0xC0] =	vst v2;
	v2 =	vadd.s32 v0, v55  }
0x4a: {  	v60 =	vld [tilespmem:$0x130];
	[tilespmem:$0xD0] =	vst v2;
	v2 =	vadd.s32 v0, v56  }
0x4b: {  	v61 =	vld [tilespmem:$0x140];
	[tilespmem:$0xE0] =	vst v2;
	v2 =	vadd.s32 v0, v57  }
0x4c: {  	[tilespmem:$0xF0] =	vst v2;
	v2 =	vadd.s32 v0, v3;
	v3 =	vld [tilespmem:$0x150]  }
0x4d: {  	v62 =	vld [tilespmem:$0x160];
	[tilespmem:$0x100] =	vst v2;
	v2 =	vadd.s32 v0, v58  }
0x4e: {  	v63 =	vld [tilespmem:$0x170];
	[tilespmem:$0x110] =	vst v2;
	v2 =	vadd.s32 v0, v59  }
0x4f: {  	[tilespmem:$0x120] =	vst v2;
	v2 =	vadd.s32 v0, v60  }
.Ltmp4:
0x50: {  	[tilespmem:$0x130] =	vst v2;
	v2 =	vadd.s32 v0, v61;
	(pc) =	sbr.rel .LBB2_6-.Ltmp4, $4  }
0x51: {  	[tilespmem:$0x140] =	vst v2;
	v2 =	vadd.s32 v0, v3  }
0x52: {  	[tilespmem:$0x150] =	vst v2;
	v2 =	vadd.s32 v0, v62  }
0x53: {  	[tilespmem:$0x160] =	vst v2;
	v2 =	vadd.s32 v0, v63  }
0x54: {  	s23 =	smov.u32 s11;
	s24 =	smov.u32 s10;
	[tilespmem:$0x170] =	vst v2  }
.LBB2_10:
0x55: {  	s1 =	sadd.s32 $0x300, s26;
	p0 =	sne.s32 s22, $0x84  }
0x56: {  	[spmem:s2] =	stream.indirect.scatter.add.f32 [tilespmem:s25], [sflag:$0x2], $0x20, s1, s15, $0xb8;
	[tilespmem:$0x1F600] =	vst v63  }
.Ltmp5:
0x57: {  	_ = 	snop;
	(pc) =	sbr.rel @!p0 .LBB2_11-.Ltmp5, $4  }
0x58: {  	s30 =	sadd.s32 $0x300, s30  }
0x59: {  	[spmem:s2] =	stream.indirect.scatter.add.f32 [tilespmem:s28], [sflag:$0x2], $0x20, s30, s15, $0xb8;
	[tilespmem:$0x1F600] =	vst v63  }
0x5a: {  	s31 =	sadd.s32 $0x300, s31;
	s24 =	sadd.s32 $0x30, s24;
	s23 =	sadd.s32 $0x30, s23  }
0x5b: {  	[spmem:s2] =	stream.indirect.scatter.add.f32 [tilespmem:s29], [sflag:$0x2], $0x20, s31, s15, $0xb8;
	[tilespmem:$0x1F600] =	vst v63  }
.LBB2_6:
0x5c: {  	p0 =	seq.s32 s22, $0x0  }
.Ltmp6:
0x5d: {  	_ = 	snop;
	(pc) =	sbr.rel @p0 .LBB2_8-.Ltmp6, $2  }
0x5e: {  	_ =	sdelay $0x2  }
0x5f: {  	s25 =	sand.u32 $0x1, s22  }
0x60: {  	_ =	swait.ge [sflag:s19], $0x180  }
0x61: {  	[sflag:s19] =	ssyncset.done $0x0  }
0x62: {  	[sflag:s19] =	ssyncadd.s32 $0xFFFFFE80  }
0x63: {  	s26 =	smul.u32 $0x600, s25;
	_ =	swait.ge [sflag:s20], $0x180  }
0x64: {  	[sflag:s20] =	ssyncset.done $0x0  }
0x65: {  	s26 =	sshrl.u32 s26, $0x2;
	[sflag:s20] =	ssyncadd.s32 $0xFFFFFE80  }
0x66: {  	v2 =	vld [tilespmem:s26+$0x0]  }
0x67: {  	v3 =	vld [tilespmem:s26+$0x10]  }
0x68: {  	v4 =	vld [tilespmem:s26+$0x20]  }
0x69: {  	v5 =	vld [tilespmem:s26+$0x30]  }
0x6a: {  	v6 =	vld [tilespmem:s26+$0x40]  }
0x6b: {  	v7 =	vld [tilespmem:s26+$0x50];
	v2 =	vadd.s32 v0, v2  }
0x6c: {  	[tilespmem:s26+$0x0] =	vst v2;
	v2 =	vadd.s32 v0, v3;
	v3 =	vld [tilespmem:s26+$0x60]  }
0x6d: {  	v50 =	vld [tilespmem:s26+$0x70];
	[tilespmem:s26+$0x10] =	vst v2;
	v2 =	vadd.s32 v0, v4  }
0x6e: {  	v51 =	vld [tilespmem:s26+$0x80];
	[tilespmem:s26+$0x20] =	vst v2;
	v2 =	vadd.s32 v0, v5  }
0x6f: {  	v52 =	vld [tilespmem:s26+$0x90];
	[tilespmem:s26+$0x30] =	vst v2;
	v2 =	vadd.s32 v0, v6  }
0x70: {  	v53 =	vld [tilespmem:s26+$0xA0];
	[tilespmem:s26+$0x40] =	vst v2;
	v2 =	vadd.s32 v0, v7  }
0x71: {  	[tilespmem:s26+$0x50] =	vst v2;
	v2 =	vadd.s32 v0, v3;
	v3 =	vld [tilespmem:s26+$0xB0]  }
0x72: {  	v54 =	vld [tilespmem:s26+$0xC0];
	[tilespmem:s26+$0x60] =	vst v2;
	v2 =	vadd.s32 v0, v50  }
0x73: {  	v55 =	vld [tilespmem:s26+$0xD0];
	[tilespmem:s26+$0x70] =	vst v2;
	v2 =	vadd.s32 v0, v51  }
0x74: {  	v56 =	vld [tilespmem:s26+$0xE0];
	[tilespmem:s26+$0x80] =	vst v2;
	v2 =	vadd.s32 v0, v52  }
0x75: {  	v57 =	vld [tilespmem:s26+$0xF0];
	[tilespmem:s26+$0x90] =	vst v2;
	v2 =	vadd.s32 v0, v53  }
0x76: {  	[tilespmem:s26+$0xA0] =	vst v2;
	v2 =	vadd.s32 v0, v3;
	v3 =	vld [tilespmem:s26+$0x100]  }
0x77: {  	v58 =	vld [tilespmem:s26+$0x110];
	[tilespmem:s26+$0xB0] =	vst v2;
	v2 =	vadd.s32 v0, v54  }
0x78: {  	v59 =	vld [tilespmem:s26+$0x120];
	[tilespmem:s26+$0xC0] =	vst v2;
	v2 =	vadd.s32 v0, v55  }
0x79: {  	v60 =	vld [tilespmem:s26+$0x130];
	[tilespmem:s26+$0xD0] =	vst v2;
	v2 =	vadd.s32 v0, v56  }
0x7a: {  	v61 =	vld [tilespmem:s26+$0x140];
	[tilespmem:s26+$0xE0] =	vst v2;
	v2 =	vadd.s32 v0, v57  }
0x7b: {  	[tilespmem:s26+$0xF0] =	vst v2;
	v2 =	vadd.s32 v0, v3;
	v3 =	vld [tilespmem:s26+$0x150]  }
0x7c: {  	v62 =	vld [tilespmem:s26+$0x160];
	[tilespmem:s26+$0x100] =	vst v2;
	v2 =	vadd.s32 v0, v58  }
0x7d: {  	v63 =	vld [tilespmem:s26+$0x170];
	[tilespmem:s26+$0x110] =	vst v2;
	v2 =	vadd.s32 v0, v59  }
0x7e: {  	[tilespmem:s26+$0x120] =	vst v2;
	v2 =	vadd.s32 v0, v60  }
0x7f: {  	[tilespmem:s26+$0x130] =	vst v2;
	v2 =	vadd.s32 v0, v61  }
0x80: {  	[tilespmem:s26+$0x140] =	vst v2;
	v2 =	vadd.s32 v0, v3  }
0x81: {  	[tilespmem:s26+$0x150] =	vst v2;
	v2 =	vadd.s32 v0, v62  }
0x82: {  	[tilespmem:s26+$0x160] =	vst v2;
	v2 =	vadd.s32 v0, v63  }
0x83: {  	[tilespmem:s26+$0x170] =	vst v2  }
.LBB2_8:
0x84: {  	s26 =	smul.u32 $0xC000, s25;
	_ =	sdelay $0x1  }
0x85: {  	s29 =	sshrl.u32 s26, $0x2;
	s26 =	smul.u32 $0x180, s25  }
0x86: {  	s25 =	sor.u32 $0x600, s29  }
0x87: {  	[tilespmem:s25], [sflag:$0x1] =	stream.indirect.gather [hbm4b:s4+s15], $0x20, s26, s15, $0xb8;
	[tilespmem:$0x1F600] =	vst v63  }
0x88: {  	s28 =	sadd.s32 $0x1600, s29;
	s30 =	sadd.s32 $0x80, s26  }
0x89: {  	[tilespmem:s28], [sflag:$0x1] =	stream.indirect.gather [hbm4b:s4+s15], $0x20, s30, s15, $0xb8;
	[tilespmem:$0x1F600] =	vst v63  }
0x8a: {  	s29 =	sadd.s32 $0x2600, s29;
	s31 =	sadd.s32 $0x100, s26  }
0x8b: {  	[tilespmem:s29], [sflag:$0x1] =	stream.indirect.gather [hbm4b:s4+s15], $0x20, s31, s15, $0xb8;
	[tilespmem:$0x1F600] =	vst v63  }
0x8c: {  	_ =	swait.ge [sflag:s16], $0x1000  }
0x8d: {  	[sflag:s16] =	ssyncset.done $0x0  }
0x8e: {  	[sflag:s16] =	ssyncadd.s32 $0xFFFFF000  }
0x8f: {  	_ =	swait.ge [sflag:s16], $0x1000  }
0x90: {  	[sflag:s16] =	ssyncset.done $0x0  }
0x91: {  	[sflag:s16] =	ssyncadd.s32 $0xFFFFF000  }
0x92: {  	_ =	swait.ge [sflag:s16], $0x1000  }
0x93: {  	[sflag:s16] =	ssyncset.done $0x0  }
0x94: {  	s1 =	simm.s32 @!p0 $0x2;
	[sflag:s16] =	ssyncadd.s32 $0xFFFFF000  }
0x95: {  	_ =	swait.ge @!p0 [sflag:s1], $0x1000  }
0x96: {  	[sflag:s1] =	ssyncset.done @!p0 $0x0  }
0x97: {  	p1 =	seq.s32 @!p0 s22, $0x83;
	[sflag:s1] =	ssyncadd.s32 @!p0 $0xFFFFF000  }
0x98: {  	p1 =	por p0, !p1;
	_ =	swait.ge @!p0 [sflag:s1], $0x1000  }
.Ltmp7:
0x99: {  	[sflag:s1] =	ssyncset.done @!p0 $0x0;
	(pc) =	sbr.rel @!p1 .LBB2_10-.Ltmp7, $4  }
0x9a: {  	[sflag:s1] =	ssyncadd.s32 @!p0 $0xFFFFF000  }
0x9b: {  	_ =	swait.ge @!p0 [sflag:s1], $0x1000  }
0x9c: {  	[sflag:s1] =	ssyncset.done @!p0 $0x0  }
0x9d: {  	s22 =	sadd.s32 $0x1, s22;
	[sflag:s1] =	ssyncadd.s32 @!p0 $0xFFFFF000  }
0x9e: {  	s1 =	sand.u32 $0x1, s22  }
.Ltmp8:
0x9f: {  	p0 =	seq.s32 s1, $0x1;
	s1 =	simm.s32 $0x180;
	(pc) =	sbr.rel .LBB2_10-.Ltmp8, $4  }
0xa0: {  	s1 =	simm.s32 @!p0 $0x0  }
0xa1: {  	[tilespmem:s1], [sflag:$0x3] =	stream.linear.gather [hbm4b:s23+s3], $0x180, $0x38;
	[tilespmem:$0x1F600] =	vst v63  }
0xa2: {  	s1 =	sadd.s32 $0x300, s1  }
0xa3: {  	[tilespmem:s1], [sflag:$0x4] =	stream.linear.gather [hbm4b:s24+s3], $0x180, $0x38;
	[tilespmem:$0x1F600] =	vst v63  }
.LBB2_12:
0xa4: {  	_ =	sfence.sel $0x180000  }
0xa5: {  	[bflag:$0x0] =	sbarrier.arrive $0xFFFF  }
0xa6: {  	_ =	strace $0x9000004A  }
0xa7: {  	[bflag:$0x2] =	sbarrier.arrive $0xFFFF  }
0xa8: {  	p0 =	sne.s32 s0, $0x0;
	s0 =	rddreg [dreg:$0x2]  }
0xa9: {  	s0 =	sadd.s32 @!p0 $0x100000, s0  }
0xaa: {  	[sflag:s0] =	ssyncadd.tile.s32 @!p0 $0x1;
	_ =	shalt  }
.Lfunc_end2:
_tile_overlayer_lowered:
.L_overlay_start_2:
0xab: {  	(tag) =	ssettag $0x2  }
0xac: {  	s0 =	rddreg [dreg:$0x0];
	s2 =	stileid.u32  }
0xad: {  	s1 =	rddreg [dreg:$0x1];
	p0 =	sne.s32 s2, $0x0  }
0xae: {  	s3 =	rddreg [dreg:$0x2];
	[bflag:$0x3] =	sbarrier.arrive $0xFFFF;
	s2 =	simm.s32 @!p0 $0x1C05  }
0xaf: {  	[timem:s3], [sflag:s2] =	dma.local @!p0 [hbm:s0], s1  }
0xb0: {  	s0 =	simm.s32 @!p0 $0x5  }
0xb1: {  	_ =	swait.ge @!p0 [sflag:s0], s1  }
0xb2: {  	s1 =	ssub.s32 @!p0 $0x0, s1;
	[sflag:s0] =	ssyncset.done @!p0 $0x0  }
0xb3: {  	[sflag:s0] =	ssyncadd.s32 @!p0 s1  }
0xb4: {  	[bflag:$0x3] =	sbarrier.arrive $0xFFFF  }
0xb5: {  	_ =	shalt  }

// kernel: _run.14.cloned.1.call-start
scs
__scs_entry_jumppad:
0x0: {  	(pc) =	sbr.rel $0x88, $3  }
0x1: {  	(tag) =	ssettag $0x0;
	lr =	simm.s32 $0x1  }
0x2: {  	[smem:$0x3F81] =	sst lr;
	_ =	strace $0xD0000000  }
0x3: {  	_ = 	snop  }
0x4: {  	_ = 	snop  }
0x5: {  	_ = 	snop  }
0x6: {  	_ = 	snop  }
0x7: {  	_ = 	snop  }
__scs_overlays_trampoline_lowered:
0x8: {  	[smem:$0x3F90] =	sst s0  }
0x9: {  	[smem:$0x3F91] =	sst s1  }
0xa: {  	[smem:$0x3F92] =	sst s2  }
0xb: {  	[smem:$0x3F93] =	sst s3  }
0xc: {  	[smem:$0x3F94] =	sst s4  }
0xd: {  	[smem:$0x3F95] =	sst s5  }
0xe: {  	[smem:$0x3F96] =	sst s6  }
0xf: {  	[smem:$0x3F97] =	sst s7  }
0x10: {  	[smem:$0x3F98] =	sst s8  }
0x11: {  	[smem:$0x3F99] =	sst s9;
	s0 =	simm.s32 @!p0 $0x0  }
0x12: {  	s1 =	sld [smem:$0x3F7F];
	s0 =	simm.s32 @p0 $0x1  }
0x13: {  	[smem:$0x3F9A] =	sst s0;
	s0 =	simm.s32 @!p1 $0x0  }
0x14: {  	s2 =	sld [smem:$0x3F7E];
	s0 =	simm.s32 @p1 $0x1  }
0x15: {  	[smem:$0x3F9B] =	sst s0;
	s0 =	simm.s32 @!p2 $0x0  }
0x16: {  	s3 =	sld [smem:$0x3FDB];
	s0 =	simm.s32 @p2 $0x1  }
0x17: {  	s4 =	simm.s32 $0x1BF5;
	[smem:$0x3F9D] =	sst s0  }
0x18: {  	s0 =	sld [smem:$0x3F80];
	_ =	swait.ge [sflag:s4], $0x0  }
0x19: {  	s7 =	sld [smem:$0x3F81]  }
0x1a: {  	s8 =	sadd.s32 $0xFFFFE003, lr  }
0x1b: {  	s9 =	sadd.s32 $0xFFFFFEF7, lr;
	s5 =	simm.s32 $0xFFFFFFFF;
	p2 =	slt.u32 s8, $0xFFFFF086  }
0x1c: {  	p1 =	slt.u32 s9, $0xF7A;
	s5 =	simm.s32 @!p2 $0x0  }
0x1d: {  	s5 =	simm.s32 @p1 $0x1;
	p0 =	seq.s32 s7, s2  }
0x1e: {  	s7 =	smul.u32 @!p0 $0xF7A, s2;
	p2 =	seq.s32 @!p0 s5, $0x0  }
0x1f: {  	s9 =	smul.u32 $0xF7A, s1;
	s8 =	simm.s32 @!p0 $0x1BF5;
	p2 =	por !p2, p0  }
0x20: {  	[sflag:s8] =	ssyncset.s32 @!p0 $0xFFFFF086;
	s6 =	sadd.s32 @!p0 s3, s7;
	s7 =	simm.s32 @!p0 $0x108  }
0x21: {  	s3 =	sadd.s32 s3, s9;
	s6 =	sadd.s32 @!p0 $0x88, s6;
	s7 =	simm.s32 @p2 $0x1082  }
0x22: {  	[simem:s7], [sflag:s8] =	dma.local @!p0 [hbm:s6], $0xF7A  }
0x23: {  	s9 =	sor.u32 $0xD0000000, s2;
	s6 =	simm.s32 $0x108;
	_ =	swait.ge @!p0 [sflag:s8], $0x0  }
0x24: {  	s3 =	sadd.s32 $0x88, s3;
	s6 =	simm.s32 @!p1 $0x1082;
	[sflag:s4] =	ssyncset.s32 $0xFFFFF086  }
0x25: {  	[simem:s6], [sflag:s4] =	dma.local [hbm:s3], $0xF7A  }
0x26: {  	[smem:$0x3F81] =	sst s1;
	(tag) =	ssettag s2;
	_ =	strace s9  }
0x27: {  	s1 =	sld [smem:$0x3F91]  }
0x28: {  	s2 =	sld [smem:$0x3F92]  }
0x29: {  	s4 =	sld [smem:$0x3F94]  }
0x2a: {  	p0 =	seq.s32 s5, $0x0;
	s5 =	sld [smem:$0x3F95]  }
0x2b: {  	s6 =	sld [smem:$0x3F96]  }
0x2c: {  	s7 =	sld [smem:$0x3F97]  }
0x2d: {  	s3 =	simm.s32 $0x108;
	s8 =	sld [smem:$0x3F98]  }
0x2e: {  	s3 =	simm.s32 @!p0 $0x1082;
	s9 =	sld [smem:$0x3F99]  }
0x2f: {  	lr =	sadd.s32 s0, s3;
	s0 =	sld [smem:$0x3F90]  }
0x30: {  	s3 =	sld [smem:$0x3F93]  }
0x31: {  	[smem:$0x3F9C] =	sst s10  }
0x32: {  	s10 =	sld [smem:$0x3F9A];
	_ =	sdelay $0x3  }
0x33: {  	p0 =	seq.s32 s10, $0x1;
	s10 =	sld [smem:$0x3F9C];
	_ =	sdelay $0x3  }
0x34: {  	[smem:$0x3F9C] =	sst s10  }
0x35: {  	s10 =	sld [smem:$0x3F9B];
	_ =	sdelay $0x3  }
0x36: {  	p1 =	seq.s32 s10, $0x1;
	s10 =	sld [smem:$0x3F9C];
	_ =	sdelay $0x3  }
0x37: {  	[smem:$0x3F9C] =	sst s10  }
0x38: {  	s10 =	sld [smem:$0x3F9D]  }
0x39: {  	_ = 	snop;
	(pc) =	sbr.ind lr, $3  }
0x3a: {  	_ = 	snop  }
0x3b: {  	_ = 	snop  }
0x3c: {  	p2 =	seq.s32 s10, $0x1;
	s10 =	sld [smem:$0x3F9C]  }
0x3d: {  	_ =	shalt  }
0x3e: {  	_ =	shalt  }
0x3f: {  	_ =	shalt  }
0x40: {  	_ =	shalt  }
0x41: {  	_ =	shalt  }
0x42: {  	_ =	shalt  }
0x43: {  	_ =	shalt  }
0x44: {  	_ =	shalt  }
0x45: {  	_ =	shalt  }
0x46: {  	_ =	shalt  }
0x47: {  	_ =	shalt  }
0x48: {  	_ =	shalt  }
0x49: {  	_ =	shalt  }
0x4a: {  	_ =	shalt  }
0x4b: {  	_ =	shalt  }
0x4c: {  	_ =	shalt  }
0x4d: {  	_ =	shalt  }
0x4e: {  	_ =	shalt  }
0x4f: {  	_ =	shalt  }
0x50: {  	_ =	shalt  }
0x51: {  	_ =	shalt  }
0x52: {  	_ =	shalt  }
0x53: {  	_ =	shalt  }
0x54: {  	_ =	shalt  }
0x55: {  	_ =	shalt  }
0x56: {  	_ =	shalt  }
0x57: {  	_ =	shalt  }
0x58: {  	_ =	shalt  }
0x59: {  	_ =	shalt  }
0x5a: {  	_ =	shalt  }
0x5b: {  	_ =	shalt  }
0x5c: {  	_ =	shalt  }
0x5d: {  	_ =	shalt  }
0x5e: {  	_ =	shalt  }
0x5f: {  	_ =	shalt  }
0x60: {  	_ =	shalt  }
0x61: {  	_ =	shalt  }
0x62: {  	_ =	shalt  }
0x63: {  	_ =	shalt  }
0x64: {  	_ =	shalt  }
0x65: {  	_ =	shalt  }
0x66: {  	_ =	shalt  }
0x67: {  	_ =	shalt  }
0x68: {  	_ =	shalt  }
0x69: {  	_ =	shalt  }
0x6a: {  	_ =	shalt  }
0x6b: {  	_ =	shalt  }
0x6c: {  	_ =	shalt  }
0x6d: {  	_ =	shalt  }
0x6e: {  	_ =	shalt  }
0x6f: {  	_ =	shalt  }
0x70: {  	_ =	shalt  }
0x71: {  	_ =	shalt  }
0x72: {  	_ =	shalt  }
0x73: {  	_ =	shalt  }
0x74: {  	_ =	shalt  }
0x75: {  	_ =	shalt  }
0x76: {  	_ =	shalt  }
0x77: {  	_ =	shalt  }
0x78: {  	_ =	shalt  }
0x79: {  	_ =	shalt  }
0x7a: {  	_ =	shalt  }
0x7b: {  	_ =	shalt  }
0x7c: {  	_ =	shalt  }
0x7d: {  	_ =	shalt  }
0x7e: {  	_ =	shalt  }
0x7f: {  	_ =	shalt  }
0x80: {  	_ =	shalt  }
0x81: {  	_ =	shalt  }
0x82: {  	_ =	shalt  }
0x83: {  	_ =	shalt  }
0x84: {  	_ =	shalt  }
0x85: {  	_ =	shalt  }
0x86: {  	_ =	shalt  }
0x87: {  	_ =	shalt  }
.Lfunc_end0:
.L_simem_size_0:
called_computation.2_lowered:
.L_overlay_start_0:
0x88: {  	s2 =	sld [smem:$0x3FD9]  }
0x89: {  	s3 =	sld [smem:$0x3FFE];
	_ =	sdelay $0x1  }
0x8a: {  	s1 =	srdreg.scid  }
0x8b: {  	s0 =	sand.u32 $0x1, s1  }
0x8c: {  	s16 =	sshll.u32 s0, $0xA;
	s2 =	sadd.s32 s3, s2  }
0x8d: {  	s2 =	sadd.s32 s2, s16  }
0x8e: {  	[smem:$0x3FA8] =	sst s2  }
0x8f: {  	_ = 	snop  }
0x90: {  	(tm) =	ssettm $0x1  }
0x91: {  	s17 =	sld [smem:$0x3FFB];
	_ =	sdelay $0x3  }
0x92: {  	_ =	strace s17  }
0x93: {  	s2 =	sld [smem:$0x3FFC];
	_ =	sdelay $0x3  }
0x94: {  	_ =	strace s2  }
0x95: {  	s2 =	sld [smem:$0x3FFD];
	_ =	sdelay $0x3  }
0x96: {  	_ =	strace s2  }
0x97: {  	_ =	strace $0x8FFFFFFF  }
0x98: {  	s18 =	sld [smem:$0x3FDB];
	_ =	sdelay $0x1  }
0x99: {  	s19 =	simm.s32 $_scs_section_size  }
0x9a: {  	s4 =	simm.s32 $_size__tile_overlayer_lowered;
	s5 =	simm.s32 $_tile_overlayer_lowered  }
0x9b: {  	s22 =	simm.s32 $0x1BFF;
	s21 =	sshll.u32 s5, $0x1;
	s2 =	sadd.s32 s19, s18  }
0x9c: {  	s6 =	simm.s32 $0x0;
	s20 =	sshll.u32 s4, $0x1;
	s4 =	sadd.s32 s21, s2  }
0x9d: {  	[timem:s6], [sflag:s22] =	dma.local [hbm:s4], s20  }
0x9e: {  	_ =	swait.ge [sflag:s22], s20  }
0x9f: {  	s3 =	ssub.s32 $0x0, s20;
	[sflag:s22] =	ssyncset.done $0x0  }
0xa0: {  	[sflag:s22] =	ssyncadd.s32 s3;
	_ =	sdelay $0x1  }
0xa1: {  	s23 =	simm.s32 $0x1B8B  }
0xa2: {  	_ =	swait.ge [sflag:s23], $0x1  }
0xa3: {  	[sflag:s23] =	ssyncset.done $0x0  }
0xa4: {  	s25 =	simm.s32 $0x1B8E;
	s24 =	sld [smem:$0x3FFE];
	[sflag:s23] =	ssyncadd.s32 $0xFFFFFFFF  }
0xa5: {  	s26 =	simm.s32 $execute0_lowered;
	[smem:$0x3FD2] =	sst s25  }
0xa6: {  	s4 =	sshll.u32 s26, $0x1;
	_ =	strace $0x8000004C;
	[dreg:$0x1] =	wrdreg $0xFFFFFFFF  }
0xa7: {  	s28 =	simm.s32 $_size_execute0_lowered;
	s2 =	sadd.s32 s2, s4;
	[dreg:$0x0] =	wrdreg $0x0  }
0xa8: {  	s4 =	sshll.u32 s28, $0x1;
	[dreg:$0x2] =	wrdreg s2  }
0xa9: {  	[dreg:$0x3] =	wrdreg s4  }
0xaa: {  	[dreg:$0x4] =	wrdreg $0xC0  }
0xab: {  	_ =	task [dreg:s6], $0x5FFFF  }
0xac: {  	[dreg:$0x1] =	wrdreg $0xFFFFFFFF  }
0xad: {  	[dreg:$0x0] =	wrdreg $0x60  }
0xae: {  	[dreg:$0x2] =	wrdreg s24  }
0xaf: {  	[dreg:$0x3] =	wrdreg $0x66000  }
0xb0: {  	[dreg:$0x4] =	wrdreg $0x9  }
0xb1: {  	_ =	task.clear_ibuf [dreg:s6], $0x5FFFF;
	_ =	strace $0x9000004C  }
0xb2: {  	s29 =	simm.s32 $0x9;
	_ =	strace $0x8000004E  }
0xb3: {  	_ =	swait.ge [sflag:s29], $0x1  }
0xb4: {  	[sflag:s29] =	ssyncadd.s32 $0xFFFFFFFF  }
0xb5: {  	_ =	strace $0x9000004E  }
0xb6: {  	_ =	sfence  }
0xb7: {  	s30 =	sld [smem:$0x0];
	_ =	sdelay $0x2  }
0xb8: {  	s31 =	sshll.u32 s1, $0xD;
	s1 =	sshrl.u32 s1, $0x2  }
0xb9: {  	s3 =	sand.u32 $0x4000, s31;
	s1 =	sadd.s32 s1, s30  }
0xba: {  	s0 =	sor.u32 s3, s0;
	s1 =	sshll.u32 s1, $0x11  }
0xbb: {  	s0 =	sor.u32 s1, s0  }
0xbc: {  	s0 =	sadd.s32 $0x8F2B, s0  }
0xbd: {  	[sflag:s0] =	ssyncadd.remote.s32 $0x1  }
0xbe: {  	_ =	sfence.sel $0xFFFF  }
0xbf: {  	[dreg:$0x0] =	wrdreg $0xFFFFFFFF;
	(pc) =	sbr.abs _section_cstart, $3  }
0xc0: {  	[dreg:$0x1] =	wrdreg $0xFFFFFFFF  }
0xc1: {  	_ =	task.clear_ibuf [dreg:s6], $0x2FFFF;
	_ =	strace $0x9FFFFFFF  }
0xc2: {  	(tm) =	ssettm $0x7FFFFFFF  }
0xc3: {  	_ =	shalt  }
tec
execute0_lowered:
.L_overlay_start_1:
0x0: {  	(tag) =	ssettag $0x1  }
0x1: {  	s0 =	rddreg [dreg:$0x0]  }
0x2: {  	s1 =	rddreg [dreg:$0x1]  }
0x3: {  	s3 =	simm.s32 $0x0;
	s2 =	srdreg.scid;
	s11 =	stileid.u32  }
0x4: {  	s14 =	simm.s32 $0x600;
	s20 =	simm.s32 $0x2600;
	s21 =	simm.s32 $0x1  }
0x5: {  	s22 =	simm.s32 $0x180;
	s23 =	simm.s32 $0x480;
	s28 =	simm.s32 $0x3  }
0x6: {  	s29 =	simm.s32 $0x4;
	s30 =	simm.s32 $0x2;
	s31 =	simm.s32 $0x3600  }
0x7: {  	[smem:$0x7FF] =	sst s3;
	s2 =	sand.u32 $0x1, s2;
	s6 =	smul.u32 $0x19000, s11  }
0x8: {  	s4 =	sadd.s32 $0xE6000, s0;
	s7 =	sadd.s32 $0x14BA00, s0;
	s9 =	smul.u32 $0x64000, s11  }
0x9: {  	s13 =	sadd.s32 $0x5400, s0;
	s5 =	smul.u32 $0x190000, s2;
	_ =	strace $0x8000004D  }
0xa: {  	s8 =	sshll.u32 s2, $0x4;
	s15 =	ssub.s32 $0x2, s2;
	s2 =	smul.u32 $0xC60, s2  }
0xb: {  	s8 =	sor.u32 s11, s8;
	s10 =	sshrl.u32 s15, $0x1;
	s9 =	sshrl.u32 s9, $0x2  }
0xc: {  	s11 =	smul.u32 $0xC6, s11;
	s19 =	sadd.s32 s6, s1;
	s5 =	sadd.s32 s6, s5  }
0xd: {  	s8 =	smul.u32 $0xC60, s8;
	s10 =	ssub.s32 s15, s10;
	s15 =	simm.s32 $0x5  }
0xe: {  	s5 =	sshrl.u32 s5, $0x3;
	s18 =	sadd.s32 s11, s2;
	s25 =	smax.u32 s10, $0x1  }
0xf: {  	s2 =	simm.s32 $0x0;
	s0 =	sadd.s32 s5, s0;
	s5 =	sadd.s32 s9, s1  }
0x10: {  	s16 =	sadd.s32 s7, s8;
	s17 =	sadd.s32 s13, s8;
	[dreg:$0x6] =	wrdreg s25  }
0x11: {  	s24 =	sadd.s32 $0x30, s8;
	s25 =	sshrl.u32 s19, $0x3;
	[dreg:$0x3] =	wrdreg s16  }
0x12: {  	s19 =	simm.s32 $0x4600;
	[dreg:$0x4] =	wrdreg s17;
	s0 =	sadd.s32 $0x1E000, s0  }
0x13: {  	s26 =	sadd.s32 s7, s24;
	s6 =	sadd.s32 s13, s24;
	[dreg:$0x5] =	wrdreg s0  }
0x14: {  	s17 =	simm.s32 $0x80;
	s0 =	sshll.u32 s18, $0x4;
	[dreg:$0x7] =	wrdreg s26  }
0x15: {  	s24 =	simm.s32 $0x5600;
	[dreg:$0x8] =	wrdreg s6;
	s0 =	sadd.s32 $0x60, s0  }
0x16: {  	v0 =	vimm.f32 $0.0e+00;
	s18 =	simm.s32 $0x1600;
	s12 =	sadd.s32 s0, s7;
	s13 =	sadd.s32 s0, s13  }
.LBB2_1:
0x17: {  	s0 =	simm.s32 $0x0  }
.LBB2_2:
0x18: {  	p0 =	sne.s32 s0, $0x3F80  }
.Ltmp0:
0x19: {  	_ = 	snop;
	(pc) =	sbr.rel @p0 .LBB2_2-.Ltmp0, $4  }
0x1a: {  	_ = 	snop  }
0x1b: {  	s6 =	sshra.s32 s0, $0x2  }
0x1c: {  	[tilespmem:s6+$0x600] =	vst v0  }
0x1d: {  	s0 =	sadd.s32 $0x80, s0;
	[tilespmem:s6+$0x610] =	vst v0  }
0x1e: {  	s0 =	sadd.s32 $0x0, s5  }
0x1f: {  	[spmem:s0] =	stream.linear.scatter [tilespmem:s14], [sflag:$0x5], $0x1000, $0x38;
	[tilespmem:$0x1F600] =	vst v63  }
0x20: {  	s0 =	simm.s32 $0x4000;
	_ =	swait.ge [sflag:s15], $0x1000  }
.LBB2_4:
0x21: {  	s6 =	sshra.s32 s0, $0x2;
	[sflag:s15] =	ssyncset.done $0x0;
	p0 =	sne.s32 s0, $0x60000  }
.Ltmp1:
0x22: {  	s6 =	sadd.s32 s6, s5;
	[sflag:s15] =	ssyncadd.s32 $0xFFFFF000;
	(pc) =	sbr.rel @p0 .LBB2_4-.Ltmp1, $3  }
0x23: {  	[spmem:s6] =	stream.linear.scatter [tilespmem:s14], [sflag:$0x5], $0x1000, $0x38;
	[tilespmem:$0x1F600] =	vst v63  }
0x24: {  	s0 =	sadd.s32 $0x4000, s0;
	_ =	sdelay $0x1  }
0x25: {  	_ =	swait.ge [sflag:s15], $0x1000  }
0x26: {  	[sflag:s15] =	ssyncset.done $0x0  }
0x27: {  	[sflag:s15] =	ssyncadd.s32 $0xFFFFF000  }
0x28: {  	[bflag:$0x0] =	sbarrier.arrive $0xFFFF  }
0x29: {  	s0 =	rddreg [dreg:$0x3]  }
0x2a: {  	[tilespmem:s3], [sflag:$0x5] =	stream.linear.gather [hbm4b:s0+s3], $0x180, $0x38;
	[tilespmem:$0x1F600] =	vst v63  }
0x2b: {  	_ =	swait.ge [sflag:s15], $0x180  }
0x2c: {  	[sflag:s15] =	ssyncset.done $0x0  }
0x2d: {  	s6 =	simm.s32 $0x300;
	s11 =	rddreg [dreg:$0x4];
	[sflag:s15] =	ssyncadd.s32 $0xFFFFFE80  }
0x2e: {  	[tilespmem:s6], [sflag:$0x5] =	stream.linear.gather [hbm4b:s11+s3], $0x180, $0x38;
	[tilespmem:$0x1F600] =	vst v63  }
0x2f: {  	_ =	swait.ge [sflag:s15], $0x180  }
0x30: {  	[sflag:s15] =	ssyncset.done $0x0  }
0x31: {  	[sflag:s15] =	ssyncadd.s32 $0xFFFFFE80  }
0x32: {  	[tilespmem:s14], [sflag:$0x1] =	stream.indirect.gather [hbm4b:s4+s17], $0x20, s3, s17, $0xb8;
	[tilespmem:$0x1F600] =	vst v63  }
0x33: {  	_ = 	snop  }
0x34: {  	[tilespmem:s18], [sflag:$0x1] =	stream.indirect.gather [hbm4b:s4+s17], $0x20, s17, s17, $0xb8;
	[tilespmem:$0x1F600] =	vst v63  }
0x35: {  	s16 =	simm.s32 $0x100  }
0x36: {  	[tilespmem:s20], [sflag:$0x1] =	stream.indirect.gather [hbm4b:s4+s17], $0x20, s16, s17, $0xb8;
	[tilespmem:$0x1F600] =	vst v63  }
0x37: {  	_ =	swait.ge [sflag:s21], $0x1000  }
0x38: {  	[sflag:s21] =	ssyncset.done $0x0  }
0x39: {  	[sflag:s21] =	ssyncadd.s32 $0xFFFFF000  }
0x3a: {  	_ =	swait.ge [sflag:s21], $0x1000  }
0x3b: {  	[sflag:s21] =	ssyncset.done $0x0  }
0x3c: {  	[sflag:s21] =	ssyncadd.s32 $0xFFFFF000  }
0x3d: {  	_ =	swait.ge [sflag:s21], $0x1000  }
0x3e: {  	[sflag:s21] =	ssyncset.done $0x0  }
0x3f: {  	s26 =	rddreg [dreg:$0x7];
	[sflag:s21] =	ssyncadd.s32 $0xFFFFF000  }
0x40: {  	[tilespmem:s22], [sflag:$0x3] =	stream.linear.gather [hbm4b:s26+s3], $0x180, $0x38;
	[tilespmem:$0x1F600] =	vst v63  }
0x41: {  	s7 =	rddreg [dreg:$0x8]  }
0x42: {  	[tilespmem:s23], [sflag:$0x4] =	stream.linear.gather [hbm4b:s7+s3], $0x180, $0x38;
	[tilespmem:$0x1F600] =	vst v63  }
0x43: {  	_ = 	snop  }
0x44: {  	[spmem:s1] =	stream.indirect.scatter.add.f32 [tilespmem:s14], [sflag:$0x2], $0x20, s6, s17, $0xb8;
	[tilespmem:$0x1F600] =	vst v63  }
0x45: {  	s8 =	simm.s32 $0x380  }
0x46: {  	[spmem:s1] =	stream.indirect.scatter.add.f32 [tilespmem:s18], [sflag:$0x2], $0x20, s8, s17, $0xb8;
	[tilespmem:$0x1F600] =	vst v63  }
0x47: {  	s9 =	simm.s32 $0x400  }
0x48: {  	[spmem:s1] =	stream.indirect.scatter.add.f32 [tilespmem:s20], [sflag:$0x2], $0x20, s9, s17, $0xb8;
	[tilespmem:$0x1F600] =	vst v63  }
0x49: {  	s10 =	simm.s32 $0x1;
	_ =	swait.ge [sflag:s28], $0x180  }
0x4a: {  	s0 =	sand.u32 $0x1, s10;
	[sflag:s28] =	ssyncset.done $0x0  }
0x4b: {  	s11 =	smul.u32 $0xC000, s0;
	[sflag:s28] =	ssyncadd.s32 $0xFFFFFE80  }
0x4c: {  	_ =	swait.ge [sflag:s29], $0x180  }
0x4d: {  	s7 =	smul.u32 $0x180, s0;
	s6 =	sshrl.u32 s11, $0x2;
	[sflag:s29] =	ssyncset.done $0x0  }
0x4e: {  	s16 =	sor.u32 $0x600, s6;
	[sflag:s29] =	ssyncadd.s32 $0xFFFFFE80  }
0x4f: {  	[tilespmem:s16], [sflag:$0x1] =	stream.indirect.gather [hbm4b:s4+s17], $0x20, s7, s17, $0xb8;
	[tilespmem:$0x1F600] =	vst v63  }
0x50: {  	s8 =	sadd.s32 $0x1600, s6;
	s9 =	sadd.s32 $0x80, s7  }
0x51: {  	[tilespmem:s8], [sflag:$0x1] =	stream.indirect.gather [hbm4b:s4+s17], $0x20, s9, s17, $0xb8;
	[tilespmem:$0x1F600] =	vst v63  }
0x52: {  	s26 =	sadd.s32 $0x2600, s6;
	s9 =	sadd.s32 $0x100, s7  }
0x53: {  	[tilespmem:s26], [sflag:$0x1] =	stream.indirect.gather [hbm4b:s4+s17], $0x20, s9, s17, $0xb8;
	[tilespmem:$0x1F600] =	vst v63  }
0x54: {  	_ =	swait.ge [sflag:s21], $0x1000  }
0x55: {  	[sflag:s21] =	ssyncset.done $0x0  }
0x56: {  	[sflag:s21] =	ssyncadd.s32 $0xFFFFF000  }
0x57: {  	_ =	swait.ge [sflag:s21], $0x1000  }
0x58: {  	[sflag:s21] =	ssyncset.done $0x0  }
0x59: {  	[sflag:s21] =	ssyncadd.s32 $0xFFFFF000  }
0x5a: {  	_ =	swait.ge [sflag:s21], $0x1000  }
0x5b: {  	[sflag:s21] =	ssyncset.done $0x0  }
0x5c: {  	[sflag:s21] =	ssyncadd.s32 $0xFFFFF000  }
0x5d: {  	_ =	swait.ge [sflag:s30], $0x1000  }
0x5e: {  	[sflag:s30] =	ssyncset.done $0x0  }
0x5f: {  	[sflag:s30] =	ssyncadd.s32 $0xFFFFF000  }
0x60: {  	_ =	swait.ge [sflag:s30], $0x1000  }
0x61: {  	[sflag:s30] =	ssyncset.done $0x0  }
0x62: {  	s10 =	simm.s32 $0x2;
	[sflag:s30] =	ssyncadd.s32 $0xFFFFF000  }
0x63: {  	s6 =	sand.u32 $0x1, s10;
	_ =	swait.ge [sflag:s30], $0x1000  }
0x64: {  	p0 =	seq.s32 s6, $0x1;
	s6 =	simm.s32 $0x180;
	[sflag:s30] =	ssyncset.done $0x0  }
0x65: {  	s6 =	simm.s32 @!p0 $0x0;
	[sflag:s30] =	ssyncadd.s32 $0xFFFFF000  }
0x66: {  	[tilespmem:s6], [sflag:$0x3] =	stream.linear.gather [hbm4b:s12+s3], $0x180, $0x38;
	[tilespmem:$0x1F600] =	vst v63  }
0x67: {  	s6 =	sadd.s32 $0x300, s6  }
0x68: {  	[tilespmem:s6], [sflag:$0x4] =	stream.linear.gather [hbm4b:s13+s3], $0x180, $0x38;
	[tilespmem:$0x1F600] =	vst v63  }
0x69: {  	s11 =	sadd.s32 $0x300, s7  }
0x6a: {  	[spmem:s1] =	stream.indirect.scatter.add.f32 [tilespmem:s16], [sflag:$0x2], $0x20, s11, s17, $0xb8;
	[tilespmem:$0x1F600] =	vst v63  }
0x6b: {  	s0 =	simm.s32 $0x3;
	s16 =	sadd.s32 $0x380, s7  }
0x6c: {  	[spmem:s1] =	stream.indirect.scatter.add.f32 [tilespmem:s8], [sflag:$0x2], $0x20, s16, s17, $0xb8;
	[tilespmem:$0x1F600] =	vst v63  }
0x6d: {  	s6 =	sadd.s32 $0x30, s12;
	s8 =	sor.u32 $0x400, s7;
	s7 =	sadd.s32 $0x30, s13  }
.LBB2_6:
0x6e: {  	[spmem:s1] =	stream.indirect.scatter.add.f32 [tilespmem:s26], [sflag:$0x2], $0x20, s8, s17, $0xb8;
	[tilespmem:$0x1F600] =	vst v63  }
0x6f: {  	s9 =	smov.u32 s0  }
0x70: {  	s8 =	sadd.s32 $0xFFFFFFFF, s0;
	p0 =	sne.s32 s0, $0x41;
	_ =	swait.ge [sflag:s28], $0x180  }
0x71: {  	s0 =	sadd.s32 $0x1, s0;
	s8 =	sand.u32 $0x1, s8;
	[sflag:s28] =	ssyncset.done $0x0  }
0x72: {  	s26 =	smul.u32 $0xC000, s8;
	[sflag:s28] =	ssyncadd.s32 $0xFFFFFE80  }
0x73: {  	_ =	swait.ge [sflag:s29], $0x180  }
0x74: {  	s8 =	smul.u32 $0x180, s8;
	s26 =	sshrl.u32 s26, $0x2;
	[sflag:s29] =	ssyncset.done $0x0  }
0x75: {  	s10 =	sor.u32 $0x600, s26;
	[sflag:s29] =	ssyncadd.s32 $0xFFFFFE80  }
0x76: {  	[tilespmem:s10], [sflag:$0x1] =	stream.indirect.gather [hbm4b:s4+s17], $0x20, s8, s17, $0xb8;
	[tilespmem:$0x1F600] =	vst v63  }
0x77: {  	s16 =	sadd.s32 $0x80, s8;
	s11 =	sadd.s32 $0x1600, s26  }
0x78: {  	[tilespmem:s11], [sflag:$0x1] =	stream.indirect.gather [hbm4b:s4+s17], $0x20, s16, s17, $0xb8;
	[tilespmem:$0x1F600] =	vst v63  }
0x79: {  	s26 =	sadd.s32 $0x2600, s26;
	s16 =	sadd.s32 $0x100, s8  }
0x7a: {  	[tilespmem:s26], [sflag:$0x1] =	stream.indirect.gather [hbm4b:s4+s17], $0x20, s16, s17, $0xb8;
	[tilespmem:$0x1F600] =	vst v63  }
0x7b: {  	_ =	swait.ge [sflag:s21], $0x1000  }
0x7c: {  	[sflag:s21] =	ssyncset.done $0x0  }
0x7d: {  	[sflag:s21] =	ssyncadd.s32 $0xFFFFF000  }
0x7e: {  	_ =	swait.ge [sflag:s21], $0x1000  }
0x7f: {  	[sflag:s21] =	ssyncset.done $0x0  }
0x80: {  	[sflag:s21] =	ssyncadd.s32 $0xFFFFF000  }
0x81: {  	_ =	swait.ge [sflag:s21], $0x1000  }
0x82: {  	[sflag:s21] =	ssyncset.done $0x0  }
0x83: {  	[sflag:s21] =	ssyncadd.s32 $0xFFFFF000  }
0x84: {  	_ =	swait.ge [sflag:s30], $0x1000  }
0x85: {  	[sflag:s30] =	ssyncset.done $0x0  }
0x86: {  	[sflag:s30] =	ssyncadd.s32 $0xFFFFF000  }
0x87: {  	_ =	swait.ge [sflag:s30], $0x1000  }
0x88: {  	[sflag:s30] =	ssyncset.done $0x0  }
0x89: {  	[sflag:s30] =	ssyncadd.s32 $0xFFFFF000  }
0x8a: {  	s9 =	sand.u32 $0x1, s9;
	_ =	swait.ge [sflag:s30], $0x1000  }
0x8b: {  	p1 =	seq.s32 s9, $0x1;
	s9 =	simm.s32 $0x180;
	[sflag:s30] =	ssyncset.done $0x0  }
0x8c: {  	s9 =	simm.s32 @!p1 $0x0;
	[sflag:s30] =	ssyncadd.s32 $0xFFFFF000  }
0x8d: {  	[tilespmem:s9], [sflag:$0x3] =	stream.linear.gather [hbm4b:s6+s3], $0x180, $0x38;
	[tilespmem:$0x1F600] =	vst v63  }
0x8e: {  	s9 =	sadd.s32 $0x300, s9  }
0x8f: {  	[tilespmem:s9], [sflag:$0x4] =	stream.linear.gather [hbm4b:s7+s3], $0x180, $0x38;
	[tilespmem:$0x1F600] =	vst v63  }
.Ltmp2:
0x90: {  	s9 =	sadd.s32 $0x300, s8;
	(pc) =	sbr.rel @p0 .LBB2_6-.Ltmp2, $4  }
0x91: {  	[spmem:s1] =	stream.indirect.scatter.add.f32 [tilespmem:s10], [sflag:$0x2], $0x20, s9, s17, $0xb8;
	[tilespmem:$0x1F600] =	vst v63  }
0x92: {  	s9 =	sadd.s32 $0x380, s8  }
0x93: {  	[spmem:s1] =	stream.indirect.scatter.add.f32 [tilespmem:s11], [sflag:$0x2], $0x20, s9, s17, $0xb8;
	[tilespmem:$0x1F600] =	vst v63  }
0x94: {  	s6 =	sadd.s32 $0x30, s6;
	s7 =	sadd.s32 $0x30, s7;
	s8 =	sor.u32 $0x400, s8  }
0x95: {  	[spmem:s1] =	stream.indirect.scatter.add.f32 [tilespmem:s26], [sflag:$0x2], $0x20, s8, s17, $0xb8;
	[tilespmem:$0x1F600] =	vst v63  }
0x96: {  	_ =	swait.ge [sflag:s28], $0x180  }
0x97: {  	[sflag:s28] =	ssyncset.done $0x0  }
0x98: {  	[sflag:s28] =	ssyncadd.s32 $0xFFFFFE80  }
0x99: {  	_ =	swait.ge [sflag:s29], $0x180  }
0x9a: {  	[sflag:s29] =	ssyncset.done $0x0  }
0x9b: {  	[sflag:s29] =	ssyncadd.s32 $0xFFFFFE80  }
0x9c: {  	[tilespmem:s31], [sflag:$0x1] =	stream.indirect.gather [hbm4b:s4+s17], $0x20, s22, s17, $0xb8;
	[tilespmem:$0x1F600] =	vst v63  }
0x9d: {  	s0 =	simm.s32 $0x200  }
0x9e: {  	[tilespmem:s19], [sflag:$0x1] =	stream.indirect.gather [hbm4b:s4+s17], $0x20, s0, s17, $0xb8;
	[tilespmem:$0x1F600] =	vst v63  }
0x9f: {  	s9 =	simm.s32 $0x280  }
0xa0: {  	[tilespmem:s24], [sflag:$0x1] =	stream.indirect.gather [hbm4b:s4+s17], $0x20, s9, s17, $0xb8;
	[tilespmem:$0x1F600] =	vst v63  }
0xa1: {  	_ =	swait.ge [sflag:s21], $0x1000  }
0xa2: {  	[sflag:s21] =	ssyncset.done $0x0  }
0xa3: {  	[sflag:s21] =	ssyncadd.s32 $0xFFFFF000  }
0xa4: {  	_ =	swait.ge [sflag:s21], $0x1000  }
0xa5: {  	[sflag:s21] =	ssyncset.done $0x0  }
0xa6: {  	[sflag:s21] =	ssyncadd.s32 $0xFFFFF000  }
0xa7: {  	_ =	swait.ge [sflag:s21], $0x1000  }
0xa8: {  	[sflag:s21] =	ssyncset.done $0x0  }
0xa9: {  	[sflag:s21] =	ssyncadd.s32 $0xFFFFF000  }
0xaa: {  	_ =	swait.ge [sflag:s30], $0x1000  }
0xab: {  	[sflag:s30] =	ssyncset.done $0x0  }
0xac: {  	[sflag:s30] =	ssyncadd.s32 $0xFFFFF000  }
0xad: {  	_ =	swait.ge [sflag:s30], $0x1000  }
0xae: {  	[sflag:s30] =	ssyncset.done $0x0  }
0xaf: {  	[sflag:s30] =	ssyncadd.s32 $0xFFFFF000  }
0xb0: {  	_ =	swait.ge [sflag:s30], $0x1000  }
0xb1: {  	[sflag:s30] =	ssyncset.done $0x0  }
0xb2: {  	[sflag:s30] =	ssyncadd.s32 $0xFFFFF000  }
0xb3: {  	[spmem:s1] =	stream.indirect.scatter.add.f32 [tilespmem:s31], [sflag:$0x2], $0x20, s23, s17, $0xb8;
	[tilespmem:$0x1F600] =	vst v63  }
0xb4: {  	s10 =	simm.s32 $0x500  }
0xb5: {  	[spmem:s1] =	stream.indirect.scatter.add.f32 [tilespmem:s19], [sflag:$0x2], $0x20, s10, s17, $0xb8;
	[tilespmem:$0x1F600] =	vst v63  }
0xb6: {  	s11 =	simm.s32 $0x580  }
0xb7: {  	[spmem:s1] =	stream.indirect.scatter.add.f32 [tilespmem:s24], [sflag:$0x2], $0x20, s11, s17, $0xb8;
	[tilespmem:$0x1F600] =	vst v63  }
0xb8: {  	_ =	swait.ge [sflag:s30], $0x1000  }
0xb9: {  	[sflag:s30] =	ssyncset.done $0x0  }
0xba: {  	[sflag:s30] =	ssyncadd.s32 $0xFFFFF000  }
0xbb: {  	_ =	swait.ge [sflag:s30], $0x1000  }
0xbc: {  	[sflag:s30] =	ssyncset.done $0x0  }
0xbd: {  	[sflag:s30] =	ssyncadd.s32 $0xFFFFF000  }
0xbe: {  	_ =	swait.ge [sflag:s30], $0x1000  }
0xbf: {  	[sflag:s30] =	ssyncset.done $0x0  }
0xc0: {  	s16 =	stileid.u32;
	[sflag:s30] =	ssyncadd.s32 $0xFFFFF000  }
0xc1: {  	s0 =	sshll.u32 s16, $0x6;
	[bflag:$0x0] =	sbarrier.arrive $0xFFFF  }
0xc2: {  	s0 =	sor.u32 $0x1C05, s0;
	s6 =	rddreg [dreg:$0x5]  }
0xc3: {  	[hbm:s6], [sflag:s0] =	dma.local [spmem:s25], $0x3200  }
0xc4: {  	_ =	swait.ge [sflag:s15], $0x3200  }
0xc5: {  	s2 =	sadd.s32 $0x1, s2;
	s26 =	rddreg [dreg:$0x6]  }
0xc6: {  	p0 =	sne.s32 s2, s26  }
.Ltmp3:
0xc7: {  	_ = 	snop;
	(pc) =	sbr.rel @p0 .LBB2_1-.Ltmp3, $3  }
0xc8: {  	_ =	sdelay $0x1  }
0xc9: {  	[sflag:s15] =	ssyncset.done $0x0  }
0xca: {  	[sflag:s15] =	ssyncadd.s32 $0xFFFFCE00  }
0xcb: {  	_ =	sfence.sel $0x180000  }
0xcc: {  	[bflag:$0x0] =	sbarrier.arrive $0xFFFF  }
0xcd: {  	_ =	strace $0x9000004D  }
0xce: {  	s0 =	stileid.u32;
	[bflag:$0x2] =	sbarrier.arrive $0xFFFF  }
0xcf: {  	p0 =	sne.s32 s0, $0x0;
	s0 =	rddreg [dreg:$0x2]  }
0xd0: {  	s0 =	sadd.s32 @!p0 $0x100000, s0  }
0xd1: {  	[sflag:s0] =	ssyncadd.tile.s32 @!p0 $0x1;
	_ =	shalt  }
.Lfunc_end2:
_tile_overlayer_lowered:
.L_overlay_start_2:
0xd2: {  	(tag) =	ssettag $0x2  }
0xd3: {  	s0 =	rddreg [dreg:$0x0];
	s2 =	stileid.u32  }
0xd4: {  	s1 =	rddreg [dreg:$0x1];
	p0 =	sne.s32 s2, $0x0  }
0xd5: {  	s3 =	rddreg [dreg:$0x2];
	[bflag:$0x3] =	sbarrier.arrive $0xFFFF;
	s2 =	simm.s32 @!p0 $0x1C05  }
0xd6: {  	[timem:s3], [sflag:s2] =	dma.local @!p0 [hbm:s0], s1  }
0xd7: {  	s0 =	simm.s32 @!p0 $0x5  }
0xd8: {  	_ =	swait.ge @!p0 [sflag:s0], s1  }
0xd9: {  	s1 =	ssub.s32 @!p0 $0x0, s1;
	[sflag:s0] =	ssyncset.done @!p0 $0x0  }
0xda: {  	[sflag:s0] =	ssyncadd.s32 @!p0 s1  }
0xdb: {  	[bflag:$0x3] =	sbarrier.arrive $0xFFFF  }
0xdc: {  	_ =	shalt  }

// kernel: _run.8.cloned.1.call-start
scs
__scs_entry_jumppad:
0x0: {  	(pc) =	sbr.rel $0x88, $3  }
0x1: {  	(tag) =	ssettag $0x0;
	lr =	simm.s32 $0x1  }
0x2: {  	[smem:$0x3F81] =	sst lr;
	_ =	strace $0xD0000000  }
0x3: {  	_ = 	snop  }
0x4: {  	_ = 	snop  }
0x5: {  	_ = 	snop  }
0x6: {  	_ = 	snop  }
0x7: {  	_ = 	snop  }
__scs_overlays_trampoline_lowered:
0x8: {  	[smem:$0x3F90] =	sst s0  }
0x9: {  	[smem:$0x3F91] =	sst s1  }
0xa: {  	[smem:$0x3F92] =	sst s2  }
0xb: {  	[smem:$0x3F93] =	sst s3  }
0xc: {  	[smem:$0x3F94] =	sst s4  }
0xd: {  	[smem:$0x3F95] =	sst s5  }
0xe: {  	[smem:$0x3F96] =	sst s6  }
0xf: {  	[smem:$0x3F97] =	sst s7  }
0x10: {  	[smem:$0x3F98] =	sst s8  }
0x11: {  	[smem:$0x3F99] =	sst s9;
	s0 =	simm.s32 @!p0 $0x0  }
0x12: {  	s1 =	sld [smem:$0x3F7F];
	s0 =	simm.s32 @p0 $0x1  }
0x13: {  	[smem:$0x3F9A] =	sst s0;
	s0 =	simm.s32 @!p1 $0x0  }
0x14: {  	s2 =	sld [smem:$0x3F7E];
	s0 =	simm.s32 @p1 $0x1  }
0x15: {  	[smem:$0x3F9B] =	sst s0;
	s0 =	simm.s32 @!p2 $0x0  }
0x16: {  	s3 =	sld [smem:$0x3FDB];
	s0 =	simm.s32 @p2 $0x1  }
0x17: {  	s4 =	simm.s32 $0x1BF5;
	[smem:$0x3F9D] =	sst s0  }
0x18: {  	s0 =	sld [smem:$0x3F80];
	_ =	swait.ge [sflag:s4], $0x0  }
0x19: {  	s7 =	sld [smem:$0x3F81]  }
0x1a: {  	s8 =	sadd.s32 $0xFFFFE003, lr  }
0x1b: {  	s9 =	sadd.s32 $0xFFFFFEF7, lr;
	s5 =	simm.s32 $0xFFFFFFFF;
	p2 =	slt.u32 s8, $0xFFFFF086  }
0x1c: {  	p1 =	slt.u32 s9, $0xF7A;
	s5 =	simm.s32 @!p2 $0x0  }
0x1d: {  	s5 =	simm.s32 @p1 $0x1;
	p0 =	seq.s32 s7, s2  }
0x1e: {  	s7 =	smul.u32 @!p0 $0xF7A, s2;
	p2 =	seq.s32 @!p0 s5, $0x0  }
0x1f: {  	s9 =	smul.u32 $0xF7A, s1;
	s8 =	simm.s32 @!p0 $0x1BF5;
	p2 =	por !p2, p0  }
0x20: {  	[sflag:s8] =	ssyncset.s32 @!p0 $0xFFFFF086;
	s6 =	sadd.s32 @!p0 s3, s7;
	s7 =	simm.s32 @!p0 $0x108  }
0x21: {  	s3 =	sadd.s32 s3, s9;
	s6 =	sadd.s32 @!p0 $0x88, s6;
	s7 =	simm.s32 @p2 $0x1082  }
0x22: {  	[simem:s7], [sflag:s8] =	dma.local @!p0 [hbm:s6], $0xF7A  }
0x23: {  	s9 =	sor.u32 $0xD0000000, s2;
	s6 =	simm.s32 $0x108;
	_ =	swait.ge @!p0 [sflag:s8], $0x0  }
0x24: {  	s3 =	sadd.s32 $0x88, s3;
	s6 =	simm.s32 @!p1 $0x1082;
	[sflag:s4] =	ssyncset.s32 $0xFFFFF086  }
0x25: {  	[simem:s6], [sflag:s4] =	dma.local [hbm:s3], $0xF7A  }
0x26: {  	[smem:$0x3F81] =	sst s1;
	(tag) =	ssettag s2;
	_ =	strace s9  }
0x27: {  	s1 =	sld [smem:$0x3F91]  }
0x28: {  	s2 =	sld [smem:$0x3F92]  }
0x29: {  	s4 =	sld [smem:$0x3F94]  }
0x2a: {  	p0 =	seq.s32 s5, $0x0;
	s5 =	sld [smem:$0x3F95]  }
0x2b: {  	s6 =	sld [smem:$0x3F96]  }
0x2c: {  	s7 =	sld [smem:$0x3F97]  }
0x2d: {  	s3 =	simm.s32 $0x108;
	s8 =	sld [smem:$0x3F98]  }
0x2e: {  	s3 =	simm.s32 @!p0 $0x1082;
	s9 =	sld [smem:$0x3F99]  }
0x2f: {  	lr =	sadd.s32 s0, s3;
	s0 =	sld [smem:$0x3F90]  }
0x30: {  	s3 =	sld [smem:$0x3F93]  }
0x31: {  	[smem:$0x3F9C] =	sst s10  }
0x32: {  	s10 =	sld [smem:$0x3F9A];
	_ =	sdelay $0x3  }
0x33: {  	p0 =	seq.s32 s10, $0x1;
	s10 =	sld [smem:$0x3F9C];
	_ =	sdelay $0x3  }
0x34: {  	[smem:$0x3F9C] =	sst s10  }
0x35: {  	s10 =	sld [smem:$0x3F9B];
	_ =	sdelay $0x3  }
0x36: {  	p1 =	seq.s32 s10, $0x1;
	s10 =	sld [smem:$0x3F9C];
	_ =	sdelay $0x3  }
0x37: {  	[smem:$0x3F9C] =	sst s10  }
0x38: {  	s10 =	sld [smem:$0x3F9D]  }
0x39: {  	_ = 	snop;
	(pc) =	sbr.ind lr, $3  }
0x3a: {  	_ = 	snop  }
0x3b: {  	_ = 	snop  }
0x3c: {  	p2 =	seq.s32 s10, $0x1;
	s10 =	sld [smem:$0x3F9C]  }
0x3d: {  	_ =	shalt  }
0x3e: {  	_ =	shalt  }
0x3f: {  	_ =	shalt  }
0x40: {  	_ =	shalt  }
0x41: {  	_ =	shalt  }
0x42: {  	_ =	shalt  }
0x43: {  	_ =	shalt  }
0x44: {  	_ =	shalt  }
0x45: {  	_ =	shalt  }
0x46: {  	_ =	shalt  }
0x47: {  	_ =	shalt  }
0x48: {  	_ =	shalt  }
0x49: {  	_ =	shalt  }
0x4a: {  	_ =	shalt  }
0x4b: {  	_ =	shalt  }
0x4c: {  	_ =	shalt  }
0x4d: {  	_ =	shalt  }
0x4e: {  	_ =	shalt  }
0x4f: {  	_ =	shalt  }
0x50: {  	_ =	shalt  }
0x51: {  	_ =	shalt  }
0x52: {  	_ =	shalt  }
0x53: {  	_ =	shalt  }
0x54: {  	_ =	shalt  }
0x55: {  	_ =	shalt  }
0x56: {  	_ =	shalt  }
0x57: {  	_ =	shalt  }
0x58: {  	_ =	shalt  }
0x59: {  	_ =	shalt  }
0x5a: {  	_ =	shalt  }
0x5b: {  	_ =	shalt  }
0x5c: {  	_ =	shalt  }
0x5d: {  	_ =	shalt  }
0x5e: {  	_ =	shalt  }
0x5f: {  	_ =	shalt  }
0x60: {  	_ =	shalt  }
0x61: {  	_ =	shalt  }
0x62: {  	_ =	shalt  }
0x63: {  	_ =	shalt  }
0x64: {  	_ =	shalt  }
0x65: {  	_ =	shalt  }
0x66: {  	_ =	shalt  }
0x67: {  	_ =	shalt  }
0x68: {  	_ =	shalt  }
0x69: {  	_ =	shalt  }
0x6a: {  	_ =	shalt  }
0x6b: {  	_ =	shalt  }
0x6c: {  	_ =	shalt  }
0x6d: {  	_ =	shalt  }
0x6e: {  	_ =	shalt  }
0x6f: {  	_ =	shalt  }
0x70: {  	_ =	shalt  }
0x71: {  	_ =	shalt  }
0x72: {  	_ =	shalt  }
0x73: {  	_ =	shalt  }
0x74: {  	_ =	shalt  }
0x75: {  	_ =	shalt  }
0x76: {  	_ =	shalt  }
0x77: {  	_ =	shalt  }
0x78: {  	_ =	shalt  }
0x79: {  	_ =	shalt  }
0x7a: {  	_ =	shalt  }
0x7b: {  	_ =	shalt  }
0x7c: {  	_ =	shalt  }
0x7d: {  	_ =	shalt  }
0x7e: {  	_ =	shalt  }
0x7f: {  	_ =	shalt  }
0x80: {  	_ =	shalt  }
0x81: {  	_ =	shalt  }
0x82: {  	_ =	shalt  }
0x83: {  	_ =	shalt  }
0x84: {  	_ =	shalt  }
0x85: {  	_ =	shalt  }
0x86: {  	_ =	shalt  }
0x87: {  	_ =	shalt  }
.Lfunc_end0:
.L_simem_size_0:
called_computation_lowered:
.L_overlay_start_0:
0x88: {  	s2 =	sld [smem:$0x3FD9]  }
0x89: {  	s3 =	sld [smem:$0x3FFE];
	_ =	sdelay $0x1  }
0x8a: {  	s1 =	srdreg.scid  }
0x8b: {  	s0 =	sand.u32 $0x1, s1  }
0x8c: {  	s17 =	sshll.u32 s0, $0xA;
	s2 =	sadd.s32 s3, s2  }
0x8d: {  	s2 =	sadd.s32 s2, s17  }
0x8e: {  	[smem:$0x3FA8] =	sst s2  }
0x8f: {  	_ = 	snop  }
0x90: {  	s2 =	sld [smem:$0x3FD0];
	(tm) =	ssettm $0x1  }
0x91: {  	s18 =	sld [smem:$0x3FFB];
	_ =	sdelay $0x3  }
0x92: {  	_ =	strace s18  }
0x93: {  	s3 =	sld [smem:$0x3FFC];
	_ =	sdelay $0x3  }
0x94: {  	_ =	strace s3  }
0x95: {  	s3 =	sld [smem:$0x3FFD];
	_ =	sdelay $0x3  }
0x96: {  	_ =	strace s3  }
0x97: {  	_ =	strace $0x8FFFFFFF  }
0x98: {  	s19 =	sld [smem:$0x3FDB];
	_ =	sdelay $0x1  }
0x99: {  	s4 =	simm.s32 $_scs_section_size  }
0x9a: {  	s5 =	simm.s32 $_size__tile_overlayer_lowered;
	s6 =	simm.s32 $_tile_overlayer_lowered  }
0x9b: {  	s22 =	simm.s32 $0x1BFF;
	s21 =	sshll.u32 s6, $0x1;
	s3 =	sadd.s32 s4, s19  }
0x9c: {  	s7 =	simm.s32 $0x0;
	s20 =	sshll.u32 s5, $0x1;
	s5 =	sadd.s32 s21, s3  }
0x9d: {  	[timem:s7], [sflag:s22] =	dma.local [hbm:s5], s20  }
0x9e: {  	_ =	swait.ge [sflag:s22], s20  }
0x9f: {  	s4 =	ssub.s32 $0x0, s20;
	[sflag:s22] =	ssyncset.done $0x0  }
0xa0: {  	[sflag:s22] =	ssyncadd.s32 s4;
	_ =	sdelay $0x1  }
0xa1: {  	s23 =	simm.s32 $0x1B8B  }
0xa2: {  	_ =	swait.ge [sflag:s23], $0x1  }
0xa3: {  	[sflag:s23] =	ssyncset.done $0x0  }
0xa4: {  	s25 =	simm.s32 $0x1B8E;
	s24 =	sld [smem:$0x3FFE];
	[sflag:s23] =	ssyncadd.s32 $0xFFFFFFFF  }
0xa5: {  	s26 =	simm.s32 $execute0_lowered;
	[smem:$0x3FD2] =	sst s25  }
0xa6: {  	s5 =	sshll.u32 s26, $0x1;
	_ =	strace $0x80000046;
	[dreg:$0x1] =	wrdreg $0xFFFFFFFF  }
0xa7: {  	s28 =	simm.s32 $_size_execute0_lowered;
	s3 =	sadd.s32 s3, s5;
	[dreg:$0x0] =	wrdreg $0x0  }
0xa8: {  	s5 =	sshll.u32 s28, $0x1;
	[dreg:$0x2] =	wrdreg s3  }
0xa9: {  	[dreg:$0x3] =	wrdreg s5  }
0xaa: {  	[dreg:$0x4] =	wrdreg $0xC0  }
0xab: {  	_ =	task [dreg:s7], $0x5FFFF  }
0xac: {  	[dreg:$0x1] =	wrdreg $0xFFFFFFFF  }
0xad: {  	[dreg:$0x0] =	wrdreg $0x60  }
0xae: {  	[dreg:$0x2] =	wrdreg s24  }
0xaf: {  	[dreg:$0x3] =	wrdreg s2  }
0xb0: {  	[dreg:$0x4] =	wrdreg $0x3800  }
0xb1: {  	[dreg:$0x5] =	wrdreg $0x9  }
0xb2: {  	_ =	task.clear_ibuf [dreg:s7], $0x6FFFF;
	_ =	strace $0x90000046  }
0xb3: {  	s29 =	simm.s32 $0x9;
	_ =	strace $0x80000048  }
0xb4: {  	_ =	swait.ge [sflag:s29], $0x1  }
0xb5: {  	[sflag:s29] =	ssyncadd.s32 $0xFFFFFFFF  }
0xb6: {  	_ =	strace $0x90000048  }
0xb7: {  	_ =	sfence  }
0xb8: {  	s30 =	sld [smem:$0x0];
	_ =	sdelay $0x2  }
0xb9: {  	s31 =	sshll.u32 s1, $0xD;
	s1 =	sshrl.u32 s1, $0x2  }
0xba: {  	s3 =	sand.u32 $0x4000, s31;
	s1 =	sadd.s32 s1, s30  }
0xbb: {  	s0 =	sor.u32 s3, s0;
	s1 =	sshll.u32 s1, $0x11  }
0xbc: {  	s0 =	sor.u32 s1, s0  }
0xbd: {  	s0 =	sadd.s32 $0x8F2B, s0  }
0xbe: {  	[sflag:s0] =	ssyncadd.remote.s32 $0x1  }
0xbf: {  	_ =	sfence.sel $0xFFFF  }
0xc0: {  	[dreg:$0x0] =	wrdreg $0xFFFFFFFF;
	(pc) =	sbr.abs _section_cstart, $3  }
0xc1: {  	[dreg:$0x1] =	wrdreg $0xFFFFFFFF  }
0xc2: {  	_ =	task.clear_ibuf [dreg:s7], $0x2FFFF;
	_ =	strace $0x9FFFFFFF  }
0xc3: {  	(tm) =	ssettm $0x7FFFFFFF  }
tec
execute0_lowered:
.L_overlay_start_1:
0x0: {  	(tag) =	ssettag $0x1  }
0x1: {  	s4 =	rddreg [dreg:$0x0]  }
0x2: {  	s7 =	rddreg [dreg:$0x1]  }
0x3: {  	s2 =	rddreg [dreg:$0x2]  }
0x4: {  	s0 =	rddreg [dreg:$0x3];
	s3 =	simm.s32 $0x0;
	s1 =	stileid.u32  }
0x5: {  	s5 =	srdreg.scid;
	s15 =	simm.s32 $0x300;
	s16 =	simm.s32 $0x100  }
0x6: {  	s17 =	simm.s32 $0x2;
	s18 =	simm.s32 $0x1;
	s19 =	simm.s32 $0x200  }
0x7: {  	s20 =	simm.s32 $0x280;
	s21 =	simm.s32 $0x0;
	[smem:$0x7FF] =	sst s3  }
0x8: {  	s6 =	smul.u32 $0xC80, s1;
	s5 =	sand.u32 $0x1, s5;
	s10 =	sadd.s32 $0x5400, s4  }
0x9: {  	s12 =	sshll.u32 s1, $0x1;
	s13 =	smul.u32 $0x18C, s1;
	s30 =	sshll.u32 s1, $0x6  }
0xa: {  	_ =	strace $0x80000047;
	s8 =	ssub.s32 $0x2, s5;
	s28 =	smul.u32 $0xC800, s5  }
0xb: {  	s12 =	sor.u32 s5, s12;
	s14 =	smul.u32 $0xC6, s5;
	s5 =	sor.u32 $0x1C03, s30  }
0xc: {  	s9 =	sshrl.u32 s6, $0x3;
	s11 =	sshrl.u32 s8, $0x1;
	s29 =	sadd.s32 s6, s2  }
0xd: {  	s12 =	smul.u32 $0xC60, s12;
	s4 =	sadd.s32 s9, s4;
	s8 =	ssub.s32 s8, s11  }
0xe: {  	s6 =	sadd.s32 s6, s28;
	s13 =	sadd.s32 s14, s13;
	s11 =	sshrl.u32 s29, $0x3  }
0xf: {  	s14 =	simm.s32 $0x80;
	s4 =	sadd.s32 $0x1E000, s4;
	s9 =	sshrl.u32 s6, $0x3  }
0x10: {  	s6 =	sadd.s32 s10, s12;
	s31 =	sshll.u32 s13, $0x4;
	s8 =	smax.u32 s8, $0x1  }
0x11: {  	s12 =	simm.s32 $0x3;
	s13 =	simm.s32 $0x180;
	s10 =	sadd.s32 s10, s31  }
0x12: {  	v0 =	vimm.f32 $1.000000000e+00;
	s7 =	sadd.s32 s7, s9;
	s9 =	sadd.s32 $0x30, s6;
	s10 =	sadd.s32 $0x60, s10  }
.LBB2_1:
0x13: {  	[tilespmem:$0x300] =	vst v0  }
0x14: {  	[tilespmem:$0x310] =	vst v0  }
0x15: {  	[tilespmem:$0x320] =	vst v0  }
0x16: {  	[tilespmem:$0x330] =	vst v0  }
0x17: {  	[tilespmem:$0x340] =	vst v0  }
0x18: {  	[tilespmem:$0x350] =	vst v0  }
0x19: {  	[tilespmem:$0x360] =	vst v0  }
0x1a: {  	[tilespmem:$0x370] =	vst v0  }
0x1b: {  	[spmem:s11], [sflag:s5] =	dma.local [hbm:s4], $0x190  }
0x1c: {  	_ =	swait.ge [sflag:s12], $0x190  }
0x1d: {  	[sflag:s12] =	ssyncset.done $0x0  }
0x1e: {  	[sflag:s12] =	ssyncadd.s32 $0xFFFFFE70  }
0x1f: {  	[bflag:$0x0] =	sbarrier.arrive $0xFFFF  }
0x20: {  	[tilespmem:s3], [sflag:$0x3] =	stream.linear.gather [hbm4b:s6+s3], $0x180, $0x38;
	[tilespmem:$0x1000] =	vst v63  }
0x21: {  	_ =	swait.ge [sflag:s12], $0x180  }
0x22: {  	[sflag:s12] =	ssyncset.done $0x0  }
0x23: {  	[sflag:s12] =	ssyncadd.s32 $0xFFFFFE80  }
0x24: {  	[tilespmem:s13], [sflag:$0x2] =	stream.linear.gather [hbm4b:s9+s3], $0x180, $0x38;
	[tilespmem:$0x1000] =	vst v63  }
0x25: {  	_ = 	snop  }
0x26: {  	[spmem:s2] =	stream.indirect.scatter.add.f32 [tilespmem:s15], [sflag:$0x1], $0x1, s3, s14, $0xb8;
	[tilespmem:$0x1000] =	vst v63  }
0x27: {  	_ = 	snop  }
0x28: {  	[spmem:s2] =	stream.indirect.scatter.add.f32 [tilespmem:s15], [sflag:$0x1], $0x1, s14, s14, $0xb8;
	[tilespmem:$0x1000] =	vst v63  }
0x29: {  	_ = 	snop  }
0x2a: {  	[spmem:s2] =	stream.indirect.scatter.add.f32 [tilespmem:s15], [sflag:$0x1], $0x1, s16, s14, $0xb8;
	[tilespmem:$0x1000] =	vst v63  }
0x2b: {  	_ =	swait.ge [sflag:s17], $0x180  }
0x2c: {  	[sflag:s17] =	ssyncset.done $0x0  }
0x2d: {  	[sflag:s17] =	ssyncadd.s32 $0xFFFFFE80  }
0x2e: {  	_ =	swait.ge [sflag:s18], $0x80  }
0x2f: {  	[sflag:s18] =	ssyncset.done $0x0  }
0x30: {  	[sflag:s18] =	ssyncadd.s32 $0xFFFFFF80  }
0x31: {  	_ =	swait.ge [sflag:s18], $0x80  }
0x32: {  	[sflag:s18] =	ssyncset.done $0x0  }
0x33: {  	[sflag:s18] =	ssyncadd.s32 $0xFFFFFF80  }
0x34: {  	s22 =	sand.u32 $0x1, s17;
	s23 =	simm.s32 $0x0;
	_ =	swait.ge [sflag:s18], $0x80  }
0x35: {  	p0 =	seq.s32 s22, $0x1;
	s22 =	simm.s32 $0x180;
	[sflag:s18] =	ssyncset.done $0x0  }
0x36: {  	s22 =	simm.s32 @!p0 $0x0;
	s23 =	simm.s32 @!p0 $0x180;
	[sflag:s18] =	ssyncadd.s32 $0xFFFFFF80  }
0x37: {  	[tilespmem:s22], [sflag:$0x2] =	stream.linear.gather [hbm4b:s10+s3], $0x180, $0x38;
	[tilespmem:$0x1000] =	vst v63  }
0x38: {  	s31 =	sadd.s32 $0x80, s23  }
0x39: {  	[spmem:s2] =	stream.indirect.scatter.add.f32 [tilespmem:s15], [sflag:$0x1], $0x1, s23, s14, $0xb8;
	[tilespmem:$0x1000] =	vst v63  }
0x3a: {  	s24 =	sadd.s32 $0x100, s23;
	s22 =	simm.s32 $0x3;
	s23 =	sadd.s32 $0x30, s10  }
0x3b: {  	[spmem:s2] =	stream.indirect.scatter.add.f32 [tilespmem:s15], [sflag:$0x1], $0x1, s31, s14, $0xb8;
	[tilespmem:$0x1000] =	vst v63  }
.LBB2_2:
0x3c: {  	[spmem:s2] =	stream.indirect.scatter.add.f32 [tilespmem:s15], [sflag:$0x1], $0x1, s24, s14, $0xb8;
	[tilespmem:$0x1000] =	vst v63  }
0x3d: {  	s24 =	smov.u32 s22  }
0x3e: {  	p0 =	sne.s32 s22, $0x41;
	s22 =	sadd.s32 $0x1, s22;
	_ =	swait.ge [sflag:s17], $0x180  }
0x3f: {  	[sflag:s17] =	ssyncset.done $0x0  }
0x40: {  	[sflag:s17] =	ssyncadd.s32 $0xFFFFFE80  }
0x41: {  	_ =	swait.ge [sflag:s18], $0x80  }
0x42: {  	[sflag:s18] =	ssyncset.done $0x0  }
0x43: {  	[sflag:s18] =	ssyncadd.s32 $0xFFFFFF80  }
0x44: {  	_ =	swait.ge [sflag:s18], $0x80  }
0x45: {  	[sflag:s18] =	ssyncset.done $0x0  }
0x46: {  	[sflag:s18] =	ssyncadd.s32 $0xFFFFFF80  }
0x47: {  	s24 =	sand.u32 $0x1, s24;
	_ =	swait.ge [sflag:s18], $0x80  }
0x48: {  	p1 =	seq.s32 s24, $0x1;
	s24 =	simm.s32 $0x180;
	[sflag:s18] =	ssyncset.done $0x0  }
0x49: {  	s24 =	simm.s32 @!p1 $0x0;
	[sflag:s18] =	ssyncadd.s32 $0xFFFFFF80  }
0x4a: {  	[tilespmem:s24], [sflag:$0x2] =	stream.linear.gather [hbm4b:s23+s3], $0x180, $0x38;
	[tilespmem:$0x1000] =	vst v63  }
0x4b: {  	s24 =	simm.s32 $0x0  }
.Ltmp0:
0x4c: {  	s24 =	simm.s32 @!p1 $0x180;
	(pc) =	sbr.rel @p0 .LBB2_2-.Ltmp0, $4  }
0x4d: {  	[spmem:s2] =	stream.indirect.scatter.add.f32 [tilespmem:s15], [sflag:$0x1], $0x1, s24, s14, $0xb8;
	[tilespmem:$0x1000] =	vst v63  }
0x4e: {  	s25 =	sadd.s32 $0x80, s24  }
0x4f: {  	[spmem:s2] =	stream.indirect.scatter.add.f32 [tilespmem:s15], [sflag:$0x1], $0x1, s25, s14, $0xb8;
	[tilespmem:$0x1000] =	vst v63  }
0x50: {  	s23 =	sadd.s32 $0x30, s23;
	s24 =	sadd.s32 $0x100, s24  }
0x51: {  	[spmem:s2] =	stream.indirect.scatter.add.f32 [tilespmem:s15], [sflag:$0x1], $0x1, s24, s14, $0xb8;
	[tilespmem:$0x1000] =	vst v63  }
0x52: {  	_ =	swait.ge [sflag:s17], $0x180  }
0x53: {  	[sflag:s17] =	ssyncset.done $0x0  }
0x54: {  	[sflag:s17] =	ssyncadd.s32 $0xFFFFFE80  }
0x55: {  	_ =	swait.ge [sflag:s18], $0x80  }
0x56: {  	[sflag:s18] =	ssyncset.done $0x0  }
0x57: {  	[sflag:s18] =	ssyncadd.s32 $0xFFFFFF80  }
0x58: {  	_ =	swait.ge [sflag:s18], $0x80  }
0x59: {  	[sflag:s18] =	ssyncset.done $0x0  }
0x5a: {  	[sflag:s18] =	ssyncadd.s32 $0xFFFFFF80  }
0x5b: {  	_ =	swait.ge [sflag:s18], $0x80  }
0x5c: {  	[sflag:s18] =	ssyncset.done $0x0  }
0x5d: {  	[sflag:s18] =	ssyncadd.s32 $0xFFFFFF80  }
0x5e: {  	[spmem:s2] =	stream.indirect.scatter.add.f32 [tilespmem:s15], [sflag:$0x1], $0x1, s13, s14, $0xb8;
	[tilespmem:$0x1000] =	vst v63  }
0x5f: {  	_ = 	snop  }
0x60: {  	[spmem:s2] =	stream.indirect.scatter.add.f32 [tilespmem:s15], [sflag:$0x1], $0x1, s19, s14, $0xb8;
	[tilespmem:$0x1000] =	vst v63  }
0x61: {  	_ = 	snop  }
0x62: {  	[spmem:s2] =	stream.indirect.scatter.add.f32 [tilespmem:s15], [sflag:$0x1], $0x1, s20, s14, $0xb8;
	[tilespmem:$0x1000] =	vst v63  }
0x63: {  	_ =	swait.ge [sflag:s18], $0x80  }
0x64: {  	[sflag:s18] =	ssyncset.done $0x0  }
0x65: {  	[sflag:s18] =	ssyncadd.s32 $0xFFFFFF80  }
0x66: {  	_ =	swait.ge [sflag:s18], $0x80  }
0x67: {  	[sflag:s18] =	ssyncset.done $0x0  }
0x68: {  	[sflag:s18] =	ssyncadd.s32 $0xFFFFFF80  }
0x69: {  	_ =	swait.ge [sflag:s18], $0x80  }
0x6a: {  	s21 =	sadd.s32 $0x1, s21;
	[sflag:s18] =	ssyncset.done $0x0  }
0x6b: {  	p0 =	sne.s32 s21, s8;
	[sflag:s18] =	ssyncadd.s32 $0xFFFFFF80  }
.Ltmp1:
0x6c: {  	[bflag:$0x0] =	sbarrier.arrive $0xFFFF;
	(pc) =	sbr.rel @p0 .LBB2_1-.Ltmp1, $4  }
0x6d: {  	[hbm:s7], [sflag:s5] =	dma.local [spmem:s11], $0x190  }
0x6e: {  	_ =	swait.ge [sflag:s12], $0x190  }
0x6f: {  	[sflag:s12] =	ssyncset.done $0x0  }
0x70: {  	[sflag:s12] =	ssyncadd.s32 $0xFFFFFE70  }
0x71: {  	_ =	sfence.sel $0x180000  }
0x72: {  	[bflag:$0x0] =	sbarrier.arrive $0xFFFF  }
0x73: {  	p0 =	sne.s32 s1, $0x0;
	_ =	strace $0x90000047  }
0x74: {  	s0 =	sadd.s32 @!p0 $0x100000, s0;
	[bflag:$0x2] =	sbarrier.arrive $0xFFFF  }
0x75: {  	[sflag:s0] =	ssyncadd.tile.s32 @!p0 $0x1;
	_ =	shalt  }
.Lfunc_end2:
_tile_overlayer_lowered:
.L_overlay_start_2:
0x76: {  	(tag) =	ssettag $0x2  }
0x77: {  	s0 =	rddreg [dreg:$0x0];
	s2 =	stileid.u32  }
0x78: {  	s1 =	rddreg [dreg:$0x1];
	p0 =	sne.s32 s2, $0x0  }
0x79: {  	s3 =	rddreg [dreg:$0x2];
	[bflag:$0x3] =	sbarrier.arrive $0xFFFF;
	s2 =	simm.s32 @!p0 $0x1C03  }
0x7a: {  	[timem:s3], [sflag:s2] =	dma.local @!p0 [hbm:s0], s1  }
0x7b: {  	s0 =	simm.s32 @!p0 $0x3  }
0x7c: {  	_ =	swait.ge @!p0 [sflag:s0], s1  }
0x7d: {  	s1 =	ssub.s32 @!p0 $0x0, s1;
	[sflag:s0] =	ssyncset.done @!p0 $0x0  }
0x7e: {  	[sflag:s0] =	ssyncadd.s32 @!p0 s1  }
0x7f: {  	[bflag:$0x3] =	sbarrier.arrive $0xFFFF  }
0x80: {  	_ =	shalt  }

</sc_bundles>
